<compile_context>
chip_gen: v7x
topology: tpu7x:2x2x1
jax: 0.10.2.dev20260603
libtpu: 0.0.44.dev20260713+nightly
codegen_flags: <defaults>
</compile_context>

<pallas_src>
import jax
import jax.numpy as jnp
from jax import lax
from jax.experimental import pallas as pl
from jax.experimental.pallas import tpu as pltpu
from jax.experimental.pallas import tpu_sc as plsc

N = 50000
HID = 32
OUT = 4
G = 8
CONTENT_DIM = 310
BERT_DIM = 768

NC, NS = 2, 16
CHUNK = 128
K0 = 330
K1 = 66
KT = K0 + K1
GROUP = 3
E_PAD = NS * KT * CHUNK
RPT = 3126
N_PAD = NS * RPT
DUMP = 50000

R = 2000
GRID = N // R

_F32 = jnp.float32


def _sc_mesh():
    return plsc.VectorSubcoreMesh(core_axis_name="c", subcore_axis_name="s")


def _degree_sc(dstp, zeros16, ones16):

    def body(dst_hbm, z_hbm, ones_hbm, out_hbm, idx_d, ones_v, degtab, ssem):
        c = lax.axis_index("c")
        s = lax.axis_index("s")
        offs = jnp.where(c == 0, 0, K0)
        ng = jnp.where(c == 0, K0 // 6, K1 // 6)
        pltpu.sync_copy(dst_hbm.at[s], idx_d)
        pltpu.sync_copy(ones_hbm, ones_v)
        pltpu.sync_copy(z_hbm, degtab.at[pl.ds(s * RPT, RPT)])
        plsc.subcore_barrier()

        def grp(g, carry):
            for b in range(6):
                pltpu.async_copy(ones_v, degtab.at[idx_d.at[offs + g * 6 + b]], ssem, add=True)
            for b in range(6):
                pltpu.make_async_copy(ones_v, degtab.at[idx_d.at[offs + g * 6 + b]], ssem).wait()
            return carry

        lax.fori_loop(0, ng, grp, 0)
        plsc.subcore_barrier()
        pltpu.sync_copy(degtab.at[pl.ds(s * RPT, RPT)],
                        out_hbm.at[c, pl.ds(s * RPT, RPT)])

    return pl.kernel(
        body,
        out_type=jax.ShapeDtypeStruct((NC, N_PAD, 16), _F32),
        mesh=_sc_mesh(),
        scratch_types=[
            pltpu.VMEM((KT, CHUNK), jnp.int32),
            pltpu.VMEM((CHUNK, 16), _F32),
            pltpu.VMEM_SHARED((N_PAD, 16), _F32),
            pltpu.SemaphoreType.DMA,
        ],
        compiler_params=pltpu.CompilerParams(use_tc_tiling_on_sc=False),
    )(dstp, zeros16, ones16)


def _aggregate_sc(srcp, dstp, h, zeros32):

    def body(src_hbm, dst_hbm, h_hbm, z_hbm, out_hbm,
             ixs_a, ixd_a, ixs_b, ixd_b, rows, aggtab,
             isem_a, isem_b, gsem_a, gsem_b, ssem_a, ssem_b):
        c = lax.axis_index("c")
        s = lax.axis_index("s")
        offs = jnp.where(c == 0, 0, K0)
        ngroups = jnp.where(c == 0, K0 // GROUP, K1 // GROUP)
        pltpu.sync_copy(z_hbm, aggtab.at[pl.ds(s * RPT, RPT)])

        def load_idx(g, ixs, ixd, isem):
            pltpu.async_copy(src_hbm.at[s, pl.ds(offs + g * GROUP, GROUP)], ixs, isem)
            pltpu.async_copy(dst_hbm.at[s, pl.ds(offs + g * GROUP, GROUP)], ixd, isem)

        def wait_idx(g, ixs, ixd, isem):
            pltpu.make_async_copy(src_hbm.at[s, pl.ds(offs + g * GROUP, GROUP)], ixs, isem).wait()
            pltpu.make_async_copy(dst_hbm.at[s, pl.ds(offs + g * GROUP, GROUP)], ixd, isem).wait()

        def fire_gathers(ixs, base, gsem):
            for b in range(GROUP):
                pltpu.async_copy(h_hbm.at[ixs.at[b]], rows.at[base + b], gsem)

        def wait_gathers(ixs, base, gsem):
            for b in range(GROUP):
                pltpu.make_async_copy(h_hbm.at[ixs.at[b]], rows.at[base + b], gsem).wait()

        def fire_scatters(ixd, base, ssem):
            for b in range(GROUP):
                pltpu.async_copy(rows.at[base + b], aggtab.at[ixd.at[b]], ssem, add=True)

        def wait_scatters(ixd, base, ssem):
            for b in range(GROUP):
                pltpu.make_async_copy(rows.at[base + b], aggtab.at[ixd.at[b]], ssem).wait()

        load_idx(0, ixs_a, ixd_a, isem_a)
        wait_idx(0, ixs_a, ixd_a, isem_a)
        plsc.subcore_barrier()
        fire_gathers(ixs_a, 0, gsem_a)
        load_idx(1, ixs_b, ixd_b, isem_b)

        def step(gg, carry):
            g0 = 2 * gg
            g1 = g0 + 1
            wait_idx(g1, ixs_b, ixd_b, isem_b)
            fire_gathers(ixs_b, GROUP, gsem_b)
            wait_gathers(ixs_a, 0, gsem_a)
            fire_scatters(ixd_a, 0, ssem_a)
            wait_scatters(ixd_a, 0, ssem_a)

            @pl.when(g0 + 2 < ngroups)
            def _():
                load_idx(g0 + 2, ixs_a, ixd_a, isem_a)

            wait_gathers(ixs_b, GROUP, gsem_b)
            fire_scatters(ixd_b, GROUP, ssem_b)
            wait_scatters(ixd_b, GROUP, ssem_b)

            @pl.when(g0 + 2 < ngroups)
            def _():
                wait_idx(g0 + 2, ixs_a, ixd_a, isem_a)
                fire_gathers(ixs_a, 0, gsem_a)
                load_idx(g1 + 2, ixs_b, ixd_b, isem_b)

            return carry

        lax.fori_loop(0, ngroups // 2, step, 0)
        plsc.subcore_barrier()
        pltpu.sync_copy(aggtab.at[pl.ds(s * RPT, RPT)],
                        out_hbm.at[c, pl.ds(s * RPT, RPT)])

    return pl.kernel(
        body,
        out_type=jax.ShapeDtypeStruct((NC, N_PAD, HID), _F32),
        mesh=_sc_mesh(),
        scratch_types=[
            pltpu.VMEM((GROUP, CHUNK), jnp.int32),
            pltpu.VMEM((GROUP, CHUNK), jnp.int32),
            pltpu.VMEM((GROUP, CHUNK), jnp.int32),
            pltpu.VMEM((GROUP, CHUNK), jnp.int32),
            pltpu.VMEM((2 * GROUP, CHUNK, HID), _F32),
            pltpu.VMEM_SHARED((N_PAD, HID), _F32),
            pltpu.SemaphoreType.DMA,
            pltpu.SemaphoreType.DMA,
            pltpu.SemaphoreType.DMA,
            pltpu.SemaphoreType.DMA,
            pltpu.SemaphoreType.DMA,
            pltpu.SemaphoreType.DMA,
        ],
        compiler_params=pltpu.CompilerParams(use_tc_tiling_on_sc=False),
    )(srcp, dstp, h, zeros32)


def _encoder_tc(content_x, bert_x, degp, Wc, bc2, Wb, bb2, W1a, W1b):

    def body(cx, bx, dg, wc, bc, wb, bb, w1a, w1b, h1s_out, dinv_out):
        deg = dg[0, :, 0] + dg[1, :, 0] + 1.0
        dinv = lax.rsqrt(deg)[:, None]
        ch = jnp.maximum(jnp.dot(cx[...], wc[...], preferred_element_type=_F32) + bc[...], 0.0)
        bh = jnp.maximum(jnp.dot(bx[...], wb[...], preferred_element_type=_F32) + bb[...], 0.0)
        h1 = (jnp.dot(ch, w1a[...], preferred_element_type=_F32)
              + jnp.dot(bh, w1b[...], preferred_element_type=_F32))
        h1s_out[...] = h1 * dinv
        dinv_out[...] = dinv

    return pl.pallas_call(
        body,
        grid=(GRID,),
        in_specs=[
            pl.BlockSpec((R, CONTENT_DIM), lambda i: (i, 0)),
            pl.BlockSpec((R, BERT_DIM), lambda i: (i, 0)),
            pl.BlockSpec((NC, R, 16), lambda i: (0, i, 0)),
            pl.BlockSpec((CONTENT_DIM, HID), lambda i: (0, 0)),
            pl.BlockSpec((1, HID), lambda i: (0, 0)),
            pl.BlockSpec((BERT_DIM, HID), lambda i: (0, 0)),
            pl.BlockSpec((1, HID), lambda i: (0, 0)),
            pl.BlockSpec((HID, HID), lambda i: (0, 0)),
            pl.BlockSpec((HID, HID), lambda i: (0, 0)),
        ],
        out_specs=[
            pl.BlockSpec((R, HID), lambda i: (i, 0)),
            pl.BlockSpec((R, 1), lambda i: (i, 0)),
        ],
        out_shape=[
            jax.ShapeDtypeStruct((N, HID), _F32),
            jax.ShapeDtypeStruct((N, 1), _F32),
        ],
    )(content_x, bert_x, degp, Wc, bc2, Wb, bb2, W1a, W1b)


def _mid_tc(agg1, h1s, dinv, W2, b12):

    def body(ag, h1, dv, w2, b1, out):
        a = ag[0] + ag[1] + h1[...]
        o1 = jnp.maximum(a * dv[...] + b1[...], 0.0)
        out[...] = jnp.dot(o1, w2[...], preferred_element_type=_F32) * dv[...]

    return pl.pallas_call(
        body,
        grid=(GRID,),
        in_specs=[
            pl.BlockSpec((NC, R, HID), lambda i: (0, i, 0)),
            pl.BlockSpec((R, HID), lambda i: (i, 0)),
            pl.BlockSpec((R, 1), lambda i: (i, 0)),
            pl.BlockSpec((HID, HID), lambda i: (0, 0)),
            pl.BlockSpec((1, HID), lambda i: (0, 0)),
        ],
        out_specs=pl.BlockSpec((R, HID), lambda i: (i, 0)),
        out_shape=jax.ShapeDtypeStruct((N, HID), _F32),
    )(agg1, h1s, dinv, W2, b12)


def _final_tc(agg2, h2s, dinv, b22, batch2, Wl1, bl12, Wl2, bl22):

    def body(ag, h2, dv, b2, bt, wl1, bl1, wl2, bl2, out, acc, cnt):
        i = pl.program_id(0)
        a = ag[0] + ag[1] + h2[...]
        o2 = jnp.maximum(a * dv[...] + b2[...], 0.0)
        gids = lax.broadcasted_iota(jnp.int32, (R, G), 1)
        m = (bt[...] == gids).astype(_F32)
        psum = lax.dot_general(m, o2, (((0,), (0,)), ((), ())), preferred_element_type=_F32)
        pcnt = jnp.sum(m, axis=0)[:, None]

        @pl.when(i == 0)
        def _():
            acc[...] = jnp.zeros((G, HID), _F32)
            cnt[...] = jnp.zeros((G, HID), _F32)

        acc[...] = acc[...] + psum
        cnt[...] = cnt[...] + jnp.broadcast_to(pcnt, (G, HID))

        @pl.when(i == GRID - 1)
        def _():
            pooled = acc[...] / jnp.maximum(cnt[...], 1.0)
            z1 = jnp.maximum(jnp.dot(pooled, wl1[...], preferred_element_type=_F32) + bl1[...], 0.0)
            z = jnp.dot(z1, wl2[...], preferred_element_type=_F32) + bl2[...]
            zm = z - jnp.max(z, axis=-1, keepdims=True)
            out[...] = zm - jnp.log(jnp.sum(jnp.exp(zm), axis=-1, keepdims=True))

    return pl.pallas_call(
        body,
        grid=(GRID,),
        in_specs=[
            pl.BlockSpec((NC, R, HID), lambda i: (0, i, 0)),
            pl.BlockSpec((R, HID), lambda i: (i, 0)),
            pl.BlockSpec((R, 1), lambda i: (i, 0)),
            pl.BlockSpec((1, HID), lambda i: (0, 0)),
            pl.BlockSpec((R, 1), lambda i: (i, 0)),
            pl.BlockSpec((HID, HID), lambda i: (0, 0)),
            pl.BlockSpec((1, HID), lambda i: (0, 0)),
            pl.BlockSpec((HID, OUT), lambda i: (0, 0)),
            pl.BlockSpec((1, OUT), lambda i: (0, 0)),
        ],
        out_specs=pl.BlockSpec((G, OUT), lambda i: (0, 0)),
        out_shape=jax.ShapeDtypeStruct((G, OUT), _F32),
        scratch_shapes=[
            pltpu.VMEM((G, HID), _F32),
            pltpu.VMEM((G, HID), _F32),
        ],
    )(agg2, h2s, dinv, b22, batch2, Wl1, bl12, Wl2, bl22)


def kernel(content_x, bert_x, edge_index, batch, Wc, bc, Wb, bb,
           W1, b1, W2, b2, Wl1, bl1, Wl2, bl2):
    e = edge_index.shape[1]
    padn = E_PAD - e
    src = jnp.concatenate([edge_index[0], jnp.zeros((padn,), jnp.int32)])
    dst = jnp.concatenate([edge_index[1], jnp.full((padn,), DUMP, jnp.int32)])
    srcp = src.reshape(NS, KT, CHUNK)
    dstp = dst.reshape(NS, KT, CHUNK)

    zeros16 = jnp.zeros((RPT, 16), _F32)
    zeros32 = jnp.zeros((RPT, HID), _F32)
    ones16 = jnp.ones((CHUNK, 16), _F32)
    batch2 = batch.reshape(N, 1)
    bc2 = bc.reshape(1, HID)
    bb2 = bb.reshape(1, HID)
    b12 = b1.reshape(1, HID)
    b22 = b2.reshape(1, HID)
    bl12 = bl1.reshape(1, HID)
    bl22 = bl2.reshape(1, OUT)
    W1a = W1[:HID]
    W1b = W1[HID:]

    degp = _degree_sc(dstp, zeros16, ones16)
    h1s, dinv = _encoder_tc(content_x, bert_x, degp, Wc, bc2, Wb, bb2, W1a, W1b)
    agg1 = _aggregate_sc(srcp, dstp, h1s, zeros32)
    h2s = _mid_tc(agg1, h1s, dinv, W2, b12)
    agg2 = _aggregate_sc(srcp, dstp, h2s, zeros32)
    return _final_tc(agg2, h2s, dinv, b22, batch2, Wl1, bl12, Wl2, bl22)

# --- scband reference (transcript-rebuilt; emitter-appended) ---
"""Pipeline reference for scband-multi-feature-net-59339268161865 (READ-ONLY COPY).

The authoritative reference and input builder live on the scoring server;
editing this copy changes nothing except your own understanding.
"""

import jax, jax.numpy as jnp
import numpy as np

N = 50000
E = 800000
HID = 32
OUT = 4
G = 8
CONTENT_DIM = 310
BERT_DIM = 768
COMB = HID * 2


def setup_inputs(seed: int = 0) -> dict:
    key = jax.random.key(seed)
    ks = jax.random.split(key, 16)
    inp = {}
    inp["content_x"] = jax.random.normal(ks[0], (N, CONTENT_DIM), dtype=jnp.float32)
    inp["bert_x"] = jax.random.normal(ks[1], (N, BERT_DIM), dtype=jnp.float32)
    inp["edge_index"] = jax.random.randint(ks[2], (2, E), 0, N, dtype=jnp.int32)
    inp["batch"] = jnp.sort(jax.random.randint(ks[3], (N,), 0, G, dtype=jnp.int32))
    # parameters (stored as [in, out] so forward is x @ W + b)
    def lin(k, fan_in, fan_out):
        kw, kb = jax.random.split(k)
        W = jax.random.normal(kw, (fan_in, fan_out), dtype=jnp.float32) / np.sqrt(fan_in)
        b = jax.random.normal(kb, (fan_out,), dtype=jnp.float32) * 0.01
        return W, b
    inp["Wc"], inp["bc"] = lin(ks[4], CONTENT_DIM, HID)
    inp["Wb"], inp["bb"] = lin(ks[5], BERT_DIM, HID)
    inp["W1"], inp["b1"] = lin(ks[6], COMB, HID)
    inp["W2"], inp["b2"] = lin(ks[7], HID, HID)
    inp["Wl1"], inp["bl1"] = lin(ks[8], HID, HID)
    inp["Wl2"], inp["bl2"] = lin(ks[9], HID, OUT)
    return inp


def _gcn_conv(x, edge_index, W, b):
    # PyG GCNConv with add_self_loops=True, symmetric normalization
    src = edge_index[0]
    dst = edge_index[1]
    loop = jnp.arange(N, dtype=src.dtype)
    src = jnp.concatenate([src, loop])
    dst = jnp.concatenate([dst, loop])
    h = x @ W
    deg = jax.ops.segment_sum(jnp.ones(dst.shape, dtype=h.dtype), dst, num_segments=N)
    dinv = jnp.where(deg > 0, 1.0 / jnp.sqrt(deg), 0.0)
    norm = dinv[src] * dinv[dst]
    msg = h[src] * norm[:, None]
    out = jax.ops.segment_sum(msg, dst, num_segments=N)
    return out + b


def reference(content_x, bert_x, edge_index, batch, Wc, bc, Wb, bb, W1, b1, W2, b2, Wl1, bl1, Wl2, bl2):
    # eval mode: dropout is identity
    content_h = jax.nn.relu(content_x @ Wc + bc)
    bert_h = jax.nn.relu(bert_x @ Wb + bb)
    out = jnp.concatenate([content_h, bert_h], axis=1)
    out = jax.nn.relu(_gcn_conv(out, edge_index, W1, b1))
    out = jax.nn.relu(_gcn_conv(out, edge_index, W2, b2))
    # global_mean_pool
    s = jax.ops.segment_sum(out, batch, num_segments=G)
    cnt = jax.ops.segment_sum(jnp.ones((out.shape[0],), out.dtype), batch, num_segments=G)
    pooled = s / jnp.maximum(cnt, 1.0)[:, None]
    out = jax.nn.relu(pooled @ Wl1 + bl1)
    out = out @ Wl2 + bl2
    return jax.nn.log_softmax(out, axis=-1)

if __name__ == "__main__":
    import jax
    _d = setup_inputs()
    print(jax.jit(kernel)(*tuple(_d.values())))

</pallas_src>

<mosaic_0001>
#map = affine_map<(d0, d1) -> (0, 0, 0)>
#map1 = affine_map<(d0, d1) -> (0, 0)>
module attributes {stable_mosaic.version = 14 : i64} {
  func.func @body(%arg0: i32, %arg1: i32, %arg2: memref<16x396x128xi32, #tpu.memory_space<hbm>>, %arg3: memref<16x396x128xi32, #tpu.memory_space<hbm>>, %arg4: memref<50000x32xf32, #tpu.memory_space<hbm>>, %arg5: memref<3126x32xf32, #tpu.memory_space<hbm>>, %arg6: memref<2x50016x32xf32, #tpu.memory_space<hbm>>, %arg7: memref<3x128xi32, #tpu.memory_space<vmem>>, %arg8: memref<3x128xi32, #tpu.memory_space<vmem>>, %arg9: memref<3x128xi32, #tpu.memory_space<vmem>>, %arg10: memref<3x128xi32, #tpu.memory_space<vmem>>, %arg11: memref<6x128x32xf32, #tpu.memory_space<vmem>>, %arg12: memref<50016x32xf32, #tpu.memory_space<vmem_shared>>, %arg13: memref<!tpu.dma_semaphore, #tpu.memory_space<semaphore_mem>>, %arg14: memref<!tpu.dma_semaphore, #tpu.memory_space<semaphore_mem>>, %arg15: memref<!tpu.dma_semaphore, #tpu.memory_space<semaphore_mem>>, %arg16: memref<!tpu.dma_semaphore, #tpu.memory_space<semaphore_mem>>, %arg17: memref<!tpu.dma_semaphore, #tpu.memory_space<semaphore_mem>>, %arg18: memref<!tpu.dma_semaphore, #tpu.memory_space<semaphore_mem>>) attributes {dimension_semantics = [#tpu.dimension_semantics<core_parallel>, #tpu.dimension_semantics<subcore_parallel>], iteration_bounds = array<i64: 2, 16>, scalar_prefetch = 0 : i64, scratch_operands = 12 : i64, tpu.core_type = #tpu.core_type<sc_vector_subcore>, window_params = [{transform_indices = #map}, {transform_indices = #map}, {transform_indices = #map1}, {transform_indices = #map1}, {transform_indices = #map}]} {
    %eq3A = arith.constant 0 : i32
    %eq3A_0 = arith.cmpi eq, %arg0, %eq3A : i32
    %jit3A = arith.constant 0 : i32
    %jit3A_1 = arith.constant 330 : i32
    %select_n3A = arith.select %eq3A_0, %jit3A, %jit3A_1 : i32
    %eq3A_2 = arith.constant 0 : i32
    %eq3A_3 = arith.cmpi eq, %arg0, %eq3A_2 : i32
    %jit3A_4 = arith.constant 110 : i32
    %jit3A_5 = arith.constant 22 : i32
    %select_n3A_6 = arith.select %eq3A_3, %jit3A_4, %jit3A_5 : i32
    %mul3A = arith.constant 3126 : i32
    %mul3A_7 = arith.muli %arg1, %mul3A : i32
    "tpu.region"() ({
      %run_scoped3A = tpu.sem_alloc : memref<!tpu.dma_semaphore, #tpu.memory_space<semaphore_mem>>
      %dma_start3A_121 = arith.constant 0 : i32
      %dma_start3A_122 = tpu.memref_slice %arg12[%mul3A_7, %dma_start3A_121] : memref<50016x32xf32, #tpu.memory_space<vmem_shared>> -> memref<3126x32xf32, #tpu.memory_space<vmem_shared>>
      tpu.enqueue_dma source(%arg5 : memref<3126x32xf32, #tpu.memory_space<hbm>>) target(%dma_start3A_122 : memref<3126x32xf32, #tpu.memory_space<vmem_shared>>) target_semaphore(%run_scoped3A : memref<!tpu.dma_semaphore, #tpu.memory_space<semaphore_mem>>)
      %dma_wait3A_123 = arith.constant 0 : i32
      %dma_wait3A_124 = tpu.memref_slice %arg12[%mul3A_7, %dma_wait3A_123] : memref<50016x32xf32, #tpu.memory_space<vmem_shared>> -> memref<3126x32xf32, #tpu.memory_space<vmem_shared>>
      tpu.wait_dma2 semaphore(%run_scoped3A : memref<!tpu.dma_semaphore, #tpu.memory_space<semaphore_mem>>) src(%arg5 : memref<3126x32xf32, #tpu.memory_space<hbm>>) dst(%dma_wait3A_124 : memref<3126x32xf32, #tpu.memory_space<vmem_shared>>)
      tpu.yield
    }) : () -> ()
    %add3A = arith.constant 0 : i32
    %add3A_8 = arith.addi %select_n3A, %add3A : i32
    %dma_start3A = arith.constant 0 : i32
    %dma_start3A_9 = tpu.memref_slice %arg2[%arg1, %add3A_8, %dma_start3A] : memref<16x396x128xi32, #tpu.memory_space<hbm>> -> memref<1x3x128xi32, #tpu.memory_space<hbm>>
    %dma_start3A_10 = tpu.memref_squeeze %dma_start3A_9 : memref<1x3x128xi32, #tpu.memory_space<hbm>> -> memref<3x128xi32, #tpu.memory_space<hbm>>
    %dma_start3A_11 = arith.constant 0 : i32
    %dma_start3A_12 = tpu.memref_slice %arg2[%arg1, %add3A_8, %dma_start3A_11] : memref<16x396x128xi32, #tpu.memory_space<hbm>> -> memref<1x3x128xi32, #tpu.memory_space<hbm>>
    %dma_start3A_13 = tpu.memref_squeeze %dma_start3A_12 : memref<1x3x128xi32, #tpu.memory_space<hbm>> -> memref<3x128xi32, #tpu.memory_space<hbm>>
    tpu.enqueue_dma source(%dma_start3A_13 : memref<3x128xi32, #tpu.memory_space<hbm>>) target(%arg7 : memref<3x128xi32, #tpu.memory_space<vmem>>) target_semaphore(%arg13 : memref<!tpu.dma_semaphore, #tpu.memory_space<semaphore_mem>>)
    %add3A_14 = arith.constant 0 : i32
    %add3A_15 = arith.addi %select_n3A, %add3A_14 : i32
    %dma_start3A_16 = arith.constant 0 : i32
    %dma_start3A_17 = tpu.memref_slice %arg3[%arg1, %add3A_15, %dma_start3A_16] : memref<16x396x128xi32, #tpu.memory_space<hbm>> -> memref<1x3x128xi32, #tpu.memory_space<hbm>>
    %dma_start3A_18 = tpu.memref_squeeze %dma_start3A_17 : memref<1x3x128xi32, #tpu.memory_space<hbm>> -> memref<3x128xi32, #tpu.memory_space<hbm>>
    %dma_start3A_19 = arith.constant 0 : i32
    %dma_start3A_20 = tpu.memref_slice %arg3[%arg1, %add3A_15, %dma_start3A_19] : memref<16x396x128xi32, #tpu.memory_space<hbm>> -> memref<1x3x128xi32, #tpu.memory_space<hbm>>
    %dma_start3A_21 = tpu.memref_squeeze %dma_start3A_20 : memref<1x3x128xi32, #tpu.memory_space<hbm>> -> memref<3x128xi32, #tpu.memory_space<hbm>>
    tpu.enqueue_dma source(%dma_start3A_21 : memref<3x128xi32, #tpu.memory_space<hbm>>) target(%arg8 : memref<3x128xi32, #tpu.memory_space<vmem>>) target_semaphore(%arg13 : memref<!tpu.dma_semaphore, #tpu.memory_space<semaphore_mem>>)
    %add3A_22 = arith.constant 0 : i32
    %add3A_23 = arith.addi %select_n3A, %add3A_22 : i32
    %dma_wait3A = arith.constant 0 : i32
    %dma_wait3A_24 = tpu.memref_slice %arg2[%arg1, %add3A_23, %dma_wait3A] : memref<16x396x128xi32, #tpu.memory_space<hbm>> -> memref<1x3x128xi32, #tpu.memory_space<hbm>>
    %dma_wait3A_25 = tpu.memref_squeeze %dma_wait3A_24 : memref<1x3x128xi32, #tpu.memory_space<hbm>> -> memref<3x128xi32, #tpu.memory_space<hbm>>
    %dma_wait3A_26 = arith.constant 0 : i32
    %dma_wait3A_27 = tpu.memref_slice %arg2[%arg1, %add3A_23, %dma_wait3A_26] : memref<16x396x128xi32, #tpu.memory_space<hbm>> -> memref<1x3x128xi32, #tpu.memory_space<hbm>>
    %dma_wait3A_28 = tpu.memref_squeeze %dma_wait3A_27 : memref<1x3x128xi32, #tpu.memory_space<hbm>> -> memref<3x128xi32, #tpu.memory_space<hbm>>
    tpu.wait_dma2 semaphore(%arg13 : memref<!tpu.dma_semaphore, #tpu.memory_space<semaphore_mem>>) src(%dma_wait3A_28 : memref<3x128xi32, #tpu.memory_space<hbm>>) dst(%arg7 : memref<3x128xi32, #tpu.memory_space<vmem>>)
    %add3A_29 = arith.constant 0 : i32
    %add3A_30 = arith.addi %select_n3A, %add3A_29 : i32
    %dma_wait3A_31 = arith.constant 0 : i32
    %dma_wait3A_32 = tpu.memref_slice %arg3[%arg1, %add3A_30, %dma_wait3A_31] : memref<16x396x128xi32, #tpu.memory_space<hbm>> -> memref<1x3x128xi32, #tpu.memory_space<hbm>>
    %dma_wait3A_33 = tpu.memref_squeeze %dma_wait3A_32 : memref<1x3x128xi32, #tpu.memory_space<hbm>> -> memref<3x128xi32, #tpu.memory_space<hbm>>
    %dma_wait3A_34 = arith.constant 0 : i32
    %dma_wait3A_35 = tpu.memref_slice %arg3[%arg1, %add3A_30, %dma_wait3A_34] : memref<16x396x128xi32, #tpu.memory_space<hbm>> -> memref<1x3x128xi32, #tpu.memory_space<hbm>>
    %dma_wait3A_36 = tpu.memref_squeeze %dma_wait3A_35 : memref<1x3x128xi32, #tpu.memory_space<hbm>> -> memref<3x128xi32, #tpu.memory_space<hbm>>
    tpu.wait_dma2 semaphore(%arg13 : memref<!tpu.dma_semaphore, #tpu.memory_space<semaphore_mem>>) src(%dma_wait3A_36 : memref<3x128xi32, #tpu.memory_space<hbm>>) dst(%arg8 : memref<3x128xi32, #tpu.memory_space<vmem>>)
    %barrier3A = arith.constant 0 : index
    tpu.barrier barrier_id(%barrier3A)
    %dma_start3A_37 = arith.constant 0 : i32
    %dma_start3A_38 = arith.constant 0 : i32
    %dma_start3A_39 = arith.constant 0 : i32
    %dma_start3A_40 = arith.constant 0 : i32
    %dma_start3A_41 = tpu.memref_slice %arg11[%dma_start3A_38, %dma_start3A_39, %dma_start3A_40] : memref<6x128x32xf32, #tpu.memory_space<vmem>> -> memref<1x128x32xf32, #tpu.memory_space<vmem>>
    %dma_start3A_42 = tpu.memref_squeeze %dma_start3A_41 : memref<1x128x32xf32, #tpu.memory_space<vmem>> -> memref<128x32xf32, #tpu.memory_space<vmem>>
    %dma_start3A_43 = arith.constant 0 : i32
    %dma_start3A_44 = tpu.memref_slice %arg7[%dma_start3A_37, %dma_start3A_43] : memref<3x128xi32, #tpu.memory_space<vmem>> -> memref<1x128xi32, #tpu.memory_space<vmem>>
    %dma_start3A_45 = tpu.memref_squeeze %dma_start3A_44 : memref<1x128xi32, #tpu.memory_space<vmem>> -> memref<128xi32, #tpu.memory_space<vmem>>
    %dma_start3A_46 = arith.constant 0 : i32
    %dma_start3A_47 = arith.constant 0 : i32
    %dma_start3A_48 = tpu.memref_slice %arg4[%dma_start3A_46, %dma_start3A_47] : memref<50000x32xf32, #tpu.memory_space<hbm>> -> memref<50000x32xf32, #tpu.memory_space<hbm>>
    tpu.enqueue_indirect_dma source(%dma_start3A_48 : memref<50000x32xf32, #tpu.memory_space<hbm>>) target(%dma_start3A_42 : memref<128x32xf32, #tpu.memory_space<vmem>>) offsets(%dma_start3A_45 : memref<128xi32, #tpu.memory_space<vmem>>) semaphore(%arg15 : memref<!tpu.dma_semaphore, #tpu.memory_space<semaphore_mem>>)
    %dma_start3A_49 = arith.constant 1 : i32
    %dma_start3A_50 = arith.constant 1 : i32
    %dma_start3A_51 = arith.constant 0 : i32
    %dma_start3A_52 = arith.constant 0 : i32
    %dma_start3A_53 = tpu.memref_slice %arg11[%dma_start3A_50, %dma_start3A_51, %dma_start3A_52] : memref<6x128x32xf32, #tpu.memory_space<vmem>> -> memref<1x128x32xf32, #tpu.memory_space<vmem>>
    %dma_start3A_54 = tpu.memref_squeeze %dma_start3A_53 : memref<1x128x32xf32, #tpu.memory_space<vmem>> -> memref<128x32xf32, #tpu.memory_space<vmem>>
    %dma_start3A_55 = arith.constant 0 : i32
    %dma_start3A_56 = tpu.memref_slice %arg7[%dma_start3A_49, %dma_start3A_55] : memref<3x128xi32, #tpu.memory_space<vmem>> -> memref<1x128xi32, #tpu.memory_space<vmem>>
    %dma_start3A_57 = tpu.memref_squeeze %dma_start3A_56 : memref<1x128xi32, #tpu.memory_space<vmem>> -> memref<128xi32, #tpu.memory_space<vmem>>
    %dma_start3A_58 = arith.constant 0 : i32
    %dma_start3A_59 = arith.constant 0 : i32
    %dma_start3A_60 = tpu.memref_slice %arg4[%dma_start3A_58, %dma_start3A_59] : memref<50000x32xf32, #tpu.memory_space<hbm>> -> memref<50000x32xf32, #tpu.memory_space<hbm>>
    tpu.enqueue_indirect_dma source(%dma_start3A_60 : memref<50000x32xf32, #tpu.memory_space<hbm>>) target(%dma_start3A_54 : memref<128x32xf32, #tpu.memory_space<vmem>>) offsets(%dma_start3A_57 : memref<128xi32, #tpu.memory_space<vmem>>) semaphore(%arg15 : memref<!tpu.dma_semaphore, #tpu.memory_space<semaphore_mem>>)
    %dma_start3A_61 = arith.constant 2 : i32
    %dma_start3A_62 = arith.constant 2 : i32
    %dma_start3A_63 = arith.constant 0 : i32
    %dma_start3A_64 = arith.constant 0 : i32
    %dma_start3A_65 = tpu.memref_slice %arg11[%dma_start3A_62, %dma_start3A_63, %dma_start3A_64] : memref<6x128x32xf32, #tpu.memory_space<vmem>> -> memref<1x128x32xf32, #tpu.memory_space<vmem>>
    %dma_start3A_66 = tpu.memref_squeeze %dma_start3A_65 : memref<1x128x32xf32, #tpu.memory_space<vmem>> -> memref<128x32xf32, #tpu.memory_space<vmem>>
    %dma_start3A_67 = arith.constant 0 : i32
    %dma_start3A_68 = tpu.memref_slice %arg7[%dma_start3A_61, %dma_start3A_67] : memref<3x128xi32, #tpu.memory_space<vmem>> -> memref<1x128xi32, #tpu.memory_space<vmem>>
    %dma_start3A_69 = tpu.memref_squeeze %dma_start3A_68 : memref<1x128xi32, #tpu.memory_space<vmem>> -> memref<128xi32, #tpu.memory_space<vmem>>
    %dma_start3A_70 = arith.constant 0 : i32
    %dma_start3A_71 = arith.constant 0 : i32
    %dma_start3A_72 = tpu.memref_slice %arg4[%dma_start3A_70, %dma_start3A_71] : memref<50000x32xf32, #tpu.memory_space<hbm>> -> memref<50000x32xf32, #tpu.memory_space<hbm>>
    tpu.enqueue_indirect_dma source(%dma_start3A_72 : memref<50000x32xf32, #tpu.memory_space<hbm>>) target(%dma_start3A_66 : memref<128x32xf32, #tpu.memory_space<vmem>>) offsets(%dma_start3A_69 : memref<128xi32, #tpu.memory_space<vmem>>) semaphore(%arg15 : memref<!tpu.dma_semaphore, #tpu.memory_space<semaphore_mem>>)
    %add3A_73 = arith.constant 3 : i32
    %add3A_74 = arith.addi %select_n3A, %add3A_73 : i32
    %dma_start3A_75 = arith.constant 0 : i32
    %dma_start3A_76 = tpu.memref_slice %arg2[%arg1, %add3A_74, %dma_start3A_75] : memref<16x396x128xi32, #tpu.memory_space<hbm>> -> memref<1x3x128xi32, #tpu.memory_space<hbm>>
    %dma_start3A_77 = tpu.memref_squeeze %dma_start3A_76 : memref<1x3x128xi32, #tpu.memory_space<hbm>> -> memref<3x128xi32, #tpu.memory_space<hbm>>
    %dma_start3A_78 = arith.constant 0 : i32
    %dma_start3A_79 = tpu.memref_slice %arg2[%arg1, %add3A_74, %dma_start3A_78] : memref<16x396x128xi32, #tpu.memory_space<hbm>> -> memref<1x3x128xi32, #tpu.memory_space<hbm>>
    %dma_start3A_80 = tpu.memref_squeeze %dma_start3A_79 : memref<1x3x128xi32, #tpu.memory_space<hbm>> -> memref<3x128xi32, #tpu.memory_space<hbm>>
    tpu.enqueue_dma source(%dma_start3A_80 : memref<3x128xi32, #tpu.memory_space<hbm>>) target(%arg9 : memref<3x128xi32, #tpu.memory_space<vmem>>) target_semaphore(%arg14 : memref<!tpu.dma_semaphore, #tpu.memory_space<semaphore_mem>>)
    %add3A_81 = arith.constant 3 : i32
    %add3A_82 = arith.addi %select_n3A, %add3A_81 : i32
    %dma_start3A_83 = arith.constant 0 : i32
    %dma_start3A_84 = tpu.memref_slice %arg3[%arg1, %add3A_82, %dma_start3A_83] : memref<16x396x128xi32, #tpu.memory_space<hbm>> -> memref<1x3x128xi32, #tpu.memory_space<hbm>>
    %dma_start3A_85 = tpu.memref_squeeze %dma_start3A_84 : memref<1x3x128xi32, #tpu.memory_space<hbm>> -> memref<3x128xi32, #tpu.memory_space<hbm>>
    %dma_start3A_86 = arith.constant 0 : i32
    %dma_start3A_87 = tpu.memref_slice %arg3[%arg1, %add3A_82, %dma_start3A_86] : memref<16x396x128xi32, #tpu.memory_space<hbm>> -> memref<1x3x128xi32, #tpu.memory_space<hbm>>
    %dma_start3A_88 = tpu.memref_squeeze %dma_start3A_87 : memref<1x3x128xi32, #tpu.memory_space<hbm>> -> memref<3x128xi32, #tpu.memory_space<hbm>>
    tpu.enqueue_dma source(%dma_start3A_88 : memref<3x128xi32, #tpu.memory_space<hbm>>) target(%arg10 : memref<3x128xi32, #tpu.memory_space<vmem>>) target_semaphore(%arg14 : memref<!tpu.dma_semaphore, #tpu.memory_space<semaphore_mem>>)
    %jit3A_89 = arith.constant 2 : i32
    %div3A = arith.divsi %select_n3A_6, %jit3A_89 : i32
    %sign3A = arith.constant 0 : i32
    %sign3A_90 = arith.cmpi sgt, %select_n3A_6, %sign3A : i32
    %sign3A_91 = arith.extui %sign3A_90 : i1 to i32
    %sign3A_92 = arith.constant 0 : i32
    %sign3A_93 = arith.cmpi slt, %select_n3A_6, %sign3A_92 : i32
    %sign3A_94 = arith.extui %sign3A_93 : i1 to i32
    %sign3A_95 = arith.subi %sign3A_91, %sign3A_94 : i32
    %sign3A_96 = arith.constant 0 : i32
    %sign3A_97 = arith.cmpi sgt, %jit3A_89, %sign3A_96 : i32
    %sign3A_98 = arith.extui %sign3A_97 : i1 to i32
    %sign3A_99 = arith.constant 0 : i32
    %sign3A_100 = arith.cmpi slt, %jit3A_89, %sign3A_99 : i32
    %sign3A_101 = arith.extui %sign3A_100 : i1 to i32
    %sign3A_102 = arith.subi %sign3A_98, %sign3A_101 : i32
    %ne3A = arith.cmpi ne, %sign3A_95, %sign3A_102 : i32
    %rem3A = arith.remsi %select_n3A_6, %jit3A_89 : i32
    %ne3A_103 = arith.constant 0 : i32
    %ne3A_104 = arith.cmpi ne, %rem3A, %ne3A_103 : i32
    %and3A = arith.andi %ne3A, %ne3A_104 : i1
    %sub3A = arith.constant 1 : i32
    %sub3A_105 = arith.subi %div3A, %sub3A : i32
    %select_n3A_106 = arith.select %and3A, %sub3A_105, %div3A : i32
    %while3A = arith.constant 0 : i32
    %while3A_107 = arith.constant 0 : i32
    %while3A_108 = arith.subi %select_n3A_106, %while3A_107 : i32
    %while3A_109 = arith.addi %while3A_107, %while3A_108 : i32
    %while3A_110 = arith.constant 1 : i32
    %while3A_111 = arith.divsi %while3A_108, %while3A_110 : i32
    %while3A_112 = arith.muli %while3A_111, %while3A_110 : i32
    %while3A_113 = arith.addi %while3A_107, %while3A_112 : i32
    %while3A_114 = arith.constant 1 : i32
    scf.for %while3A_121 = %while3A_107 to %while3A_113 step %while3A_114  : i32 {
      %mul3A_122 = arith.constant 2 : i32
      %mul3A_123 = arith.muli %mul3A_122, %while3A_121 : i32
      %add3A_124 = arith.constant 1 : i32
      %add3A_125 = arith.addi %mul3A_123, %add3A_124 : i32
      %mul3A_126 = arith.constant 3 : i32
      %mul3A_127 = arith.muli %add3A_125, %mul3A_126 : i32
      %add3A_128 = arith.addi %select_n3A, %mul3A_127 : i32
      %dma_wait3A_129 = arith.constant 0 : i32
      %dma_wait3A_130 = tpu.memref_slice %arg2[%arg1, %add3A_128, %dma_wait3A_129] : memref<16x396x128xi32, #tpu.memory_space<hbm>> -> memref<1x3x128xi32, #tpu.memory_space<hbm>>
      %dma_wait3A_131 = tpu.memref_squeeze %dma_wait3A_130 : memref<1x3x128xi32, #tpu.memory_space<hbm>> -> memref<3x128xi32, #tpu.memory_space<hbm>>
      %dma_wait3A_132 = arith.constant 0 : i32
      %dma_wait3A_133 = tpu.memref_slice %arg2[%arg1, %add3A_128, %dma_wait3A_132] : memref<16x396x128xi32, #tpu.memory_space<hbm>> -> memref<1x3x128xi32, #tpu.memory_space<hbm>>
      %dma_wait3A_134 = tpu.memref_squeeze %dma_wait3A_133 : memref<1x3x128xi32, #tpu.memory_space<hbm>> -> memref<3x128xi32, #tpu.memory_space<hbm>>
      tpu.wait_dma2 semaphore(%arg14 : memref<!tpu.dma_semaphore, #tpu.memory_space<semaphore_mem>>) src(%dma_wait3A_134 : memref<3x128xi32, #tpu.memory_space<hbm>>) dst(%arg9 : memref<3x128xi32, #tpu.memory_space<vmem>>)
      %mul3A_135 = arith.constant 3 : i32
      %mul3A_136 = arith.muli %add3A_125, %mul3A_135 : i32
      %add3A_137 = arith.addi %select_n3A, %mul3A_136 : i32
      %dma_wait3A_138 = arith.constant 0 : i32
      %dma_wait3A_139 = tpu.memref_slice %arg3[%arg1, %add3A_137, %dma_wait3A_138] : memref<16x396x128xi32, #tpu.memory_space<hbm>> -> memref<1x3x128xi32, #tpu.memory_space<hbm>>
      %dma_wait3A_140 = tpu.memref_squeeze %dma_wait3A_139 : memref<1x3x128xi32, #tpu.memory_space<hbm>> -> memref<3x128xi32, #tpu.memory_space<hbm>>
      %dma_wait3A_141 = arith.constant 0 : i32
      %dma_wait3A_142 = tpu.memref_slice %arg3[%arg1, %add3A_137, %dma_wait3A_141] : memref<16x396x128xi32, #tpu.memory_space<hbm>> -> memref<1x3x128xi32, #tpu.memory_space<hbm>>
      %dma_wait3A_143 = tpu.memref_squeeze %dma_wait3A_142 : memref<1x3x128xi32, #tpu.memory_space<hbm>> -> memref<3x128xi32, #tpu.memory_space<hbm>>
      tpu.wait_dma2 semaphore(%arg14 : memref<!tpu.dma_semaphore, #tpu.memory_space<semaphore_mem>>) src(%dma_wait3A_143 : memref<3x128xi32, #tpu.memory_space<hbm>>) dst(%arg10 : memref<3x128xi32, #tpu.memory_space<vmem>>)
      %dma_start3A_144 = arith.constant 0 : i32
      %dma_start3A_145 = arith.constant 3 : i32
      %dma_start3A_146 = arith.constant 0 : i32
      %dma_start3A_147 = arith.constant 0 : i32
      %dma_start3A_148 = tpu.memref_slice %arg11[%dma_start3A_145, %dma_start3A_146, %dma_start3A_147] : memref<6x128x32xf32, #tpu.memory_space<vmem>> -> memref<1x128x32xf32, #tpu.memory_space<vmem>>
      %dma_start3A_149 = tpu.memref_squeeze %dma_start3A_148 : memref<1x128x32xf32, #tpu.memory_space<vmem>> -> memref<128x32xf32, #tpu.memory_space<vmem>>
      %dma_start3A_150 = arith.constant 0 : i32
      %dma_start3A_151 = tpu.memref_slice %arg9[%dma_start3A_144, %dma_start3A_150] : memref<3x128xi32, #tpu.memory_space<vmem>> -> memref<1x128xi32, #tpu.memory_space<vmem>>
      %dma_start3A_152 = tpu.memref_squeeze %dma_start3A_151 : memref<1x128xi32, #tpu.memory_space<vmem>> -> memref<128xi32, #tpu.memory_space<vmem>>
      %dma_start3A_153 = arith.constant 0 : i32
      %dma_start3A_154 = arith.constant 0 : i32
      %dma_start3A_155 = tpu.memref_slice %arg4[%dma_start3A_153, %dma_start3A_154] : memref<50000x32xf32, #tpu.memory_space<hbm>> -> memref<50000x32xf32, #tpu.memory_space<hbm>>
      tpu.enqueue_indirect_dma source(%dma_start3A_155 : memref<50000x32xf32, #tpu.memory_space<hbm>>) target(%dma_start3A_149 : memref<128x32xf32, #tpu.memory_space<vmem>>) offsets(%dma_start3A_152 : memref<128xi32, #tpu.memory_space<vmem>>) semaphore(%arg16 : memref<!tpu.dma_semaphore, #tpu.memory_space<semaphore_mem>>)
      %dma_start3A_156 = arith.constant 1 : i32
      %dma_start3A_157 = arith.constant 4 : i32
      %dma_start3A_158 = arith.constant 0 : i32
      %dma_start3A_159 = arith.constant 0 : i32
      %dma_start3A_160 = tpu.memref_slice %arg11[%dma_start3A_157, %dma_start3A_158, %dma_start3A_159] : memref<6x128x32xf32, #tpu.memory_space<vmem>> -> memref<1x128x32xf32, #tpu.memory_space<vmem>>
      %dma_start3A_161 = tpu.memref_squeeze %dma_start3A_160 : memref<1x128x32xf32, #tpu.memory_space<vmem>> -> memref<128x32xf32, #tpu.memory_space<vmem>>
      %dma_start3A_162 = arith.constant 0 : i32
      %dma_start3A_163 = tpu.memref_slice %arg9[%dma_start3A_156, %dma_start3A_162] : memref<3x128xi32, #tpu.memory_space<vmem>> -> memref<1x128xi32, #tpu.memory_space<vmem>>
      %dma_start3A_164 = tpu.memref_squeeze %dma_start3A_163 : memref<1x128xi32, #tpu.memory_space<vmem>> -> memref<128xi32, #tpu.memory_space<vmem>>
      %dma_start3A_165 = arith.constant 0 : i32
      %dma_start3A_166 = arith.constant 0 : i32
      %dma_start3A_167 = tpu.memref_slice %arg4[%dma_start3A_165, %dma_start3A_166] : memref<50000x32xf32, #tpu.memory_space<hbm>> -> memref<50000x32xf32, #tpu.memory_space<hbm>>
      tpu.enqueue_indirect_dma source(%dma_start3A_167 : memref<50000x32xf32, #tpu.memory_space<hbm>>) target(%dma_start3A_161 : memref<128x32xf32, #tpu.memory_space<vmem>>) offsets(%dma_start3A_164 : memref<128xi32, #tpu.memory_space<vmem>>) semaphore(%arg16 : memref<!tpu.dma_semaphore, #tpu.memory_space<semaphore_mem>>)
      %dma_start3A_168 = arith.constant 2 : i32
      %dma_start3A_169 = arith.constant 5 : i32
      %dma_start3A_170 = arith.constant 0 : i32
      %dma_start3A_171 = arith.constant 0 : i32
      %dma_start3A_172 = tpu.memref_slice %arg11[%dma_start3A_169, %dma_start3A_170, %dma_start3A_171] : memref<6x128x32xf32, #tpu.memory_space<vmem>> -> memref<1x128x32xf32, #tpu.memory_space<vmem>>
      %dma_start3A_173 = tpu.memref_squeeze %dma_start3A_172 : memref<1x128x32xf32, #tpu.memory_space<vmem>> -> memref<128x32xf32, #tpu.memory_space<vmem>>
      %dma_start3A_174 = arith.constant 0 : i32
      %dma_start3A_175 = tpu.memref_slice %arg9[%dma_start3A_168, %dma_start3A_174] : memref<3x128xi32, #tpu.memory_space<vmem>> -> memref<1x128xi32, #tpu.memory_space<vmem>>
      %dma_start3A_176 = tpu.memref_squeeze %dma_start3A_175 : memref<1x128xi32, #tpu.memory_space<vmem>> -> memref<128xi32, #tpu.memory_space<vmem>>
      %dma_start3A_177 = arith.constant 0 : i32
      %dma_start3A_178 = arith.constant 0 : i32
      %dma_start3A_179 = tpu.memref_slice %arg4[%dma_start3A_177, %dma_start3A_178] : memref<50000x32xf32, #tpu.memory_space<hbm>> -> memref<50000x32xf32, #tpu.memory_space<hbm>>
      tpu.enqueue_indirect_dma source(%dma_start3A_179 : memref<50000x32xf32, #tpu.memory_space<hbm>>) target(%dma_start3A_173 : memref<128x32xf32, #tpu.memory_space<vmem>>) offsets(%dma_start3A_176 : memref<128xi32, #tpu.memory_space<vmem>>) semaphore(%arg16 : memref<!tpu.dma_semaphore, #tpu.memory_space<semaphore_mem>>)
      %dma_wait3A_180 = arith.constant 0 : i32
      %dma_wait3A_181 = arith.constant 0 : i32
      %dma_wait3A_182 = arith.constant 0 : i32
      %dma_wait3A_183 = arith.constant 0 : i32
      %dma_wait3A_184 = tpu.memref_slice %arg11[%dma_wait3A_181, %dma_wait3A_182, %dma_wait3A_183] : memref<6x128x32xf32, #tpu.memory_space<vmem>> -> memref<1x128x32xf32, #tpu.memory_space<vmem>>
      %dma_wait3A_185 = tpu.memref_squeeze %dma_wait3A_184 : memref<1x128x32xf32, #tpu.memory_space<vmem>> -> memref<128x32xf32, #tpu.memory_space<vmem>>
      %dma_wait3A_186 = arith.constant 0 : i32
      %dma_wait3A_187 = tpu.memref_slice %arg7[%dma_wait3A_180, %dma_wait3A_186] : memref<3x128xi32, #tpu.memory_space<vmem>> -> memref<1x128xi32, #tpu.memory_space<vmem>>
      %dma_wait3A_188 = tpu.memref_squeeze %dma_wait3A_187 : memref<1x128xi32, #tpu.memory_space<vmem>> -> memref<128xi32, #tpu.memory_space<vmem>>
      %dma_wait3A_189 = arith.constant 0 : i32
      %dma_wait3A_190 = arith.constant 0 : i32
      %dma_wait3A_191 = tpu.memref_slice %arg4[%dma_wait3A_189, %dma_wait3A_190] : memref<50000x32xf32, #tpu.memory_space<hbm>> -> memref<50000x32xf32, #tpu.memory_space<hbm>>
      tpu.wait_indirect_dma semaphore(%arg15 : memref<!tpu.dma_semaphore, #tpu.memory_space<semaphore_mem>>) src(%dma_wait3A_191 : memref<50000x32xf32, #tpu.memory_space<hbm>>) dst(%dma_wait3A_185 : memref<128x32xf32, #tpu.memory_space<vmem>>)
      %dma_wait3A_192 = arith.constant 1 : i32
      %dma_wait3A_193 = arith.constant 1 : i32
      %dma_wait3A_194 = arith.constant 0 : i32
      %dma_wait3A_195 = arith.constant 0 : i32
      %dma_wait3A_196 = tpu.memref_slice %arg11[%dma_wait3A_193, %dma_wait3A_194, %dma_wait3A_195] : memref<6x128x32xf32, #tpu.memory_space<vmem>> -> memref<1x128x32xf32, #tpu.memory_space<vmem>>
      %dma_wait3A_197 = tpu.memref_squeeze %dma_wait3A_196 : memref<1x128x32xf32, #tpu.memory_space<vmem>> -> memref<128x32xf32, #tpu.memory_space<vmem>>
      %dma_wait3A_198 = arith.constant 0 : i32
      %dma_wait3A_199 = tpu.memref_slice %arg7[%dma_wait3A_192, %dma_wait3A_198] : memref<3x128xi32, #tpu.memory_space<vmem>> -> memref<1x128xi32, #tpu.memory_space<vmem>>
      %dma_wait3A_200 = tpu.memref_squeeze %dma_wait3A_199 : memref<1x128xi32, #tpu.memory_space<vmem>> -> memref<128xi32, #tpu.memory_space<vmem>>
      %dma_wait3A_201 = arith.constant 0 : i32
      %dma_wait3A_202 = arith.constant 0 : i32
      %dma_wait3A_203 = tpu.memref_slice %arg4[%dma_wait3A_201, %dma_wait3A_202] : memref<50000x32xf32, #tpu.memory_space<hbm>> -> memref<50000x32xf32, #tpu.memory_space<hbm>>
      tpu.wait_indirect_dma semaphore(%arg15 : memref<!tpu.dma_semaphore, #tpu.memory_space<semaphore_mem>>) src(%dma_wait3A_203 : memref<50000x32xf32, #tpu.memory_space<hbm>>) dst(%dma_wait3A_197 : memref<128x32xf32, #tpu.memory_space<vmem>>)
      %dma_wait3A_204 = arith.constant 2 : i32
      %dma_wait3A_205 = arith.constant 2 : i32
      %dma_wait3A_206 = arith.constant 0 : i32
      %dma_wait3A_207 = arith.constant 0 : i32
      %dma_wait3A_208 = tpu.memref_slice %arg11[%dma_wait3A_205, %dma_wait3A_206, %dma_wait3A_207] : memref<6x128x32xf32, #tpu.memory_space<vmem>> -> memref<1x128x32xf32, #tpu.memory_space<vmem>>
      %dma_wait3A_209 = tpu.memref_squeeze %dma_wait3A_208 : memref<1x128x32xf32, #tpu.memory_space<vmem>> -> memref<128x32xf32, #tpu.memory_space<vmem>>
      %dma_wait3A_210 = arith.constant 0 : i32
      %dma_wait3A_211 = tpu.memref_slice %arg7[%dma_wait3A_204, %dma_wait3A_210] : memref<3x128xi32, #tpu.memory_space<vmem>> -> memref<1x128xi32, #tpu.memory_space<vmem>>
      %dma_wait3A_212 = tpu.memref_squeeze %dma_wait3A_211 : memref<1x128xi32, #tpu.memory_space<vmem>> -> memref<128xi32, #tpu.memory_space<vmem>>
      %dma_wait3A_213 = arith.constant 0 : i32
      %dma_wait3A_214 = arith.constant 0 : i32
      %dma_wait3A_215 = tpu.memref_slice %arg4[%dma_wait3A_213, %dma_wait3A_214] : memref<50000x32xf32, #tpu.memory_space<hbm>> -> memref<50000x32xf32, #tpu.memory_space<hbm>>
      tpu.wait_indirect_dma semaphore(%arg15 : memref<!tpu.dma_semaphore, #tpu.memory_space<semaphore_mem>>) src(%dma_wait3A_215 : memref<50000x32xf32, #tpu.memory_space<hbm>>) dst(%dma_wait3A_209 : memref<128x32xf32, #tpu.memory_space<vmem>>)
      %dma_start3A_216 = arith.constant 0 : i32
      %dma_start3A_217 = arith.constant 0 : i32
      %dma_start3A_218 = arith.constant 0 : i32
      %dma_start3A_219 = arith.constant 0 : i32
      %dma_start3A_220 = tpu.memref_slice %arg11[%dma_start3A_216, %dma_start3A_218, %dma_start3A_219] : memref<6x128x32xf32, #tpu.memory_space<vmem>> -> memref<1x128x32xf32, #tpu.memory_space<vmem>>
      %dma_start3A_221 = tpu.memref_squeeze %dma_start3A_220 : memref<1x128x32xf32, #tpu.memory_space<vmem>> -> memref<128x32xf32, #tpu.memory_space<vmem>>
      %dma_start3A_222 = arith.constant 0 : i32
      %dma_start3A_223 = tpu.memref_slice %arg8[%dma_start3A_217, %dma_start3A_222] : memref<3x128xi32, #tpu.memory_space<vmem>> -> memref<1x128xi32, #tpu.memory_space<vmem>>
      %dma_start3A_224 = tpu.memref_squeeze %dma_start3A_223 : memref<1x128xi32, #tpu.memory_space<vmem>> -> memref<128xi32, #tpu.memory_space<vmem>>
      %dma_start3A_225 = arith.constant 0 : i32
      %dma_start3A_226 = arith.constant 0 : i32
      %dma_start3A_227 = tpu.memref_slice %arg12[%dma_start3A_225, %dma_start3A_226] : memref<50016x32xf32, #tpu.memory_space<vmem_shared>> -> memref<50016x32xf32, #tpu.memory_space<vmem_shared>>
      tpu.enqueue_indirect_dma source(%dma_start3A_221 : memref<128x32xf32, #tpu.memory_space<vmem>>) target(%dma_start3A_227 : memref<50016x32xf32, #tpu.memory_space<vmem_shared>>) offsets(%dma_start3A_224 : memref<128xi32, #tpu.memory_space<vmem>>) semaphore(%arg17 : memref<!tpu.dma_semaphore, #tpu.memory_space<semaphore_mem>>) {add = true}
      %dma_start3A_228 = arith.constant 1 : i32
      %dma_start3A_229 = arith.constant 1 : i32
      %dma_start3A_230 = arith.constant 0 : i32
      %dma_start3A_231 = arith.constant 0 : i32
      %dma_start3A_232 = tpu.memref_slice %arg11[%dma_start3A_228, %dma_start3A_230, %dma_start3A_231] : memref<6x128x32xf32, #tpu.memory_space<vmem>> -> memref<1x128x32xf32, #tpu.memory_space<vmem>>
      %dma_start3A_233 = tpu.memref_squeeze %dma_start3A_232 : memref<1x128x32xf32, #tpu.memory_space<vmem>> -> memref<128x32xf32, #tpu.memory_space<vmem>>
      %dma_start3A_234 = arith.constant 0 : i32
      %dma_start3A_235 = tpu.memref_slice %arg8[%dma_start3A_229, %dma_start3A_234] : memref<3x128xi32, #tpu.memory_space<vmem>> -> memref<1x128xi32, #tpu.memory_space<vmem>>
      %dma_start3A_236 = tpu.memref_squeeze %dma_start3A_235 : memref<1x128xi32, #tpu.memory_space<vmem>> -> memref<128xi32, #tpu.memory_space<vmem>>
      %dma_start3A_237 = arith.constant 0 : i32
      %dma_start3A_238 = arith.constant 0 : i32
      %dma_start3A_239 = tpu.memref_slice %arg12[%dma_start3A_237, %dma_start3A_238] : memref<50016x32xf32, #tpu.memory_space<vmem_shared>> -> memref<50016x32xf32, #tpu.memory_space<vmem_shared>>
      tpu.enqueue_indirect_dma source(%dma_start3A_233 : memref<128x32xf32, #tpu.memory_space<vmem>>) target(%dma_start3A_239 : memref<50016x32xf32, #tpu.memory_space<vmem_shared>>) offsets(%dma_start3A_236 : memref<128xi32, #tpu.memory_space<vmem>>) semaphore(%arg17 : memref<!tpu.dma_semaphore, #tpu.memory_space<semaphore_mem>>) {add = true}
      %dma_start3A_240 = arith.constant 2 : i32
      %dma_start3A_241 = arith.constant 2 : i32
      %dma_start3A_242 = arith.constant 0 : i32
      %dma_start3A_243 = arith.constant 0 : i32
      %dma_start3A_244 = tpu.memref_slice %arg11[%dma_start3A_240, %dma_start3A_242, %dma_start3A_243] : memref<6x128x32xf32, #tpu.memory_space<vmem>> -> memref<1x128x32xf32, #tpu.memory_space<vmem>>
      %dma_start3A_245 = tpu.memref_squeeze %dma_start3A_244 : memref<1x128x32xf32, #tpu.memory_space<vmem>> -> memref<128x32xf32, #tpu.memory_space<vmem>>
      %dma_start3A_246 = arith.constant 0 : i32
      %dma_start3A_247 = tpu.memref_slice %arg8[%dma_start3A_241, %dma_start3A_246] : memref<3x128xi32, #tpu.memory_space<vmem>> -> memref<1x128xi32, #tpu.memory_space<vmem>>
      %dma_start3A_248 = tpu.memref_squeeze %dma_start3A_247 : memref<1x128xi32, #tpu.memory_space<vmem>> -> memref<128xi32, #tpu.memory_space<vmem>>
      %dma_start3A_249 = arith.constant 0 : i32
      %dma_start3A_250 = arith.constant 0 : i32
      %dma_start3A_251 = tpu.memref_slice %arg12[%dma_start3A_249, %dma_start3A_250] : memref<50016x32xf32, #tpu.memory_space<vmem_shared>> -> memref<50016x32xf32, #tpu.memory_space<vmem_shared>>
      tpu.enqueue_indirect_dma source(%dma_start3A_245 : memref<128x32xf32, #tpu.memory_space<vmem>>) target(%dma_start3A_251 : memref<50016x32xf32, #tpu.memory_space<vmem_shared>>) offsets(%dma_start3A_248 : memref<128xi32, #tpu.memory_space<vmem>>) semaphore(%arg17 : memref<!tpu.dma_semaphore, #tpu.memory_space<semaphore_mem>>) {add = true}
      %dma_wait3A_252 = arith.constant 0 : i32
      %dma_wait3A_253 = arith.constant 0 : i32
      %dma_wait3A_254 = arith.constant 0 : i32
      %dma_wait3A_255 = arith.constant 0 : i32
      %dma_wait3A_256 = tpu.memref_slice %arg11[%dma_wait3A_252, %dma_wait3A_254, %dma_wait3A_255] : memref<6x128x32xf32, #tpu.memory_space<vmem>> -> memref<1x128x32xf32, #tpu.memory_space<vmem>>
      %dma_wait3A_257 = tpu.memref_squeeze %dma_wait3A_256 : memref<1x128x32xf32, #tpu.memory_space<vmem>> -> memref<128x32xf32, #tpu.memory_space<vmem>>
      %dma_wait3A_258 = arith.constant 0 : i32
      %dma_wait3A_259 = tpu.memref_slice %arg8[%dma_wait3A_253, %dma_wait3A_258] : memref<3x128xi32, #tpu.memory_space<vmem>> -> memref<1x128xi32, #tpu.memory_space<vmem>>
      %dma_wait3A_260 = tpu.memref_squeeze %dma_wait3A_259 : memref<1x128xi32, #tpu.memory_space<vmem>> -> memref<128xi32, #tpu.memory_space<vmem>>
      %dma_wait3A_261 = arith.constant 0 : i32
      %dma_wait3A_262 = arith.constant 0 : i32
      %dma_wait3A_263 = tpu.memref_slice %arg12[%dma_wait3A_261, %dma_wait3A_262] : memref<50016x32xf32, #tpu.memory_space<vmem_shared>> -> memref<50016x32xf32, #tpu.memory_space<vmem_shared>>
      tpu.wait_indirect_dma semaphore(%arg17 : memref<!tpu.dma_semaphore, #tpu.memory_space<semaphore_mem>>) src(%dma_wait3A_257 : memref<128x32xf32, #tpu.memory_space<vmem>>) dst(%dma_wait3A_263 : memref<50016x32xf32, #tpu.memory_space<vmem_shared>>)
      %dma_wait3A_264 = arith.constant 1 : i32
      %dma_wait3A_265 = arith.constant 1 : i32
      %dma_wait3A_266 = arith.constant 0 : i32
      %dma_wait3A_267 = arith.constant 0 : i32
      %dma_wait3A_268 = tpu.memref_slice %arg11[%dma_wait3A_264, %dma_wait3A_266, %dma_wait3A_267] : memref<6x128x32xf32, #tpu.memory_space<vmem>> -> memref<1x128x32xf32, #tpu.memory_space<vmem>>
      %dma_wait3A_269 = tpu.memref_squeeze %dma_wait3A_268 : memref<1x128x32xf32, #tpu.memory_space<vmem>> -> memref<128x32xf32, #tpu.memory_space<vmem>>
      %dma_wait3A_270 = arith.constant 0 : i32
      %dma_wait3A_271 = tpu.memref_slice %arg8[%dma_wait3A_265, %dma_wait3A_270] : memref<3x128xi32, #tpu.memory_space<vmem>> -> memref<1x128xi32, #tpu.memory_space<vmem>>
      %dma_wait3A_272 = tpu.memref_squeeze %dma_wait3A_271 : memref<1x128xi32, #tpu.memory_space<vmem>> -> memref<128xi32, #tpu.memory_space<vmem>>
      %dma_wait3A_273 = arith.constant 0 : i32
      %dma_wait3A_274 = arith.constant 0 : i32
      %dma_wait3A_275 = tpu.memref_slice %arg12[%dma_wait3A_273, %dma_wait3A_274] : memref<50016x32xf32, #tpu.memory_space<vmem_shared>> -> memref<50016x32xf32, #tpu.memory_space<vmem_shared>>
      tpu.wait_indirect_dma semaphore(%arg17 : memref<!tpu.dma_semaphore, #tpu.memory_space<semaphore_mem>>) src(%dma_wait3A_269 : memref<128x32xf32, #tpu.memory_space<vmem>>) dst(%dma_wait3A_275 : memref<50016x32xf32, #tpu.memory_space<vmem_shared>>)
      %dma_wait3A_276 = arith.constant 2 : i32
      %dma_wait3A_277 = arith.constant 2 : i32
      %dma_wait3A_278 = arith.constant 0 : i32
      %dma_wait3A_279 = arith.constant 0 : i32
      %dma_wait3A_280 = tpu.memref_slice %arg11[%dma_wait3A_276, %dma_wait3A_278, %dma_wait3A_279] : memref<6x128x32xf32, #tpu.memory_space<vmem>> -> memref<1x128x32xf32, #tpu.memory_space<vmem>>
      %dma_wait3A_281 = tpu.memref_squeeze %dma_wait3A_280 : memref<1x128x32xf32, #tpu.memory_space<vmem>> -> memref<128x32xf32, #tpu.memory_space<vmem>>
      %dma_wait3A_282 = arith.constant 0 : i32
      %dma_wait3A_283 = tpu.memref_slice %arg8[%dma_wait3A_277, %dma_wait3A_282] : memref<3x128xi32, #tpu.memory_space<vmem>> -> memref<1x128xi32, #tpu.memory_space<vmem>>
      %dma_wait3A_284 = tpu.memref_squeeze %dma_wait3A_283 : memref<1x128xi32, #tpu.memory_space<vmem>> -> memref<128xi32, #tpu.memory_space<vmem>>
      %dma_wait3A_285 = arith.constant 0 : i32
      %dma_wait3A_286 = arith.constant 0 : i32
      %dma_wait3A_287 = tpu.memref_slice %arg12[%dma_wait3A_285, %dma_wait3A_286] : memref<50016x32xf32, #tpu.memory_space<vmem_shared>> -> memref<50016x32xf32, #tpu.memory_space<vmem_shared>>
      tpu.wait_indirect_dma semaphore(%arg17 : memref<!tpu.dma_semaphore, #tpu.memory_space<semaphore_mem>>) src(%dma_wait3A_281 : memref<128x32xf32, #tpu.memory_space<vmem>>) dst(%dma_wait3A_287 : memref<50016x32xf32, #tpu.memory_space<vmem_shared>>)
      %add3A_288 = arith.constant 2 : i32
      %add3A_289 = arith.addi %mul3A_123, %add3A_288 : i32
      %lt3A = arith.cmpi slt, %add3A_289, %select_n3A_6 : i32
      %convert_element_type3A = arith.extui %lt3A : i1 to i32
      %cond3A = arith.constant 0 : i32
      %cond3A_290 = arith.cmpi ne, %convert_element_type3A, %cond3A : i32
      scf.if %cond3A_290 {
        %add3A_405 = arith.constant 2 : i32
        %add3A_406 = arith.addi %mul3A_123, %add3A_405 : i32
        %mul3A_407 = arith.constant 3 : i32
        %mul3A_408 = arith.muli %add3A_406, %mul3A_407 : i32
        %add3A_409 = arith.addi %select_n3A, %mul3A_408 : i32
        %dma_start3A_410 = arith.constant 0 : i32
        %dma_start3A_411 = tpu.memref_slice %arg2[%arg1, %add3A_409, %dma_start3A_410] : memref<16x396x128xi32, #tpu.memory_space<hbm>> -> memref<1x3x128xi32, #tpu.memory_space<hbm>>
        %dma_start3A_412 = tpu.memref_squeeze %dma_start3A_411 : memref<1x3x128xi32, #tpu.memory_space<hbm>> -> memref<3x128xi32, #tpu.memory_space<hbm>>
        %dma_start3A_413 = arith.constant 0 : i32
        %dma_start3A_414 = tpu.memref_slice %arg2[%arg1, %add3A_409, %dma_start3A_413] : memref<16x396x128xi32, #tpu.memory_space<hbm>> -> memref<1x3x128xi32, #tpu.memory_space<hbm>>
        %dma_start3A_415 = tpu.memref_squeeze %dma_start3A_414 : memref<1x3x128xi32, #tpu.memory_space<hbm>> -> memref<3x128xi32, #tpu.memory_space<hbm>>
        tpu.enqueue_dma source(%dma_start3A_415 : memref<3x128xi32, #tpu.memory_space<hbm>>) target(%arg7 : memref<3x128xi32, #tpu.memory_space<vmem>>) target_semaphore(%arg13 : memref<!tpu.dma_semaphore, #tpu.memory_space<semaphore_mem>>)
        %mul3A_416 = arith.constant 3 : i32
        %mul3A_417 = arith.muli %add3A_406, %mul3A_416 : i32
        %add3A_418 = arith.addi %select_n3A, %mul3A_417 : i32
        %dma_start3A_419 = arith.constant 0 : i32
        %dma_start3A_420 = tpu.memref_slice %arg3[%arg1, %add3A_418, %dma_start3A_419] : memref<16x396x128xi32, #tpu.memory_space<hbm>> -> memref<1x3x128xi32, #tpu.memory_space<hbm>>
        %dma_start3A_421 = tpu.memref_squeeze %dma_start3A_420 : memref<1x3x128xi32, #tpu.memory_space<hbm>> -> memref<3x128xi32, #tpu.memory_space<hbm>>
        %dma_start3A_422 = arith.constant 0 : i32
        %dma_start3A_423 = tpu.memref_slice %arg3[%arg1, %add3A_418, %dma_start3A_422] : memref<16x396x128xi32, #tpu.memory_space<hbm>> -> memref<1x3x128xi32, #tpu.memory_space<hbm>>
        %dma_start3A_424 = tpu.memref_squeeze %dma_start3A_423 : memref<1x3x128xi32, #tpu.memory_space<hbm>> -> memref<3x128xi32, #tpu.memory_space<hbm>>
        tpu.enqueue_dma source(%dma_start3A_424 : memref<3x128xi32, #tpu.memory_space<hbm>>) target(%arg8 : memref<3x128xi32, #tpu.memory_space<vmem>>) target_semaphore(%arg13 : memref<!tpu.dma_semaphore, #tpu.memory_space<semaphore_mem>>)
      } else {
      }
      %dma_wait3A_291 = arith.constant 0 : i32
      %dma_wait3A_292 = arith.constant 3 : i32
      %dma_wait3A_293 = arith.constant 0 : i32
      %dma_wait3A_294 = arith.constant 0 : i32
      %dma_wait3A_295 = tpu.memref_slice %arg11[%dma_wait3A_292, %dma_wait3A_293, %dma_wait3A_294] : memref<6x128x32xf32, #tpu.memory_space<vmem>> -> memref<1x128x32xf32, #tpu.memory_space<vmem>>
      %dma_wait3A_296 = tpu.memref_squeeze %dma_wait3A_295 : memref<1x128x32xf32, #tpu.memory_space<vmem>> -> memref<128x32xf32, #tpu.memory_space<vmem>>
      %dma_wait3A_297 = arith.constant 0 : i32
      %dma_wait3A_298 = tpu.memref_slice %arg9[%dma_wait3A_291, %dma_wait3A_297] : memref<3x128xi32, #tpu.memory_space<vmem>> -> memref<1x128xi32, #tpu.memory_space<vmem>>
      %dma_wait3A_299 = tpu.memref_squeeze %dma_wait3A_298 : memref<1x128xi32, #tpu.memory_space<vmem>> -> memref<128xi32, #tpu.memory_space<vmem>>
      %dma_wait3A_300 = arith.constant 0 : i32
      %dma_wait3A_301 = arith.constant 0 : i32
      %dma_wait3A_302 = tpu.memref_slice %arg4[%dma_wait3A_300, %dma_wait3A_301] : memref<50000x32xf32, #tpu.memory_space<hbm>> -> memref<50000x32xf32, #tpu.memory_space<hbm>>
      tpu.wait_indirect_dma semaphore(%arg16 : memref<!tpu.dma_semaphore, #tpu.memory_space<semaphore_mem>>) src(%dma_wait3A_302 : memref<50000x32xf32, #tpu.memory_space<hbm>>) dst(%dma_wait3A_296 : memref<128x32xf32, #tpu.memory_space<vmem>>)
      %dma_wait3A_303 = arith.constant 1 : i32
      %dma_wait3A_304 = arith.constant 4 : i32
      %dma_wait3A_305 = arith.constant 0 : i32
      %dma_wait3A_306 = arith.constant 0 : i32
      %dma_wait3A_307 = tpu.memref_slice %arg11[%dma_wait3A_304, %dma_wait3A_305, %dma_wait3A_306] : memref<6x128x32xf32, #tpu.memory_space<vmem>> -> memref<1x128x32xf32, #tpu.memory_space<vmem>>
      %dma_wait3A_308 = tpu.memref_squeeze %dma_wait3A_307 : memref<1x128x32xf32, #tpu.memory_space<vmem>> -> memref<128x32xf32, #tpu.memory_space<vmem>>
      %dma_wait3A_309 = arith.constant 0 : i32
      %dma_wait3A_310 = tpu.memref_slice %arg9[%dma_wait3A_303, %dma_wait3A_309] : memref<3x128xi32, #tpu.memory_space<vmem>> -> memref<1x128xi32, #tpu.memory_space<vmem>>
      %dma_wait3A_311 = tpu.memref_squeeze %dma_wait3A_310 : memref<1x128xi32, #tpu.memory_space<vmem>> -> memref<128xi32, #tpu.memory_space<vmem>>
      %dma_wait3A_312 = arith.constant 0 : i32
      %dma_wait3A_313 = arith.constant 0 : i32
      %dma_wait3A_314 = tpu.memref_slice %arg4[%dma_wait3A_312, %dma_wait3A_313] : memref<50000x32xf32, #tpu.memory_space<hbm>> -> memref<50000x32xf32, #tpu.memory_space<hbm>>
      tpu.wait_indirect_dma semaphore(%arg16 : memref<!tpu.dma_semaphore, #tpu.memory_space<semaphore_mem>>) src(%dma_wait3A_314 : memref<50000x32xf32, #tpu.memory_space<hbm>>) dst(%dma_wait3A_308 : memref<128x32xf32, #tpu.memory_space<vmem>>)
      %dma_wait3A_315 = arith.constant 2 : i32
      %dma_wait3A_316 = arith.constant 5 : i32
      %dma_wait3A_317 = arith.constant 0 : i32
      %dma_wait3A_318 = arith.constant 0 : i32
      %dma_wait3A_319 = tpu.memref_slice %arg11[%dma_wait3A_316, %dma_wait3A_317, %dma_wait3A_318] : memref<6x128x32xf32, #tpu.memory_space<vmem>> -> memref<1x128x32xf32, #tpu.memory_space<vmem>>
      %dma_wait3A_320 = tpu.memref_squeeze %dma_wait3A_319 : memref<1x128x32xf32, #tpu.memory_space<vmem>> -> memref<128x32xf32, #tpu.memory_space<vmem>>
      %dma_wait3A_321 = arith.constant 0 : i32
      %dma_wait3A_322 = tpu.memref_slice %arg9[%dma_wait3A_315, %dma_wait3A_321] : memref<3x128xi32, #tpu.memory_space<vmem>> -> memref<1x128xi32, #tpu.memory_space<vmem>>
      %dma_wait3A_323 = tpu.memref_squeeze %dma_wait3A_322 : memref<1x128xi32, #tpu.memory_space<vmem>> -> memref<128xi32, #tpu.memory_space<vmem>>
      %dma_wait3A_324 = arith.constant 0 : i32
      %dma_wait3A_325 = arith.constant 0 : i32
      %dma_wait3A_326 = tpu.memref_slice %arg4[%dma_wait3A_324, %dma_wait3A_325] : memref<50000x32xf32, #tpu.memory_space<hbm>> -> memref<50000x32xf32, #tpu.memory_space<hbm>>
      tpu.wait_indirect_dma semaphore(%arg16 : memref<!tpu.dma_semaphore, #tpu.memory_space<semaphore_mem>>) src(%dma_wait3A_326 : memref<50000x32xf32, #tpu.memory_space<hbm>>) dst(%dma_wait3A_320 : memref<128x32xf32, #tpu.memory_space<vmem>>)
      %dma_start3A_327 = arith.constant 3 : i32
      %dma_start3A_328 = arith.constant 0 : i32
      %dma_start3A_329 = arith.constant 0 : i32
      %dma_start3A_330 = arith.constant 0 : i32
      %dma_start3A_331 = tpu.memref_slice %arg11[%dma_start3A_327, %dma_start3A_329, %dma_start3A_330] : memref<6x128x32xf32, #tpu.memory_space<vmem>> -> memref<1x128x32xf32, #tpu.memory_space<vmem>>
      %dma_start3A_332 = tpu.memref_squeeze %dma_start3A_331 : memref<1x128x32xf32, #tpu.memory_space<vmem>> -> memref<128x32xf32, #tpu.memory_space<vmem>>
      %dma_start3A_333 = arith.constant 0 : i32
      %dma_start3A_334 = tpu.memref_slice %arg10[%dma_start3A_328, %dma_start3A_333] : memref<3x128xi32, #tpu.memory_space<vmem>> -> memref<1x128xi32, #tpu.memory_space<vmem>>
      %dma_start3A_335 = tpu.memref_squeeze %dma_start3A_334 : memref<1x128xi32, #tpu.memory_space<vmem>> -> memref<128xi32, #tpu.memory_space<vmem>>
      %dma_start3A_336 = arith.constant 0 : i32
      %dma_start3A_337 = arith.constant 0 : i32
      %dma_start3A_338 = tpu.memref_slice %arg12[%dma_start3A_336, %dma_start3A_337] : memref<50016x32xf32, #tpu.memory_space<vmem_shared>> -> memref<50016x32xf32, #tpu.memory_space<vmem_shared>>
      tpu.enqueue_indirect_dma source(%dma_start3A_332 : memref<128x32xf32, #tpu.memory_space<vmem>>) target(%dma_start3A_338 : memref<50016x32xf32, #tpu.memory_space<vmem_shared>>) offsets(%dma_start3A_335 : memref<128xi32, #tpu.memory_space<vmem>>) semaphore(%arg18 : memref<!tpu.dma_semaphore, #tpu.memory_space<semaphore_mem>>) {add = true}
      %dma_start3A_339 = arith.constant 4 : i32
      %dma_start3A_340 = arith.constant 1 : i32
      %dma_start3A_341 = arith.constant 0 : i32
      %dma_start3A_342 = arith.constant 0 : i32
      %dma_start3A_343 = tpu.memref_slice %arg11[%dma_start3A_339, %dma_start3A_341, %dma_start3A_342] : memref<6x128x32xf32, #tpu.memory_space<vmem>> -> memref<1x128x32xf32, #tpu.memory_space<vmem>>
      %dma_start3A_344 = tpu.memref_squeeze %dma_start3A_343 : memref<1x128x32xf32, #tpu.memory_space<vmem>> -> memref<128x32xf32, #tpu.memory_space<vmem>>
      %dma_start3A_345 = arith.constant 0 : i32
      %dma_start3A_346 = tpu.memref_slice %arg10[%dma_start3A_340, %dma_start3A_345] : memref<3x128xi32, #tpu.memory_space<vmem>> -> memref<1x128xi32, #tpu.memory_space<vmem>>
      %dma_start3A_347 = tpu.memref_squeeze %dma_start3A_346 : memref<1x128xi32, #tpu.memory_space<vmem>> -> memref<128xi32, #tpu.memory_space<vmem>>
      %dma_start3A_348 = arith.constant 0 : i32
      %dma_start3A_349 = arith.constant 0 : i32
      %dma_start3A_350 = tpu.memref_slice %arg12[%dma_start3A_348, %dma_start3A_349] : memref<50016x32xf32, #tpu.memory_space<vmem_shared>> -> memref<50016x32xf32, #tpu.memory_space<vmem_shared>>
      tpu.enqueue_indirect_dma source(%dma_start3A_344 : memref<128x32xf32, #tpu.memory_space<vmem>>) target(%dma_start3A_350 : memref<50016x32xf32, #tpu.memory_space<vmem_shared>>) offsets(%dma_start3A_347 : memref<128xi32, #tpu.memory_space<vmem>>) semaphore(%arg18 : memref<!tpu.dma_semaphore, #tpu.memory_space<semaphore_mem>>) {add = true}
      %dma_start3A_351 = arith.constant 5 : i32
      %dma_start3A_352 = arith.constant 2 : i32
      %dma_start3A_353 = arith.constant 0 : i32
      %dma_start3A_354 = arith.constant 0 : i32
      %dma_start3A_355 = tpu.memref_slice %arg11[%dma_start3A_351, %dma_start3A_353, %dma_start3A_354] : memref<6x128x32xf32, #tpu.memory_space<vmem>> -> memref<1x128x32xf32, #tpu.memory_space<vmem>>
      %dma_start3A_356 = tpu.memref_squeeze %dma_start3A_355 : memref<1x128x32xf32, #tpu.memory_space<vmem>> -> memref<128x32xf32, #tpu.memory_space<vmem>>
      %dma_start3A_357 = arith.constant 0 : i32
      %dma_start3A_358 = tpu.memref_slice %arg10[%dma_start3A_352, %dma_start3A_357] : memref<3x128xi32, #tpu.memory_space<vmem>> -> memref<1x128xi32, #tpu.memory_space<vmem>>
      %dma_start3A_359 = tpu.memref_squeeze %dma_start3A_358 : memref<1x128xi32, #tpu.memory_space<vmem>> -> memref<128xi32, #tpu.memory_space<vmem>>
      %dma_start3A_360 = arith.constant 0 : i32
      %dma_start3A_361 = arith.constant 0 : i32
      %dma_start3A_362 = tpu.memref_slice %arg12[%dma_start3A_360, %dma_start3A_361] : memref<50016x32xf32, #tpu.memory_space<vmem_shared>> -> memref<50016x32xf32, #tpu.memory_space<vmem_shared>>
      tpu.enqueue_indirect_dma source(%dma_start3A_356 : memref<128x32xf32, #tpu.memory_space<vmem>>) target(%dma_start3A_362 : memref<50016x32xf32, #tpu.memory_space<vmem_shared>>) offsets(%dma_start3A_359 : memref<128xi32, #tpu.memory_space<vmem>>) semaphore(%arg18 : memref<!tpu.dma_semaphore, #tpu.memory_space<semaphore_mem>>) {add = true}
      %dma_wait3A_363 = arith.constant 3 : i32
      %dma_wait3A_364 = arith.constant 0 : i32
      %dma_wait3A_365 = arith.constant 0 : i32
      %dma_wait3A_366 = arith.constant 0 : i32
      %dma_wait3A_367 = tpu.memref_slice %arg11[%dma_wait3A_363, %dma_wait3A_365, %dma_wait3A_366] : memref<6x128x32xf32, #tpu.memory_space<vmem>> -> memref<1x128x32xf32, #tpu.memory_space<vmem>>
      %dma_wait3A_368 = tpu.memref_squeeze %dma_wait3A_367 : memref<1x128x32xf32, #tpu.memory_space<vmem>> -> memref<128x32xf32, #tpu.memory_space<vmem>>
      %dma_wait3A_369 = arith.constant 0 : i32
      %dma_wait3A_370 = tpu.memref_slice %arg10[%dma_wait3A_364, %dma_wait3A_369] : memref<3x128xi32, #tpu.memory_space<vmem>> -> memref<1x128xi32, #tpu.memory_space<vmem>>
      %dma_wait3A_371 = tpu.memref_squeeze %dma_wait3A_370 : memref<1x128xi32, #tpu.memory_space<vmem>> -> memref<128xi32, #tpu.memory_space<vmem>>
      %dma_wait3A_372 = arith.constant 0 : i32
      %dma_wait3A_373 = arith.constant 0 : i32
      %dma_wait3A_374 = tpu.memref_slice %arg12[%dma_wait3A_372, %dma_wait3A_373] : memref<50016x32xf32, #tpu.memory_space<vmem_shared>> -> memref<50016x32xf32, #tpu.memory_space<vmem_shared>>
      tpu.wait_indirect_dma semaphore(%arg18 : memref<!tpu.dma_semaphore, #tpu.memory_space<semaphore_mem>>) src(%dma_wait3A_368 : memref<128x32xf32, #tpu.memory_space<vmem>>) dst(%dma_wait3A_374 : memref<50016x32xf32, #tpu.memory_space<vmem_shared>>)
      %dma_wait3A_375 = arith.constant 4 : i32
      %dma_wait3A_376 = arith.constant 1 : i32
      %dma_wait3A_377 = arith.constant 0 : i32
      %dma_wait3A_378 = arith.constant 0 : i32
      %dma_wait3A_379 = tpu.memref_slice %arg11[%dma_wait3A_375, %dma_wait3A_377, %dma_wait3A_378] : memref<6x128x32xf32, #tpu.memory_space<vmem>> -> memref<1x128x32xf32, #tpu.memory_space<vmem>>
      %dma_wait3A_380 = tpu.memref_squeeze %dma_wait3A_379 : memref<1x128x32xf32, #tpu.memory_space<vmem>> -> memref<128x32xf32, #tpu.memory_space<vmem>>
      %dma_wait3A_381 = arith.constant 0 : i32
      %dma_wait3A_382 = tpu.memref_slice %arg10[%dma_wait3A_376, %dma_wait3A_381] : memref<3x128xi32, #tpu.memory_space<vmem>> -> memref<1x128xi32, #tpu.memory_space<vmem>>
      %dma_wait3A_383 = tpu.memref_squeeze %dma_wait3A_382 : memref<1x128xi32, #tpu.memory_space<vmem>> -> memref<128xi32, #tpu.memory_space<vmem>>
      %dma_wait3A_384 = arith.constant 0 : i32
      %dma_wait3A_385 = arith.constant 0 : i32
      %dma_wait3A_386 = tpu.memref_slice %arg12[%dma_wait3A_384, %dma_wait3A_385] : memref<50016x32xf32, #tpu.memory_space<vmem_shared>> -> memref<50016x32xf32, #tpu.memory_space<vmem_shared>>
      tpu.wait_indirect_dma semaphore(%arg18 : memref<!tpu.dma_semaphore, #tpu.memory_space<semaphore_mem>>) src(%dma_wait3A_380 : memref<128x32xf32, #tpu.memory_space<vmem>>) dst(%dma_wait3A_386 : memref<50016x32xf32, #tpu.memory_space<vmem_shared>>)
      %dma_wait3A_387 = arith.constant 5 : i32
      %dma_wait3A_388 = arith.constant 2 : i32
      %dma_wait3A_389 = arith.constant 0 : i32
      %dma_wait3A_390 = arith.constant 0 : i32
      %dma_wait3A_391 = tpu.memref_slice %arg11[%dma_wait3A_387, %dma_wait3A_389, %dma_wait3A_390] : memref<6x128x32xf32, #tpu.memory_space<vmem>> -> memref<1x128x32xf32, #tpu.memory_space<vmem>>
      %dma_wait3A_392 = tpu.memref_squeeze %dma_wait3A_391 : memref<1x128x32xf32, #tpu.memory_space<vmem>> -> memref<128x32xf32, #tpu.memory_space<vmem>>
      %dma_wait3A_393 = arith.constant 0 : i32
      %dma_wait3A_394 = tpu.memref_slice %arg10[%dma_wait3A_388, %dma_wait3A_393] : memref<3x128xi32, #tpu.memory_space<vmem>> -> memref<1x128xi32, #tpu.memory_space<vmem>>
      %dma_wait3A_395 = tpu.memref_squeeze %dma_wait3A_394 : memref<1x128xi32, #tpu.memory_space<vmem>> -> memref<128xi32, #tpu.memory_space<vmem>>
      %dma_wait3A_396 = arith.constant 0 : i32
      %dma_wait3A_397 = arith.constant 0 : i32
      %dma_wait3A_398 = tpu.memref_slice %arg12[%dma_wait3A_396, %dma_wait3A_397] : memref<50016x32xf32, #tpu.memory_space<vmem_shared>> -> memref<50016x32xf32, #tpu.memory_space<vmem_shared>>
      tpu.wait_indirect_dma semaphore(%arg18 : memref<!tpu.dma_semaphore, #tpu.memory_space<semaphore_mem>>) src(%dma_wait3A_392 : memref<128x32xf32, #tpu.memory_space<vmem>>) dst(%dma_wait3A_398 : memref<50016x32xf32, #tpu.memory_space<vmem_shared>>)
      %add3A_399 = arith.constant 2 : i32
      %add3A_400 = arith.addi %mul3A_123, %add3A_399 : i32
      %lt3A_401 = arith.cmpi slt, %add3A_400, %select_n3A_6 : i32
      %convert_element_type3A_402 = arith.extui %lt3A_401 : i1 to i32
      %cond3A_403 = arith.constant 0 : i32
      %cond3A_404 = arith.cmpi ne, %convert_element_type3A_402, %cond3A_403 : i32
      scf.if %cond3A_404 {
        %add3A_405 = arith.constant 2 : i32
        %add3A_406 = arith.addi %mul3A_123, %add3A_405 : i32
        %mul3A_407 = arith.constant 3 : i32
        %mul3A_408 = arith.muli %add3A_406, %mul3A_407 : i32
        %add3A_409 = arith.addi %select_n3A, %mul3A_408 : i32
        %dma_wait3A_410 = arith.constant 0 : i32
        %dma_wait3A_411 = tpu.memref_slice %arg2[%arg1, %add3A_409, %dma_wait3A_410] : memref<16x396x128xi32, #tpu.memory_space<hbm>> -> memref<1x3x128xi32, #tpu.memory_space<hbm>>
        %dma_wait3A_412 = tpu.memref_squeeze %dma_wait3A_411 : memref<1x3x128xi32, #tpu.memory_space<hbm>> -> memref<3x128xi32, #tpu.memory_space<hbm>>
        %dma_wait3A_413 = arith.constant 0 : i32
        %dma_wait3A_414 = tpu.memref_slice %arg2[%arg1, %add3A_409, %dma_wait3A_413] : memref<16x396x128xi32, #tpu.memory_space<hbm>> -> memref<1x3x128xi32, #tpu.memory_space<hbm>>
        %dma_wait3A_415 = tpu.memref_squeeze %dma_wait3A_414 : memref<1x3x128xi32, #tpu.memory_space<hbm>> -> memref<3x128xi32, #tpu.memory_space<hbm>>
        tpu.wait_dma2 semaphore(%arg13 : memref<!tpu.dma_semaphore, #tpu.memory_space<semaphore_mem>>) src(%dma_wait3A_415 : memref<3x128xi32, #tpu.memory_space<hbm>>) dst(%arg7 : memref<3x128xi32, #tpu.memory_space<vmem>>)
        %mul3A_416 = arith.constant 3 : i32
        %mul3A_417 = arith.muli %add3A_406, %mul3A_416 : i32
        %add3A_418 = arith.addi %select_n3A, %mul3A_417 : i32
        %dma_wait3A_419 = arith.constant 0 : i32
        %dma_wait3A_420 = tpu.memref_slice %arg3[%arg1, %add3A_418, %dma_wait3A_419] : memref<16x396x128xi32, #tpu.memory_space<hbm>> -> memref<1x3x128xi32, #tpu.memory_space<hbm>>
        %dma_wait3A_421 = tpu.memref_squeeze %dma_wait3A_420 : memref<1x3x128xi32, #tpu.memory_space<hbm>> -> memref<3x128xi32, #tpu.memory_space<hbm>>
        %dma_wait3A_422 = arith.constant 0 : i32
        %dma_wait3A_423 = tpu.memref_slice %arg3[%arg1, %add3A_418, %dma_wait3A_422] : memref<16x396x128xi32, #tpu.memory_space<hbm>> -> memref<1x3x128xi32, #tpu.memory_space<hbm>>
        %dma_wait3A_424 = tpu.memref_squeeze %dma_wait3A_423 : memref<1x3x128xi32, #tpu.memory_space<hbm>> -> memref<3x128xi32, #tpu.memory_space<hbm>>
        tpu.wait_dma2 semaphore(%arg13 : memref<!tpu.dma_semaphore, #tpu.memory_space<semaphore_mem>>) src(%dma_wait3A_424 : memref<3x128xi32, #tpu.memory_space<hbm>>) dst(%arg8 : memref<3x128xi32, #tpu.memory_space<vmem>>)
        %dma_start3A_425 = arith.constant 0 : i32
        %dma_start3A_426 = arith.constant 0 : i32
        %dma_start3A_427 = arith.constant 0 : i32
        %dma_start3A_428 = arith.constant 0 : i32
        %dma_start3A_429 = tpu.memref_slice %arg11[%dma_start3A_426, %dma_start3A_427, %dma_start3A_428] : memref<6x128x32xf32, #tpu.memory_space<vmem>> -> memref<1x128x32xf32, #tpu.memory_space<vmem>>
        %dma_start3A_430 = tpu.memref_squeeze %dma_start3A_429 : memref<1x128x32xf32, #tpu.memory_space<vmem>> -> memref<128x32xf32, #tpu.memory_space<vmem>>
        %dma_start3A_431 = arith.constant 0 : i32
        %dma_start3A_432 = tpu.memref_slice %arg7[%dma_start3A_425, %dma_start3A_431] : memref<3x128xi32, #tpu.memory_space<vmem>> -> memref<1x128xi32, #tpu.memory_space<vmem>>
        %dma_start3A_433 = tpu.memref_squeeze %dma_start3A_432 : memref<1x128xi32, #tpu.memory_space<vmem>> -> memref<128xi32, #tpu.memory_space<vmem>>
        %dma_start3A_434 = arith.constant 0 : i32
        %dma_start3A_435 = arith.constant 0 : i32
        %dma_start3A_436 = tpu.memref_slice %arg4[%dma_start3A_434, %dma_start3A_435] : memref<50000x32xf32, #tpu.memory_space<hbm>> -> memref<50000x32xf32, #tpu.memory_space<hbm>>
        tpu.enqueue_indirect_dma source(%dma_start3A_436 : memref<50000x32xf32, #tpu.memory_space<hbm>>) target(%dma_start3A_430 : memref<128x32xf32, #tpu.memory_space<vmem>>) offsets(%dma_start3A_433 : memref<128xi32, #tpu.memory_space<vmem>>) semaphore(%arg15 : memref<!tpu.dma_semaphore, #tpu.memory_space<semaphore_mem>>)
        %dma_start3A_437 = arith.constant 1 : i32
        %dma_start3A_438 = arith.constant 1 : i32
        %dma_start3A_439 = arith.constant 0 : i32
        %dma_start3A_440 = arith.constant 0 : i32
        %dma_start3A_441 = tpu.memref_slice %arg11[%dma_start3A_438, %dma_start3A_439, %dma_start3A_440] : memref<6x128x32xf32, #tpu.memory_space<vmem>> -> memref<1x128x32xf32, #tpu.memory_space<vmem>>
        %dma_start3A_442 = tpu.memref_squeeze %dma_start3A_441 : memref<1x128x32xf32, #tpu.memory_space<vmem>> -> memref<128x32xf32, #tpu.memory_space<vmem>>
        %dma_start3A_443 = arith.constant 0 : i32
        %dma_start3A_444 = tpu.memref_slice %arg7[%dma_start3A_437, %dma_start3A_443] : memref<3x128xi32, #tpu.memory_space<vmem>> -> memref<1x128xi32, #tpu.memory_space<vmem>>
        %dma_start3A_445 = tpu.memref_squeeze %dma_start3A_444 : memref<1x128xi32, #tpu.memory_space<vmem>> -> memref<128xi32, #tpu.memory_space<vmem>>
        %dma_start3A_446 = arith.constant 0 : i32
        %dma_start3A_447 = arith.constant 0 : i32
        %dma_start3A_448 = tpu.memref_slice %arg4[%dma_start3A_446, %dma_start3A_447] : memref<50000x32xf32, #tpu.memory_space<hbm>> -> memref<50000x32xf32, #tpu.memory_space<hbm>>
        tpu.enqueue_indirect_dma source(%dma_start3A_448 : memref<50000x32xf32, #tpu.memory_space<hbm>>) target(%dma_start3A_442 : memref<128x32xf32, #tpu.memory_space<vmem>>) offsets(%dma_start3A_445 : memref<128xi32, #tpu.memory_space<vmem>>) semaphore(%arg15 : memref<!tpu.dma_semaphore, #tpu.memory_space<semaphore_mem>>)
        %dma_start3A_449 = arith.constant 2 : i32
        %dma_start3A_450 = arith.constant 2 : i32
        %dma_start3A_451 = arith.constant 0 : i32
        %dma_start3A_452 = arith.constant 0 : i32
        %dma_start3A_453 = tpu.memref_slice %arg11[%dma_start3A_450, %dma_start3A_451, %dma_start3A_452] : memref<6x128x32xf32, #tpu.memory_space<vmem>> -> memref<1x128x32xf32, #tpu.memory_space<vmem>>
        %dma_start3A_454 = tpu.memref_squeeze %dma_start3A_453 : memref<1x128x32xf32, #tpu.memory_space<vmem>> -> memref<128x32xf32, #tpu.memory_space<vmem>>
        %dma_start3A_455 = arith.constant 0 : i32
        %dma_start3A_456 = tpu.memref_slice %arg7[%dma_start3A_449, %dma_start3A_455] : memref<3x128xi32, #tpu.memory_space<vmem>> -> memref<1x128xi32, #tpu.memory_space<vmem>>
        %dma_start3A_457 = tpu.memref_squeeze %dma_start3A_456 : memref<1x128xi32, #tpu.memory_space<vmem>> -> memref<128xi32, #tpu.memory_space<vmem>>
        %dma_start3A_458 = arith.constant 0 : i32
        %dma_start3A_459 = arith.constant 0 : i32
        %dma_start3A_460 = tpu.memref_slice %arg4[%dma_start3A_458, %dma_start3A_459] : memref<50000x32xf32, #tpu.memory_space<hbm>> -> memref<50000x32xf32, #tpu.memory_space<hbm>>
        tpu.enqueue_indirect_dma source(%dma_start3A_460 : memref<50000x32xf32, #tpu.memory_space<hbm>>) target(%dma_start3A_454 : memref<128x32xf32, #tpu.memory_space<vmem>>) offsets(%dma_start3A_457 : memref<128xi32, #tpu.memory_space<vmem>>) semaphore(%arg15 : memref<!tpu.dma_semaphore, #tpu.memory_space<semaphore_mem>>)
        %add3A_461 = arith.constant 2 : i32
        %add3A_462 = arith.addi %add3A_125, %add3A_461 : i32
        %mul3A_463 = arith.constant 3 : i32
        %mul3A_464 = arith.muli %add3A_462, %mul3A_463 : i32
        %add3A_465 = arith.addi %select_n3A, %mul3A_464 : i32
        %dma_start3A_466 = arith.constant 0 : i32
        %dma_start3A_467 = tpu.memref_slice %arg2[%arg1, %add3A_465, %dma_start3A_466] : memref<16x396x128xi32, #tpu.memory_space<hbm>> -> memref<1x3x128xi32, #tpu.memory_space<hbm>>
        %dma_start3A_468 = tpu.memref_squeeze %dma_start3A_467 : memref<1x3x128xi32, #tpu.memory_space<hbm>> -> memref<3x128xi32, #tpu.memory_space<hbm>>
        %dma_start3A_469 = arith.constant 0 : i32
        %dma_start3A_470 = tpu.memref_slice %arg2[%arg1, %add3A_465, %dma_start3A_469] : memref<16x396x128xi32, #tpu.memory_space<hbm>> -> memref<1x3x128xi32, #tpu.memory_space<hbm>>
        %dma_start3A_471 = tpu.memref_squeeze %dma_start3A_470 : memref<1x3x128xi32, #tpu.memory_space<hbm>> -> memref<3x128xi32, #tpu.memory_space<hbm>>
        tpu.enqueue_dma source(%dma_start3A_471 : memref<3x128xi32, #tpu.memory_space<hbm>>) target(%arg9 : memref<3x128xi32, #tpu.memory_space<vmem>>) target_semaphore(%arg14 : memref<!tpu.dma_semaphore, #tpu.memory_space<semaphore_mem>>)
        %mul3A_472 = arith.constant 3 : i32
        %mul3A_473 = arith.muli %add3A_462, %mul3A_472 : i32
        %add3A_474 = arith.addi %select_n3A, %mul3A_473 : i32
        %dma_start3A_475 = arith.constant 0 : i32
        %dma_start3A_476 = tpu.memref_slice %arg3[%arg1, %add3A_474, %dma_start3A_475] : memref<16x396x128xi32, #tpu.memory_space<hbm>> -> memref<1x3x128xi32, #tpu.memory_space<hbm>>
        %dma_start3A_477 = tpu.memref_squeeze %dma_start3A_476 : memref<1x3x128xi32, #tpu.memory_space<hbm>> -> memref<3x128xi32, #tpu.memory_space<hbm>>
        %dma_start3A_478 = arith.constant 0 : i32
        %dma_start3A_479 = tpu.memref_slice %arg3[%arg1, %add3A_474, %dma_start3A_478] : memref<16x396x128xi32, #tpu.memory_space<hbm>> -> memref<1x3x128xi32, #tpu.memory_space<hbm>>
        %dma_start3A_480 = tpu.memref_squeeze %dma_start3A_479 : memref<1x3x128xi32, #tpu.memory_space<hbm>> -> memref<3x128xi32, #tpu.memory_space<hbm>>
        tpu.enqueue_dma source(%dma_start3A_480 : memref<3x128xi32, #tpu.memory_space<hbm>>) target(%arg10 : memref<3x128xi32, #tpu.memory_space<vmem>>) target_semaphore(%arg14 : memref<!tpu.dma_semaphore, #tpu.memory_space<semaphore_mem>>)
      } else {
      }
    }
    %while3A_115 = arith.constant 1 : i32
    scf.for %while3A_121 = %while3A_113 to %while3A_109 step %while3A_115  : i32 {
      %mul3A_122 = arith.constant 2 : i32
      %mul3A_123 = arith.muli %mul3A_122, %while3A_121 : i32
      %add3A_124 = arith.constant 1 : i32
      %add3A_125 = arith.addi %mul3A_123, %add3A_124 : i32
      %mul3A_126 = arith.constant 3 : i32
      %mul3A_127 = arith.muli %add3A_125, %mul3A_126 : i32
      %add3A_128 = arith.addi %select_n3A, %mul3A_127 : i32
      %dma_wait3A_129 = arith.constant 0 : i32
      %dma_wait3A_130 = tpu.memref_slice %arg2[%arg1, %add3A_128, %dma_wait3A_129] : memref<16x396x128xi32, #tpu.memory_space<hbm>> -> memref<1x3x128xi32, #tpu.memory_space<hbm>>
      %dma_wait3A_131 = tpu.memref_squeeze %dma_wait3A_130 : memref<1x3x128xi32, #tpu.memory_space<hbm>> -> memref<3x128xi32, #tpu.memory_space<hbm>>
      %dma_wait3A_132 = arith.constant 0 : i32
      %dma_wait3A_133 = tpu.memref_slice %arg2[%arg1, %add3A_128, %dma_wait3A_132] : memref<16x396x128xi32, #tpu.memory_space<hbm>> -> memref<1x3x128xi32, #tpu.memory_space<hbm>>
      %dma_wait3A_134 = tpu.memref_squeeze %dma_wait3A_133 : memref<1x3x128xi32, #tpu.memory_space<hbm>> -> memref<3x128xi32, #tpu.memory_space<hbm>>
      tpu.wait_dma2 semaphore(%arg14 : memref<!tpu.dma_semaphore, #tpu.memory_space<semaphore_mem>>) src(%dma_wait3A_134 : memref<3x128xi32, #tpu.memory_space<hbm>>) dst(%arg9 : memref<3x128xi32, #tpu.memory_space<vmem>>)
      %mul3A_135 = arith.constant 3 : i32
      %mul3A_136 = arith.muli %add3A_125, %mul3A_135 : i32
      %add3A_137 = arith.addi %select_n3A, %mul3A_136 : i32
      %dma_wait3A_138 = arith.constant 0 : i32
      %dma_wait3A_139 = tpu.memref_slice %arg3[%arg1, %add3A_137, %dma_wait3A_138] : memref<16x396x128xi32, #tpu.memory_space<hbm>> -> memref<1x3x128xi32, #tpu.memory_space<hbm>>
      %dma_wait3A_140 = tpu.memref_squeeze %dma_wait3A_139 : memref<1x3x128xi32, #tpu.memory_space<hbm>> -> memref<3x128xi32, #tpu.memory_space<hbm>>
      %dma_wait3A_141 = arith.constant 0 : i32
      %dma_wait3A_142 = tpu.memref_slice %arg3[%arg1, %add3A_137, %dma_wait3A_141] : memref<16x396x128xi32, #tpu.memory_space<hbm>> -> memref<1x3x128xi32, #tpu.memory_space<hbm>>
      %dma_wait3A_143 = tpu.memref_squeeze %dma_wait3A_142 : memref<1x3x128xi32, #tpu.memory_space<hbm>> -> memref<3x128xi32, #tpu.memory_space<hbm>>
      tpu.wait_dma2 semaphore(%arg14 : memref<!tpu.dma_semaphore, #tpu.memory_space<semaphore_mem>>) src(%dma_wait3A_143 : memref<3x128xi32, #tpu.memory_space<hbm>>) dst(%arg10 : memref<3x128xi32, #tpu.memory_space<vmem>>)
      %dma_start3A_144 = arith.constant 0 : i32
      %dma_start3A_145 = arith.constant 3 : i32
      %dma_start3A_146 = arith.constant 0 : i32
      %dma_start3A_147 = arith.constant 0 : i32
      %dma_start3A_148 = tpu.memref_slice %arg11[%dma_start3A_145, %dma_start3A_146, %dma_start3A_147] : memref<6x128x32xf32, #tpu.memory_space<vmem>> -> memref<1x128x32xf32, #tpu.memory_space<vmem>>
      %dma_start3A_149 = tpu.memref_squeeze %dma_start3A_148 : memref<1x128x32xf32, #tpu.memory_space<vmem>> -> memref<128x32xf32, #tpu.memory_space<vmem>>
      %dma_start3A_150 = arith.constant 0 : i32
      %dma_start3A_151 = tpu.memref_slice %arg9[%dma_start3A_144, %dma_start3A_150] : memref<3x128xi32, #tpu.memory_space<vmem>> -> memref<1x128xi32, #tpu.memory_space<vmem>>
      %dma_start3A_152 = tpu.memref_squeeze %dma_start3A_151 : memref<1x128xi32, #tpu.memory_space<vmem>> -> memref<128xi32, #tpu.memory_space<vmem>>
      %dma_start3A_153 = arith.constant 0 : i32
      %dma_start3A_154 = arith.constant 0 : i32
      %dma_start3A_155 = tpu.memref_slice %arg4[%dma_start3A_153, %dma_start3A_154] : memref<50000x32xf32, #tpu.memory_space<hbm>> -> memref<50000x32xf32, #tpu.memory_space<hbm>>
      tpu.enqueue_indirect_dma source(%dma_start3A_155 : memref<50000x32xf32, #tpu.memory_space<hbm>>) target(%dma_start3A_149 : memref<128x32xf32, #tpu.memory_space<vmem>>) offsets(%dma_start3A_152 : memref<128xi32, #tpu.memory_space<vmem>>) semaphore(%arg16 : memref<!tpu.dma_semaphore, #tpu.memory_space<semaphore_mem>>)
      %dma_start3A_156 = arith.constant 1 : i32
      %dma_start3A_157 = arith.constant 4 : i32
      %dma_start3A_158 = arith.constant 0 : i32
      %dma_start3A_159 = arith.constant 0 : i32
      %dma_start3A_160 = tpu.memref_slice %arg11[%dma_start3A_157, %dma_start3A_158, %dma_start3A_159] : memref<6x128x32xf32, #tpu.memory_space<vmem>> -> memref<1x128x32xf32, #tpu.memory_space<vmem>>
      %dma_start3A_161 = tpu.memref_squeeze %dma_start3A_160 : memref<1x128x32xf32, #tpu.memory_space<vmem>> -> memref<128x32xf32, #tpu.memory_space<vmem>>
      %dma_start3A_162 = arith.constant 0 : i32
      %dma_start3A_163 = tpu.memref_slice %arg9[%dma_start3A_156, %dma_start3A_162] : memref<3x128xi32, #tpu.memory_space<vmem>> -> memref<1x128xi32, #tpu.memory_space<vmem>>
      %dma_start3A_164 = tpu.memref_squeeze %dma_start3A_163 : memref<1x128xi32, #tpu.memory_space<vmem>> -> memref<128xi32, #tpu.memory_space<vmem>>
      %dma_start3A_165 = arith.constant 0 : i32
      %dma_start3A_166 = arith.constant 0 : i32
      %dma_start3A_167 = tpu.memref_slice %arg4[%dma_start3A_165, %dma_start3A_166] : memref<50000x32xf32, #tpu.memory_space<hbm>> -> memref<50000x32xf32, #tpu.memory_space<hbm>>
      tpu.enqueue_indirect_dma source(%dma_start3A_167 : memref<50000x32xf32, #tpu.memory_space<hbm>>) target(%dma_start3A_161 : memref<128x32xf32, #tpu.memory_space<vmem>>) offsets(%dma_start3A_164 : memref<128xi32, #tpu.memory_space<vmem>>) semaphore(%arg16 : memref<!tpu.dma_semaphore, #tpu.memory_space<semaphore_mem>>)
      %dma_start3A_168 = arith.constant 2 : i32
      %dma_start3A_169 = arith.constant 5 : i32
      %dma_start3A_170 = arith.constant 0 : i32
      %dma_start3A_171 = arith.constant 0 : i32
      %dma_start3A_172 = tpu.memref_slice %arg11[%dma_start3A_169, %dma_start3A_170, %dma_start3A_171] : memref<6x128x32xf32, #tpu.memory_space<vmem>> -> memref<1x128x32xf32, #tpu.memory_space<vmem>>
      %dma_start3A_173 = tpu.memref_squeeze %dma_start3A_172 : memref<1x128x32xf32, #tpu.memory_space<vmem>> -> memref<128x32xf32, #tpu.memory_space<vmem>>
      %dma_start3A_174 = arith.constant 0 : i32
      %dma_start3A_175 = tpu.memref_slice %arg9[%dma_start3A_168, %dma_start3A_174] : memref<3x128xi32, #tpu.memory_space<vmem>> -> memref<1x128xi32, #tpu.memory_space<vmem>>
      %dma_start3A_176 = tpu.memref_squeeze %dma_start3A_175 : memref<1x128xi32, #tpu.memory_space<vmem>> -> memref<128xi32, #tpu.memory_space<vmem>>
      %dma_start3A_177 = arith.constant 0 : i32
      %dma_start3A_178 = arith.constant 0 : i32
      %dma_start3A_179 = tpu.memref_slice %arg4[%dma_start3A_177, %dma_start3A_178] : memref<50000x32xf32, #tpu.memory_space<hbm>> -> memref<50000x32xf32, #tpu.memory_space<hbm>>
      tpu.enqueue_indirect_dma source(%dma_start3A_179 : memref<50000x32xf32, #tpu.memory_space<hbm>>) target(%dma_start3A_173 : memref<128x32xf32, #tpu.memory_space<vmem>>) offsets(%dma_start3A_176 : memref<128xi32, #tpu.memory_space<vmem>>) semaphore(%arg16 : memref<!tpu.dma_semaphore, #tpu.memory_space<semaphore_mem>>)
      %dma_wait3A_180 = arith.constant 0 : i32
      %dma_wait3A_181 = arith.constant 0 : i32
      %dma_wait3A_182 = arith.constant 0 : i32
      %dma_wait3A_183 = arith.constant 0 : i32
      %dma_wait3A_184 = tpu.memref_slice %arg11[%dma_wait3A_181, %dma_wait3A_182, %dma_wait3A_183] : memref<6x128x32xf32, #tpu.memory_space<vmem>> -> memref<1x128x32xf32, #tpu.memory_space<vmem>>
      %dma_wait3A_185 = tpu.memref_squeeze %dma_wait3A_184 : memref<1x128x32xf32, #tpu.memory_space<vmem>> -> memref<128x32xf32, #tpu.memory_space<vmem>>
      %dma_wait3A_186 = arith.constant 0 : i32
      %dma_wait3A_187 = tpu.memref_slice %arg7[%dma_wait3A_180, %dma_wait3A_186] : memref<3x128xi32, #tpu.memory_space<vmem>> -> memref<1x128xi32, #tpu.memory_space<vmem>>
      %dma_wait3A_188 = tpu.memref_squeeze %dma_wait3A_187 : memref<1x128xi32, #tpu.memory_space<vmem>> -> memref<128xi32, #tpu.memory_space<vmem>>
      %dma_wait3A_189 = arith.constant 0 : i32
      %dma_wait3A_190 = arith.constant 0 : i32
      %dma_wait3A_191 = tpu.memref_slice %arg4[%dma_wait3A_189, %dma_wait3A_190] : memref<50000x32xf32, #tpu.memory_space<hbm>> -> memref<50000x32xf32, #tpu.memory_space<hbm>>
      tpu.wait_indirect_dma semaphore(%arg15 : memref<!tpu.dma_semaphore, #tpu.memory_space<semaphore_mem>>) src(%dma_wait3A_191 : memref<50000x32xf32, #tpu.memory_space<hbm>>) dst(%dma_wait3A_185 : memref<128x32xf32, #tpu.memory_space<vmem>>)
      %dma_wait3A_192 = arith.constant 1 : i32
      %dma_wait3A_193 = arith.constant 1 : i32
      %dma_wait3A_194 = arith.constant 0 : i32
      %dma_wait3A_195 = arith.constant 0 : i32
      %dma_wait3A_196 = tpu.memref_slice %arg11[%dma_wait3A_193, %dma_wait3A_194, %dma_wait3A_195] : memref<6x128x32xf32, #tpu.memory_space<vmem>> -> memref<1x128x32xf32, #tpu.memory_space<vmem>>
      %dma_wait3A_197 = tpu.memref_squeeze %dma_wait3A_196 : memref<1x128x32xf32, #tpu.memory_space<vmem>> -> memref<128x32xf32, #tpu.memory_space<vmem>>
      %dma_wait3A_198 = arith.constant 0 : i32
      %dma_wait3A_199 = tpu.memref_slice %arg7[%dma_wait3A_192, %dma_wait3A_198] : memref<3x128xi32, #tpu.memory_space<vmem>> -> memref<1x128xi32, #tpu.memory_space<vmem>>
      %dma_wait3A_200 = tpu.memref_squeeze %dma_wait3A_199 : memref<1x128xi32, #tpu.memory_space<vmem>> -> memref<128xi32, #tpu.memory_space<vmem>>
      %dma_wait3A_201 = arith.constant 0 : i32
      %dma_wait3A_202 = arith.constant 0 : i32
      %dma_wait3A_203 = tpu.memref_slice %arg4[%dma_wait3A_201, %dma_wait3A_202] : memref<50000x32xf32, #tpu.memory_space<hbm>> -> memref<50000x32xf32, #tpu.memory_space<hbm>>
      tpu.wait_indirect_dma semaphore(%arg15 : memref<!tpu.dma_semaphore, #tpu.memory_space<semaphore_mem>>) src(%dma_wait3A_203 : memref<50000x32xf32, #tpu.memory_space<hbm>>) dst(%dma_wait3A_197 : memref<128x32xf32, #tpu.memory_space<vmem>>)
      %dma_wait3A_204 = arith.constant 2 : i32
      %dma_wait3A_205 = arith.constant 2 : i32
      %dma_wait3A_206 = arith.constant 0 : i32
      %dma_wait3A_207 = arith.constant 0 : i32
      %dma_wait3A_208 = tpu.memref_slice %arg11[%dma_wait3A_205, %dma_wait3A_206, %dma_wait3A_207] : memref<6x128x32xf32, #tpu.memory_space<vmem>> -> memref<1x128x32xf32, #tpu.memory_space<vmem>>
      %dma_wait3A_209 = tpu.memref_squeeze %dma_wait3A_208 : memref<1x128x32xf32, #tpu.memory_space<vmem>> -> memref<128x32xf32, #tpu.memory_space<vmem>>
      %dma_wait3A_210 = arith.constant 0 : i32
      %dma_wait3A_211 = tpu.memref_slice %arg7[%dma_wait3A_204, %dma_wait3A_210] : memref<3x128xi32, #tpu.memory_space<vmem>> -> memref<1x128xi32, #tpu.memory_space<vmem>>
      %dma_wait3A_212 = tpu.memref_squeeze %dma_wait3A_211 : memref<1x128xi32, #tpu.memory_space<vmem>> -> memref<128xi32, #tpu.memory_space<vmem>>
      %dma_wait3A_213 = arith.constant 0 : i32
      %dma_wait3A_214 = arith.constant 0 : i32
      %dma_wait3A_215 = tpu.memref_slice %arg4[%dma_wait3A_213, %dma_wait3A_214] : memref<50000x32xf32, #tpu.memory_space<hbm>> -> memref<50000x32xf32, #tpu.memory_space<hbm>>
      tpu.wait_indirect_dma semaphore(%arg15 : memref<!tpu.dma_semaphore, #tpu.memory_space<semaphore_mem>>) src(%dma_wait3A_215 : memref<50000x32xf32, #tpu.memory_space<hbm>>) dst(%dma_wait3A_209 : memref<128x32xf32, #tpu.memory_space<vmem>>)
      %dma_start3A_216 = arith.constant 0 : i32
      %dma_start3A_217 = arith.constant 0 : i32
      %dma_start3A_218 = arith.constant 0 : i32
      %dma_start3A_219 = arith.constant 0 : i32
      %dma_start3A_220 = tpu.memref_slice %arg11[%dma_start3A_216, %dma_start3A_218, %dma_start3A_219] : memref<6x128x32xf32, #tpu.memory_space<vmem>> -> memref<1x128x32xf32, #tpu.memory_space<vmem>>
      %dma_start3A_221 = tpu.memref_squeeze %dma_start3A_220 : memref<1x128x32xf32, #tpu.memory_space<vmem>> -> memref<128x32xf32, #tpu.memory_space<vmem>>
      %dma_start3A_222 = arith.constant 0 : i32
      %dma_start3A_223 = tpu.memref_slice %arg8[%dma_start3A_217, %dma_start3A_222] : memref<3x128xi32, #tpu.memory_space<vmem>> -> memref<1x128xi32, #tpu.memory_space<vmem>>
      %dma_start3A_224 = tpu.memref_squeeze %dma_start3A_223 : memref<1x128xi32, #tpu.memory_space<vmem>> -> memref<128xi32, #tpu.memory_space<vmem>>
      %dma_start3A_225 = arith.constant 0 : i32
      %dma_start3A_226 = arith.constant 0 : i32
      %dma_start3A_227 = tpu.memref_slice %arg12[%dma_start3A_225, %dma_start3A_226] : memref<50016x32xf32, #tpu.memory_space<vmem_shared>> -> memref<50016x32xf32, #tpu.memory_space<vmem_shared>>
      tpu.enqueue_indirect_dma source(%dma_start3A_221 : memref<128x32xf32, #tpu.memory_space<vmem>>) target(%dma_start3A_227 : memref<50016x32xf32, #tpu.memory_space<vmem_shared>>) offsets(%dma_start3A_224 : memref<128xi32, #tpu.memory_space<vmem>>) semaphore(%arg17 : memref<!tpu.dma_semaphore, #tpu.memory_space<semaphore_mem>>) {add = true}
      %dma_start3A_228 = arith.constant 1 : i32
      %dma_start3A_229 = arith.constant 1 : i32
      %dma_start3A_230 = arith.constant 0 : i32
      %dma_start3A_231 = arith.constant 0 : i32
      %dma_start3A_232 = tpu.memref_slice %arg11[%dma_start3A_228, %dma_start3A_230, %dma_start3A_231] : memref<6x128x32xf32, #tpu.memory_space<vmem>> -> memref<1x128x32xf32, #tpu.memory_space<vmem>>
      %dma_start3A_233 = tpu.memref_squeeze %dma_start3A_232 : memref<1x128x32xf32, #tpu.memory_space<vmem>> -> memref<128x32xf32, #tpu.memory_space<vmem>>
      %dma_start3A_234 = arith.constant 0 : i32
      %dma_start3A_235 = tpu.memref_slice %arg8[%dma_start3A_229, %dma_start3A_234] : memref<3x128xi32, #tpu.memory_space<vmem>> -> memref<1x128xi32, #tpu.memory_space<vmem>>
      %dma_start3A_236 = tpu.memref_squeeze %dma_start3A_235 : memref<1x128xi32, #tpu.memory_space<vmem>> -> memref<128xi32, #tpu.memory_space<vmem>>
      %dma_start3A_237 = arith.constant 0 : i32
      %dma_start3A_238 = arith.constant 0 : i32
      %dma_start3A_239 = tpu.memref_slice %arg12[%dma_start3A_237, %dma_start3A_238] : memref<50016x32xf32, #tpu.memory_space<vmem_shared>> -> memref<50016x32xf32, #tpu.memory_space<vmem_shared>>
      tpu.enqueue_indirect_dma source(%dma_start3A_233 : memref<128x32xf32, #tpu.memory_space<vmem>>) target(%dma_start3A_239 : memref<50016x32xf32, #tpu.memory_space<vmem_shared>>) offsets(%dma_start3A_236 : memref<128xi32, #tpu.memory_space<vmem>>) semaphore(%arg17 : memref<!tpu.dma_semaphore, #tpu.memory_space<semaphore_mem>>) {add = true}
      %dma_start3A_240 = arith.constant 2 : i32
      %dma_start3A_241 = arith.constant 2 : i32
      %dma_start3A_242 = arith.constant 0 : i32
      %dma_start3A_243 = arith.constant 0 : i32
      %dma_start3A_244 = tpu.memref_slice %arg11[%dma_start3A_240, %dma_start3A_242, %dma_start3A_243] : memref<6x128x32xf32, #tpu.memory_space<vmem>> -> memref<1x128x32xf32, #tpu.memory_space<vmem>>
      %dma_start3A_245 = tpu.memref_squeeze %dma_start3A_244 : memref<1x128x32xf32, #tpu.memory_space<vmem>> -> memref<128x32xf32, #tpu.memory_space<vmem>>
      %dma_start3A_246 = arith.constant 0 : i32
      %dma_start3A_247 = tpu.memref_slice %arg8[%dma_start3A_241, %dma_start3A_246] : memref<3x128xi32, #tpu.memory_space<vmem>> -> memref<1x128xi32, #tpu.memory_space<vmem>>
      %dma_start3A_248 = tpu.memref_squeeze %dma_start3A_247 : memref<1x128xi32, #tpu.memory_space<vmem>> -> memref<128xi32, #tpu.memory_space<vmem>>
      %dma_start3A_249 = arith.constant 0 : i32
      %dma_start3A_250 = arith.constant 0 : i32
      %dma_start3A_251 = tpu.memref_slice %arg12[%dma_start3A_249, %dma_start3A_250] : memref<50016x32xf32, #tpu.memory_space<vmem_shared>> -> memref<50016x32xf32, #tpu.memory_space<vmem_shared>>
      tpu.enqueue_indirect_dma source(%dma_start3A_245 : memref<128x32xf32, #tpu.memory_space<vmem>>) target(%dma_start3A_251 : memref<50016x32xf32, #tpu.memory_space<vmem_shared>>) offsets(%dma_start3A_248 : memref<128xi32, #tpu.memory_space<vmem>>) semaphore(%arg17 : memref<!tpu.dma_semaphore, #tpu.memory_space<semaphore_mem>>) {add = true}
      %dma_wait3A_252 = arith.constant 0 : i32
      %dma_wait3A_253 = arith.constant 0 : i32
      %dma_wait3A_254 = arith.constant 0 : i32
      %dma_wait3A_255 = arith.constant 0 : i32
      %dma_wait3A_256 = tpu.memref_slice %arg11[%dma_wait3A_252, %dma_wait3A_254, %dma_wait3A_255] : memref<6x128x32xf32, #tpu.memory_space<vmem>> -> memref<1x128x32xf32, #tpu.memory_space<vmem>>
      %dma_wait3A_257 = tpu.memref_squeeze %dma_wait3A_256 : memref<1x128x32xf32, #tpu.memory_space<vmem>> -> memref<128x32xf32, #tpu.memory_space<vmem>>
      %dma_wait3A_258 = arith.constant 0 : i32
      %dma_wait3A_259 = tpu.memref_slice %arg8[%dma_wait3A_253, %dma_wait3A_258] : memref<3x128xi32, #tpu.memory_space<vmem>> -> memref<1x128xi32, #tpu.memory_space<vmem>>
      %dma_wait3A_260 = tpu.memref_squeeze %dma_wait3A_259 : memref<1x128xi32, #tpu.memory_space<vmem>> -> memref<128xi32, #tpu.memory_space<vmem>>
      %dma_wait3A_261 = arith.constant 0 : i32
      %dma_wait3A_262 = arith.constant 0 : i32
      %dma_wait3A_263 = tpu.memref_slice %arg12[%dma_wait3A_261, %dma_wait3A_262] : memref<50016x32xf32, #tpu.memory_space<vmem_shared>> -> memref<50016x32xf32, #tpu.memory_space<vmem_shared>>
      tpu.wait_indirect_dma semaphore(%arg17 : memref<!tpu.dma_semaphore, #tpu.memory_space<semaphore_mem>>) src(%dma_wait3A_257 : memref<128x32xf32, #tpu.memory_space<vmem>>) dst(%dma_wait3A_263 : memref<50016x32xf32, #tpu.memory_space<vmem_shared>>)
      %dma_wait3A_264 = arith.constant 1 : i32
      %dma_wait3A_265 = arith.constant 1 : i32
      %dma_wait3A_266 = arith.constant 0 : i32
      %dma_wait3A_267 = arith.constant 0 : i32
      %dma_wait3A_268 = tpu.memref_slice %arg11[%dma_wait3A_264, %dma_wait3A_266, %dma_wait3A_267] : memref<6x128x32xf32, #tpu.memory_space<vmem>> -> memref<1x128x32xf32, #tpu.memory_space<vmem>>
      %dma_wait3A_269 = tpu.memref_squeeze %dma_wait3A_268 : memref<1x128x32xf32, #tpu.memory_space<vmem>> -> memref<128x32xf32, #tpu.memory_space<vmem>>
      %dma_wait3A_270 = arith.constant 0 : i32
      %dma_wait3A_271 = tpu.memref_slice %arg8[%dma_wait3A_265, %dma_wait3A_270] : memref<3x128xi32, #tpu.memory_space<vmem>> -> memref<1x128xi32, #tpu.memory_space<vmem>>
      %dma_wait3A_272 = tpu.memref_squeeze %dma_wait3A_271 : memref<1x128xi32, #tpu.memory_space<vmem>> -> memref<128xi32, #tpu.memory_space<vmem>>
      %dma_wait3A_273 = arith.constant 0 : i32
      %dma_wait3A_274 = arith.constant 0 : i32
      %dma_wait3A_275 = tpu.memref_slice %arg12[%dma_wait3A_273, %dma_wait3A_274] : memref<50016x32xf32, #tpu.memory_space<vmem_shared>> -> memref<50016x32xf32, #tpu.memory_space<vmem_shared>>
      tpu.wait_indirect_dma semaphore(%arg17 : memref<!tpu.dma_semaphore, #tpu.memory_space<semaphore_mem>>) src(%dma_wait3A_269 : memref<128x32xf32, #tpu.memory_space<vmem>>) dst(%dma_wait3A_275 : memref<50016x32xf32, #tpu.memory_space<vmem_shared>>)
      %dma_wait3A_276 = arith.constant 2 : i32
      %dma_wait3A_277 = arith.constant 2 : i32
      %dma_wait3A_278 = arith.constant 0 : i32
      %dma_wait3A_279 = arith.constant 0 : i32
      %dma_wait3A_280 = tpu.memref_slice %arg11[%dma_wait3A_276, %dma_wait3A_278, %dma_wait3A_279] : memref<6x128x32xf32, #tpu.memory_space<vmem>> -> memref<1x128x32xf32, #tpu.memory_space<vmem>>
      %dma_wait3A_281 = tpu.memref_squeeze %dma_wait3A_280 : memref<1x128x32xf32, #tpu.memory_space<vmem>> -> memref<128x32xf32, #tpu.memory_space<vmem>>
      %dma_wait3A_282 = arith.constant 0 : i32
      %dma_wait3A_283 = tpu.memref_slice %arg8[%dma_wait3A_277, %dma_wait3A_282] : memref<3x128xi32, #tpu.memory_space<vmem>> -> memref<1x128xi32, #tpu.memory_space<vmem>>
      %dma_wait3A_284 = tpu.memref_squeeze %dma_wait3A_283 : memref<1x128xi32, #tpu.memory_space<vmem>> -> memref<128xi32, #tpu.memory_space<vmem>>
      %dma_wait3A_285 = arith.constant 0 : i32
      %dma_wait3A_286 = arith.constant 0 : i32
      %dma_wait3A_287 = tpu.memref_slice %arg12[%dma_wait3A_285, %dma_wait3A_286] : memref<50016x32xf32, #tpu.memory_space<vmem_shared>> -> memref<50016x32xf32, #tpu.memory_space<vmem_shared>>
      tpu.wait_indirect_dma semaphore(%arg17 : memref<!tpu.dma_semaphore, #tpu.memory_space<semaphore_mem>>) src(%dma_wait3A_281 : memref<128x32xf32, #tpu.memory_space<vmem>>) dst(%dma_wait3A_287 : memref<50016x32xf32, #tpu.memory_space<vmem_shared>>)
      %add3A_288 = arith.constant 2 : i32
      %add3A_289 = arith.addi %mul3A_123, %add3A_288 : i32
      %lt3A = arith.cmpi slt, %add3A_289, %select_n3A_6 : i32
      %convert_element_type3A = arith.extui %lt3A : i1 to i32
      %cond3A = arith.constant 0 : i32
      %cond3A_290 = arith.cmpi ne, %convert_element_type3A, %cond3A : i32
      scf.if %cond3A_290 {
        %add3A_405 = arith.constant 2 : i32
        %add3A_406 = arith.addi %mul3A_123, %add3A_405 : i32
        %mul3A_407 = arith.constant 3 : i32
        %mul3A_408 = arith.muli %add3A_406, %mul3A_407 : i32
        %add3A_409 = arith.addi %select_n3A, %mul3A_408 : i32
        %dma_start3A_410 = arith.constant 0 : i32
        %dma_start3A_411 = tpu.memref_slice %arg2[%arg1, %add3A_409, %dma_start3A_410] : memref<16x396x128xi32, #tpu.memory_space<hbm>> -> memref<1x3x128xi32, #tpu.memory_space<hbm>>
        %dma_start3A_412 = tpu.memref_squeeze %dma_start3A_411 : memref<1x3x128xi32, #tpu.memory_space<hbm>> -> memref<3x128xi32, #tpu.memory_space<hbm>>
        %dma_start3A_413 = arith.constant 0 : i32
        %dma_start3A_414 = tpu.memref_slice %arg2[%arg1, %add3A_409, %dma_start3A_413] : memref<16x396x128xi32, #tpu.memory_space<hbm>> -> memref<1x3x128xi32, #tpu.memory_space<hbm>>
        %dma_start3A_415 = tpu.memref_squeeze %dma_start3A_414 : memref<1x3x128xi32, #tpu.memory_space<hbm>> -> memref<3x128xi32, #tpu.memory_space<hbm>>
        tpu.enqueue_dma source(%dma_start3A_415 : memref<3x128xi32, #tpu.memory_space<hbm>>) target(%arg7 : memref<3x128xi32, #tpu.memory_space<vmem>>) target_semaphore(%arg13 : memref<!tpu.dma_semaphore, #tpu.memory_space<semaphore_mem>>)
        %mul3A_416 = arith.constant 3 : i32
        %mul3A_417 = arith.muli %add3A_406, %mul3A_416 : i32
        %add3A_418 = arith.addi %select_n3A, %mul3A_417 : i32
        %dma_start3A_419 = arith.constant 0 : i32
        %dma_start3A_420 = tpu.memref_slice %arg3[%arg1, %add3A_418, %dma_start3A_419] : memref<16x396x128xi32, #tpu.memory_space<hbm>> -> memref<1x3x128xi32, #tpu.memory_space<hbm>>
        %dma_start3A_421 = tpu.memref_squeeze %dma_start3A_420 : memref<1x3x128xi32, #tpu.memory_space<hbm>> -> memref<3x128xi32, #tpu.memory_space<hbm>>
        %dma_start3A_422 = arith.constant 0 : i32
        %dma_start3A_423 = tpu.memref_slice %arg3[%arg1, %add3A_418, %dma_start3A_422] : memref<16x396x128xi32, #tpu.memory_space<hbm>> -> memref<1x3x128xi32, #tpu.memory_space<hbm>>
        %dma_start3A_424 = tpu.memref_squeeze %dma_start3A_423 : memref<1x3x128xi32, #tpu.memory_space<hbm>> -> memref<3x128xi32, #tpu.memory_space<hbm>>
        tpu.enqueue_dma source(%dma_start3A_424 : memref<3x128xi32, #tpu.memory_space<hbm>>) target(%arg8 : memref<3x128xi32, #tpu.memory_space<vmem>>) target_semaphore(%arg13 : memref<!tpu.dma_semaphore, #tpu.memory_space<semaphore_mem>>)
      } else {
      }
      %dma_wait3A_291 = arith.constant 0 : i32
      %dma_wait3A_292 = arith.constant 3 : i32
      %dma_wait3A_293 = arith.constant 0 : i32
      %dma_wait3A_294 = arith.constant 0 : i32
      %dma_wait3A_295 = tpu.memref_slice %arg11[%dma_wait3A_292, %dma_wait3A_293, %dma_wait3A_294] : memref<6x128x32xf32, #tpu.memory_space<vmem>> -> memref<1x128x32xf32, #tpu.memory_space<vmem>>
      %dma_wait3A_296 = tpu.memref_squeeze %dma_wait3A_295 : memref<1x128x32xf32, #tpu.memory_space<vmem>> -> memref<128x32xf32, #tpu.memory_space<vmem>>
      %dma_wait3A_297 = arith.constant 0 : i32
      %dma_wait3A_298 = tpu.memref_slice %arg9[%dma_wait3A_291, %dma_wait3A_297] : memref<3x128xi32, #tpu.memory_space<vmem>> -> memref<1x128xi32, #tpu.memory_space<vmem>>
      %dma_wait3A_299 = tpu.memref_squeeze %dma_wait3A_298 : memref<1x128xi32, #tpu.memory_space<vmem>> -> memref<128xi32, #tpu.memory_space<vmem>>
      %dma_wait3A_300 = arith.constant 0 : i32
      %dma_wait3A_301 = arith.constant 0 : i32
      %dma_wait3A_302 = tpu.memref_slice %arg4[%dma_wait3A_300, %dma_wait3A_301] : memref<50000x32xf32, #tpu.memory_space<hbm>> -> memref<50000x32xf32, #tpu.memory_space<hbm>>
      tpu.wait_indirect_dma semaphore(%arg16 : memref<!tpu.dma_semaphore, #tpu.memory_space<semaphore_mem>>) src(%dma_wait3A_302 : memref<50000x32xf32, #tpu.memory_space<hbm>>) dst(%dma_wait3A_296 : memref<128x32xf32, #tpu.memory_space<vmem>>)
      %dma_wait3A_303 = arith.constant 1 : i32
      %dma_wait3A_304 = arith.constant 4 : i32
      %dma_wait3A_305 = arith.constant 0 : i32
      %dma_wait3A_306 = arith.constant 0 : i32
      %dma_wait3A_307 = tpu.memref_slice %arg11[%dma_wait3A_304, %dma_wait3A_305, %dma_wait3A_306] : memref<6x128x32xf32, #tpu.memory_space<vmem>> -> memref<1x128x32xf32, #tpu.memory_space<vmem>>
      %dma_wait3A_308 = tpu.memref_squeeze %dma_wait3A_307 : memref<1x128x32xf32, #tpu.memory_space<vmem>> -> memref<128x32xf32, #tpu.memory_space<vmem>>
      %dma_wait3A_309 = arith.constant 0 : i32
      %dma_wait3A_310 = tpu.memref_slice %arg9[%dma_wait3A_303, %dma_wait3A_309] : memref<3x128xi32, #tpu.memory_space<vmem>> -> memref<1x128xi32, #tpu.memory_space<vmem>>
      %dma_wait3A_311 = tpu.memref_squeeze %dma_wait3A_310 : memref<1x128xi32, #tpu.memory_space<vmem>> -> memref<128xi32, #tpu.memory_space<vmem>>
      %dma_wait3A_312 = arith.constant 0 : i32
      %dma_wait3A_313 = arith.constant 0 : i32
      %dma_wait3A_314 = tpu.memref_slice %arg4[%dma_wait3A_312, %dma_wait3A_313] : memref<50000x32xf32, #tpu.memory_space<hbm>> -> memref<50000x32xf32, #tpu.memory_space<hbm>>
      tpu.wait_indirect_dma semaphore(%arg16 : memref<!tpu.dma_semaphore, #tpu.memory_space<semaphore_mem>>) src(%dma_wait3A_314 : memref<50000x32xf32, #tpu.memory_space<hbm>>) dst(%dma_wait3A_308 : memref<128x32xf32, #tpu.memory_space<vmem>>)
      %dma_wait3A_315 = arith.constant 2 : i32
      %dma_wait3A_316 = arith.constant 5 : i32
      %dma_wait3A_317 = arith.constant 0 : i32
      %dma_wait3A_318 = arith.constant 0 : i32
      %dma_wait3A_319 = tpu.memref_slice %arg11[%dma_wait3A_316, %dma_wait3A_317, %dma_wait3A_318] : memref<6x128x32xf32, #tpu.memory_space<vmem>> -> memref<1x128x32xf32, #tpu.memory_space<vmem>>
      %dma_wait3A_320 = tpu.memref_squeeze %dma_wait3A_319 : memref<1x128x32xf32, #tpu.memory_space<vmem>> -> memref<128x32xf32, #tpu.memory_space<vmem>>
      %dma_wait3A_321 = arith.constant 0 : i32
      %dma_wait3A_322 = tpu.memref_slice %arg9[%dma_wait3A_315, %dma_wait3A_321] : memref<3x128xi32, #tpu.memory_space<vmem>> -> memref<1x128xi32, #tpu.memory_space<vmem>>
      %dma_wait3A_323 = tpu.memref_squeeze %dma_wait3A_322 : memref<1x128xi32, #tpu.memory_space<vmem>> -> memref<128xi32, #tpu.memory_space<vmem>>
      %dma_wait3A_324 = arith.constant 0 : i32
      %dma_wait3A_325 = arith.constant 0 : i32
      %dma_wait3A_326 = tpu.memref_slice %arg4[%dma_wait3A_324, %dma_wait3A_325] : memref<50000x32xf32, #tpu.memory_space<hbm>> -> memref<50000x32xf32, #tpu.memory_space<hbm>>
      tpu.wait_indirect_dma semaphore(%arg16 : memref<!tpu.dma_semaphore, #tpu.memory_space<semaphore_mem>>) src(%dma_wait3A_326 : memref<50000x32xf32, #tpu.memory_space<hbm>>) dst(%dma_wait3A_320 : memref<128x32xf32, #tpu.memory_space<vmem>>)
      %dma_start3A_327 = arith.constant 3 : i32
      %dma_start3A_328 = arith.constant 0 : i32
      %dma_start3A_329 = arith.constant 0 : i32
      %dma_start3A_330 = arith.constant 0 : i32
      %dma_start3A_331 = tpu.memref_slice %arg11[%dma_start3A_327, %dma_start3A_329, %dma_start3A_330] : memref<6x128x32xf32, #tpu.memory_space<vmem>> -> memref<1x128x32xf32, #tpu.memory_space<vmem>>
      %dma_start3A_332 = tpu.memref_squeeze %dma_start3A_331 : memref<1x128x32xf32, #tpu.memory_space<vmem>> -> memref<128x32xf32, #tpu.memory_space<vmem>>
      %dma_start3A_333 = arith.constant 0 : i32
      %dma_start3A_334 = tpu.memref_slice %arg10[%dma_start3A_328, %dma_start3A_333] : memref<3x128xi32, #tpu.memory_space<vmem>> -> memref<1x128xi32, #tpu.memory_space<vmem>>
      %dma_start3A_335 = tpu.memref_squeeze %dma_start3A_334 : memref<1x128xi32, #tpu.memory_space<vmem>> -> memref<128xi32, #tpu.memory_space<vmem>>
      %dma_start3A_336 = arith.constant 0 : i32
      %dma_start3A_337 = arith.constant 0 : i32
      %dma_start3A_338 = tpu.memref_slice %arg12[%dma_start3A_336, %dma_start3A_337] : memref<50016x32xf32, #tpu.memory_space<vmem_shared>> -> memref<50016x32xf32, #tpu.memory_space<vmem_shared>>
      tpu.enqueue_indirect_dma source(%dma_start3A_332 : memref<128x32xf32, #tpu.memory_space<vmem>>) target(%dma_start3A_338 : memref<50016x32xf32, #tpu.memory_space<vmem_shared>>) offsets(%dma_start3A_335 : memref<128xi32, #tpu.memory_space<vmem>>) semaphore(%arg18 : memref<!tpu.dma_semaphore, #tpu.memory_space<semaphore_mem>>) {add = true}
      %dma_start3A_339 = arith.constant 4 : i32
      %dma_start3A_340 = arith.constant 1 : i32
      %dma_start3A_341 = arith.constant 0 : i32
      %dma_start3A_342 = arith.constant 0 : i32
      %dma_start3A_343 = tpu.memref_slice %arg11[%dma_start3A_339, %dma_start3A_341, %dma_start3A_342] : memref<6x128x32xf32, #tpu.memory_space<vmem>> -> memref<1x128x32xf32, #tpu.memory_space<vmem>>
      %dma_start3A_344 = tpu.memref_squeeze %dma_start3A_343 : memref<1x128x32xf32, #tpu.memory_space<vmem>> -> memref<128x32xf32, #tpu.memory_space<vmem>>
      %dma_start3A_345 = arith.constant 0 : i32
      %dma_start3A_346 = tpu.memref_slice %arg10[%dma_start3A_340, %dma_start3A_345] : memref<3x128xi32, #tpu.memory_space<vmem>> -> memref<1x128xi32, #tpu.memory_space<vmem>>
      %dma_start3A_347 = tpu.memref_squeeze %dma_start3A_346 : memref<1x128xi32, #tpu.memory_space<vmem>> -> memref<128xi32, #tpu.memory_space<vmem>>
      %dma_start3A_348 = arith.constant 0 : i32
      %dma_start3A_349 = arith.constant 0 : i32
      %dma_start3A_350 = tpu.memref_slice %arg12[%dma_start3A_348, %dma_start3A_349] : memref<50016x32xf32, #tpu.memory_space<vmem_shared>> -> memref<50016x32xf32, #tpu.memory_space<vmem_shared>>
      tpu.enqueue_indirect_dma source(%dma_start3A_344 : memref<128x32xf32, #tpu.memory_space<vmem>>) target(%dma_start3A_350 : memref<50016x32xf32, #tpu.memory_space<vmem_shared>>) offsets(%dma_start3A_347 : memref<128xi32, #tpu.memory_space<vmem>>) semaphore(%arg18 : memref<!tpu.dma_semaphore, #tpu.memory_space<semaphore_mem>>) {add = true}
      %dma_start3A_351 = arith.constant 5 : i32
      %dma_start3A_352 = arith.constant 2 : i32
      %dma_start3A_353 = arith.constant 0 : i32
      %dma_start3A_354 = arith.constant 0 : i32
      %dma_start3A_355 = tpu.memref_slice %arg11[%dma_start3A_351, %dma_start3A_353, %dma_start3A_354] : memref<6x128x32xf32, #tpu.memory_space<vmem>> -> memref<1x128x32xf32, #tpu.memory_space<vmem>>
      %dma_start3A_356 = tpu.memref_squeeze %dma_start3A_355 : memref<1x128x32xf32, #tpu.memory_space<vmem>> -> memref<128x32xf32, #tpu.memory_space<vmem>>
      %dma_start3A_357 = arith.constant 0 : i32
      %dma_start3A_358 = tpu.memref_slice %arg10[%dma_start3A_352, %dma_start3A_357] : memref<3x128xi32, #tpu.memory_space<vmem>> -> memref<1x128xi32, #tpu.memory_space<vmem>>
      %dma_start3A_359 = tpu.memref_squeeze %dma_start3A_358 : memref<1x128xi32, #tpu.memory_space<vmem>> -> memref<128xi32, #tpu.memory_space<vmem>>
      %dma_start3A_360 = arith.constant 0 : i32
      %dma_start3A_361 = arith.constant 0 : i32
      %dma_start3A_362 = tpu.memref_slice %arg12[%dma_start3A_360, %dma_start3A_361] : memref<50016x32xf32, #tpu.memory_space<vmem_shared>> -> memref<50016x32xf32, #tpu.memory_space<vmem_shared>>
      tpu.enqueue_indirect_dma source(%dma_start3A_356 : memref<128x32xf32, #tpu.memory_space<vmem>>) target(%dma_start3A_362 : memref<50016x32xf32, #tpu.memory_space<vmem_shared>>) offsets(%dma_start3A_359 : memref<128xi32, #tpu.memory_space<vmem>>) semaphore(%arg18 : memref<!tpu.dma_semaphore, #tpu.memory_space<semaphore_mem>>) {add = true}
      %dma_wait3A_363 = arith.constant 3 : i32
      %dma_wait3A_364 = arith.constant 0 : i32
      %dma_wait3A_365 = arith.constant 0 : i32
      %dma_wait3A_366 = arith.constant 0 : i32
      %dma_wait3A_367 = tpu.memref_slice %arg11[%dma_wait3A_363, %dma_wait3A_365, %dma_wait3A_366] : memref<6x128x32xf32, #tpu.memory_space<vmem>> -> memref<1x128x32xf32, #tpu.memory_space<vmem>>
      %dma_wait3A_368 = tpu.memref_squeeze %dma_wait3A_367 : memref<1x128x32xf32, #tpu.memory_space<vmem>> -> memref<128x32xf32, #tpu.memory_space<vmem>>
      %dma_wait3A_369 = arith.constant 0 : i32
      %dma_wait3A_370 = tpu.memref_slice %arg10[%dma_wait3A_364, %dma_wait3A_369] : memref<3x128xi32, #tpu.memory_space<vmem>> -> memref<1x128xi32, #tpu.memory_space<vmem>>
      %dma_wait3A_371 = tpu.memref_squeeze %dma_wait3A_370 : memref<1x128xi32, #tpu.memory_space<vmem>> -> memref<128xi32, #tpu.memory_space<vmem>>
      %dma_wait3A_372 = arith.constant 0 : i32
      %dma_wait3A_373 = arith.constant 0 : i32
      %dma_wait3A_374 = tpu.memref_slice %arg12[%dma_wait3A_372, %dma_wait3A_373] : memref<50016x32xf32, #tpu.memory_space<vmem_shared>> -> memref<50016x32xf32, #tpu.memory_space<vmem_shared>>
      tpu.wait_indirect_dma semaphore(%arg18 : memref<!tpu.dma_semaphore, #tpu.memory_space<semaphore_mem>>) src(%dma_wait3A_368 : memref<128x32xf32, #tpu.memory_space<vmem>>) dst(%dma_wait3A_374 : memref<50016x32xf32, #tpu.memory_space<vmem_shared>>)
      %dma_wait3A_375 = arith.constant 4 : i32
      %dma_wait3A_376 = arith.constant 1 : i32
      %dma_wait3A_377 = arith.constant 0 : i32
      %dma_wait3A_378 = arith.constant 0 : i32
      %dma_wait3A_379 = tpu.memref_slice %arg11[%dma_wait3A_375, %dma_wait3A_377, %dma_wait3A_378] : memref<6x128x32xf32, #tpu.memory_space<vmem>> -> memref<1x128x32xf32, #tpu.memory_space<vmem>>
      %dma_wait3A_380 = tpu.memref_squeeze %dma_wait3A_379 : memref<1x128x32xf32, #tpu.memory_space<vmem>> -> memref<128x32xf32, #tpu.memory_space<vmem>>
      %dma_wait3A_381 = arith.constant 0 : i32
      %dma_wait3A_382 = tpu.memref_slice %arg10[%dma_wait3A_376, %dma_wait3A_381] : memref<3x128xi32, #tpu.memory_space<vmem>> -> memref<1x128xi32, #tpu.memory_space<vmem>>
      %dma_wait3A_383 = tpu.memref_squeeze %dma_wait3A_382 : memref<1x128xi32, #tpu.memory_space<vmem>> -> memref<128xi32, #tpu.memory_space<vmem>>
      %dma_wait3A_384 = arith.constant 0 : i32
      %dma_wait3A_385 = arith.constant 0 : i32
      %dma_wait3A_386 = tpu.memref_slice %arg12[%dma_wait3A_384, %dma_wait3A_385] : memref<50016x32xf32, #tpu.memory_space<vmem_shared>> -> memref<50016x32xf32, #tpu.memory_space<vmem_shared>>
      tpu.wait_indirect_dma semaphore(%arg18 : memref<!tpu.dma_semaphore, #tpu.memory_space<semaphore_mem>>) src(%dma_wait3A_380 : memref<128x32xf32, #tpu.memory_space<vmem>>) dst(%dma_wait3A_386 : memref<50016x32xf32, #tpu.memory_space<vmem_shared>>)
      %dma_wait3A_387 = arith.constant 5 : i32
      %dma_wait3A_388 = arith.constant 2 : i32
      %dma_wait3A_389 = arith.constant 0 : i32
      %dma_wait3A_390 = arith.constant 0 : i32
      %dma_wait3A_391 = tpu.memref_slice %arg11[%dma_wait3A_387, %dma_wait3A_389, %dma_wait3A_390] : memref<6x128x32xf32, #tpu.memory_space<vmem>> -> memref<1x128x32xf32, #tpu.memory_space<vmem>>
      %dma_wait3A_392 = tpu.memref_squeeze %dma_wait3A_391 : memref<1x128x32xf32, #tpu.memory_space<vmem>> -> memref<128x32xf32, #tpu.memory_space<vmem>>
      %dma_wait3A_393 = arith.constant 0 : i32
      %dma_wait3A_394 = tpu.memref_slice %arg10[%dma_wait3A_388, %dma_wait3A_393] : memref<3x128xi32, #tpu.memory_space<vmem>> -> memref<1x128xi32, #tpu.memory_space<vmem>>
      %dma_wait3A_395 = tpu.memref_squeeze %dma_wait3A_394 : memref<1x128xi32, #tpu.memory_space<vmem>> -> memref<128xi32, #tpu.memory_space<vmem>>
      %dma_wait3A_396 = arith.constant 0 : i32
      %dma_wait3A_397 = arith.constant 0 : i32
      %dma_wait3A_398 = tpu.memref_slice %arg12[%dma_wait3A_396, %dma_wait3A_397] : memref<50016x32xf32, #tpu.memory_space<vmem_shared>> -> memref<50016x32xf32, #tpu.memory_space<vmem_shared>>
      tpu.wait_indirect_dma semaphore(%arg18 : memref<!tpu.dma_semaphore, #tpu.memory_space<semaphore_mem>>) src(%dma_wait3A_392 : memref<128x32xf32, #tpu.memory_space<vmem>>) dst(%dma_wait3A_398 : memref<50016x32xf32, #tpu.memory_space<vmem_shared>>)
      %add3A_399 = arith.constant 2 : i32
      %add3A_400 = arith.addi %mul3A_123, %add3A_399 : i32
      %lt3A_401 = arith.cmpi slt, %add3A_400, %select_n3A_6 : i32
      %convert_element_type3A_402 = arith.extui %lt3A_401 : i1 to i32
      %cond3A_403 = arith.constant 0 : i32
      %cond3A_404 = arith.cmpi ne, %convert_element_type3A_402, %cond3A_403 : i32
      scf.if %cond3A_404 {
        %add3A_405 = arith.constant 2 : i32
        %add3A_406 = arith.addi %mul3A_123, %add3A_405 : i32
        %mul3A_407 = arith.constant 3 : i32
        %mul3A_408 = arith.muli %add3A_406, %mul3A_407 : i32
        %add3A_409 = arith.addi %select_n3A, %mul3A_408 : i32
        %dma_wait3A_410 = arith.constant 0 : i32
        %dma_wait3A_411 = tpu.memref_slice %arg2[%arg1, %add3A_409, %dma_wait3A_410] : memref<16x396x128xi32, #tpu.memory_space<hbm>> -> memref<1x3x128xi32, #tpu.memory_space<hbm>>
        %dma_wait3A_412 = tpu.memref_squeeze %dma_wait3A_411 : memref<1x3x128xi32, #tpu.memory_space<hbm>> -> memref<3x128xi32, #tpu.memory_space<hbm>>
        %dma_wait3A_413 = arith.constant 0 : i32
        %dma_wait3A_414 = tpu.memref_slice %arg2[%arg1, %add3A_409, %dma_wait3A_413] : memref<16x396x128xi32, #tpu.memory_space<hbm>> -> memref<1x3x128xi32, #tpu.memory_space<hbm>>
        %dma_wait3A_415 = tpu.memref_squeeze %dma_wait3A_414 : memref<1x3x128xi32, #tpu.memory_space<hbm>> -> memref<3x128xi32, #tpu.memory_space<hbm>>
        tpu.wait_dma2 semaphore(%arg13 : memref<!tpu.dma_semaphore, #tpu.memory_space<semaphore_mem>>) src(%dma_wait3A_415 : memref<3x128xi32, #tpu.memory_space<hbm>>) dst(%arg7 : memref<3x128xi32, #tpu.memory_space<vmem>>)
        %mul3A_416 = arith.constant 3 : i32
        %mul3A_417 = arith.muli %add3A_406, %mul3A_416 : i32
        %add3A_418 = arith.addi %select_n3A, %mul3A_417 : i32
        %dma_wait3A_419 = arith.constant 0 : i32
        %dma_wait3A_420 = tpu.memref_slice %arg3[%arg1, %add3A_418, %dma_wait3A_419] : memref<16x396x128xi32, #tpu.memory_space<hbm>> -> memref<1x3x128xi32, #tpu.memory_space<hbm>>
        %dma_wait3A_421 = tpu.memref_squeeze %dma_wait3A_420 : memref<1x3x128xi32, #tpu.memory_space<hbm>> -> memref<3x128xi32, #tpu.memory_space<hbm>>
        %dma_wait3A_422 = arith.constant 0 : i32
        %dma_wait3A_423 = tpu.memref_slice %arg3[%arg1, %add3A_418, %dma_wait3A_422] : memref<16x396x128xi32, #tpu.memory_space<hbm>> -> memref<1x3x128xi32, #tpu.memory_space<hbm>>
        %dma_wait3A_424 = tpu.memref_squeeze %dma_wait3A_423 : memref<1x3x128xi32, #tpu.memory_space<hbm>> -> memref<3x128xi32, #tpu.memory_space<hbm>>
        tpu.wait_dma2 semaphore(%arg13 : memref<!tpu.dma_semaphore, #tpu.memory_space<semaphore_mem>>) src(%dma_wait3A_424 : memref<3x128xi32, #tpu.memory_space<hbm>>) dst(%arg8 : memref<3x128xi32, #tpu.memory_space<vmem>>)
        %dma_start3A_425 = arith.constant 0 : i32
        %dma_start3A_426 = arith.constant 0 : i32
        %dma_start3A_427 = arith.constant 0 : i32
        %dma_start3A_428 = arith.constant 0 : i32
        %dma_start3A_429 = tpu.memref_slice %arg11[%dma_start3A_426, %dma_start3A_427, %dma_start3A_428] : memref<6x128x32xf32, #tpu.memory_space<vmem>> -> memref<1x128x32xf32, #tpu.memory_space<vmem>>
        %dma_start3A_430 = tpu.memref_squeeze %dma_start3A_429 : memref<1x128x32xf32, #tpu.memory_space<vmem>> -> memref<128x32xf32, #tpu.memory_space<vmem>>
        %dma_start3A_431 = arith.constant 0 : i32
        %dma_start3A_432 = tpu.memref_slice %arg7[%dma_start3A_425, %dma_start3A_431] : memref<3x128xi32, #tpu.memory_space<vmem>> -> memref<1x128xi32, #tpu.memory_space<vmem>>
        %dma_start3A_433 = tpu.memref_squeeze %dma_start3A_432 : memref<1x128xi32, #tpu.memory_space<vmem>> -> memref<128xi32, #tpu.memory_space<vmem>>
        %dma_start3A_434 = arith.constant 0 : i32
        %dma_start3A_435 = arith.constant 0 : i32
        %dma_start3A_436 = tpu.memref_slice %arg4[%dma_start3A_434, %dma_start3A_435] : memref<50000x32xf32, #tpu.memory_space<hbm>> -> memref<50000x32xf32, #tpu.memory_space<hbm>>
        tpu.enqueue_indirect_dma source(%dma_start3A_436 : memref<50000x32xf32, #tpu.memory_space<hbm>>) target(%dma_start3A_430 : memref<128x32xf32, #tpu.memory_space<vmem>>) offsets(%dma_start3A_433 : memref<128xi32, #tpu.memory_space<vmem>>) semaphore(%arg15 : memref<!tpu.dma_semaphore, #tpu.memory_space<semaphore_mem>>)
        %dma_start3A_437 = arith.constant 1 : i32
        %dma_start3A_438 = arith.constant 1 : i32
        %dma_start3A_439 = arith.constant 0 : i32
        %dma_start3A_440 = arith.constant 0 : i32
        %dma_start3A_441 = tpu.memref_slice %arg11[%dma_start3A_438, %dma_start3A_439, %dma_start3A_440] : memref<6x128x32xf32, #tpu.memory_space<vmem>> -> memref<1x128x32xf32, #tpu.memory_space<vmem>>
        %dma_start3A_442 = tpu.memref_squeeze %dma_start3A_441 : memref<1x128x32xf32, #tpu.memory_space<vmem>> -> memref<128x32xf32, #tpu.memory_space<vmem>>
        %dma_start3A_443 = arith.constant 0 : i32
        %dma_start3A_444 = tpu.memref_slice %arg7[%dma_start3A_437, %dma_start3A_443] : memref<3x128xi32, #tpu.memory_space<vmem>> -> memref<1x128xi32, #tpu.memory_space<vmem>>
        %dma_start3A_445 = tpu.memref_squeeze %dma_start3A_444 : memref<1x128xi32, #tpu.memory_space<vmem>> -> memref<128xi32, #tpu.memory_space<vmem>>
        %dma_start3A_446 = arith.constant 0 : i32
        %dma_start3A_447 = arith.constant 0 : i32
        %dma_start3A_448 = tpu.memref_slice %arg4[%dma_start3A_446, %dma_start3A_447] : memref<50000x32xf32, #tpu.memory_space<hbm>> -> memref<50000x32xf32, #tpu.memory_space<hbm>>
        tpu.enqueue_indirect_dma source(%dma_start3A_448 : memref<50000x32xf32, #tpu.memory_space<hbm>>) target(%dma_start3A_442 : memref<128x32xf32, #tpu.memory_space<vmem>>) offsets(%dma_start3A_445 : memref<128xi32, #tpu.memory_space<vmem>>) semaphore(%arg15 : memref<!tpu.dma_semaphore, #tpu.memory_space<semaphore_mem>>)
        %dma_start3A_449 = arith.constant 2 : i32
        %dma_start3A_450 = arith.constant 2 : i32
        %dma_start3A_451 = arith.constant 0 : i32
        %dma_start3A_452 = arith.constant 0 : i32
        %dma_start3A_453 = tpu.memref_slice %arg11[%dma_start3A_450, %dma_start3A_451, %dma_start3A_452] : memref<6x128x32xf32, #tpu.memory_space<vmem>> -> memref<1x128x32xf32, #tpu.memory_space<vmem>>
        %dma_start3A_454 = tpu.memref_squeeze %dma_start3A_453 : memref<1x128x32xf32, #tpu.memory_space<vmem>> -> memref<128x32xf32, #tpu.memory_space<vmem>>
        %dma_start3A_455 = arith.constant 0 : i32
        %dma_start3A_456 = tpu.memref_slice %arg7[%dma_start3A_449, %dma_start3A_455] : memref<3x128xi32, #tpu.memory_space<vmem>> -> memref<1x128xi32, #tpu.memory_space<vmem>>
        %dma_start3A_457 = tpu.memref_squeeze %dma_start3A_456 : memref<1x128xi32, #tpu.memory_space<vmem>> -> memref<128xi32, #tpu.memory_space<vmem>>
        %dma_start3A_458 = arith.constant 0 : i32
        %dma_start3A_459 = arith.constant 0 : i32
        %dma_start3A_460 = tpu.memref_slice %arg4[%dma_start3A_458, %dma_start3A_459] : memref<50000x32xf32, #tpu.memory_space<hbm>> -> memref<50000x32xf32, #tpu.memory_space<hbm>>
        tpu.enqueue_indirect_dma source(%dma_start3A_460 : memref<50000x32xf32, #tpu.memory_space<hbm>>) target(%dma_start3A_454 : memref<128x32xf32, #tpu.memory_space<vmem>>) offsets(%dma_start3A_457 : memref<128xi32, #tpu.memory_space<vmem>>) semaphore(%arg15 : memref<!tpu.dma_semaphore, #tpu.memory_space<semaphore_mem>>)
        %add3A_461 = arith.constant 2 : i32
        %add3A_462 = arith.addi %add3A_125, %add3A_461 : i32
        %mul3A_463 = arith.constant 3 : i32
        %mul3A_464 = arith.muli %add3A_462, %mul3A_463 : i32
        %add3A_465 = arith.addi %select_n3A, %mul3A_464 : i32
        %dma_start3A_466 = arith.constant 0 : i32
        %dma_start3A_467 = tpu.memref_slice %arg2[%arg1, %add3A_465, %dma_start3A_466] : memref<16x396x128xi32, #tpu.memory_space<hbm>> -> memref<1x3x128xi32, #tpu.memory_space<hbm>>
        %dma_start3A_468 = tpu.memref_squeeze %dma_start3A_467 : memref<1x3x128xi32, #tpu.memory_space<hbm>> -> memref<3x128xi32, #tpu.memory_space<hbm>>
        %dma_start3A_469 = arith.constant 0 : i32
        %dma_start3A_470 = tpu.memref_slice %arg2[%arg1, %add3A_465, %dma_start3A_469] : memref<16x396x128xi32, #tpu.memory_space<hbm>> -> memref<1x3x128xi32, #tpu.memory_space<hbm>>
        %dma_start3A_471 = tpu.memref_squeeze %dma_start3A_470 : memref<1x3x128xi32, #tpu.memory_space<hbm>> -> memref<3x128xi32, #tpu.memory_space<hbm>>
        tpu.enqueue_dma source(%dma_start3A_471 : memref<3x128xi32, #tpu.memory_space<hbm>>) target(%arg9 : memref<3x128xi32, #tpu.memory_space<vmem>>) target_semaphore(%arg14 : memref<!tpu.dma_semaphore, #tpu.memory_space<semaphore_mem>>)
        %mul3A_472 = arith.constant 3 : i32
        %mul3A_473 = arith.muli %add3A_462, %mul3A_472 : i32
        %add3A_474 = arith.addi %select_n3A, %mul3A_473 : i32
        %dma_start3A_475 = arith.constant 0 : i32
        %dma_start3A_476 = tpu.memref_slice %arg3[%arg1, %add3A_474, %dma_start3A_475] : memref<16x396x128xi32, #tpu.memory_space<hbm>> -> memref<1x3x128xi32, #tpu.memory_space<hbm>>
        %dma_start3A_477 = tpu.memref_squeeze %dma_start3A_476 : memref<1x3x128xi32, #tpu.memory_space<hbm>> -> memref<3x128xi32, #tpu.memory_space<hbm>>
        %dma_start3A_478 = arith.constant 0 : i32
        %dma_start3A_479 = tpu.memref_slice %arg3[%arg1, %add3A_474, %dma_start3A_478] : memref<16x396x128xi32, #tpu.memory_space<hbm>> -> memref<1x3x128xi32, #tpu.memory_space<hbm>>
        %dma_start3A_480 = tpu.memref_squeeze %dma_start3A_479 : memref<1x3x128xi32, #tpu.memory_space<hbm>> -> memref<3x128xi32, #tpu.memory_space<hbm>>
        tpu.enqueue_dma source(%dma_start3A_480 : memref<3x128xi32, #tpu.memory_space<hbm>>) target(%arg10 : memref<3x128xi32, #tpu.memory_space<vmem>>) target_semaphore(%arg14 : memref<!tpu.dma_semaphore, #tpu.memory_space<semaphore_mem>>)
      } else {
      }
    }
    %barrier3A_116 = arith.constant 0 : index
    tpu.barrier barrier_id(%barrier3A_116)
    %mul3A_117 = arith.constant 3126 : i32
    %mul3A_118 = arith.muli %arg1, %mul3A_117 : i32
    %mul3A_119 = arith.constant 3126 : i32
    %mul3A_120 = arith.muli %arg1, %mul3A_119 : i32
    "tpu.region"() ({
      %run_scoped3A = tpu.sem_alloc : memref<!tpu.dma_semaphore, #tpu.memory_space<semaphore_mem>>
      %dma_start3A_121 = arith.constant 0 : i32
      %dma_start3A_122 = tpu.memref_slice %arg6[%arg0, %mul3A_120, %dma_start3A_121] : memref<2x50016x32xf32, #tpu.memory_space<hbm>> -> memref<1x3126x32xf32, #tpu.memory_space<hbm>>
      %dma_start3A_123 = tpu.memref_squeeze %dma_start3A_122 : memref<1x3126x32xf32, #tpu.memory_space<hbm>> -> memref<3126x32xf32, #tpu.memory_space<hbm>>
      %dma_start3A_124 = arith.constant 0 : i32
      %dma_start3A_125 = tpu.memref_slice %arg12[%mul3A_118, %dma_start3A_124] : memref<50016x32xf32, #tpu.memory_space<vmem_shared>> -> memref<3126x32xf32, #tpu.memory_space<vmem_shared>>
      tpu.enqueue_dma source(%dma_start3A_125 : memref<3126x32xf32, #tpu.memory_space<vmem_shared>>) target(%dma_start3A_123 : memref<3126x32xf32, #tpu.memory_space<hbm>>) target_semaphore(%run_scoped3A : memref<!tpu.dma_semaphore, #tpu.memory_space<semaphore_mem>>)
      %dma_wait3A_126 = arith.constant 0 : i32
      %dma_wait3A_127 = tpu.memref_slice %arg6[%arg0, %mul3A_120, %dma_wait3A_126] : memref<2x50016x32xf32, #tpu.memory_space<hbm>> -> memref<1x3126x32xf32, #tpu.memory_space<hbm>>
      %dma_wait3A_128 = tpu.memref_squeeze %dma_wait3A_127 : memref<1x3126x32xf32, #tpu.memory_space<hbm>> -> memref<3126x32xf32, #tpu.memory_space<hbm>>
      %dma_wait3A_129 = arith.constant 0 : i32
      %dma_wait3A_130 = tpu.memref_slice %arg12[%mul3A_118, %dma_wait3A_129] : memref<50016x32xf32, #tpu.memory_space<vmem_shared>> -> memref<3126x32xf32, #tpu.memory_space<vmem_shared>>
      tpu.wait_dma2 semaphore(%run_scoped3A : memref<!tpu.dma_semaphore, #tpu.memory_space<semaphore_mem>>) src(%dma_wait3A_130 : memref<3126x32xf32, #tpu.memory_space<vmem_shared>>) dst(%dma_wait3A_128 : memref<3126x32xf32, #tpu.memory_space<hbm>>)
      tpu.yield
    }) : () -> ()
    return
  }
}

#map = affine_map<(d0, d1) -> (0, 0, 0)>
#map1 = affine_map<(d0, d1) -> (0, 0)>
module attributes {stable_mosaic.version = 14 : i64} {
  func.func @body(%arg0: i32, %arg1: i32, %arg2: memref<16x396x128xi32, #tpu.memory_space<hbm>>, %arg3: memref<3126x16xf32, #tpu.memory_space<hbm>>, %arg4: memref<128x16xf32, #tpu.memory_space<hbm>>, %arg5: memref<2x50016x16xf32, #tpu.memory_space<hbm>>, %arg6: memref<396x128xi32, #tpu.memory_space<vmem>>, %arg7: memref<128x16xf32, #tpu.memory_space<vmem>>, %arg8: memref<50016x16xf32, #tpu.memory_space<vmem_shared>>, %arg9: memref<!tpu.dma_semaphore, #tpu.memory_space<semaphore_mem>>) attributes {dimension_semantics = [#tpu.dimension_semantics<core_parallel>, #tpu.dimension_semantics<subcore_parallel>], iteration_bounds = array<i64: 2, 16>, scalar_prefetch = 0 : i64, scratch_operands = 4 : i64, tpu.core_type = #tpu.core_type<sc_vector_subcore>, window_params = [{transform_indices = #map}, {transform_indices = #map1}, {transform_indices = #map1}, {transform_indices = #map}]} {
    %eq3A = arith.constant 0 : i32
    %eq3A_0 = arith.cmpi eq, %arg0, %eq3A : i32
    %jit3A = arith.constant 0 : i32
    %jit3A_1 = arith.constant 330 : i32
    %select_n3A = arith.select %eq3A_0, %jit3A, %jit3A_1 : i32
    %eq3A_2 = arith.constant 0 : i32
    %eq3A_3 = arith.cmpi eq, %arg0, %eq3A_2 : i32
    %jit3A_4 = arith.constant 55 : i32
    %jit3A_5 = arith.constant 11 : i32
    %select_n3A_6 = arith.select %eq3A_3, %jit3A_4, %jit3A_5 : i32
    "tpu.region"() ({
      %run_scoped3A = tpu.sem_alloc : memref<!tpu.dma_semaphore, #tpu.memory_space<semaphore_mem>>
      %dma_start3A = arith.constant 0 : i32
      %dma_start3A_22 = arith.constant 0 : i32
      %dma_start3A_23 = tpu.memref_slice %arg2[%arg1, %dma_start3A, %dma_start3A_22] : memref<16x396x128xi32, #tpu.memory_space<hbm>> -> memref<1x396x128xi32, #tpu.memory_space<hbm>>
      %dma_start3A_24 = tpu.memref_squeeze %dma_start3A_23 : memref<1x396x128xi32, #tpu.memory_space<hbm>> -> memref<396x128xi32, #tpu.memory_space<hbm>>
      %dma_start3A_25 = arith.constant 0 : i32
      %dma_start3A_26 = arith.constant 0 : i32
      %dma_start3A_27 = tpu.memref_slice %arg2[%arg1, %dma_start3A_25, %dma_start3A_26] : memref<16x396x128xi32, #tpu.memory_space<hbm>> -> memref<1x396x128xi32, #tpu.memory_space<hbm>>
      %dma_start3A_28 = tpu.memref_squeeze %dma_start3A_27 : memref<1x396x128xi32, #tpu.memory_space<hbm>> -> memref<396x128xi32, #tpu.memory_space<hbm>>
      tpu.enqueue_dma source(%dma_start3A_28 : memref<396x128xi32, #tpu.memory_space<hbm>>) target(%arg6 : memref<396x128xi32, #tpu.memory_space<vmem>>) target_semaphore(%run_scoped3A : memref<!tpu.dma_semaphore, #tpu.memory_space<semaphore_mem>>)
      %dma_wait3A = arith.constant 0 : i32
      %dma_wait3A_29 = arith.constant 0 : i32
      %dma_wait3A_30 = tpu.memref_slice %arg2[%arg1, %dma_wait3A, %dma_wait3A_29] : memref<16x396x128xi32, #tpu.memory_space<hbm>> -> memref<1x396x128xi32, #tpu.memory_space<hbm>>
      %dma_wait3A_31 = tpu.memref_squeeze %dma_wait3A_30 : memref<1x396x128xi32, #tpu.memory_space<hbm>> -> memref<396x128xi32, #tpu.memory_space<hbm>>
      %dma_wait3A_32 = arith.constant 0 : i32
      %dma_wait3A_33 = arith.constant 0 : i32
      %dma_wait3A_34 = tpu.memref_slice %arg2[%arg1, %dma_wait3A_32, %dma_wait3A_33] : memref<16x396x128xi32, #tpu.memory_space<hbm>> -> memref<1x396x128xi32, #tpu.memory_space<hbm>>
      %dma_wait3A_35 = tpu.memref_squeeze %dma_wait3A_34 : memref<1x396x128xi32, #tpu.memory_space<hbm>> -> memref<396x128xi32, #tpu.memory_space<hbm>>
      tpu.wait_dma2 semaphore(%run_scoped3A : memref<!tpu.dma_semaphore, #tpu.memory_space<semaphore_mem>>) src(%dma_wait3A_35 : memref<396x128xi32, #tpu.memory_space<hbm>>) dst(%arg6 : memref<396x128xi32, #tpu.memory_space<vmem>>)
      tpu.yield
    }) : () -> ()
    "tpu.region"() ({
      %run_scoped3A = tpu.sem_alloc : memref<!tpu.dma_semaphore, #tpu.memory_space<semaphore_mem>>
      tpu.enqueue_dma source(%arg4 : memref<128x16xf32, #tpu.memory_space<hbm>>) target(%arg7 : memref<128x16xf32, #tpu.memory_space<vmem>>) target_semaphore(%run_scoped3A : memref<!tpu.dma_semaphore, #tpu.memory_space<semaphore_mem>>)
      tpu.wait_dma2 semaphore(%run_scoped3A : memref<!tpu.dma_semaphore, #tpu.memory_space<semaphore_mem>>) src(%arg4 : memref<128x16xf32, #tpu.memory_space<hbm>>) dst(%arg7 : memref<128x16xf32, #tpu.memory_space<vmem>>)
      tpu.yield
    }) : () -> ()
    %mul3A = arith.constant 3126 : i32
    %mul3A_7 = arith.muli %arg1, %mul3A : i32
    "tpu.region"() ({
      %run_scoped3A = tpu.sem_alloc : memref<!tpu.dma_semaphore, #tpu.memory_space<semaphore_mem>>
      %dma_start3A = arith.constant 0 : i32
      %dma_start3A_22 = tpu.memref_slice %arg8[%mul3A_7, %dma_start3A] : memref<50016x16xf32, #tpu.memory_space<vmem_shared>> -> memref<3126x16xf32, #tpu.memory_space<vmem_shared>>
      tpu.enqueue_dma source(%arg3 : memref<3126x16xf32, #tpu.memory_space<hbm>>) target(%dma_start3A_22 : memref<3126x16xf32, #tpu.memory_space<vmem_shared>>) target_semaphore(%run_scoped3A : memref<!tpu.dma_semaphore, #tpu.memory_space<semaphore_mem>>)
      %dma_wait3A = arith.constant 0 : i32
      %dma_wait3A_23 = tpu.memref_slice %arg8[%mul3A_7, %dma_wait3A] : memref<50016x16xf32, #tpu.memory_space<vmem_shared>> -> memref<3126x16xf32, #tpu.memory_space<vmem_shared>>
      tpu.wait_dma2 semaphore(%run_scoped3A : memref<!tpu.dma_semaphore, #tpu.memory_space<semaphore_mem>>) src(%arg3 : memref<3126x16xf32, #tpu.memory_space<hbm>>) dst(%dma_wait3A_23 : memref<3126x16xf32, #tpu.memory_space<vmem_shared>>)
      tpu.yield
    }) : () -> ()
    %barrier3A = arith.constant 0 : index
    tpu.barrier barrier_id(%barrier3A)
    %while3A = arith.constant 0 : i32
    %while3A_8 = arith.constant 0 : i32
    %while3A_9 = arith.subi %select_n3A_6, %while3A_8 : i32
    %while3A_10 = arith.addi %while3A_8, %while3A_9 : i32
    %while3A_11 = arith.constant 1 : i32
    %while3A_12 = arith.divsi %while3A_9, %while3A_11 : i32
    %while3A_13 = arith.muli %while3A_12, %while3A_11 : i32
    %while3A_14 = arith.addi %while3A_8, %while3A_13 : i32
    %while3A_15 = arith.constant 1 : i32
    scf.for %while3A_22 = %while3A_8 to %while3A_14 step %while3A_15  : i32 {
      %mul3A_23 = arith.constant 6 : i32
      %mul3A_24 = arith.muli %while3A_22, %mul3A_23 : i32
      %add3A = arith.addi %select_n3A, %mul3A_24 : i32
      %add3A_25 = arith.constant 0 : i32
      %add3A_26 = arith.addi %add3A, %add3A_25 : i32
      %dma_start3A = arith.constant 0 : i32
      %dma_start3A_27 = tpu.memref_slice %arg6[%add3A_26, %dma_start3A] : memref<396x128xi32, #tpu.memory_space<vmem>> -> memref<1x128xi32, #tpu.memory_space<vmem>>
      %dma_start3A_28 = tpu.memref_squeeze %dma_start3A_27 : memref<1x128xi32, #tpu.memory_space<vmem>> -> memref<128xi32, #tpu.memory_space<vmem>>
      %dma_start3A_29 = arith.constant 0 : i32
      %dma_start3A_30 = arith.constant 0 : i32
      %dma_start3A_31 = tpu.memref_slice %arg8[%dma_start3A_29, %dma_start3A_30] : memref<50016x16xf32, #tpu.memory_space<vmem_shared>> -> memref<50016x16xf32, #tpu.memory_space<vmem_shared>>
      tpu.enqueue_indirect_dma source(%arg7 : memref<128x16xf32, #tpu.memory_space<vmem>>) target(%dma_start3A_31 : memref<50016x16xf32, #tpu.memory_space<vmem_shared>>) offsets(%dma_start3A_28 : memref<128xi32, #tpu.memory_space<vmem>>) semaphore(%arg9 : memref<!tpu.dma_semaphore, #tpu.memory_space<semaphore_mem>>) {add = true}
      %mul3A_32 = arith.constant 6 : i32
      %mul3A_33 = arith.muli %while3A_22, %mul3A_32 : i32
      %add3A_34 = arith.addi %select_n3A, %mul3A_33 : i32
      %add3A_35 = arith.constant 1 : i32
      %add3A_36 = arith.addi %add3A_34, %add3A_35 : i32
      %dma_start3A_37 = arith.constant 0 : i32
      %dma_start3A_38 = tpu.memref_slice %arg6[%add3A_36, %dma_start3A_37] : memref<396x128xi32, #tpu.memory_space<vmem>> -> memref<1x128xi32, #tpu.memory_space<vmem>>
      %dma_start3A_39 = tpu.memref_squeeze %dma_start3A_38 : memref<1x128xi32, #tpu.memory_space<vmem>> -> memref<128xi32, #tpu.memory_space<vmem>>
      %dma_start3A_40 = arith.constant 0 : i32
      %dma_start3A_41 = arith.constant 0 : i32
      %dma_start3A_42 = tpu.memref_slice %arg8[%dma_start3A_40, %dma_start3A_41] : memref<50016x16xf32, #tpu.memory_space<vmem_shared>> -> memref<50016x16xf32, #tpu.memory_space<vmem_shared>>
      tpu.enqueue_indirect_dma source(%arg7 : memref<128x16xf32, #tpu.memory_space<vmem>>) target(%dma_start3A_42 : memref<50016x16xf32, #tpu.memory_space<vmem_shared>>) offsets(%dma_start3A_39 : memref<128xi32, #tpu.memory_space<vmem>>) semaphore(%arg9 : memref<!tpu.dma_semaphore, #tpu.memory_space<semaphore_mem>>) {add = true}
      %mul3A_43 = arith.constant 6 : i32
      %mul3A_44 = arith.muli %while3A_22, %mul3A_43 : i32
      %add3A_45 = arith.addi %select_n3A, %mul3A_44 : i32
      %add3A_46 = arith.constant 2 : i32
      %add3A_47 = arith.addi %add3A_45, %add3A_46 : i32
      %dma_start3A_48 = arith.constant 0 : i32
      %dma_start3A_49 = tpu.memref_slice %arg6[%add3A_47, %dma_start3A_48] : memref<396x128xi32, #tpu.memory_space<vmem>> -> memref<1x128xi32, #tpu.memory_space<vmem>>
      %dma_start3A_50 = tpu.memref_squeeze %dma_start3A_49 : memref<1x128xi32, #tpu.memory_space<vmem>> -> memref<128xi32, #tpu.memory_space<vmem>>
      %dma_start3A_51 = arith.constant 0 : i32
      %dma_start3A_52 = arith.constant 0 : i32
      %dma_start3A_53 = tpu.memref_slice %arg8[%dma_start3A_51, %dma_start3A_52] : memref<50016x16xf32, #tpu.memory_space<vmem_shared>> -> memref<50016x16xf32, #tpu.memory_space<vmem_shared>>
      tpu.enqueue_indirect_dma source(%arg7 : memref<128x16xf32, #tpu.memory_space<vmem>>) target(%dma_start3A_53 : memref<50016x16xf32, #tpu.memory_space<vmem_shared>>) offsets(%dma_start3A_50 : memref<128xi32, #tpu.memory_space<vmem>>) semaphore(%arg9 : memref<!tpu.dma_semaphore, #tpu.memory_space<semaphore_mem>>) {add = true}
      %mul3A_54 = arith.constant 6 : i32
      %mul3A_55 = arith.muli %while3A_22, %mul3A_54 : i32
      %add3A_56 = arith.addi %select_n3A, %mul3A_55 : i32
      %add3A_57 = arith.constant 3 : i32
      %add3A_58 = arith.addi %add3A_56, %add3A_57 : i32
      %dma_start3A_59 = arith.constant 0 : i32
      %dma_start3A_60 = tpu.memref_slice %arg6[%add3A_58, %dma_start3A_59] : memref<396x128xi32, #tpu.memory_space<vmem>> -> memref<1x128xi32, #tpu.memory_space<vmem>>
      %dma_start3A_61 = tpu.memref_squeeze %dma_start3A_60 : memref<1x128xi32, #tpu.memory_space<vmem>> -> memref<128xi32, #tpu.memory_space<vmem>>
      %dma_start3A_62 = arith.constant 0 : i32
      %dma_start3A_63 = arith.constant 0 : i32
      %dma_start3A_64 = tpu.memref_slice %arg8[%dma_start3A_62, %dma_start3A_63] : memref<50016x16xf32, #tpu.memory_space<vmem_shared>> -> memref<50016x16xf32, #tpu.memory_space<vmem_shared>>
      tpu.enqueue_indirect_dma source(%arg7 : memref<128x16xf32, #tpu.memory_space<vmem>>) target(%dma_start3A_64 : memref<50016x16xf32, #tpu.memory_space<vmem_shared>>) offsets(%dma_start3A_61 : memref<128xi32, #tpu.memory_space<vmem>>) semaphore(%arg9 : memref<!tpu.dma_semaphore, #tpu.memory_space<semaphore_mem>>) {add = true}
      %mul3A_65 = arith.constant 6 : i32
      %mul3A_66 = arith.muli %while3A_22, %mul3A_65 : i32
      %add3A_67 = arith.addi %select_n3A, %mul3A_66 : i32
      %add3A_68 = arith.constant 4 : i32
      %add3A_69 = arith.addi %add3A_67, %add3A_68 : i32
      %dma_start3A_70 = arith.constant 0 : i32
      %dma_start3A_71 = tpu.memref_slice %arg6[%add3A_69, %dma_start3A_70] : memref<396x128xi32, #tpu.memory_space<vmem>> -> memref<1x128xi32, #tpu.memory_space<vmem>>
      %dma_start3A_72 = tpu.memref_squeeze %dma_start3A_71 : memref<1x128xi32, #tpu.memory_space<vmem>> -> memref<128xi32, #tpu.memory_space<vmem>>
      %dma_start3A_73 = arith.constant 0 : i32
      %dma_start3A_74 = arith.constant 0 : i32
      %dma_start3A_75 = tpu.memref_slice %arg8[%dma_start3A_73, %dma_start3A_74] : memref<50016x16xf32, #tpu.memory_space<vmem_shared>> -> memref<50016x16xf32, #tpu.memory_space<vmem_shared>>
      tpu.enqueue_indirect_dma source(%arg7 : memref<128x16xf32, #tpu.memory_space<vmem>>) target(%dma_start3A_75 : memref<50016x16xf32, #tpu.memory_space<vmem_shared>>) offsets(%dma_start3A_72 : memref<128xi32, #tpu.memory_space<vmem>>) semaphore(%arg9 : memref<!tpu.dma_semaphore, #tpu.memory_space<semaphore_mem>>) {add = true}
      %mul3A_76 = arith.constant 6 : i32
      %mul3A_77 = arith.muli %while3A_22, %mul3A_76 : i32
      %add3A_78 = arith.addi %select_n3A, %mul3A_77 : i32
      %add3A_79 = arith.constant 5 : i32
      %add3A_80 = arith.addi %add3A_78, %add3A_79 : i32
      %dma_start3A_81 = arith.constant 0 : i32
      %dma_start3A_82 = tpu.memref_slice %arg6[%add3A_80, %dma_start3A_81] : memref<396x128xi32, #tpu.memory_space<vmem>> -> memref<1x128xi32, #tpu.memory_space<vmem>>
      %dma_start3A_83 = tpu.memref_squeeze %dma_start3A_82 : memref<1x128xi32, #tpu.memory_space<vmem>> -> memref<128xi32, #tpu.memory_space<vmem>>
      %dma_start3A_84 = arith.constant 0 : i32
      %dma_start3A_85 = arith.constant 0 : i32
      %dma_start3A_86 = tpu.memref_slice %arg8[%dma_start3A_84, %dma_start3A_85] : memref<50016x16xf32, #tpu.memory_space<vmem_shared>> -> memref<50016x16xf32, #tpu.memory_space<vmem_shared>>
      tpu.enqueue_indirect_dma source(%arg7 : memref<128x16xf32, #tpu.memory_space<vmem>>) target(%dma_start3A_86 : memref<50016x16xf32, #tpu.memory_space<vmem_shared>>) offsets(%dma_start3A_83 : memref<128xi32, #tpu.memory_space<vmem>>) semaphore(%arg9 : memref<!tpu.dma_semaphore, #tpu.memory_space<semaphore_mem>>) {add = true}
      %mul3A_87 = arith.constant 6 : i32
      %mul3A_88 = arith.muli %while3A_22, %mul3A_87 : i32
      %add3A_89 = arith.addi %select_n3A, %mul3A_88 : i32
      %add3A_90 = arith.constant 0 : i32
      %add3A_91 = arith.addi %add3A_89, %add3A_90 : i32
      %dma_wait3A = arith.constant 0 : i32
      %dma_wait3A_92 = tpu.memref_slice %arg6[%add3A_91, %dma_wait3A] : memref<396x128xi32, #tpu.memory_space<vmem>> -> memref<1x128xi32, #tpu.memory_space<vmem>>
      %dma_wait3A_93 = tpu.memref_squeeze %dma_wait3A_92 : memref<1x128xi32, #tpu.memory_space<vmem>> -> memref<128xi32, #tpu.memory_space<vmem>>
      %dma_wait3A_94 = arith.constant 0 : i32
      %dma_wait3A_95 = arith.constant 0 : i32
      %dma_wait3A_96 = tpu.memref_slice %arg8[%dma_wait3A_94, %dma_wait3A_95] : memref<50016x16xf32, #tpu.memory_space<vmem_shared>> -> memref<50016x16xf32, #tpu.memory_space<vmem_shared>>
      tpu.wait_indirect_dma semaphore(%arg9 : memref<!tpu.dma_semaphore, #tpu.memory_space<semaphore_mem>>) src(%arg7 : memref<128x16xf32, #tpu.memory_space<vmem>>) dst(%dma_wait3A_96 : memref<50016x16xf32, #tpu.memory_space<vmem_shared>>)
      %mul3A_97 = arith.constant 6 : i32
      %mul3A_98 = arith.muli %while3A_22, %mul3A_97 : i32
      %add3A_99 = arith.addi %select_n3A, %mul3A_98 : i32
      %add3A_100 = arith.constant 1 : i32
      %add3A_101 = arith.addi %add3A_99, %add3A_100 : i32
      %dma_wait3A_102 = arith.constant 0 : i32
      %dma_wait3A_103 = tpu.memref_slice %arg6[%add3A_101, %dma_wait3A_102] : memref<396x128xi32, #tpu.memory_space<vmem>> -> memref<1x128xi32, #tpu.memory_space<vmem>>
      %dma_wait3A_104 = tpu.memref_squeeze %dma_wait3A_103 : memref<1x128xi32, #tpu.memory_space<vmem>> -> memref<128xi32, #tpu.memory_space<vmem>>
      %dma_wait3A_105 = arith.constant 0 : i32
      %dma_wait3A_106 = arith.constant 0 : i32
      %dma_wait3A_107 = tpu.memref_slice %arg8[%dma_wait3A_105, %dma_wait3A_106] : memref<50016x16xf32, #tpu.memory_space<vmem_shared>> -> memref<50016x16xf32, #tpu.memory_space<vmem_shared>>
      tpu.wait_indirect_dma semaphore(%arg9 : memref<!tpu.dma_semaphore, #tpu.memory_space<semaphore_mem>>) src(%arg7 : memref<128x16xf32, #tpu.memory_space<vmem>>) dst(%dma_wait3A_107 : memref<50016x16xf32, #tpu.memory_space<vmem_shared>>)
      %mul3A_108 = arith.constant 6 : i32
      %mul3A_109 = arith.muli %while3A_22, %mul3A_108 : i32
      %add3A_110 = arith.addi %select_n3A, %mul3A_109 : i32
      %add3A_111 = arith.constant 2 : i32
      %add3A_112 = arith.addi %add3A_110, %add3A_111 : i32
      %dma_wait3A_113 = arith.constant 0 : i32
      %dma_wait3A_114 = tpu.memref_slice %arg6[%add3A_112, %dma_wait3A_113] : memref<396x128xi32, #tpu.memory_space<vmem>> -> memref<1x128xi32, #tpu.memory_space<vmem>>
      %dma_wait3A_115 = tpu.memref_squeeze %dma_wait3A_114 : memref<1x128xi32, #tpu.memory_space<vmem>> -> memref<128xi32, #tpu.memory_space<vmem>>
      %dma_wait3A_116 = arith.constant 0 : i32
      %dma_wait3A_117 = arith.constant 0 : i32
      %dma_wait3A_118 = tpu.memref_slice %arg8[%dma_wait3A_116, %dma_wait3A_117] : memref<50016x16xf32, #tpu.memory_space<vmem_shared>> -> memref<50016x16xf32, #tpu.memory_space<vmem_shared>>
      tpu.wait_indirect_dma semaphore(%arg9 : memref<!tpu.dma_semaphore, #tpu.memory_space<semaphore_mem>>) src(%arg7 : memref<128x16xf32, #tpu.memory_space<vmem>>) dst(%dma_wait3A_118 : memref<50016x16xf32, #tpu.memory_space<vmem_shared>>)
      %mul3A_119 = arith.constant 6 : i32
      %mul3A_120 = arith.muli %while3A_22, %mul3A_119 : i32
      %add3A_121 = arith.addi %select_n3A, %mul3A_120 : i32
      %add3A_122 = arith.constant 3 : i32
      %add3A_123 = arith.addi %add3A_121, %add3A_122 : i32
      %dma_wait3A_124 = arith.constant 0 : i32
      %dma_wait3A_125 = tpu.memref_slice %arg6[%add3A_123, %dma_wait3A_124] : memref<396x128xi32, #tpu.memory_space<vmem>> -> memref<1x128xi32, #tpu.memory_space<vmem>>
      %dma_wait3A_126 = tpu.memref_squeeze %dma_wait3A_125 : memref<1x128xi32, #tpu.memory_space<vmem>> -> memref<128xi32, #tpu.memory_space<vmem>>
      %dma_wait3A_127 = arith.constant 0 : i32
      %dma_wait3A_128 = arith.constant 0 : i32
      %dma_wait3A_129 = tpu.memref_slice %arg8[%dma_wait3A_127, %dma_wait3A_128] : memref<50016x16xf32, #tpu.memory_space<vmem_shared>> -> memref<50016x16xf32, #tpu.memory_space<vmem_shared>>
      tpu.wait_indirect_dma semaphore(%arg9 : memref<!tpu.dma_semaphore, #tpu.memory_space<semaphore_mem>>) src(%arg7 : memref<128x16xf32, #tpu.memory_space<vmem>>) dst(%dma_wait3A_129 : memref<50016x16xf32, #tpu.memory_space<vmem_shared>>)
      %mul3A_130 = arith.constant 6 : i32
      %mul3A_131 = arith.muli %while3A_22, %mul3A_130 : i32
      %add3A_132 = arith.addi %select_n3A, %mul3A_131 : i32
      %add3A_133 = arith.constant 4 : i32
      %add3A_134 = arith.addi %add3A_132, %add3A_133 : i32
      %dma_wait3A_135 = arith.constant 0 : i32
      %dma_wait3A_136 = tpu.memref_slice %arg6[%add3A_134, %dma_wait3A_135] : memref<396x128xi32, #tpu.memory_space<vmem>> -> memref<1x128xi32, #tpu.memory_space<vmem>>
      %dma_wait3A_137 = tpu.memref_squeeze %dma_wait3A_136 : memref<1x128xi32, #tpu.memory_space<vmem>> -> memref<128xi32, #tpu.memory_space<vmem>>
      %dma_wait3A_138 = arith.constant 0 : i32
      %dma_wait3A_139 = arith.constant 0 : i32
      %dma_wait3A_140 = tpu.memref_slice %arg8[%dma_wait3A_138, %dma_wait3A_139] : memref<50016x16xf32, #tpu.memory_space<vmem_shared>> -> memref<50016x16xf32, #tpu.memory_space<vmem_shared>>
      tpu.wait_indirect_dma semaphore(%arg9 : memref<!tpu.dma_semaphore, #tpu.memory_space<semaphore_mem>>) src(%arg7 : memref<128x16xf32, #tpu.memory_space<vmem>>) dst(%dma_wait3A_140 : memref<50016x16xf32, #tpu.memory_space<vmem_shared>>)
      %mul3A_141 = arith.constant 6 : i32
      %mul3A_142 = arith.muli %while3A_22, %mul3A_141 : i32
      %add3A_143 = arith.addi %select_n3A, %mul3A_142 : i32
      %add3A_144 = arith.constant 5 : i32
      %add3A_145 = arith.addi %add3A_143, %add3A_144 : i32
      %dma_wait3A_146 = arith.constant 0 : i32
      %dma_wait3A_147 = tpu.memref_slice %arg6[%add3A_145, %dma_wait3A_146] : memref<396x128xi32, #tpu.memory_space<vmem>> -> memref<1x128xi32, #tpu.memory_space<vmem>>
      %dma_wait3A_148 = tpu.memref_squeeze %dma_wait3A_147 : memref<1x128xi32, #tpu.memory_space<vmem>> -> memref<128xi32, #tpu.memory_space<vmem>>
      %dma_wait3A_149 = arith.constant 0 : i32
      %dma_wait3A_150 = arith.constant 0 : i32
      %dma_wait3A_151 = tpu.memref_slice %arg8[%dma_wait3A_149, %dma_wait3A_150] : memref<50016x16xf32, #tpu.memory_space<vmem_shared>> -> memref<50016x16xf32, #tpu.memory_space<vmem_shared>>
      tpu.wait_indirect_dma semaphore(%arg9 : memref<!tpu.dma_semaphore, #tpu.memory_space<semaphore_mem>>) src(%arg7 : memref<128x16xf32, #tpu.memory_space<vmem>>) dst(%dma_wait3A_151 : memref<50016x16xf32, #tpu.memory_space<vmem_shared>>)
    }
    %while3A_16 = arith.constant 1 : i32
    scf.for %while3A_22 = %while3A_14 to %while3A_10 step %while3A_16  : i32 {
      %mul3A_23 = arith.constant 6 : i32
      %mul3A_24 = arith.muli %while3A_22, %mul3A_23 : i32
      %add3A = arith.addi %select_n3A, %mul3A_24 : i32
      %add3A_25 = arith.constant 0 : i32
      %add3A_26 = arith.addi %add3A, %add3A_25 : i32
      %dma_start3A = arith.constant 0 : i32
      %dma_start3A_27 = tpu.memref_slice %arg6[%add3A_26, %dma_start3A] : memref<396x128xi32, #tpu.memory_space<vmem>> -> memref<1x128xi32, #tpu.memory_space<vmem>>
      %dma_start3A_28 = tpu.memref_squeeze %dma_start3A_27 : memref<1x128xi32, #tpu.memory_space<vmem>> -> memref<128xi32, #tpu.memory_space<vmem>>
      %dma_start3A_29 = arith.constant 0 : i32
      %dma_start3A_30 = arith.constant 0 : i32
      %dma_start3A_31 = tpu.memref_slice %arg8[%dma_start3A_29, %dma_start3A_30] : memref<50016x16xf32, #tpu.memory_space<vmem_shared>> -> memref<50016x16xf32, #tpu.memory_space<vmem_shared>>
      tpu.enqueue_indirect_dma source(%arg7 : memref<128x16xf32, #tpu.memory_space<vmem>>) target(%dma_start3A_31 : memref<50016x16xf32, #tpu.memory_space<vmem_shared>>) offsets(%dma_start3A_28 : memref<128xi32, #tpu.memory_space<vmem>>) semaphore(%arg9 : memref<!tpu.dma_semaphore, #tpu.memory_space<semaphore_mem>>) {add = true}
      %mul3A_32 = arith.constant 6 : i32
      %mul3A_33 = arith.muli %while3A_22, %mul3A_32 : i32
      %add3A_34 = arith.addi %select_n3A, %mul3A_33 : i32
      %add3A_35 = arith.constant 1 : i32
      %add3A_36 = arith.addi %add3A_34, %add3A_35 : i32
      %dma_start3A_37 = arith.constant 0 : i32
      %dma_start3A_38 = tpu.memref_slice %arg6[%add3A_36, %dma_start3A_37] : memref<396x128xi32, #tpu.memory_space<vmem>> -> memref<1x128xi32, #tpu.memory_space<vmem>>
      %dma_start3A_39 = tpu.memref_squeeze %dma_start3A_38 : memref<1x128xi32, #tpu.memory_space<vmem>> -> memref<128xi32, #tpu.memory_space<vmem>>
      %dma_start3A_40 = arith.constant 0 : i32
      %dma_start3A_41 = arith.constant 0 : i32
      %dma_start3A_42 = tpu.memref_slice %arg8[%dma_start3A_40, %dma_start3A_41] : memref<50016x16xf32, #tpu.memory_space<vmem_shared>> -> memref<50016x16xf32, #tpu.memory_space<vmem_shared>>
      tpu.enqueue_indirect_dma source(%arg7 : memref<128x16xf32, #tpu.memory_space<vmem>>) target(%dma_start3A_42 : memref<50016x16xf32, #tpu.memory_space<vmem_shared>>) offsets(%dma_start3A_39 : memref<128xi32, #tpu.memory_space<vmem>>) semaphore(%arg9 : memref<!tpu.dma_semaphore, #tpu.memory_space<semaphore_mem>>) {add = true}
      %mul3A_43 = arith.constant 6 : i32
      %mul3A_44 = arith.muli %while3A_22, %mul3A_43 : i32
      %add3A_45 = arith.addi %select_n3A, %mul3A_44 : i32
      %add3A_46 = arith.constant 2 : i32
      %add3A_47 = arith.addi %add3A_45, %add3A_46 : i32
      %dma_start3A_48 = arith.constant 0 : i32
      %dma_start3A_49 = tpu.memref_slice %arg6[%add3A_47, %dma_start3A_48] : memref<396x128xi32, #tpu.memory_space<vmem>> -> memref<1x128xi32, #tpu.memory_space<vmem>>
      %dma_start3A_50 = tpu.memref_squeeze %dma_start3A_49 : memref<1x128xi32, #tpu.memory_space<vmem>> -> memref<128xi32, #tpu.memory_space<vmem>>
      %dma_start3A_51 = arith.constant 0 : i32
      %dma_start3A_52 = arith.constant 0 : i32
      %dma_start3A_53 = tpu.memref_slice %arg8[%dma_start3A_51, %dma_start3A_52] : memref<50016x16xf32, #tpu.memory_space<vmem_shared>> -> memref<50016x16xf32, #tpu.memory_space<vmem_shared>>
      tpu.enqueue_indirect_dma source(%arg7 : memref<128x16xf32, #tpu.memory_space<vmem>>) target(%dma_start3A_53 : memref<50016x16xf32, #tpu.memory_space<vmem_shared>>) offsets(%dma_start3A_50 : memref<128xi32, #tpu.memory_space<vmem>>) semaphore(%arg9 : memref<!tpu.dma_semaphore, #tpu.memory_space<semaphore_mem>>) {add = true}
      %mul3A_54 = arith.constant 6 : i32
      %mul3A_55 = arith.muli %while3A_22, %mul3A_54 : i32
      %add3A_56 = arith.addi %select_n3A, %mul3A_55 : i32
      %add3A_57 = arith.constant 3 : i32
      %add3A_58 = arith.addi %add3A_56, %add3A_57 : i32
      %dma_start3A_59 = arith.constant 0 : i32
      %dma_start3A_60 = tpu.memref_slice %arg6[%add3A_58, %dma_start3A_59] : memref<396x128xi32, #tpu.memory_space<vmem>> -> memref<1x128xi32, #tpu.memory_space<vmem>>
      %dma_start3A_61 = tpu.memref_squeeze %dma_start3A_60 : memref<1x128xi32, #tpu.memory_space<vmem>> -> memref<128xi32, #tpu.memory_space<vmem>>
      %dma_start3A_62 = arith.constant 0 : i32
      %dma_start3A_63 = arith.constant 0 : i32
      %dma_start3A_64 = tpu.memref_slice %arg8[%dma_start3A_62, %dma_start3A_63] : memref<50016x16xf32, #tpu.memory_space<vmem_shared>> -> memref<50016x16xf32, #tpu.memory_space<vmem_shared>>
      tpu.enqueue_indirect_dma source(%arg7 : memref<128x16xf32, #tpu.memory_space<vmem>>) target(%dma_start3A_64 : memref<50016x16xf32, #tpu.memory_space<vmem_shared>>) offsets(%dma_start3A_61 : memref<128xi32, #tpu.memory_space<vmem>>) semaphore(%arg9 : memref<!tpu.dma_semaphore, #tpu.memory_space<semaphore_mem>>) {add = true}
      %mul3A_65 = arith.constant 6 : i32
      %mul3A_66 = arith.muli %while3A_22, %mul3A_65 : i32
      %add3A_67 = arith.addi %select_n3A, %mul3A_66 : i32
      %add3A_68 = arith.constant 4 : i32
      %add3A_69 = arith.addi %add3A_67, %add3A_68 : i32
      %dma_start3A_70 = arith.constant 0 : i32
      %dma_start3A_71 = tpu.memref_slice %arg6[%add3A_69, %dma_start3A_70] : memref<396x128xi32, #tpu.memory_space<vmem>> -> memref<1x128xi32, #tpu.memory_space<vmem>>
      %dma_start3A_72 = tpu.memref_squeeze %dma_start3A_71 : memref<1x128xi32, #tpu.memory_space<vmem>> -> memref<128xi32, #tpu.memory_space<vmem>>
      %dma_start3A_73 = arith.constant 0 : i32
      %dma_start3A_74 = arith.constant 0 : i32
      %dma_start3A_75 = tpu.memref_slice %arg8[%dma_start3A_73, %dma_start3A_74] : memref<50016x16xf32, #tpu.memory_space<vmem_shared>> -> memref<50016x16xf32, #tpu.memory_space<vmem_shared>>
      tpu.enqueue_indirect_dma source(%arg7 : memref<128x16xf32, #tpu.memory_space<vmem>>) target(%dma_start3A_75 : memref<50016x16xf32, #tpu.memory_space<vmem_shared>>) offsets(%dma_start3A_72 : memref<128xi32, #tpu.memory_space<vmem>>) semaphore(%arg9 : memref<!tpu.dma_semaphore, #tpu.memory_space<semaphore_mem>>) {add = true}
      %mul3A_76 = arith.constant 6 : i32
      %mul3A_77 = arith.muli %while3A_22, %mul3A_76 : i32
      %add3A_78 = arith.addi %select_n3A, %mul3A_77 : i32
      %add3A_79 = arith.constant 5 : i32
      %add3A_80 = arith.addi %add3A_78, %add3A_79 : i32
      %dma_start3A_81 = arith.constant 0 : i32
      %dma_start3A_82 = tpu.memref_slice %arg6[%add3A_80, %dma_start3A_81] : memref<396x128xi32, #tpu.memory_space<vmem>> -> memref<1x128xi32, #tpu.memory_space<vmem>>
      %dma_start3A_83 = tpu.memref_squeeze %dma_start3A_82 : memref<1x128xi32, #tpu.memory_space<vmem>> -> memref<128xi32, #tpu.memory_space<vmem>>
      %dma_start3A_84 = arith.constant 0 : i32
      %dma_start3A_85 = arith.constant 0 : i32
      %dma_start3A_86 = tpu.memref_slice %arg8[%dma_start3A_84, %dma_start3A_85] : memref<50016x16xf32, #tpu.memory_space<vmem_shared>> -> memref<50016x16xf32, #tpu.memory_space<vmem_shared>>
      tpu.enqueue_indirect_dma source(%arg7 : memref<128x16xf32, #tpu.memory_space<vmem>>) target(%dma_start3A_86 : memref<50016x16xf32, #tpu.memory_space<vmem_shared>>) offsets(%dma_start3A_83 : memref<128xi32, #tpu.memory_space<vmem>>) semaphore(%arg9 : memref<!tpu.dma_semaphore, #tpu.memory_space<semaphore_mem>>) {add = true}
      %mul3A_87 = arith.constant 6 : i32
      %mul3A_88 = arith.muli %while3A_22, %mul3A_87 : i32
      %add3A_89 = arith.addi %select_n3A, %mul3A_88 : i32
      %add3A_90 = arith.constant 0 : i32
      %add3A_91 = arith.addi %add3A_89, %add3A_90 : i32
      %dma_wait3A = arith.constant 0 : i32
      %dma_wait3A_92 = tpu.memref_slice %arg6[%add3A_91, %dma_wait3A] : memref<396x128xi32, #tpu.memory_space<vmem>> -> memref<1x128xi32, #tpu.memory_space<vmem>>
      %dma_wait3A_93 = tpu.memref_squeeze %dma_wait3A_92 : memref<1x128xi32, #tpu.memory_space<vmem>> -> memref<128xi32, #tpu.memory_space<vmem>>
      %dma_wait3A_94 = arith.constant 0 : i32
      %dma_wait3A_95 = arith.constant 0 : i32
      %dma_wait3A_96 = tpu.memref_slice %arg8[%dma_wait3A_94, %dma_wait3A_95] : memref<50016x16xf32, #tpu.memory_space<vmem_shared>> -> memref<50016x16xf32, #tpu.memory_space<vmem_shared>>
      tpu.wait_indirect_dma semaphore(%arg9 : memref<!tpu.dma_semaphore, #tpu.memory_space<semaphore_mem>>) src(%arg7 : memref<128x16xf32, #tpu.memory_space<vmem>>) dst(%dma_wait3A_96 : memref<50016x16xf32, #tpu.memory_space<vmem_shared>>)
      %mul3A_97 = arith.constant 6 : i32
      %mul3A_98 = arith.muli %while3A_22, %mul3A_97 : i32
      %add3A_99 = arith.addi %select_n3A, %mul3A_98 : i32
      %add3A_100 = arith.constant 1 : i32
      %add3A_101 = arith.addi %add3A_99, %add3A_100 : i32
      %dma_wait3A_102 = arith.constant 0 : i32
      %dma_wait3A_103 = tpu.memref_slice %arg6[%add3A_101, %dma_wait3A_102] : memref<396x128xi32, #tpu.memory_space<vmem>> -> memref<1x128xi32, #tpu.memory_space<vmem>>
      %dma_wait3A_104 = tpu.memref_squeeze %dma_wait3A_103 : memref<1x128xi32, #tpu.memory_space<vmem>> -> memref<128xi32, #tpu.memory_space<vmem>>
      %dma_wait3A_105 = arith.constant 0 : i32
      %dma_wait3A_106 = arith.constant 0 : i32
      %dma_wait3A_107 = tpu.memref_slice %arg8[%dma_wait3A_105, %dma_wait3A_106] : memref<50016x16xf32, #tpu.memory_space<vmem_shared>> -> memref<50016x16xf32, #tpu.memory_space<vmem_shared>>
      tpu.wait_indirect_dma semaphore(%arg9 : memref<!tpu.dma_semaphore, #tpu.memory_space<semaphore_mem>>) src(%arg7 : memref<128x16xf32, #tpu.memory_space<vmem>>) dst(%dma_wait3A_107 : memref<50016x16xf32, #tpu.memory_space<vmem_shared>>)
      %mul3A_108 = arith.constant 6 : i32
      %mul3A_109 = arith.muli %while3A_22, %mul3A_108 : i32
      %add3A_110 = arith.addi %select_n3A, %mul3A_109 : i32
      %add3A_111 = arith.constant 2 : i32
      %add3A_112 = arith.addi %add3A_110, %add3A_111 : i32
      %dma_wait3A_113 = arith.constant 0 : i32
      %dma_wait3A_114 = tpu.memref_slice %arg6[%add3A_112, %dma_wait3A_113] : memref<396x128xi32, #tpu.memory_space<vmem>> -> memref<1x128xi32, #tpu.memory_space<vmem>>
      %dma_wait3A_115 = tpu.memref_squeeze %dma_wait3A_114 : memref<1x128xi32, #tpu.memory_space<vmem>> -> memref<128xi32, #tpu.memory_space<vmem>>
      %dma_wait3A_116 = arith.constant 0 : i32
      %dma_wait3A_117 = arith.constant 0 : i32
      %dma_wait3A_118 = tpu.memref_slice %arg8[%dma_wait3A_116, %dma_wait3A_117] : memref<50016x16xf32, #tpu.memory_space<vmem_shared>> -> memref<50016x16xf32, #tpu.memory_space<vmem_shared>>
      tpu.wait_indirect_dma semaphore(%arg9 : memref<!tpu.dma_semaphore, #tpu.memory_space<semaphore_mem>>) src(%arg7 : memref<128x16xf32, #tpu.memory_space<vmem>>) dst(%dma_wait3A_118 : memref<50016x16xf32, #tpu.memory_space<vmem_shared>>)
      %mul3A_119 = arith.constant 6 : i32
      %mul3A_120 = arith.muli %while3A_22, %mul3A_119 : i32
      %add3A_121 = arith.addi %select_n3A, %mul3A_120 : i32
      %add3A_122 = arith.constant 3 : i32
      %add3A_123 = arith.addi %add3A_121, %add3A_122 : i32
      %dma_wait3A_124 = arith.constant 0 : i32
      %dma_wait3A_125 = tpu.memref_slice %arg6[%add3A_123, %dma_wait3A_124] : memref<396x128xi32, #tpu.memory_space<vmem>> -> memref<1x128xi32, #tpu.memory_space<vmem>>
      %dma_wait3A_126 = tpu.memref_squeeze %dma_wait3A_125 : memref<1x128xi32, #tpu.memory_space<vmem>> -> memref<128xi32, #tpu.memory_space<vmem>>
      %dma_wait3A_127 = arith.constant 0 : i32
      %dma_wait3A_128 = arith.constant 0 : i32
      %dma_wait3A_129 = tpu.memref_slice %arg8[%dma_wait3A_127, %dma_wait3A_128] : memref<50016x16xf32, #tpu.memory_space<vmem_shared>> -> memref<50016x16xf32, #tpu.memory_space<vmem_shared>>
      tpu.wait_indirect_dma semaphore(%arg9 : memref<!tpu.dma_semaphore, #tpu.memory_space<semaphore_mem>>) src(%arg7 : memref<128x16xf32, #tpu.memory_space<vmem>>) dst(%dma_wait3A_129 : memref<50016x16xf32, #tpu.memory_space<vmem_shared>>)
      %mul3A_130 = arith.constant 6 : i32
      %mul3A_131 = arith.muli %while3A_22, %mul3A_130 : i32
      %add3A_132 = arith.addi %select_n3A, %mul3A_131 : i32
      %add3A_133 = arith.constant 4 : i32
      %add3A_134 = arith.addi %add3A_132, %add3A_133 : i32
      %dma_wait3A_135 = arith.constant 0 : i32
      %dma_wait3A_136 = tpu.memref_slice %arg6[%add3A_134, %dma_wait3A_135] : memref<396x128xi32, #tpu.memory_space<vmem>> -> memref<1x128xi32, #tpu.memory_space<vmem>>
      %dma_wait3A_137 = tpu.memref_squeeze %dma_wait3A_136 : memref<1x128xi32, #tpu.memory_space<vmem>> -> memref<128xi32, #tpu.memory_space<vmem>>
      %dma_wait3A_138 = arith.constant 0 : i32
      %dma_wait3A_139 = arith.constant 0 : i32
      %dma_wait3A_140 = tpu.memref_slice %arg8[%dma_wait3A_138, %dma_wait3A_139] : memref<50016x16xf32, #tpu.memory_space<vmem_shared>> -> memref<50016x16xf32, #tpu.memory_space<vmem_shared>>
      tpu.wait_indirect_dma semaphore(%arg9 : memref<!tpu.dma_semaphore, #tpu.memory_space<semaphore_mem>>) src(%arg7 : memref<128x16xf32, #tpu.memory_space<vmem>>) dst(%dma_wait3A_140 : memref<50016x16xf32, #tpu.memory_space<vmem_shared>>)
      %mul3A_141 = arith.constant 6 : i32
      %mul3A_142 = arith.muli %while3A_22, %mul3A_141 : i32
      %add3A_143 = arith.addi %select_n3A, %mul3A_142 : i32
      %add3A_144 = arith.constant 5 : i32
      %add3A_145 = arith.addi %add3A_143, %add3A_144 : i32
      %dma_wait3A_146 = arith.constant 0 : i32
      %dma_wait3A_147 = tpu.memref_slice %arg6[%add3A_145, %dma_wait3A_146] : memref<396x128xi32, #tpu.memory_space<vmem>> -> memref<1x128xi32, #tpu.memory_space<vmem>>
      %dma_wait3A_148 = tpu.memref_squeeze %dma_wait3A_147 : memref<1x128xi32, #tpu.memory_space<vmem>> -> memref<128xi32, #tpu.memory_space<vmem>>
      %dma_wait3A_149 = arith.constant 0 : i32
      %dma_wait3A_150 = arith.constant 0 : i32
      %dma_wait3A_151 = tpu.memref_slice %arg8[%dma_wait3A_149, %dma_wait3A_150] : memref<50016x16xf32, #tpu.memory_space<vmem_shared>> -> memref<50016x16xf32, #tpu.memory_space<vmem_shared>>
      tpu.wait_indirect_dma semaphore(%arg9 : memref<!tpu.dma_semaphore, #tpu.memory_space<semaphore_mem>>) src(%arg7 : memref<128x16xf32, #tpu.memory_space<vmem>>) dst(%dma_wait3A_151 : memref<50016x16xf32, #tpu.memory_space<vmem_shared>>)
    }
    %barrier3A_17 = arith.constant 0 : index
    tpu.barrier barrier_id(%barrier3A_17)
    %mul3A_18 = arith.constant 3126 : i32
    %mul3A_19 = arith.muli %arg1, %mul3A_18 : i32
    %mul3A_20 = arith.constant 3126 : i32
    %mul3A_21 = arith.muli %arg1, %mul3A_20 : i32
    "tpu.region"() ({
      %run_scoped3A = tpu.sem_alloc : memref<!tpu.dma_semaphore, #tpu.memory_space<semaphore_mem>>
      %dma_start3A = arith.constant 0 : i32
      %dma_start3A_22 = tpu.memref_slice %arg5[%arg0, %mul3A_21, %dma_start3A] : memref<2x50016x16xf32, #tpu.memory_space<hbm>> -> memref<1x3126x16xf32, #tpu.memory_space<hbm>>
      %dma_start3A_23 = tpu.memref_squeeze %dma_start3A_22 : memref<1x3126x16xf32, #tpu.memory_space<hbm>> -> memref<3126x16xf32, #tpu.memory_space<hbm>>
      %dma_start3A_24 = arith.constant 0 : i32
      %dma_start3A_25 = tpu.memref_slice %arg8[%mul3A_19, %dma_start3A_24] : memref<50016x16xf32, #tpu.memory_space<vmem_shared>> -> memref<3126x16xf32, #tpu.memory_space<vmem_shared>>
      tpu.enqueue_dma source(%dma_start3A_25 : memref<3126x16xf32, #tpu.memory_space<vmem_shared>>) target(%dma_start3A_23 : memref<3126x16xf32, #tpu.memory_space<hbm>>) target_semaphore(%run_scoped3A : memref<!tpu.dma_semaphore, #tpu.memory_space<semaphore_mem>>)
      %dma_wait3A = arith.constant 0 : i32
      %dma_wait3A_26 = tpu.memref_slice %arg5[%arg0, %mul3A_21, %dma_wait3A] : memref<2x50016x16xf32, #tpu.memory_space<hbm>> -> memref<1x3126x16xf32, #tpu.memory_space<hbm>>
      %dma_wait3A_27 = tpu.memref_squeeze %dma_wait3A_26 : memref<1x3126x16xf32, #tpu.memory_space<hbm>> -> memref<3126x16xf32, #tpu.memory_space<hbm>>
      %dma_wait3A_28 = arith.constant 0 : i32
      %dma_wait3A_29 = tpu.memref_slice %arg8[%mul3A_19, %dma_wait3A_28] : memref<50016x16xf32, #tpu.memory_space<vmem_shared>> -> memref<3126x16xf32, #tpu.memory_space<vmem_shared>>
      tpu.wait_dma2 semaphore(%run_scoped3A : memref<!tpu.dma_semaphore, #tpu.memory_space<semaphore_mem>>) src(%dma_wait3A_29 : memref<3126x16xf32, #tpu.memory_space<vmem_shared>>) dst(%dma_wait3A_27 : memref<3126x16xf32, #tpu.memory_space<hbm>>)
      tpu.yield
    }) : () -> ()
    return
  }
}

#map = affine_map<(d0, d1) -> (0, 0, 0)>
#map1 = affine_map<(d0, d1) -> (0, 0)>
module attributes {stable_mosaic.version = 14 : i64} {
  func.func @body(%arg0: i32, %arg1: i32, %arg2: memref<16x396x128xi32, #tpu.memory_space<hbm>>, %arg3: memref<16x396x128xi32, #tpu.memory_space<hbm>>, %arg4: memref<50000x32xf32, #tpu.memory_space<hbm>>, %arg5: memref<3126x32xf32, #tpu.memory_space<hbm>>, %arg6: memref<2x50016x32xf32, #tpu.memory_space<hbm>>, %arg7: memref<3x128xi32, #tpu.memory_space<vmem>>, %arg8: memref<3x128xi32, #tpu.memory_space<vmem>>, %arg9: memref<3x128xi32, #tpu.memory_space<vmem>>, %arg10: memref<3x128xi32, #tpu.memory_space<vmem>>, %arg11: memref<6x128x32xf32, #tpu.memory_space<vmem>>, %arg12: memref<50016x32xf32, #tpu.memory_space<vmem_shared>>, %arg13: memref<!tpu.dma_semaphore, #tpu.memory_space<semaphore_mem>>, %arg14: memref<!tpu.dma_semaphore, #tpu.memory_space<semaphore_mem>>, %arg15: memref<!tpu.dma_semaphore, #tpu.memory_space<semaphore_mem>>, %arg16: memref<!tpu.dma_semaphore, #tpu.memory_space<semaphore_mem>>, %arg17: memref<!tpu.dma_semaphore, #tpu.memory_space<semaphore_mem>>, %arg18: memref<!tpu.dma_semaphore, #tpu.memory_space<semaphore_mem>>) attributes {dimension_semantics = [#tpu.dimension_semantics<core_parallel>, #tpu.dimension_semantics<subcore_parallel>], iteration_bounds = array<i64: 2, 16>, scalar_prefetch = 0 : i64, scratch_operands = 12 : i64, tpu.core_type = #tpu.core_type<sc_vector_subcore>, window_params = [{transform_indices = #map}, {transform_indices = #map}, {transform_indices = #map1}, {transform_indices = #map1}, {transform_indices = #map}]} {
    %eq3A = arith.constant 0 : i32
    %eq3A_0 = arith.cmpi eq, %arg0, %eq3A : i32
    %jit3A = arith.constant 0 : i32
    %jit3A_1 = arith.constant 330 : i32
    %select_n3A = arith.select %eq3A_0, %jit3A, %jit3A_1 : i32
    %eq3A_2 = arith.constant 0 : i32
    %eq3A_3 = arith.cmpi eq, %arg0, %eq3A_2 : i32
    %jit3A_4 = arith.constant 110 : i32
    %jit3A_5 = arith.constant 22 : i32
    %select_n3A_6 = arith.select %eq3A_3, %jit3A_4, %jit3A_5 : i32
    %mul3A = arith.constant 3126 : i32
    %mul3A_7 = arith.muli %arg1, %mul3A : i32
    "tpu.region"() ({
      %run_scoped3A = tpu.sem_alloc : memref<!tpu.dma_semaphore, #tpu.memory_space<semaphore_mem>>
      %dma_start3A_121 = arith.constant 0 : i32
      %dma_start3A_122 = tpu.memref_slice %arg12[%mul3A_7, %dma_start3A_121] : memref<50016x32xf32, #tpu.memory_space<vmem_shared>> -> memref<3126x32xf32, #tpu.memory_space<vmem_shared>>
      tpu.enqueue_dma source(%arg5 : memref<3126x32xf32, #tpu.memory_space<hbm>>) target(%dma_start3A_122 : memref<3126x32xf32, #tpu.memory_space<vmem_shared>>) target_semaphore(%run_scoped3A : memref<!tpu.dma_semaphore, #tpu.memory_space<semaphore_mem>>)
      %dma_wait3A_123 = arith.constant 0 : i32
      %dma_wait3A_124 = tpu.memref_slice %arg12[%mul3A_7, %dma_wait3A_123] : memref<50016x32xf32, #tpu.memory_space<vmem_shared>> -> memref<3126x32xf32, #tpu.memory_space<vmem_shared>>
      tpu.wait_dma2 semaphore(%run_scoped3A : memref<!tpu.dma_semaphore, #tpu.memory_space<semaphore_mem>>) src(%arg5 : memref<3126x32xf32, #tpu.memory_space<hbm>>) dst(%dma_wait3A_124 : memref<3126x32xf32, #tpu.memory_space<vmem_shared>>)
      tpu.yield
    }) : () -> ()
    %add3A = arith.constant 0 : i32
    %add3A_8 = arith.addi %select_n3A, %add3A : i32
    %dma_start3A = arith.constant 0 : i32
    %dma_start3A_9 = tpu.memref_slice %arg2[%arg1, %add3A_8, %dma_start3A] : memref<16x396x128xi32, #tpu.memory_space<hbm>> -> memref<1x3x128xi32, #tpu.memory_space<hbm>>
    %dma_start3A_10 = tpu.memref_squeeze %dma_start3A_9 : memref<1x3x128xi32, #tpu.memory_space<hbm>> -> memref<3x128xi32, #tpu.memory_space<hbm>>
    %dma_start3A_11 = arith.constant 0 : i32
    %dma_start3A_12 = tpu.memref_slice %arg2[%arg1, %add3A_8, %dma_start3A_11] : memref<16x396x128xi32, #tpu.memory_space<hbm>> -> memref<1x3x128xi32, #tpu.memory_space<hbm>>
    %dma_start3A_13 = tpu.memref_squeeze %dma_start3A_12 : memref<1x3x128xi32, #tpu.memory_space<hbm>> -> memref<3x128xi32, #tpu.memory_space<hbm>>
    tpu.enqueue_dma source(%dma_start3A_13 : memref<3x128xi32, #tpu.memory_space<hbm>>) target(%arg7 : memref<3x128xi32, #tpu.memory_space<vmem>>) target_semaphore(%arg13 : memref<!tpu.dma_semaphore, #tpu.memory_space<semaphore_mem>>)
    %add3A_14 = arith.constant 0 : i32
    %add3A_15 = arith.addi %select_n3A, %add3A_14 : i32
    %dma_start3A_16 = arith.constant 0 : i32
    %dma_start3A_17 = tpu.memref_slice %arg3[%arg1, %add3A_15, %dma_start3A_16] : memref<16x396x128xi32, #tpu.memory_space<hbm>> -> memref<1x3x128xi32, #tpu.memory_space<hbm>>
    %dma_start3A_18 = tpu.memref_squeeze %dma_start3A_17 : memref<1x3x128xi32, #tpu.memory_space<hbm>> -> memref<3x128xi32, #tpu.memory_space<hbm>>
    %dma_start3A_19 = arith.constant 0 : i32
    %dma_start3A_20 = tpu.memref_slice %arg3[%arg1, %add3A_15, %dma_start3A_19] : memref<16x396x128xi32, #tpu.memory_space<hbm>> -> memref<1x3x128xi32, #tpu.memory_space<hbm>>
    %dma_start3A_21 = tpu.memref_squeeze %dma_start3A_20 : memref<1x3x128xi32, #tpu.memory_space<hbm>> -> memref<3x128xi32, #tpu.memory_space<hbm>>
    tpu.enqueue_dma source(%dma_start3A_21 : memref<3x128xi32, #tpu.memory_space<hbm>>) target(%arg8 : memref<3x128xi32, #tpu.memory_space<vmem>>) target_semaphore(%arg13 : memref<!tpu.dma_semaphore, #tpu.memory_space<semaphore_mem>>)
    %add3A_22 = arith.constant 0 : i32
    %add3A_23 = arith.addi %select_n3A, %add3A_22 : i32
    %dma_wait3A = arith.constant 0 : i32
    %dma_wait3A_24 = tpu.memref_slice %arg2[%arg1, %add3A_23, %dma_wait3A] : memref<16x396x128xi32, #tpu.memory_space<hbm>> -> memref<1x3x128xi32, #tpu.memory_space<hbm>>
    %dma_wait3A_25 = tpu.memref_squeeze %dma_wait3A_24 : memref<1x3x128xi32, #tpu.memory_space<hbm>> -> memref<3x128xi32, #tpu.memory_space<hbm>>
    %dma_wait3A_26 = arith.constant 0 : i32
    %dma_wait3A_27 = tpu.memref_slice %arg2[%arg1, %add3A_23, %dma_wait3A_26] : memref<16x396x128xi32, #tpu.memory_space<hbm>> -> memref<1x3x128xi32, #tpu.memory_space<hbm>>
    %dma_wait3A_28 = tpu.memref_squeeze %dma_wait3A_27 : memref<1x3x128xi32, #tpu.memory_space<hbm>> -> memref<3x128xi32, #tpu.memory_space<hbm>>
    tpu.wait_dma2 semaphore(%arg13 : memref<!tpu.dma_semaphore, #tpu.memory_space<semaphore_mem>>) src(%dma_wait3A_28 : memref<3x128xi32, #tpu.memory_space<hbm>>) dst(%arg7 : memref<3x128xi32, #tpu.memory_space<vmem>>)
    %add3A_29 = arith.constant 0 : i32
    %add3A_30 = arith.addi %select_n3A, %add3A_29 : i32
    %dma_wait3A_31 = arith.constant 0 : i32
    %dma_wait3A_32 = tpu.memref_slice %arg3[%arg1, %add3A_30, %dma_wait3A_31] : memref<16x396x128xi32, #tpu.memory_space<hbm>> -> memref<1x3x128xi32, #tpu.memory_space<hbm>>
    %dma_wait3A_33 = tpu.memref_squeeze %dma_wait3A_32 : memref<1x3x128xi32, #tpu.memory_space<hbm>> -> memref<3x128xi32, #tpu.memory_space<hbm>>
    %dma_wait3A_34 = arith.constant 0 : i32
    %dma_wait3A_35 = tpu.memref_slice %arg3[%arg1, %add3A_30, %dma_wait3A_34] : memref<16x396x128xi32, #tpu.memory_space<hbm>> -> memref<1x3x128xi32, #tpu.memory_space<hbm>>
    %dma_wait3A_36 = tpu.memref_squeeze %dma_wait3A_35 : memref<1x3x128xi32, #tpu.memory_space<hbm>> -> memref<3x128xi32, #tpu.memory_space<hbm>>
    tpu.wait_dma2 semaphore(%arg13 : memref<!tpu.dma_semaphore, #tpu.memory_space<semaphore_mem>>) src(%dma_wait3A_36 : memref<3x128xi32, #tpu.memory_space<hbm>>) dst(%arg8 : memref<3x128xi32, #tpu.memory_space<vmem>>)
    %barrier3A = arith.constant 0 : index
    tpu.barrier barrier_id(%barrier3A)
    %dma_start3A_37 = arith.constant 0 : i32
    %dma_start3A_38 = arith.constant 0 : i32
    %dma_start3A_39 = arith.constant 0 : i32
    %dma_start3A_40 = arith.constant 0 : i32
    %dma_start3A_41 = tpu.memref_slice %arg11[%dma_start3A_38, %dma_start3A_39, %dma_start3A_40] : memref<6x128x32xf32, #tpu.memory_space<vmem>> -> memref<1x128x32xf32, #tpu.memory_space<vmem>>
    %dma_start3A_42 = tpu.memref_squeeze %dma_start3A_41 : memref<1x128x32xf32, #tpu.memory_space<vmem>> -> memref<128x32xf32, #tpu.memory_space<vmem>>
    %dma_start3A_43 = arith.constant 0 : i32
    %dma_start3A_44 = tpu.memref_slice %arg7[%dma_start3A_37, %dma_start3A_43] : memref<3x128xi32, #tpu.memory_space<vmem>> -> memref<1x128xi32, #tpu.memory_space<vmem>>
    %dma_start3A_45 = tpu.memref_squeeze %dma_start3A_44 : memref<1x128xi32, #tpu.memory_space<vmem>> -> memref<128xi32, #tpu.memory_space<vmem>>
    %dma_start3A_46 = arith.constant 0 : i32
    %dma_start3A_47 = arith.constant 0 : i32
    %dma_start3A_48 = tpu.memref_slice %arg4[%dma_start3A_46, %dma_start3A_47] : memref<50000x32xf32, #tpu.memory_space<hbm>> -> memref<50000x32xf32, #tpu.memory_space<hbm>>
    tpu.enqueue_indirect_dma source(%dma_start3A_48 : memref<50000x32xf32, #tpu.memory_space<hbm>>) target(%dma_start3A_42 : memref<128x32xf32, #tpu.memory_space<vmem>>) offsets(%dma_start3A_45 : memref<128xi32, #tpu.memory_space<vmem>>) semaphore(%arg15 : memref<!tpu.dma_semaphore, #tpu.memory_space<semaphore_mem>>)
    %dma_start3A_49 = arith.constant 1 : i32
    %dma_start3A_50 = arith.constant 1 : i32
    %dma_start3A_51 = arith.constant 0 : i32
    %dma_start3A_52 = arith.constant 0 : i32
    %dma_start3A_53 = tpu.memref_slice %arg11[%dma_start3A_50, %dma_start3A_51, %dma_start3A_52] : memref<6x128x32xf32, #tpu.memory_space<vmem>> -> memref<1x128x32xf32, #tpu.memory_space<vmem>>
    %dma_start3A_54 = tpu.memref_squeeze %dma_start3A_53 : memref<1x128x32xf32, #tpu.memory_space<vmem>> -> memref<128x32xf32, #tpu.memory_space<vmem>>
    %dma_start3A_55 = arith.constant 0 : i32
    %dma_start3A_56 = tpu.memref_slice %arg7[%dma_start3A_49, %dma_start3A_55] : memref<3x128xi32, #tpu.memory_space<vmem>> -> memref<1x128xi32, #tpu.memory_space<vmem>>
    %dma_start3A_57 = tpu.memref_squeeze %dma_start3A_56 : memref<1x128xi32, #tpu.memory_space<vmem>> -> memref<128xi32, #tpu.memory_space<vmem>>
    %dma_start3A_58 = arith.constant 0 : i32
    %dma_start3A_59 = arith.constant 0 : i32
    %dma_start3A_60 = tpu.memref_slice %arg4[%dma_start3A_58, %dma_start3A_59] : memref<50000x32xf32, #tpu.memory_space<hbm>> -> memref<50000x32xf32, #tpu.memory_space<hbm>>
    tpu.enqueue_indirect_dma source(%dma_start3A_60 : memref<50000x32xf32, #tpu.memory_space<hbm>>) target(%dma_start3A_54 : memref<128x32xf32, #tpu.memory_space<vmem>>) offsets(%dma_start3A_57 : memref<128xi32, #tpu.memory_space<vmem>>) semaphore(%arg15 : memref<!tpu.dma_semaphore, #tpu.memory_space<semaphore_mem>>)
    %dma_start3A_61 = arith.constant 2 : i32
    %dma_start3A_62 = arith.constant 2 : i32
    %dma_start3A_63 = arith.constant 0 : i32
    %dma_start3A_64 = arith.constant 0 : i32
    %dma_start3A_65 = tpu.memref_slice %arg11[%dma_start3A_62, %dma_start3A_63, %dma_start3A_64] : memref<6x128x32xf32, #tpu.memory_space<vmem>> -> memref<1x128x32xf32, #tpu.memory_space<vmem>>
    %dma_start3A_66 = tpu.memref_squeeze %dma_start3A_65 : memref<1x128x32xf32, #tpu.memory_space<vmem>> -> memref<128x32xf32, #tpu.memory_space<vmem>>
    %dma_start3A_67 = arith.constant 0 : i32
    %dma_start3A_68 = tpu.memref_slice %arg7[%dma_start3A_61, %dma_start3A_67] : memref<3x128xi32, #tpu.memory_space<vmem>> -> memref<1x128xi32, #tpu.memory_space<vmem>>
    %dma_start3A_69 = tpu.memref_squeeze %dma_start3A_68 : memref<1x128xi32, #tpu.memory_space<vmem>> -> memref<128xi32, #tpu.memory_space<vmem>>
    %dma_start3A_70 = arith.constant 0 : i32
    %dma_start3A_71 = arith.constant 0 : i32
    %dma_start3A_72 = tpu.memref_slice %arg4[%dma_start3A_70, %dma_start3A_71] : memref<50000x32xf32, #tpu.memory_space<hbm>> -> memref<50000x32xf32, #tpu.memory_space<hbm>>
    tpu.enqueue_indirect_dma source(%dma_start3A_72 : memref<50000x32xf32, #tpu.memory_space<hbm>>) target(%dma_start3A_66 : memref<128x32xf32, #tpu.memory_space<vmem>>) offsets(%dma_start3A_69 : memref<128xi32, #tpu.memory_space<vmem>>) semaphore(%arg15 : memref<!tpu.dma_semaphore, #tpu.memory_space<semaphore_mem>>)
    %add3A_73 = arith.constant 3 : i32
    %add3A_74 = arith.addi %select_n3A, %add3A_73 : i32
    %dma_start3A_75 = arith.constant 0 : i32
    %dma_start3A_76 = tpu.memref_slice %arg2[%arg1, %add3A_74, %dma_start3A_75] : memref<16x396x128xi32, #tpu.memory_space<hbm>> -> memref<1x3x128xi32, #tpu.memory_space<hbm>>
    %dma_start3A_77 = tpu.memref_squeeze %dma_start3A_76 : memref<1x3x128xi32, #tpu.memory_space<hbm>> -> memref<3x128xi32, #tpu.memory_space<hbm>>
    %dma_start3A_78 = arith.constant 0 : i32
    %dma_start3A_79 = tpu.memref_slice %arg2[%arg1, %add3A_74, %dma_start3A_78] : memref<16x396x128xi32, #tpu.memory_space<hbm>> -> memref<1x3x128xi32, #tpu.memory_space<hbm>>
    %dma_start3A_80 = tpu.memref_squeeze %dma_start3A_79 : memref<1x3x128xi32, #tpu.memory_space<hbm>> -> memref<3x128xi32, #tpu.memory_space<hbm>>
    tpu.enqueue_dma source(%dma_start3A_80 : memref<3x128xi32, #tpu.memory_space<hbm>>) target(%arg9 : memref<3x128xi32, #tpu.memory_space<vmem>>) target_semaphore(%arg14 : memref<!tpu.dma_semaphore, #tpu.memory_space<semaphore_mem>>)
    %add3A_81 = arith.constant 3 : i32
    %add3A_82 = arith.addi %select_n3A, %add3A_81 : i32
    %dma_start3A_83 = arith.constant 0 : i32
    %dma_start3A_84 = tpu.memref_slice %arg3[%arg1, %add3A_82, %dma_start3A_83] : memref<16x396x128xi32, #tpu.memory_space<hbm>> -> memref<1x3x128xi32, #tpu.memory_space<hbm>>
    %dma_start3A_85 = tpu.memref_squeeze %dma_start3A_84 : memref<1x3x128xi32, #tpu.memory_space<hbm>> -> memref<3x128xi32, #tpu.memory_space<hbm>>
    %dma_start3A_86 = arith.constant 0 : i32
    %dma_start3A_87 = tpu.memref_slice %arg3[%arg1, %add3A_82, %dma_start3A_86] : memref<16x396x128xi32, #tpu.memory_space<hbm>> -> memref<1x3x128xi32, #tpu.memory_space<hbm>>
    %dma_start3A_88 = tpu.memref_squeeze %dma_start3A_87 : memref<1x3x128xi32, #tpu.memory_space<hbm>> -> memref<3x128xi32, #tpu.memory_space<hbm>>
    tpu.enqueue_dma source(%dma_start3A_88 : memref<3x128xi32, #tpu.memory_space<hbm>>) target(%arg10 : memref<3x128xi32, #tpu.memory_space<vmem>>) target_semaphore(%arg14 : memref<!tpu.dma_semaphore, #tpu.memory_space<semaphore_mem>>)
    %jit3A_89 = arith.constant 2 : i32
    %div3A = arith.divsi %select_n3A_6, %jit3A_89 : i32
    %sign3A = arith.constant 0 : i32
    %sign3A_90 = arith.cmpi sgt, %select_n3A_6, %sign3A : i32
    %sign3A_91 = arith.extui %sign3A_90 : i1 to i32
    %sign3A_92 = arith.constant 0 : i32
    %sign3A_93 = arith.cmpi slt, %select_n3A_6, %sign3A_92 : i32
    %sign3A_94 = arith.extui %sign3A_93 : i1 to i32
    %sign3A_95 = arith.subi %sign3A_91, %sign3A_94 : i32
    %sign3A_96 = arith.constant 0 : i32
    %sign3A_97 = arith.cmpi sgt, %jit3A_89, %sign3A_96 : i32
    %sign3A_98 = arith.extui %sign3A_97 : i1 to i32
    %sign3A_99 = arith.constant 0 : i32
    %sign3A_100 = arith.cmpi slt, %jit3A_89, %sign3A_99 : i32
    %sign3A_101 = arith.extui %sign3A_100 : i1 to i32
    %sign3A_102 = arith.subi %sign3A_98, %sign3A_101 : i32
    %ne3A = arith.cmpi ne, %sign3A_95, %sign3A_102 : i32
    %rem3A = arith.remsi %select_n3A_6, %jit3A_89 : i32
    %ne3A_103 = arith.constant 0 : i32
    %ne3A_104 = arith.cmpi ne, %rem3A, %ne3A_103 : i32
    %and3A = arith.andi %ne3A, %ne3A_104 : i1
    %sub3A = arith.constant 1 : i32
    %sub3A_105 = arith.subi %div3A, %sub3A : i32
    %select_n3A_106 = arith.select %and3A, %sub3A_105, %div3A : i32
    %while3A = arith.constant 0 : i32
    %while3A_107 = arith.constant 0 : i32
    %while3A_108 = arith.subi %select_n3A_106, %while3A_107 : i32
    %while3A_109 = arith.addi %while3A_107, %while3A_108 : i32
    %while3A_110 = arith.constant 1 : i32
    %while3A_111 = arith.divsi %while3A_108, %while3A_110 : i32
    %while3A_112 = arith.muli %while3A_111, %while3A_110 : i32
    %while3A_113 = arith.addi %while3A_107, %while3A_112 : i32
    %while3A_114 = arith.constant 1 : i32
    scf.for %while3A_121 = %while3A_107 to %while3A_113 step %while3A_114  : i32 {
      %mul3A_122 = arith.constant 2 : i32
      %mul3A_123 = arith.muli %mul3A_122, %while3A_121 : i32
      %add3A_124 = arith.constant 1 : i32
      %add3A_125 = arith.addi %mul3A_123, %add3A_124 : i32
      %mul3A_126 = arith.constant 3 : i32
      %mul3A_127 = arith.muli %add3A_125, %mul3A_126 : i32
      %add3A_128 = arith.addi %select_n3A, %mul3A_127 : i32
      %dma_wait3A_129 = arith.constant 0 : i32
      %dma_wait3A_130 = tpu.memref_slice %arg2[%arg1, %add3A_128, %dma_wait3A_129] : memref<16x396x128xi32, #tpu.memory_space<hbm>> -> memref<1x3x128xi32, #tpu.memory_space<hbm>>
      %dma_wait3A_131 = tpu.memref_squeeze %dma_wait3A_130 : memref<1x3x128xi32, #tpu.memory_space<hbm>> -> memref<3x128xi32, #tpu.memory_space<hbm>>
      %dma_wait3A_132 = arith.constant 0 : i32
      %dma_wait3A_133 = tpu.memref_slice %arg2[%arg1, %add3A_128, %dma_wait3A_132] : memref<16x396x128xi32, #tpu.memory_space<hbm>> -> memref<1x3x128xi32, #tpu.memory_space<hbm>>
      %dma_wait3A_134 = tpu.memref_squeeze %dma_wait3A_133 : memref<1x3x128xi32, #tpu.memory_space<hbm>> -> memref<3x128xi32, #tpu.memory_space<hbm>>
      tpu.wait_dma2 semaphore(%arg14 : memref<!tpu.dma_semaphore, #tpu.memory_space<semaphore_mem>>) src(%dma_wait3A_134 : memref<3x128xi32, #tpu.memory_space<hbm>>) dst(%arg9 : memref<3x128xi32, #tpu.memory_space<vmem>>)
      %mul3A_135 = arith.constant 3 : i32
      %mul3A_136 = arith.muli %add3A_125, %mul3A_135 : i32
      %add3A_137 = arith.addi %select_n3A, %mul3A_136 : i32
      %dma_wait3A_138 = arith.constant 0 : i32
      %dma_wait3A_139 = tpu.memref_slice %arg3[%arg1, %add3A_137, %dma_wait3A_138] : memref<16x396x128xi32, #tpu.memory_space<hbm>> -> memref<1x3x128xi32, #tpu.memory_space<hbm>>
      %dma_wait3A_140 = tpu.memref_squeeze %dma_wait3A_139 : memref<1x3x128xi32, #tpu.memory_space<hbm>> -> memref<3x128xi32, #tpu.memory_space<hbm>>
      %dma_wait3A_141 = arith.constant 0 : i32
      %dma_wait3A_142 = tpu.memref_slice %arg3[%arg1, %add3A_137, %dma_wait3A_141] : memref<16x396x128xi32, #tpu.memory_space<hbm>> -> memref<1x3x128xi32, #tpu.memory_space<hbm>>
      %dma_wait3A_143 = tpu.memref_squeeze %dma_wait3A_142 : memref<1x3x128xi32, #tpu.memory_space<hbm>> -> memref<3x128xi32, #tpu.memory_space<hbm>>
      tpu.wait_dma2 semaphore(%arg14 : memref<!tpu.dma_semaphore, #tpu.memory_space<semaphore_mem>>) src(%dma_wait3A_143 : memref<3x128xi32, #tpu.memory_space<hbm>>) dst(%arg10 : memref<3x128xi32, #tpu.memory_space<vmem>>)
      %dma_start3A_144 = arith.constant 0 : i32
      %dma_start3A_145 = arith.constant 3 : i32
      %dma_start3A_146 = arith.constant 0 : i32
      %dma_start3A_147 = arith.constant 0 : i32
      %dma_start3A_148 = tpu.memref_slice %arg11[%dma_start3A_145, %dma_start3A_146, %dma_start3A_147] : memref<6x128x32xf32, #tpu.memory_space<vmem>> -> memref<1x128x32xf32, #tpu.memory_space<vmem>>
      %dma_start3A_149 = tpu.memref_squeeze %dma_start3A_148 : memref<1x128x32xf32, #tpu.memory_space<vmem>> -> memref<128x32xf32, #tpu.memory_space<vmem>>
      %dma_start3A_150 = arith.constant 0 : i32
      %dma_start3A_151 = tpu.memref_slice %arg9[%dma_start3A_144, %dma_start3A_150] : memref<3x128xi32, #tpu.memory_space<vmem>> -> memref<1x128xi32, #tpu.memory_space<vmem>>
      %dma_start3A_152 = tpu.memref_squeeze %dma_start3A_151 : memref<1x128xi32, #tpu.memory_space<vmem>> -> memref<128xi32, #tpu.memory_space<vmem>>
      %dma_start3A_153 = arith.constant 0 : i32
      %dma_start3A_154 = arith.constant 0 : i32
      %dma_start3A_155 = tpu.memref_slice %arg4[%dma_start3A_153, %dma_start3A_154] : memref<50000x32xf32, #tpu.memory_space<hbm>> -> memref<50000x32xf32, #tpu.memory_space<hbm>>
      tpu.enqueue_indirect_dma source(%dma_start3A_155 : memref<50000x32xf32, #tpu.memory_space<hbm>>) target(%dma_start3A_149 : memref<128x32xf32, #tpu.memory_space<vmem>>) offsets(%dma_start3A_152 : memref<128xi32, #tpu.memory_space<vmem>>) semaphore(%arg16 : memref<!tpu.dma_semaphore, #tpu.memory_space<semaphore_mem>>)
      %dma_start3A_156 = arith.constant 1 : i32
      %dma_start3A_157 = arith.constant 4 : i32
      %dma_start3A_158 = arith.constant 0 : i32
      %dma_start3A_159 = arith.constant 0 : i32
      %dma_start3A_160 = tpu.memref_slice %arg11[%dma_start3A_157, %dma_start3A_158, %dma_start3A_159] : memref<6x128x32xf32, #tpu.memory_space<vmem>> -> memref<1x128x32xf32, #tpu.memory_space<vmem>>
      %dma_start3A_161 = tpu.memref_squeeze %dma_start3A_160 : memref<1x128x32xf32, #tpu.memory_space<vmem>> -> memref<128x32xf32, #tpu.memory_space<vmem>>
      %dma_start3A_162 = arith.constant 0 : i32
      %dma_start3A_163 = tpu.memref_slice %arg9[%dma_start3A_156, %dma_start3A_162] : memref<3x128xi32, #tpu.memory_space<vmem>> -> memref<1x128xi32, #tpu.memory_space<vmem>>
      %dma_start3A_164 = tpu.memref_squeeze %dma_start3A_163 : memref<1x128xi32, #tpu.memory_space<vmem>> -> memref<128xi32, #tpu.memory_space<vmem>>
      %dma_start3A_165 = arith.constant 0 : i32
      %dma_start3A_166 = arith.constant 0 : i32
      %dma_start3A_167 = tpu.memref_slice %arg4[%dma_start3A_165, %dma_start3A_166] : memref<50000x32xf32, #tpu.memory_space<hbm>> -> memref<50000x32xf32, #tpu.memory_space<hbm>>
      tpu.enqueue_indirect_dma source(%dma_start3A_167 : memref<50000x32xf32, #tpu.memory_space<hbm>>) target(%dma_start3A_161 : memref<128x32xf32, #tpu.memory_space<vmem>>) offsets(%dma_start3A_164 : memref<128xi32, #tpu.memory_space<vmem>>) semaphore(%arg16 : memref<!tpu.dma_semaphore, #tpu.memory_space<semaphore_mem>>)
      %dma_start3A_168 = arith.constant 2 : i32
      %dma_start3A_169 = arith.constant 5 : i32
      %dma_start3A_170 = arith.constant 0 : i32
      %dma_start3A_171 = arith.constant 0 : i32
      %dma_start3A_172 = tpu.memref_slice %arg11[%dma_start3A_169, %dma_start3A_170, %dma_start3A_171] : memref<6x128x32xf32, #tpu.memory_space<vmem>> -> memref<1x128x32xf32, #tpu.memory_space<vmem>>
      %dma_start3A_173 = tpu.memref_squeeze %dma_start3A_172 : memref<1x128x32xf32, #tpu.memory_space<vmem>> -> memref<128x32xf32, #tpu.memory_space<vmem>>
      %dma_start3A_174 = arith.constant 0 : i32
      %dma_start3A_175 = tpu.memref_slice %arg9[%dma_start3A_168, %dma_start3A_174] : memref<3x128xi32, #tpu.memory_space<vmem>> -> memref<1x128xi32, #tpu.memory_space<vmem>>
      %dma_start3A_176 = tpu.memref_squeeze %dma_start3A_175 : memref<1x128xi32, #tpu.memory_space<vmem>> -> memref<128xi32, #tpu.memory_space<vmem>>
      %dma_start3A_177 = arith.constant 0 : i32
      %dma_start3A_178 = arith.constant 0 : i32
      %dma_start3A_179 = tpu.memref_slice %arg4[%dma_start3A_177, %dma_start3A_178] : memref<50000x32xf32, #tpu.memory_space<hbm>> -> memref<50000x32xf32, #tpu.memory_space<hbm>>
      tpu.enqueue_indirect_dma source(%dma_start3A_179 : memref<50000x32xf32, #tpu.memory_space<hbm>>) target(%dma_start3A_173 : memref<128x32xf32, #tpu.memory_space<vmem>>) offsets(%dma_start3A_176 : memref<128xi32, #tpu.memory_space<vmem>>) semaphore(%arg16 : memref<!tpu.dma_semaphore, #tpu.memory_space<semaphore_mem>>)
      %dma_wait3A_180 = arith.constant 0 : i32
      %dma_wait3A_181 = arith.constant 0 : i32
      %dma_wait3A_182 = arith.constant 0 : i32
      %dma_wait3A_183 = arith.constant 0 : i32
      %dma_wait3A_184 = tpu.memref_slice %arg11[%dma_wait3A_181, %dma_wait3A_182, %dma_wait3A_183] : memref<6x128x32xf32, #tpu.memory_space<vmem>> -> memref<1x128x32xf32, #tpu.memory_space<vmem>>
      %dma_wait3A_185 = tpu.memref_squeeze %dma_wait3A_184 : memref<1x128x32xf32, #tpu.memory_space<vmem>> -> memref<128x32xf32, #tpu.memory_space<vmem>>
      %dma_wait3A_186 = arith.constant 0 : i32
      %dma_wait3A_187 = tpu.memref_slice %arg7[%dma_wait3A_180, %dma_wait3A_186] : memref<3x128xi32, #tpu.memory_space<vmem>> -> memref<1x128xi32, #tpu.memory_space<vmem>>
      %dma_wait3A_188 = tpu.memref_squeeze %dma_wait3A_187 : memref<1x128xi32, #tpu.memory_space<vmem>> -> memref<128xi32, #tpu.memory_space<vmem>>
      %dma_wait3A_189 = arith.constant 0 : i32
      %dma_wait3A_190 = arith.constant 0 : i32
      %dma_wait3A_191 = tpu.memref_slice %arg4[%dma_wait3A_189, %dma_wait3A_190] : memref<50000x32xf32, #tpu.memory_space<hbm>> -> memref<50000x32xf32, #tpu.memory_space<hbm>>
      tpu.wait_indirect_dma semaphore(%arg15 : memref<!tpu.dma_semaphore, #tpu.memory_space<semaphore_mem>>) src(%dma_wait3A_191 : memref<50000x32xf32, #tpu.memory_space<hbm>>) dst(%dma_wait3A_185 : memref<128x32xf32, #tpu.memory_space<vmem>>)
      %dma_wait3A_192 = arith.constant 1 : i32
      %dma_wait3A_193 = arith.constant 1 : i32
      %dma_wait3A_194 = arith.constant 0 : i32
      %dma_wait3A_195 = arith.constant 0 : i32
      %dma_wait3A_196 = tpu.memref_slice %arg11[%dma_wait3A_193, %dma_wait3A_194, %dma_wait3A_195] : memref<6x128x32xf32, #tpu.memory_space<vmem>> -> memref<1x128x32xf32, #tpu.memory_space<vmem>>
      %dma_wait3A_197 = tpu.memref_squeeze %dma_wait3A_196 : memref<1x128x32xf32, #tpu.memory_space<vmem>> -> memref<128x32xf32, #tpu.memory_space<vmem>>
      %dma_wait3A_198 = arith.constant 0 : i32
      %dma_wait3A_199 = tpu.memref_slice %arg7[%dma_wait3A_192, %dma_wait3A_198] : memref<3x128xi32, #tpu.memory_space<vmem>> -> memref<1x128xi32, #tpu.memory_space<vmem>>
      %dma_wait3A_200 = tpu.memref_squeeze %dma_wait3A_199 : memref<1x128xi32, #tpu.memory_space<vmem>> -> memref<128xi32, #tpu.memory_space<vmem>>
      %dma_wait3A_201 = arith.constant 0 : i32
      %dma_wait3A_202 = arith.constant 0 : i32
      %dma_wait3A_203 = tpu.memref_slice %arg4[%dma_wait3A_201, %dma_wait3A_202] : memref<50000x32xf32, #tpu.memory_space<hbm>> -> memref<50000x32xf32, #tpu.memory_space<hbm>>
      tpu.wait_indirect_dma semaphore(%arg15 : memref<!tpu.dma_semaphore, #tpu.memory_space<semaphore_mem>>) src(%dma_wait3A_203 : memref<50000x32xf32, #tpu.memory_space<hbm>>) dst(%dma_wait3A_197 : memref<128x32xf32, #tpu.memory_space<vmem>>)
      %dma_wait3A_204 = arith.constant 2 : i32
      %dma_wait3A_205 = arith.constant 2 : i32
      %dma_wait3A_206 = arith.constant 0 : i32
      %dma_wait3A_207 = arith.constant 0 : i32
      %dma_wait3A_208 = tpu.memref_slice %arg11[%dma_wait3A_205, %dma_wait3A_206, %dma_wait3A_207] : memref<6x128x32xf32, #tpu.memory_space<vmem>> -> memref<1x128x32xf32, #tpu.memory_space<vmem>>
      %dma_wait3A_209 = tpu.memref_squeeze %dma_wait3A_208 : memref<1x128x32xf32, #tpu.memory_space<vmem>> -> memref<128x32xf32, #tpu.memory_space<vmem>>
      %dma_wait3A_210 = arith.constant 0 : i32
      %dma_wait3A_211 = tpu.memref_slice %arg7[%dma_wait3A_204, %dma_wait3A_210] : memref<3x128xi32, #tpu.memory_space<vmem>> -> memref<1x128xi32, #tpu.memory_space<vmem>>
      %dma_wait3A_212 = tpu.memref_squeeze %dma_wait3A_211 : memref<1x128xi32, #tpu.memory_space<vmem>> -> memref<128xi32, #tpu.memory_space<vmem>>
      %dma_wait3A_213 = arith.constant 0 : i32
      %dma_wait3A_214 = arith.constant 0 : i32
      %dma_wait3A_215 = tpu.memref_slice %arg4[%dma_wait3A_213, %dma_wait3A_214] : memref<50000x32xf32, #tpu.memory_space<hbm>> -> memref<50000x32xf32, #tpu.memory_space<hbm>>
      tpu.wait_indirect_dma semaphore(%arg15 : memref<!tpu.dma_semaphore, #tpu.memory_space<semaphore_mem>>) src(%dma_wait3A_215 : memref<50000x32xf32, #tpu.memory_space<hbm>>) dst(%dma_wait3A_209 : memref<128x32xf32, #tpu.memory_space<vmem>>)
      %dma_start3A_216 = arith.constant 0 : i32
      %dma_start3A_217 = arith.constant 0 : i32
      %dma_start3A_218 = arith.constant 0 : i32
      %dma_start3A_219 = arith.constant 0 : i32
      %dma_start3A_220 = tpu.memref_slice %arg11[%dma_start3A_216, %dma_start3A_218, %dma_start3A_219] : memref<6x128x32xf32, #tpu.memory_space<vmem>> -> memref<1x128x32xf32, #tpu.memory_space<vmem>>
      %dma_start3A_221 = tpu.memref_squeeze %dma_start3A_220 : memref<1x128x32xf32, #tpu.memory_space<vmem>> -> memref<128x32xf32, #tpu.memory_space<vmem>>
      %dma_start3A_222 = arith.constant 0 : i32
      %dma_start3A_223 = tpu.memref_slice %arg8[%dma_start3A_217, %dma_start3A_222] : memref<3x128xi32, #tpu.memory_space<vmem>> -> memref<1x128xi32, #tpu.memory_space<vmem>>
      %dma_start3A_224 = tpu.memref_squeeze %dma_start3A_223 : memref<1x128xi32, #tpu.memory_space<vmem>> -> memref<128xi32, #tpu.memory_space<vmem>>
      %dma_start3A_225 = arith.constant 0 : i32
      %dma_start3A_226 = arith.constant 0 : i32
      %dma_start3A_227 = tpu.memref_slice %arg12[%dma_start3A_225, %dma_start3A_226] : memref<50016x32xf32, #tpu.memory_space<vmem_shared>> -> memref<50016x32xf32, #tpu.memory_space<vmem_shared>>
      tpu.enqueue_indirect_dma source(%dma_start3A_221 : memref<128x32xf32, #tpu.memory_space<vmem>>) target(%dma_start3A_227 : memref<50016x32xf32, #tpu.memory_space<vmem_shared>>) offsets(%dma_start3A_224 : memref<128xi32, #tpu.memory_space<vmem>>) semaphore(%arg17 : memref<!tpu.dma_semaphore, #tpu.memory_space<semaphore_mem>>) {add = true}
      %dma_start3A_228 = arith.constant 1 : i32
      %dma_start3A_229 = arith.constant 1 : i32
      %dma_start3A_230 = arith.constant 0 : i32
      %dma_start3A_231 = arith.constant 0 : i32
      %dma_start3A_232 = tpu.memref_slice %arg11[%dma_start3A_228, %dma_start3A_230, %dma_start3A_231] : memref<6x128x32xf32, #tpu.memory_space<vmem>> -> memref<1x128x32xf32, #tpu.memory_space<vmem>>
      %dma_start3A_233 = tpu.memref_squeeze %dma_start3A_232 : memref<1x128x32xf32, #tpu.memory_space<vmem>> -> memref<128x32xf32, #tpu.memory_space<vmem>>
      %dma_start3A_234 = arith.constant 0 : i32
      %dma_start3A_235 = tpu.memref_slice %arg8[%dma_start3A_229, %dma_start3A_234] : memref<3x128xi32, #tpu.memory_space<vmem>> -> memref<1x128xi32, #tpu.memory_space<vmem>>
      %dma_start3A_236 = tpu.memref_squeeze %dma_start3A_235 : memref<1x128xi32, #tpu.memory_space<vmem>> -> memref<128xi32, #tpu.memory_space<vmem>>
      %dma_start3A_237 = arith.constant 0 : i32
      %dma_start3A_238 = arith.constant 0 : i32
      %dma_start3A_239 = tpu.memref_slice %arg12[%dma_start3A_237, %dma_start3A_238] : memref<50016x32xf32, #tpu.memory_space<vmem_shared>> -> memref<50016x32xf32, #tpu.memory_space<vmem_shared>>
      tpu.enqueue_indirect_dma source(%dma_start3A_233 : memref<128x32xf32, #tpu.memory_space<vmem>>) target(%dma_start3A_239 : memref<50016x32xf32, #tpu.memory_space<vmem_shared>>) offsets(%dma_start3A_236 : memref<128xi32, #tpu.memory_space<vmem>>) semaphore(%arg17 : memref<!tpu.dma_semaphore, #tpu.memory_space<semaphore_mem>>) {add = true}
      %dma_start3A_240 = arith.constant 2 : i32
      %dma_start3A_241 = arith.constant 2 : i32
      %dma_start3A_242 = arith.constant 0 : i32
      %dma_start3A_243 = arith.constant 0 : i32
      %dma_start3A_244 = tpu.memref_slice %arg11[%dma_start3A_240, %dma_start3A_242, %dma_start3A_243] : memref<6x128x32xf32, #tpu.memory_space<vmem>> -> memref<1x128x32xf32, #tpu.memory_space<vmem>>
      %dma_start3A_245 = tpu.memref_squeeze %dma_start3A_244 : memref<1x128x32xf32, #tpu.memory_space<vmem>> -> memref<128x32xf32, #tpu.memory_space<vmem>>
      %dma_start3A_246 = arith.constant 0 : i32
      %dma_start3A_247 = tpu.memref_slice %arg8[%dma_start3A_241, %dma_start3A_246] : memref<3x128xi32, #tpu.memory_space<vmem>> -> memref<1x128xi32, #tpu.memory_space<vmem>>
      %dma_start3A_248 = tpu.memref_squeeze %dma_start3A_247 : memref<1x128xi32, #tpu.memory_space<vmem>> -> memref<128xi32, #tpu.memory_space<vmem>>
      %dma_start3A_249 = arith.constant 0 : i32
      %dma_start3A_250 = arith.constant 0 : i32
      %dma_start3A_251 = tpu.memref_slice %arg12[%dma_start3A_249, %dma_start3A_250] : memref<50016x32xf32, #tpu.memory_space<vmem_shared>> -> memref<50016x32xf32, #tpu.memory_space<vmem_shared>>
      tpu.enqueue_indirect_dma source(%dma_start3A_245 : memref<128x32xf32, #tpu.memory_space<vmem>>) target(%dma_start3A_251 : memref<50016x32xf32, #tpu.memory_space<vmem_shared>>) offsets(%dma_start3A_248 : memref<128xi32, #tpu.memory_space<vmem>>) semaphore(%arg17 : memref<!tpu.dma_semaphore, #tpu.memory_space<semaphore_mem>>) {add = true}
      %dma_wait3A_252 = arith.constant 0 : i32
      %dma_wait3A_253 = arith.constant 0 : i32
      %dma_wait3A_254 = arith.constant 0 : i32
      %dma_wait3A_255 = arith.constant 0 : i32
      %dma_wait3A_256 = tpu.memref_slice %arg11[%dma_wait3A_252, %dma_wait3A_254, %dma_wait3A_255] : memref<6x128x32xf32, #tpu.memory_space<vmem>> -> memref<1x128x32xf32, #tpu.memory_space<vmem>>
      %dma_wait3A_257 = tpu.memref_squeeze %dma_wait3A_256 : memref<1x128x32xf32, #tpu.memory_space<vmem>> -> memref<128x32xf32, #tpu.memory_space<vmem>>
      %dma_wait3A_258 = arith.constant 0 : i32
      %dma_wait3A_259 = tpu.memref_slice %arg8[%dma_wait3A_253, %dma_wait3A_258] : memref<3x128xi32, #tpu.memory_space<vmem>> -> memref<1x128xi32, #tpu.memory_space<vmem>>
      %dma_wait3A_260 = tpu.memref_squeeze %dma_wait3A_259 : memref<1x128xi32, #tpu.memory_space<vmem>> -> memref<128xi32, #tpu.memory_space<vmem>>
      %dma_wait3A_261 = arith.constant 0 : i32
      %dma_wait3A_262 = arith.constant 0 : i32
      %dma_wait3A_263 = tpu.memref_slice %arg12[%dma_wait3A_261, %dma_wait3A_262] : memref<50016x32xf32, #tpu.memory_space<vmem_shared>> -> memref<50016x32xf32, #tpu.memory_space<vmem_shared>>
      tpu.wait_indirect_dma semaphore(%arg17 : memref<!tpu.dma_semaphore, #tpu.memory_space<semaphore_mem>>) src(%dma_wait3A_257 : memref<128x32xf32, #tpu.memory_space<vmem>>) dst(%dma_wait3A_263 : memref<50016x32xf32, #tpu.memory_space<vmem_shared>>)
      %dma_wait3A_264 = arith.constant 1 : i32
      %dma_wait3A_265 = arith.constant 1 : i32
      %dma_wait3A_266 = arith.constant 0 : i32
      %dma_wait3A_267 = arith.constant 0 : i32
      %dma_wait3A_268 = tpu.memref_slice %arg11[%dma_wait3A_264, %dma_wait3A_266, %dma_wait3A_267] : memref<6x128x32xf32, #tpu.memory_space<vmem>> -> memref<1x128x32xf32, #tpu.memory_space<vmem>>
      %dma_wait3A_269 = tpu.memref_squeeze %dma_wait3A_268 : memref<1x128x32xf32, #tpu.memory_space<vmem>> -> memref<128x32xf32, #tpu.memory_space<vmem>>
      %dma_wait3A_270 = arith.constant 0 : i32
      %dma_wait3A_271 = tpu.memref_slice %arg8[%dma_wait3A_265, %dma_wait3A_270] : memref<3x128xi32, #tpu.memory_space<vmem>> -> memref<1x128xi32, #tpu.memory_space<vmem>>
      %dma_wait3A_272 = tpu.memref_squeeze %dma_wait3A_271 : memref<1x128xi32, #tpu.memory_space<vmem>> -> memref<128xi32, #tpu.memory_space<vmem>>
      %dma_wait3A_273 = arith.constant 0 : i32
      %dma_wait3A_274 = arith.constant 0 : i32
      %dma_wait3A_275 = tpu.memref_slice %arg12[%dma_wait3A_273, %dma_wait3A_274] : memref<50016x32xf32, #tpu.memory_space<vmem_shared>> -> memref<50016x32xf32, #tpu.memory_space<vmem_shared>>
      tpu.wait_indirect_dma semaphore(%arg17 : memref<!tpu.dma_semaphore, #tpu.memory_space<semaphore_mem>>) src(%dma_wait3A_269 : memref<128x32xf32, #tpu.memory_space<vmem>>) dst(%dma_wait3A_275 : memref<50016x32xf32, #tpu.memory_space<vmem_shared>>)
      %dma_wait3A_276 = arith.constant 2 : i32
      %dma_wait3A_277 = arith.constant 2 : i32
      %dma_wait3A_278 = arith.constant 0 : i32
      %dma_wait3A_279 = arith.constant 0 : i32
      %dma_wait3A_280 = tpu.memref_slice %arg11[%dma_wait3A_276, %dma_wait3A_278, %dma_wait3A_279] : memref<6x128x32xf32, #tpu.memory_space<vmem>> -> memref<1x128x32xf32, #tpu.memory_space<vmem>>
      %dma_wait3A_281 = tpu.memref_squeeze %dma_wait3A_280 : memref<1x128x32xf32, #tpu.memory_space<vmem>> -> memref<128x32xf32, #tpu.memory_space<vmem>>
      %dma_wait3A_282 = arith.constant 0 : i32
      %dma_wait3A_283 = tpu.memref_slice %arg8[%dma_wait3A_277, %dma_wait3A_282] : memref<3x128xi32, #tpu.memory_space<vmem>> -> memref<1x128xi32, #tpu.memory_space<vmem>>
      %dma_wait3A_284 = tpu.memref_squeeze %dma_wait3A_283 : memref<1x128xi32, #tpu.memory_space<vmem>> -> memref<128xi32, #tpu.memory_space<vmem>>
      %dma_wait3A_285 = arith.constant 0 : i32
      %dma_wait3A_286 = arith.constant 0 : i32
      %dma_wait3A_287 = tpu.memref_slice %arg12[%dma_wait3A_285, %dma_wait3A_286] : memref<50016x32xf32, #tpu.memory_space<vmem_shared>> -> memref<50016x32xf32, #tpu.memory_space<vmem_shared>>
      tpu.wait_indirect_dma semaphore(%arg17 : memref<!tpu.dma_semaphore, #tpu.memory_space<semaphore_mem>>) src(%dma_wait3A_281 : memref<128x32xf32, #tpu.memory_space<vmem>>) dst(%dma_wait3A_287 : memref<50016x32xf32, #tpu.memory_space<vmem_shared>>)
      %add3A_288 = arith.constant 2 : i32
      %add3A_289 = arith.addi %mul3A_123, %add3A_288 : i32
      %lt3A = arith.cmpi slt, %add3A_289, %select_n3A_6 : i32
      %convert_element_type3A = arith.extui %lt3A : i1 to i32
      %cond3A = arith.constant 0 : i32
      %cond3A_290 = arith.cmpi ne, %convert_element_type3A, %cond3A : i32
      scf.if %cond3A_290 {
        %add3A_405 = arith.constant 2 : i32
        %add3A_406 = arith.addi %mul3A_123, %add3A_405 : i32
        %mul3A_407 = arith.constant 3 : i32
        %mul3A_408 = arith.muli %add3A_406, %mul3A_407 : i32
        %add3A_409 = arith.addi %select_n3A, %mul3A_408 : i32
        %dma_start3A_410 = arith.constant 0 : i32
        %dma_start3A_411 = tpu.memref_slice %arg2[%arg1, %add3A_409, %dma_start3A_410] : memref<16x396x128xi32, #tpu.memory_space<hbm>> -> memref<1x3x128xi32, #tpu.memory_space<hbm>>
        %dma_start3A_412 = tpu.memref_squeeze %dma_start3A_411 : memref<1x3x128xi32, #tpu.memory_space<hbm>> -> memref<3x128xi32, #tpu.memory_space<hbm>>
        %dma_start3A_413 = arith.constant 0 : i32
        %dma_start3A_414 = tpu.memref_slice %arg2[%arg1, %add3A_409, %dma_start3A_413] : memref<16x396x128xi32, #tpu.memory_space<hbm>> -> memref<1x3x128xi32, #tpu.memory_space<hbm>>
        %dma_start3A_415 = tpu.memref_squeeze %dma_start3A_414 : memref<1x3x128xi32, #tpu.memory_space<hbm>> -> memref<3x128xi32, #tpu.memory_space<hbm>>
        tpu.enqueue_dma source(%dma_start3A_415 : memref<3x128xi32, #tpu.memory_space<hbm>>) target(%arg7 : memref<3x128xi32, #tpu.memory_space<vmem>>) target_semaphore(%arg13 : memref<!tpu.dma_semaphore, #tpu.memory_space<semaphore_mem>>)
        %mul3A_416 = arith.constant 3 : i32
        %mul3A_417 = arith.muli %add3A_406, %mul3A_416 : i32
        %add3A_418 = arith.addi %select_n3A, %mul3A_417 : i32
        %dma_start3A_419 = arith.constant 0 : i32
        %dma_start3A_420 = tpu.memref_slice %arg3[%arg1, %add3A_418, %dma_start3A_419] : memref<16x396x128xi32, #tpu.memory_space<hbm>> -> memref<1x3x128xi32, #tpu.memory_space<hbm>>
        %dma_start3A_421 = tpu.memref_squeeze %dma_start3A_420 : memref<1x3x128xi32, #tpu.memory_space<hbm>> -> memref<3x128xi32, #tpu.memory_space<hbm>>
        %dma_start3A_422 = arith.constant 0 : i32
        %dma_start3A_423 = tpu.memref_slice %arg3[%arg1, %add3A_418, %dma_start3A_422] : memref<16x396x128xi32, #tpu.memory_space<hbm>> -> memref<1x3x128xi32, #tpu.memory_space<hbm>>
        %dma_start3A_424 = tpu.memref_squeeze %dma_start3A_423 : memref<1x3x128xi32, #tpu.memory_space<hbm>> -> memref<3x128xi32, #tpu.memory_space<hbm>>
        tpu.enqueue_dma source(%dma_start3A_424 : memref<3x128xi32, #tpu.memory_space<hbm>>) target(%arg8 : memref<3x128xi32, #tpu.memory_space<vmem>>) target_semaphore(%arg13 : memref<!tpu.dma_semaphore, #tpu.memory_space<semaphore_mem>>)
      } else {
      }
      %dma_wait3A_291 = arith.constant 0 : i32
      %dma_wait3A_292 = arith.constant 3 : i32
      %dma_wait3A_293 = arith.constant 0 : i32
      %dma_wait3A_294 = arith.constant 0 : i32
      %dma_wait3A_295 = tpu.memref_slice %arg11[%dma_wait3A_292, %dma_wait3A_293, %dma_wait3A_294] : memref<6x128x32xf32, #tpu.memory_space<vmem>> -> memref<1x128x32xf32, #tpu.memory_space<vmem>>
      %dma_wait3A_296 = tpu.memref_squeeze %dma_wait3A_295 : memref<1x128x32xf32, #tpu.memory_space<vmem>> -> memref<128x32xf32, #tpu.memory_space<vmem>>
      %dma_wait3A_297 = arith.constant 0 : i32
      %dma_wait3A_298 = tpu.memref_slice %arg9[%dma_wait3A_291, %dma_wait3A_297] : memref<3x128xi32, #tpu.memory_space<vmem>> -> memref<1x128xi32, #tpu.memory_space<vmem>>
      %dma_wait3A_299 = tpu.memref_squeeze %dma_wait3A_298 : memref<1x128xi32, #tpu.memory_space<vmem>> -> memref<128xi32, #tpu.memory_space<vmem>>
      %dma_wait3A_300 = arith.constant 0 : i32
      %dma_wait3A_301 = arith.constant 0 : i32
      %dma_wait3A_302 = tpu.memref_slice %arg4[%dma_wait3A_300, %dma_wait3A_301] : memref<50000x32xf32, #tpu.memory_space<hbm>> -> memref<50000x32xf32, #tpu.memory_space<hbm>>
      tpu.wait_indirect_dma semaphore(%arg16 : memref<!tpu.dma_semaphore, #tpu.memory_space<semaphore_mem>>) src(%dma_wait3A_302 : memref<50000x32xf32, #tpu.memory_space<hbm>>) dst(%dma_wait3A_296 : memref<128x32xf32, #tpu.memory_space<vmem>>)
      %dma_wait3A_303 = arith.constant 1 : i32
      %dma_wait3A_304 = arith.constant 4 : i32
      %dma_wait3A_305 = arith.constant 0 : i32
      %dma_wait3A_306 = arith.constant 0 : i32
      %dma_wait3A_307 = tpu.memref_slice %arg11[%dma_wait3A_304, %dma_wait3A_305, %dma_wait3A_306] : memref<6x128x32xf32, #tpu.memory_space<vmem>> -> memref<1x128x32xf32, #tpu.memory_space<vmem>>
      %dma_wait3A_308 = tpu.memref_squeeze %dma_wait3A_307 : memref<1x128x32xf32, #tpu.memory_space<vmem>> -> memref<128x32xf32, #tpu.memory_space<vmem>>
      %dma_wait3A_309 = arith.constant 0 : i32
      %dma_wait3A_310 = tpu.memref_slice %arg9[%dma_wait3A_303, %dma_wait3A_309] : memref<3x128xi32, #tpu.memory_space<vmem>> -> memref<1x128xi32, #tpu.memory_space<vmem>>
      %dma_wait3A_311 = tpu.memref_squeeze %dma_wait3A_310 : memref<1x128xi32, #tpu.memory_space<vmem>> -> memref<128xi32, #tpu.memory_space<vmem>>
      %dma_wait3A_312 = arith.constant 0 : i32
      %dma_wait3A_313 = arith.constant 0 : i32
      %dma_wait3A_314 = tpu.memref_slice %arg4[%dma_wait3A_312, %dma_wait3A_313] : memref<50000x32xf32, #tpu.memory_space<hbm>> -> memref<50000x32xf32, #tpu.memory_space<hbm>>
      tpu.wait_indirect_dma semaphore(%arg16 : memref<!tpu.dma_semaphore, #tpu.memory_space<semaphore_mem>>) src(%dma_wait3A_314 : memref<50000x32xf32, #tpu.memory_space<hbm>>) dst(%dma_wait3A_308 : memref<128x32xf32, #tpu.memory_space<vmem>>)
      %dma_wait3A_315 = arith.constant 2 : i32
      %dma_wait3A_316 = arith.constant 5 : i32
      %dma_wait3A_317 = arith.constant 0 : i32
      %dma_wait3A_318 = arith.constant 0 : i32
      %dma_wait3A_319 = tpu.memref_slice %arg11[%dma_wait3A_316, %dma_wait3A_317, %dma_wait3A_318] : memref<6x128x32xf32, #tpu.memory_space<vmem>> -> memref<1x128x32xf32, #tpu.memory_space<vmem>>
      %dma_wait3A_320 = tpu.memref_squeeze %dma_wait3A_319 : memref<1x128x32xf32, #tpu.memory_space<vmem>> -> memref<128x32xf32, #tpu.memory_space<vmem>>
      %dma_wait3A_321 = arith.constant 0 : i32
      %dma_wait3A_322 = tpu.memref_slice %arg9[%dma_wait3A_315, %dma_wait3A_321] : memref<3x128xi32, #tpu.memory_space<vmem>> -> memref<1x128xi32, #tpu.memory_space<vmem>>
      %dma_wait3A_323 = tpu.memref_squeeze %dma_wait3A_322 : memref<1x128xi32, #tpu.memory_space<vmem>> -> memref<128xi32, #tpu.memory_space<vmem>>
      %dma_wait3A_324 = arith.constant 0 : i32
      %dma_wait3A_325 = arith.constant 0 : i32
      %dma_wait3A_326 = tpu.memref_slice %arg4[%dma_wait3A_324, %dma_wait3A_325] : memref<50000x32xf32, #tpu.memory_space<hbm>> -> memref<50000x32xf32, #tpu.memory_space<hbm>>
      tpu.wait_indirect_dma semaphore(%arg16 : memref<!tpu.dma_semaphore, #tpu.memory_space<semaphore_mem>>) src(%dma_wait3A_326 : memref<50000x32xf32, #tpu.memory_space<hbm>>) dst(%dma_wait3A_320 : memref<128x32xf32, #tpu.memory_space<vmem>>)
      %dma_start3A_327 = arith.constant 3 : i32
      %dma_start3A_328 = arith.constant 0 : i32
      %dma_start3A_329 = arith.constant 0 : i32
      %dma_start3A_330 = arith.constant 0 : i32
      %dma_start3A_331 = tpu.memref_slice %arg11[%dma_start3A_327, %dma_start3A_329, %dma_start3A_330] : memref<6x128x32xf32, #tpu.memory_space<vmem>> -> memref<1x128x32xf32, #tpu.memory_space<vmem>>
      %dma_start3A_332 = tpu.memref_squeeze %dma_start3A_331 : memref<1x128x32xf32, #tpu.memory_space<vmem>> -> memref<128x32xf32, #tpu.memory_space<vmem>>
      %dma_start3A_333 = arith.constant 0 : i32
      %dma_start3A_334 = tpu.memref_slice %arg10[%dma_start3A_328, %dma_start3A_333] : memref<3x128xi32, #tpu.memory_space<vmem>> -> memref<1x128xi32, #tpu.memory_space<vmem>>
      %dma_start3A_335 = tpu.memref_squeeze %dma_start3A_334 : memref<1x128xi32, #tpu.memory_space<vmem>> -> memref<128xi32, #tpu.memory_space<vmem>>
      %dma_start3A_336 = arith.constant 0 : i32
      %dma_start3A_337 = arith.constant 0 : i32
      %dma_start3A_338 = tpu.memref_slice %arg12[%dma_start3A_336, %dma_start3A_337] : memref<50016x32xf32, #tpu.memory_space<vmem_shared>> -> memref<50016x32xf32, #tpu.memory_space<vmem_shared>>
      tpu.enqueue_indirect_dma source(%dma_start3A_332 : memref<128x32xf32, #tpu.memory_space<vmem>>) target(%dma_start3A_338 : memref<50016x32xf32, #tpu.memory_space<vmem_shared>>) offsets(%dma_start3A_335 : memref<128xi32, #tpu.memory_space<vmem>>) semaphore(%arg18 : memref<!tpu.dma_semaphore, #tpu.memory_space<semaphore_mem>>) {add = true}
      %dma_start3A_339 = arith.constant 4 : i32
      %dma_start3A_340 = arith.constant 1 : i32
      %dma_start3A_341 = arith.constant 0 : i32
      %dma_start3A_342 = arith.constant 0 : i32
      %dma_start3A_343 = tpu.memref_slice %arg11[%dma_start3A_339, %dma_start3A_341, %dma_start3A_342] : memref<6x128x32xf32, #tpu.memory_space<vmem>> -> memref<1x128x32xf32, #tpu.memory_space<vmem>>
      %dma_start3A_344 = tpu.memref_squeeze %dma_start3A_343 : memref<1x128x32xf32, #tpu.memory_space<vmem>> -> memref<128x32xf32, #tpu.memory_space<vmem>>
      %dma_start3A_345 = arith.constant 0 : i32
      %dma_start3A_346 = tpu.memref_slice %arg10[%dma_start3A_340, %dma_start3A_345] : memref<3x128xi32, #tpu.memory_space<vmem>> -> memref<1x128xi32, #tpu.memory_space<vmem>>
      %dma_start3A_347 = tpu.memref_squeeze %dma_start3A_346 : memref<1x128xi32, #tpu.memory_space<vmem>> -> memref<128xi32, #tpu.memory_space<vmem>>
      %dma_start3A_348 = arith.constant 0 : i32
      %dma_start3A_349 = arith.constant 0 : i32
      %dma_start3A_350 = tpu.memref_slice %arg12[%dma_start3A_348, %dma_start3A_349] : memref<50016x32xf32, #tpu.memory_space<vmem_shared>> -> memref<50016x32xf32, #tpu.memory_space<vmem_shared>>
      tpu.enqueue_indirect_dma source(%dma_start3A_344 : memref<128x32xf32, #tpu.memory_space<vmem>>) target(%dma_start3A_350 : memref<50016x32xf32, #tpu.memory_space<vmem_shared>>) offsets(%dma_start3A_347 : memref<128xi32, #tpu.memory_space<vmem>>) semaphore(%arg18 : memref<!tpu.dma_semaphore, #tpu.memory_space<semaphore_mem>>) {add = true}
      %dma_start3A_351 = arith.constant 5 : i32
      %dma_start3A_352 = arith.constant 2 : i32
      %dma_start3A_353 = arith.constant 0 : i32
      %dma_start3A_354 = arith.constant 0 : i32
      %dma_start3A_355 = tpu.memref_slice %arg11[%dma_start3A_351, %dma_start3A_353, %dma_start3A_354] : memref<6x128x32xf32, #tpu.memory_space<vmem>> -> memref<1x128x32xf32, #tpu.memory_space<vmem>>
      %dma_start3A_356 = tpu.memref_squeeze %dma_start3A_355 : memref<1x128x32xf32, #tpu.memory_space<vmem>> -> memref<128x32xf32, #tpu.memory_space<vmem>>
      %dma_start3A_357 = arith.constant 0 : i32
      %dma_start3A_358 = tpu.memref_slice %arg10[%dma_start3A_352, %dma_start3A_357] : memref<3x128xi32, #tpu.memory_space<vmem>> -> memref<1x128xi32, #tpu.memory_space<vmem>>
      %dma_start3A_359 = tpu.memref_squeeze %dma_start3A_358 : memref<1x128xi32, #tpu.memory_space<vmem>> -> memref<128xi32, #tpu.memory_space<vmem>>
      %dma_start3A_360 = arith.constant 0 : i32
      %dma_start3A_361 = arith.constant 0 : i32
      %dma_start3A_362 = tpu.memref_slice %arg12[%dma_start3A_360, %dma_start3A_361] : memref<50016x32xf32, #tpu.memory_space<vmem_shared>> -> memref<50016x32xf32, #tpu.memory_space<vmem_shared>>
      tpu.enqueue_indirect_dma source(%dma_start3A_356 : memref<128x32xf32, #tpu.memory_space<vmem>>) target(%dma_start3A_362 : memref<50016x32xf32, #tpu.memory_space<vmem_shared>>) offsets(%dma_start3A_359 : memref<128xi32, #tpu.memory_space<vmem>>) semaphore(%arg18 : memref<!tpu.dma_semaphore, #tpu.memory_space<semaphore_mem>>) {add = true}
      %dma_wait3A_363 = arith.constant 3 : i32
      %dma_wait3A_364 = arith.constant 0 : i32
      %dma_wait3A_365 = arith.constant 0 : i32
      %dma_wait3A_366 = arith.constant 0 : i32
      %dma_wait3A_367 = tpu.memref_slice %arg11[%dma_wait3A_363, %dma_wait3A_365, %dma_wait3A_366] : memref<6x128x32xf32, #tpu.memory_space<vmem>> -> memref<1x128x32xf32, #tpu.memory_space<vmem>>
      %dma_wait3A_368 = tpu.memref_squeeze %dma_wait3A_367 : memref<1x128x32xf32, #tpu.memory_space<vmem>> -> memref<128x32xf32, #tpu.memory_space<vmem>>
      %dma_wait3A_369 = arith.constant 0 : i32
      %dma_wait3A_370 = tpu.memref_slice %arg10[%dma_wait3A_364, %dma_wait3A_369] : memref<3x128xi32, #tpu.memory_space<vmem>> -> memref<1x128xi32, #tpu.memory_space<vmem>>
      %dma_wait3A_371 = tpu.memref_squeeze %dma_wait3A_370 : memref<1x128xi32, #tpu.memory_space<vmem>> -> memref<128xi32, #tpu.memory_space<vmem>>
      %dma_wait3A_372 = arith.constant 0 : i32
      %dma_wait3A_373 = arith.constant 0 : i32
      %dma_wait3A_374 = tpu.memref_slice %arg12[%dma_wait3A_372, %dma_wait3A_373] : memref<50016x32xf32, #tpu.memory_space<vmem_shared>> -> memref<50016x32xf32, #tpu.memory_space<vmem_shared>>
      tpu.wait_indirect_dma semaphore(%arg18 : memref<!tpu.dma_semaphore, #tpu.memory_space<semaphore_mem>>) src(%dma_wait3A_368 : memref<128x32xf32, #tpu.memory_space<vmem>>) dst(%dma_wait3A_374 : memref<50016x32xf32, #tpu.memory_space<vmem_shared>>)
      %dma_wait3A_375 = arith.constant 4 : i32
      %dma_wait3A_376 = arith.constant 1 : i32
      %dma_wait3A_377 = arith.constant 0 : i32
      %dma_wait3A_378 = arith.constant 0 : i32
      %dma_wait3A_379 = tpu.memref_slice %arg11[%dma_wait3A_375, %dma_wait3A_377, %dma_wait3A_378] : memref<6x128x32xf32, #tpu.memory_space<vmem>> -> memref<1x128x32xf32, #tpu.memory_space<vmem>>
      %dma_wait3A_380 = tpu.memref_squeeze %dma_wait3A_379 : memref<1x128x32xf32, #tpu.memory_space<vmem>> -> memref<128x32xf32, #tpu.memory_space<vmem>>
      %dma_wait3A_381 = arith.constant 0 : i32
      %dma_wait3A_382 = tpu.memref_slice %arg10[%dma_wait3A_376, %dma_wait3A_381] : memref<3x128xi32, #tpu.memory_space<vmem>> -> memref<1x128xi32, #tpu.memory_space<vmem>>
      %dma_wait3A_383 = tpu.memref_squeeze %dma_wait3A_382 : memref<1x128xi32, #tpu.memory_space<vmem>> -> memref<128xi32, #tpu.memory_space<vmem>>
      %dma_wait3A_384 = arith.constant 0 : i32
      %dma_wait3A_385 = arith.constant 0 : i32
      %dma_wait3A_386 = tpu.memref_slice %arg12[%dma_wait3A_384, %dma_wait3A_385] : memref<50016x32xf32, #tpu.memory_space<vmem_shared>> -> memref<50016x32xf32, #tpu.memory_space<vmem_shared>>
      tpu.wait_indirect_dma semaphore(%arg18 : memref<!tpu.dma_semaphore, #tpu.memory_space<semaphore_mem>>) src(%dma_wait3A_380 : memref<128x32xf32, #tpu.memory_space<vmem>>) dst(%dma_wait3A_386 : memref<50016x32xf32, #tpu.memory_space<vmem_shared>>)
      %dma_wait3A_387 = arith.constant 5 : i32
      %dma_wait3A_388 = arith.constant 2 : i32
      %dma_wait3A_389 = arith.constant 0 : i32
      %dma_wait3A_390 = arith.constant 0 : i32
      %dma_wait3A_391 = tpu.memref_slice %arg11[%dma_wait3A_387, %dma_wait3A_389, %dma_wait3A_390] : memref<6x128x32xf32, #tpu.memory_space<vmem>> -> memref<1x128x32xf32, #tpu.memory_space<vmem>>
      %dma_wait3A_392 = tpu.memref_squeeze %dma_wait3A_391 : memref<1x128x32xf32, #tpu.memory_space<vmem>> -> memref<128x32xf32, #tpu.memory_space<vmem>>
      %dma_wait3A_393 = arith.constant 0 : i32
      %dma_wait3A_394 = tpu.memref_slice %arg10[%dma_wait3A_388, %dma_wait3A_393] : memref<3x128xi32, #tpu.memory_space<vmem>> -> memref<1x128xi32, #tpu.memory_space<vmem>>
      %dma_wait3A_395 = tpu.memref_squeeze %dma_wait3A_394 : memref<1x128xi32, #tpu.memory_space<vmem>> -> memref<128xi32, #tpu.memory_space<vmem>>
      %dma_wait3A_396 = arith.constant 0 : i32
      %dma_wait3A_397 = arith.constant 0 : i32
      %dma_wait3A_398 = tpu.memref_slice %arg12[%dma_wait3A_396, %dma_wait3A_397] : memref<50016x32xf32, #tpu.memory_space<vmem_shared>> -> memref<50016x32xf32, #tpu.memory_space<vmem_shared>>
      tpu.wait_indirect_dma semaphore(%arg18 : memref<!tpu.dma_semaphore, #tpu.memory_space<semaphore_mem>>) src(%dma_wait3A_392 : memref<128x32xf32, #tpu.memory_space<vmem>>) dst(%dma_wait3A_398 : memref<50016x32xf32, #tpu.memory_space<vmem_shared>>)
      %add3A_399 = arith.constant 2 : i32
      %add3A_400 = arith.addi %mul3A_123, %add3A_399 : i32
      %lt3A_401 = arith.cmpi slt, %add3A_400, %select_n3A_6 : i32
      %convert_element_type3A_402 = arith.extui %lt3A_401 : i1 to i32
      %cond3A_403 = arith.constant 0 : i32
      %cond3A_404 = arith.cmpi ne, %convert_element_type3A_402, %cond3A_403 : i32
      scf.if %cond3A_404 {
        %add3A_405 = arith.constant 2 : i32
        %add3A_406 = arith.addi %mul3A_123, %add3A_405 : i32
        %mul3A_407 = arith.constant 3 : i32
        %mul3A_408 = arith.muli %add3A_406, %mul3A_407 : i32
        %add3A_409 = arith.addi %select_n3A, %mul3A_408 : i32
        %dma_wait3A_410 = arith.constant 0 : i32
        %dma_wait3A_411 = tpu.memref_slice %arg2[%arg1, %add3A_409, %dma_wait3A_410] : memref<16x396x128xi32, #tpu.memory_space<hbm>> -> memref<1x3x128xi32, #tpu.memory_space<hbm>>
        %dma_wait3A_412 = tpu.memref_squeeze %dma_wait3A_411 : memref<1x3x128xi32, #tpu.memory_space<hbm>> -> memref<3x128xi32, #tpu.memory_space<hbm>>
        %dma_wait3A_413 = arith.constant 0 : i32
        %dma_wait3A_414 = tpu.memref_slice %arg2[%arg1, %add3A_409, %dma_wait3A_413] : memref<16x396x128xi32, #tpu.memory_space<hbm>> -> memref<1x3x128xi32, #tpu.memory_space<hbm>>
        %dma_wait3A_415 = tpu.memref_squeeze %dma_wait3A_414 : memref<1x3x128xi32, #tpu.memory_space<hbm>> -> memref<3x128xi32, #tpu.memory_space<hbm>>
        tpu.wait_dma2 semaphore(%arg13 : memref<!tpu.dma_semaphore, #tpu.memory_space<semaphore_mem>>) src(%dma_wait3A_415 : memref<3x128xi32, #tpu.memory_space<hbm>>) dst(%arg7 : memref<3x128xi32, #tpu.memory_space<vmem>>)
        %mul3A_416 = arith.constant 3 : i32
        %mul3A_417 = arith.muli %add3A_406, %mul3A_416 : i32
        %add3A_418 = arith.addi %select_n3A, %mul3A_417 : i32
        %dma_wait3A_419 = arith.constant 0 : i32
        %dma_wait3A_420 = tpu.memref_slice %arg3[%arg1, %add3A_418, %dma_wait3A_419] : memref<16x396x128xi32, #tpu.memory_space<hbm>> -> memref<1x3x128xi32, #tpu.memory_space<hbm>>
        %dma_wait3A_421 = tpu.memref_squeeze %dma_wait3A_420 : memref<1x3x128xi32, #tpu.memory_space<hbm>> -> memref<3x128xi32, #tpu.memory_space<hbm>>
        %dma_wait3A_422 = arith.constant 0 : i32
        %dma_wait3A_423 = tpu.memref_slice %arg3[%arg1, %add3A_418, %dma_wait3A_422] : memref<16x396x128xi32, #tpu.memory_space<hbm>> -> memref<1x3x128xi32, #tpu.memory_space<hbm>>
        %dma_wait3A_424 = tpu.memref_squeeze %dma_wait3A_423 : memref<1x3x128xi32, #tpu.memory_space<hbm>> -> memref<3x128xi32, #tpu.memory_space<hbm>>
        tpu.wait_dma2 semaphore(%arg13 : memref<!tpu.dma_semaphore, #tpu.memory_space<semaphore_mem>>) src(%dma_wait3A_424 : memref<3x128xi32, #tpu.memory_space<hbm>>) dst(%arg8 : memref<3x128xi32, #tpu.memory_space<vmem>>)
        %dma_start3A_425 = arith.constant 0 : i32
        %dma_start3A_426 = arith.constant 0 : i32
        %dma_start3A_427 = arith.constant 0 : i32
        %dma_start3A_428 = arith.constant 0 : i32
        %dma_start3A_429 = tpu.memref_slice %arg11[%dma_start3A_426, %dma_start3A_427, %dma_start3A_428] : memref<6x128x32xf32, #tpu.memory_space<vmem>> -> memref<1x128x32xf32, #tpu.memory_space<vmem>>
        %dma_start3A_430 = tpu.memref_squeeze %dma_start3A_429 : memref<1x128x32xf32, #tpu.memory_space<vmem>> -> memref<128x32xf32, #tpu.memory_space<vmem>>
        %dma_start3A_431 = arith.constant 0 : i32
        %dma_start3A_432 = tpu.memref_slice %arg7[%dma_start3A_425, %dma_start3A_431] : memref<3x128xi32, #tpu.memory_space<vmem>> -> memref<1x128xi32, #tpu.memory_space<vmem>>
        %dma_start3A_433 = tpu.memref_squeeze %dma_start3A_432 : memref<1x128xi32, #tpu.memory_space<vmem>> -> memref<128xi32, #tpu.memory_space<vmem>>
        %dma_start3A_434 = arith.constant 0 : i32
        %dma_start3A_435 = arith.constant 0 : i32
        %dma_start3A_436 = tpu.memref_slice %arg4[%dma_start3A_434, %dma_start3A_435] : memref<50000x32xf32, #tpu.memory_space<hbm>> -> memref<50000x32xf32, #tpu.memory_space<hbm>>
        tpu.enqueue_indirect_dma source(%dma_start3A_436 : memref<50000x32xf32, #tpu.memory_space<hbm>>) target(%dma_start3A_430 : memref<128x32xf32, #tpu.memory_space<vmem>>) offsets(%dma_start3A_433 : memref<128xi32, #tpu.memory_space<vmem>>) semaphore(%arg15 : memref<!tpu.dma_semaphore, #tpu.memory_space<semaphore_mem>>)
        %dma_start3A_437 = arith.constant 1 : i32
        %dma_start3A_438 = arith.constant 1 : i32
        %dma_start3A_439 = arith.constant 0 : i32
        %dma_start3A_440 = arith.constant 0 : i32
        %dma_start3A_441 = tpu.memref_slice %arg11[%dma_start3A_438, %dma_start3A_439, %dma_start3A_440] : memref<6x128x32xf32, #tpu.memory_space<vmem>> -> memref<1x128x32xf32, #tpu.memory_space<vmem>>
        %dma_start3A_442 = tpu.memref_squeeze %dma_start3A_441 : memref<1x128x32xf32, #tpu.memory_space<vmem>> -> memref<128x32xf32, #tpu.memory_space<vmem>>
        %dma_start3A_443 = arith.constant 0 : i32
        %dma_start3A_444 = tpu.memref_slice %arg7[%dma_start3A_437, %dma_start3A_443] : memref<3x128xi32, #tpu.memory_space<vmem>> -> memref<1x128xi32, #tpu.memory_space<vmem>>
        %dma_start3A_445 = tpu.memref_squeeze %dma_start3A_444 : memref<1x128xi32, #tpu.memory_space<vmem>> -> memref<128xi32, #tpu.memory_space<vmem>>
        %dma_start3A_446 = arith.constant 0 : i32
        %dma_start3A_447 = arith.constant 0 : i32
        %dma_start3A_448 = tpu.memref_slice %arg4[%dma_start3A_446, %dma_start3A_447] : memref<50000x32xf32, #tpu.memory_space<hbm>> -> memref<50000x32xf32, #tpu.memory_space<hbm>>
        tpu.enqueue_indirect_dma source(%dma_start3A_448 : memref<50000x32xf32, #tpu.memory_space<hbm>>) target(%dma_start3A_442 : memref<128x32xf32, #tpu.memory_space<vmem>>) offsets(%dma_start3A_445 : memref<128xi32, #tpu.memory_space<vmem>>) semaphore(%arg15 : memref<!tpu.dma_semaphore, #tpu.memory_space<semaphore_mem>>)
        %dma_start3A_449 = arith.constant 2 : i32
        %dma_start3A_450 = arith.constant 2 : i32
        %dma_start3A_451 = arith.constant 0 : i32
        %dma_start3A_452 = arith.constant 0 : i32
        %dma_start3A_453 = tpu.memref_slice %arg11[%dma_start3A_450, %dma_start3A_451, %dma_start3A_452] : memref<6x128x32xf32, #tpu.memory_space<vmem>> -> memref<1x128x32xf32, #tpu.memory_space<vmem>>
        %dma_start3A_454 = tpu.memref_squeeze %dma_start3A_453 : memref<1x128x32xf32, #tpu.memory_space<vmem>> -> memref<128x32xf32, #tpu.memory_space<vmem>>
        %dma_start3A_455 = arith.constant 0 : i32
        %dma_start3A_456 = tpu.memref_slice %arg7[%dma_start3A_449, %dma_start3A_455] : memref<3x128xi32, #tpu.memory_space<vmem>> -> memref<1x128xi32, #tpu.memory_space<vmem>>
        %dma_start3A_457 = tpu.memref_squeeze %dma_start3A_456 : memref<1x128xi32, #tpu.memory_space<vmem>> -> memref<128xi32, #tpu.memory_space<vmem>>
        %dma_start3A_458 = arith.constant 0 : i32
        %dma_start3A_459 = arith.constant 0 : i32
        %dma_start3A_460 = tpu.memref_slice %arg4[%dma_start3A_458, %dma_start3A_459] : memref<50000x32xf32, #tpu.memory_space<hbm>> -> memref<50000x32xf32, #tpu.memory_space<hbm>>
        tpu.enqueue_indirect_dma source(%dma_start3A_460 : memref<50000x32xf32, #tpu.memory_space<hbm>>) target(%dma_start3A_454 : memref<128x32xf32, #tpu.memory_space<vmem>>) offsets(%dma_start3A_457 : memref<128xi32, #tpu.memory_space<vmem>>) semaphore(%arg15 : memref<!tpu.dma_semaphore, #tpu.memory_space<semaphore_mem>>)
        %add3A_461 = arith.constant 2 : i32
        %add3A_462 = arith.addi %add3A_125, %add3A_461 : i32
        %mul3A_463 = arith.constant 3 : i32
        %mul3A_464 = arith.muli %add3A_462, %mul3A_463 : i32
        %add3A_465 = arith.addi %select_n3A, %mul3A_464 : i32
        %dma_start3A_466 = arith.constant 0 : i32
        %dma_start3A_467 = tpu.memref_slice %arg2[%arg1, %add3A_465, %dma_start3A_466] : memref<16x396x128xi32, #tpu.memory_space<hbm>> -> memref<1x3x128xi32, #tpu.memory_space<hbm>>
        %dma_start3A_468 = tpu.memref_squeeze %dma_start3A_467 : memref<1x3x128xi32, #tpu.memory_space<hbm>> -> memref<3x128xi32, #tpu.memory_space<hbm>>
        %dma_start3A_469 = arith.constant 0 : i32
        %dma_start3A_470 = tpu.memref_slice %arg2[%arg1, %add3A_465, %dma_start3A_469] : memref<16x396x128xi32, #tpu.memory_space<hbm>> -> memref<1x3x128xi32, #tpu.memory_space<hbm>>
        %dma_start3A_471 = tpu.memref_squeeze %dma_start3A_470 : memref<1x3x128xi32, #tpu.memory_space<hbm>> -> memref<3x128xi32, #tpu.memory_space<hbm>>
        tpu.enqueue_dma source(%dma_start3A_471 : memref<3x128xi32, #tpu.memory_space<hbm>>) target(%arg9 : memref<3x128xi32, #tpu.memory_space<vmem>>) target_semaphore(%arg14 : memref<!tpu.dma_semaphore, #tpu.memory_space<semaphore_mem>>)
        %mul3A_472 = arith.constant 3 : i32
        %mul3A_473 = arith.muli %add3A_462, %mul3A_472 : i32
        %add3A_474 = arith.addi %select_n3A, %mul3A_473 : i32
        %dma_start3A_475 = arith.constant 0 : i32
        %dma_start3A_476 = tpu.memref_slice %arg3[%arg1, %add3A_474, %dma_start3A_475] : memref<16x396x128xi32, #tpu.memory_space<hbm>> -> memref<1x3x128xi32, #tpu.memory_space<hbm>>
        %dma_start3A_477 = tpu.memref_squeeze %dma_start3A_476 : memref<1x3x128xi32, #tpu.memory_space<hbm>> -> memref<3x128xi32, #tpu.memory_space<hbm>>
        %dma_start3A_478 = arith.constant 0 : i32
        %dma_start3A_479 = tpu.memref_slice %arg3[%arg1, %add3A_474, %dma_start3A_478] : memref<16x396x128xi32, #tpu.memory_space<hbm>> -> memref<1x3x128xi32, #tpu.memory_space<hbm>>
        %dma_start3A_480 = tpu.memref_squeeze %dma_start3A_479 : memref<1x3x128xi32, #tpu.memory_space<hbm>> -> memref<3x128xi32, #tpu.memory_space<hbm>>
        tpu.enqueue_dma source(%dma_start3A_480 : memref<3x128xi32, #tpu.memory_space<hbm>>) target(%arg10 : memref<3x128xi32, #tpu.memory_space<vmem>>) target_semaphore(%arg14 : memref<!tpu.dma_semaphore, #tpu.memory_space<semaphore_mem>>)
      } else {
      }
    }
    %while3A_115 = arith.constant 1 : i32
    scf.for %while3A_121 = %while3A_113 to %while3A_109 step %while3A_115  : i32 {
      %mul3A_122 = arith.constant 2 : i32
      %mul3A_123 = arith.muli %mul3A_122, %while3A_121 : i32
      %add3A_124 = arith.constant 1 : i32
      %add3A_125 = arith.addi %mul3A_123, %add3A_124 : i32
      %mul3A_126 = arith.constant 3 : i32
      %mul3A_127 = arith.muli %add3A_125, %mul3A_126 : i32
      %add3A_128 = arith.addi %select_n3A, %mul3A_127 : i32
      %dma_wait3A_129 = arith.constant 0 : i32
      %dma_wait3A_130 = tpu.memref_slice %arg2[%arg1, %add3A_128, %dma_wait3A_129] : memref<16x396x128xi32, #tpu.memory_space<hbm>> -> memref<1x3x128xi32, #tpu.memory_space<hbm>>
      %dma_wait3A_131 = tpu.memref_squeeze %dma_wait3A_130 : memref<1x3x128xi32, #tpu.memory_space<hbm>> -> memref<3x128xi32, #tpu.memory_space<hbm>>
      %dma_wait3A_132 = arith.constant 0 : i32
      %dma_wait3A_133 = tpu.memref_slice %arg2[%arg1, %add3A_128, %dma_wait3A_132] : memref<16x396x128xi32, #tpu.memory_space<hbm>> -> memref<1x3x128xi32, #tpu.memory_space<hbm>>
      %dma_wait3A_134 = tpu.memref_squeeze %dma_wait3A_133 : memref<1x3x128xi32, #tpu.memory_space<hbm>> -> memref<3x128xi32, #tpu.memory_space<hbm>>
      tpu.wait_dma2 semaphore(%arg14 : memref<!tpu.dma_semaphore, #tpu.memory_space<semaphore_mem>>) src(%dma_wait3A_134 : memref<3x128xi32, #tpu.memory_space<hbm>>) dst(%arg9 : memref<3x128xi32, #tpu.memory_space<vmem>>)
      %mul3A_135 = arith.constant 3 : i32
      %mul3A_136 = arith.muli %add3A_125, %mul3A_135 : i32
      %add3A_137 = arith.addi %select_n3A, %mul3A_136 : i32
      %dma_wait3A_138 = arith.constant 0 : i32
      %dma_wait3A_139 = tpu.memref_slice %arg3[%arg1, %add3A_137, %dma_wait3A_138] : memref<16x396x128xi32, #tpu.memory_space<hbm>> -> memref<1x3x128xi32, #tpu.memory_space<hbm>>
      %dma_wait3A_140 = tpu.memref_squeeze %dma_wait3A_139 : memref<1x3x128xi32, #tpu.memory_space<hbm>> -> memref<3x128xi32, #tpu.memory_space<hbm>>
      %dma_wait3A_141 = arith.constant 0 : i32
      %dma_wait3A_142 = tpu.memref_slice %arg3[%arg1, %add3A_137, %dma_wait3A_141] : memref<16x396x128xi32, #tpu.memory_space<hbm>> -> memref<1x3x128xi32, #tpu.memory_space<hbm>>
      %dma_wait3A_143 = tpu.memref_squeeze %dma_wait3A_142 : memref<1x3x128xi32, #tpu.memory_space<hbm>> -> memref<3x128xi32, #tpu.memory_space<hbm>>
      tpu.wait_dma2 semaphore(%arg14 : memref<!tpu.dma_semaphore, #tpu.memory_space<semaphore_mem>>) src(%dma_wait3A_143 : memref<3x128xi32, #tpu.memory_space<hbm>>) dst(%arg10 : memref<3x128xi32, #tpu.memory_space<vmem>>)
      %dma_start3A_144 = arith.constant 0 : i32
      %dma_start3A_145 = arith.constant 3 : i32
      %dma_start3A_146 = arith.constant 0 : i32
      %dma_start3A_147 = arith.constant 0 : i32
      %dma_start3A_148 = tpu.memref_slice %arg11[%dma_start3A_145, %dma_start3A_146, %dma_start3A_147] : memref<6x128x32xf32, #tpu.memory_space<vmem>> -> memref<1x128x32xf32, #tpu.memory_space<vmem>>
      %dma_start3A_149 = tpu.memref_squeeze %dma_start3A_148 : memref<1x128x32xf32, #tpu.memory_space<vmem>> -> memref<128x32xf32, #tpu.memory_space<vmem>>
      %dma_start3A_150 = arith.constant 0 : i32
      %dma_start3A_151 = tpu.memref_slice %arg9[%dma_start3A_144, %dma_start3A_150] : memref<3x128xi32, #tpu.memory_space<vmem>> -> memref<1x128xi32, #tpu.memory_space<vmem>>
      %dma_start3A_152 = tpu.memref_squeeze %dma_start3A_151 : memref<1x128xi32, #tpu.memory_space<vmem>> -> memref<128xi32, #tpu.memory_space<vmem>>
      %dma_start3A_153 = arith.constant 0 : i32
      %dma_start3A_154 = arith.constant 0 : i32
      %dma_start3A_155 = tpu.memref_slice %arg4[%dma_start3A_153, %dma_start3A_154] : memref<50000x32xf32, #tpu.memory_space<hbm>> -> memref<50000x32xf32, #tpu.memory_space<hbm>>
      tpu.enqueue_indirect_dma source(%dma_start3A_155 : memref<50000x32xf32, #tpu.memory_space<hbm>>) target(%dma_start3A_149 : memref<128x32xf32, #tpu.memory_space<vmem>>) offsets(%dma_start3A_152 : memref<128xi32, #tpu.memory_space<vmem>>) semaphore(%arg16 : memref<!tpu.dma_semaphore, #tpu.memory_space<semaphore_mem>>)
      %dma_start3A_156 = arith.constant 1 : i32
      %dma_start3A_157 = arith.constant 4 : i32
      %dma_start3A_158 = arith.constant 0 : i32
      %dma_start3A_159 = arith.constant 0 : i32
      %dma_start3A_160 = tpu.memref_slice %arg11[%dma_start3A_157, %dma_start3A_158, %dma_start3A_159] : memref<6x128x32xf32, #tpu.memory_space<vmem>> -> memref<1x128x32xf32, #tpu.memory_space<vmem>>
      %dma_start3A_161 = tpu.memref_squeeze %dma_start3A_160 : memref<1x128x32xf32, #tpu.memory_space<vmem>> -> memref<128x32xf32, #tpu.memory_space<vmem>>
      %dma_start3A_162 = arith.constant 0 : i32
      %dma_start3A_163 = tpu.memref_slice %arg9[%dma_start3A_156, %dma_start3A_162] : memref<3x128xi32, #tpu.memory_space<vmem>> -> memref<1x128xi32, #tpu.memory_space<vmem>>
      %dma_start3A_164 = tpu.memref_squeeze %dma_start3A_163 : memref<1x128xi32, #tpu.memory_space<vmem>> -> memref<128xi32, #tpu.memory_space<vmem>>
      %dma_start3A_165 = arith.constant 0 : i32
      %dma_start3A_166 = arith.constant 0 : i32
      %dma_start3A_167 = tpu.memref_slice %arg4[%dma_start3A_165, %dma_start3A_166] : memref<50000x32xf32, #tpu.memory_space<hbm>> -> memref<50000x32xf32, #tpu.memory_space<hbm>>
      tpu.enqueue_indirect_dma source(%dma_start3A_167 : memref<50000x32xf32, #tpu.memory_space<hbm>>) target(%dma_start3A_161 : memref<128x32xf32, #tpu.memory_space<vmem>>) offsets(%dma_start3A_164 : memref<128xi32, #tpu.memory_space<vmem>>) semaphore(%arg16 : memref<!tpu.dma_semaphore, #tpu.memory_space<semaphore_mem>>)
      %dma_start3A_168 = arith.constant 2 : i32
      %dma_start3A_169 = arith.constant 5 : i32
      %dma_start3A_170 = arith.constant 0 : i32
      %dma_start3A_171 = arith.constant 0 : i32
      %dma_start3A_172 = tpu.memref_slice %arg11[%dma_start3A_169, %dma_start3A_170, %dma_start3A_171] : memref<6x128x32xf32, #tpu.memory_space<vmem>> -> memref<1x128x32xf32, #tpu.memory_space<vmem>>
      %dma_start3A_173 = tpu.memref_squeeze %dma_start3A_172 : memref<1x128x32xf32, #tpu.memory_space<vmem>> -> memref<128x32xf32, #tpu.memory_space<vmem>>
      %dma_start3A_174 = arith.constant 0 : i32
      %dma_start3A_175 = tpu.memref_slice %arg9[%dma_start3A_168, %dma_start3A_174] : memref<3x128xi32, #tpu.memory_space<vmem>> -> memref<1x128xi32, #tpu.memory_space<vmem>>
      %dma_start3A_176 = tpu.memref_squeeze %dma_start3A_175 : memref<1x128xi32, #tpu.memory_space<vmem>> -> memref<128xi32, #tpu.memory_space<vmem>>
      %dma_start3A_177 = arith.constant 0 : i32
      %dma_start3A_178 = arith.constant 0 : i32
      %dma_start3A_179 = tpu.memref_slice %arg4[%dma_start3A_177, %dma_start3A_178] : memref<50000x32xf32, #tpu.memory_space<hbm>> -> memref<50000x32xf32, #tpu.memory_space<hbm>>
      tpu.enqueue_indirect_dma source(%dma_start3A_179 : memref<50000x32xf32, #tpu.memory_space<hbm>>) target(%dma_start3A_173 : memref<128x32xf32, #tpu.memory_space<vmem>>) offsets(%dma_start3A_176 : memref<128xi32, #tpu.memory_space<vmem>>) semaphore(%arg16 : memref<!tpu.dma_semaphore, #tpu.memory_space<semaphore_mem>>)
      %dma_wait3A_180 = arith.constant 0 : i32
      %dma_wait3A_181 = arith.constant 0 : i32
      %dma_wait3A_182 = arith.constant 0 : i32
      %dma_wait3A_183 = arith.constant 0 : i32
      %dma_wait3A_184 = tpu.memref_slice %arg11[%dma_wait3A_181, %dma_wait3A_182, %dma_wait3A_183] : memref<6x128x32xf32, #tpu.memory_space<vmem>> -> memref<1x128x32xf32, #tpu.memory_space<vmem>>
      %dma_wait3A_185 = tpu.memref_squeeze %dma_wait3A_184 : memref<1x128x32xf32, #tpu.memory_space<vmem>> -> memref<128x32xf32, #tpu.memory_space<vmem>>
      %dma_wait3A_186 = arith.constant 0 : i32
      %dma_wait3A_187 = tpu.memref_slice %arg7[%dma_wait3A_180, %dma_wait3A_186] : memref<3x128xi32, #tpu.memory_space<vmem>> -> memref<1x128xi32, #tpu.memory_space<vmem>>
      %dma_wait3A_188 = tpu.memref_squeeze %dma_wait3A_187 : memref<1x128xi32, #tpu.memory_space<vmem>> -> memref<128xi32, #tpu.memory_space<vmem>>
      %dma_wait3A_189 = arith.constant 0 : i32
      %dma_wait3A_190 = arith.constant 0 : i32
      %dma_wait3A_191 = tpu.memref_slice %arg4[%dma_wait3A_189, %dma_wait3A_190] : memref<50000x32xf32, #tpu.memory_space<hbm>> -> memref<50000x32xf32, #tpu.memory_space<hbm>>
      tpu.wait_indirect_dma semaphore(%arg15 : memref<!tpu.dma_semaphore, #tpu.memory_space<semaphore_mem>>) src(%dma_wait3A_191 : memref<50000x32xf32, #tpu.memory_space<hbm>>) dst(%dma_wait3A_185 : memref<128x32xf32, #tpu.memory_space<vmem>>)
      %dma_wait3A_192 = arith.constant 1 : i32
      %dma_wait3A_193 = arith.constant 1 : i32
      %dma_wait3A_194 = arith.constant 0 : i32
      %dma_wait3A_195 = arith.constant 0 : i32
      %dma_wait3A_196 = tpu.memref_slice %arg11[%dma_wait3A_193, %dma_wait3A_194, %dma_wait3A_195] : memref<6x128x32xf32, #tpu.memory_space<vmem>> -> memref<1x128x32xf32, #tpu.memory_space<vmem>>
      %dma_wait3A_197 = tpu.memref_squeeze %dma_wait3A_196 : memref<1x128x32xf32, #tpu.memory_space<vmem>> -> memref<128x32xf32, #tpu.memory_space<vmem>>
      %dma_wait3A_198 = arith.constant 0 : i32
      %dma_wait3A_199 = tpu.memref_slice %arg7[%dma_wait3A_192, %dma_wait3A_198] : memref<3x128xi32, #tpu.memory_space<vmem>> -> memref<1x128xi32, #tpu.memory_space<vmem>>
      %dma_wait3A_200 = tpu.memref_squeeze %dma_wait3A_199 : memref<1x128xi32, #tpu.memory_space<vmem>> -> memref<128xi32, #tpu.memory_space<vmem>>
      %dma_wait3A_201 = arith.constant 0 : i32
      %dma_wait3A_202 = arith.constant 0 : i32
      %dma_wait3A_203 = tpu.memref_slice %arg4[%dma_wait3A_201, %dma_wait3A_202] : memref<50000x32xf32, #tpu.memory_space<hbm>> -> memref<50000x32xf32, #tpu.memory_space<hbm>>
      tpu.wait_indirect_dma semaphore(%arg15 : memref<!tpu.dma_semaphore, #tpu.memory_space<semaphore_mem>>) src(%dma_wait3A_203 : memref<50000x32xf32, #tpu.memory_space<hbm>>) dst(%dma_wait3A_197 : memref<128x32xf32, #tpu.memory_space<vmem>>)
      %dma_wait3A_204 = arith.constant 2 : i32
      %dma_wait3A_205 = arith.constant 2 : i32
      %dma_wait3A_206 = arith.constant 0 : i32
      %dma_wait3A_207 = arith.constant 0 : i32
      %dma_wait3A_208 = tpu.memref_slice %arg11[%dma_wait3A_205, %dma_wait3A_206, %dma_wait3A_207] : memref<6x128x32xf32, #tpu.memory_space<vmem>> -> memref<1x128x32xf32, #tpu.memory_space<vmem>>
      %dma_wait3A_209 = tpu.memref_squeeze %dma_wait3A_208 : memref<1x128x32xf32, #tpu.memory_space<vmem>> -> memref<128x32xf32, #tpu.memory_space<vmem>>
      %dma_wait3A_210 = arith.constant 0 : i32
      %dma_wait3A_211 = tpu.memref_slice %arg7[%dma_wait3A_204, %dma_wait3A_210] : memref<3x128xi32, #tpu.memory_space<vmem>> -> memref<1x128xi32, #tpu.memory_space<vmem>>
      %dma_wait3A_212 = tpu.memref_squeeze %dma_wait3A_211 : memref<1x128xi32, #tpu.memory_space<vmem>> -> memref<128xi32, #tpu.memory_space<vmem>>
      %dma_wait3A_213 = arith.constant 0 : i32
      %dma_wait3A_214 = arith.constant 0 : i32
      %dma_wait3A_215 = tpu.memref_slice %arg4[%dma_wait3A_213, %dma_wait3A_214] : memref<50000x32xf32, #tpu.memory_space<hbm>> -> memref<50000x32xf32, #tpu.memory_space<hbm>>
      tpu.wait_indirect_dma semaphore(%arg15 : memref<!tpu.dma_semaphore, #tpu.memory_space<semaphore_mem>>) src(%dma_wait3A_215 : memref<50000x32xf32, #tpu.memory_space<hbm>>) dst(%dma_wait3A_209 : memref<128x32xf32, #tpu.memory_space<vmem>>)
      %dma_start3A_216 = arith.constant 0 : i32
      %dma_start3A_217 = arith.constant 0 : i32
      %dma_start3A_218 = arith.constant 0 : i32
      %dma_start3A_219 = arith.constant 0 : i32
      %dma_start3A_220 = tpu.memref_slice %arg11[%dma_start3A_216, %dma_start3A_218, %dma_start3A_219] : memref<6x128x32xf32, #tpu.memory_space<vmem>> -> memref<1x128x32xf32, #tpu.memory_space<vmem>>
      %dma_start3A_221 = tpu.memref_squeeze %dma_start3A_220 : memref<1x128x32xf32, #tpu.memory_space<vmem>> -> memref<128x32xf32, #tpu.memory_space<vmem>>
      %dma_start3A_222 = arith.constant 0 : i32
      %dma_start3A_223 = tpu.memref_slice %arg8[%dma_start3A_217, %dma_start3A_222] : memref<3x128xi32, #tpu.memory_space<vmem>> -> memref<1x128xi32, #tpu.memory_space<vmem>>
      %dma_start3A_224 = tpu.memref_squeeze %dma_start3A_223 : memref<1x128xi32, #tpu.memory_space<vmem>> -> memref<128xi32, #tpu.memory_space<vmem>>
      %dma_start3A_225 = arith.constant 0 : i32
      %dma_start3A_226 = arith.constant 0 : i32
      %dma_start3A_227 = tpu.memref_slice %arg12[%dma_start3A_225, %dma_start3A_226] : memref<50016x32xf32, #tpu.memory_space<vmem_shared>> -> memref<50016x32xf32, #tpu.memory_space<vmem_shared>>
      tpu.enqueue_indirect_dma source(%dma_start3A_221 : memref<128x32xf32, #tpu.memory_space<vmem>>) target(%dma_start3A_227 : memref<50016x32xf32, #tpu.memory_space<vmem_shared>>) offsets(%dma_start3A_224 : memref<128xi32, #tpu.memory_space<vmem>>) semaphore(%arg17 : memref<!tpu.dma_semaphore, #tpu.memory_space<semaphore_mem>>) {add = true}
      %dma_start3A_228 = arith.constant 1 : i32
      %dma_start3A_229 = arith.constant 1 : i32
      %dma_start3A_230 = arith.constant 0 : i32
      %dma_start3A_231 = arith.constant 0 : i32
      %dma_start3A_232 = tpu.memref_slice %arg11[%dma_start3A_228, %dma_start3A_230, %dma_start3A_231] : memref<6x128x32xf32, #tpu.memory_space<vmem>> -> memref<1x128x32xf32, #tpu.memory_space<vmem>>
      %dma_start3A_233 = tpu.memref_squeeze %dma_start3A_232 : memref<1x128x32xf32, #tpu.memory_space<vmem>> -> memref<128x32xf32, #tpu.memory_space<vmem>>
      %dma_start3A_234 = arith.constant 0 : i32
      %dma_start3A_235 = tpu.memref_slice %arg8[%dma_start3A_229, %dma_start3A_234] : memref<3x128xi32, #tpu.memory_space<vmem>> -> memref<1x128xi32, #tpu.memory_space<vmem>>
      %dma_start3A_236 = tpu.memref_squeeze %dma_start3A_235 : memref<1x128xi32, #tpu.memory_space<vmem>> -> memref<128xi32, #tpu.memory_space<vmem>>
      %dma_start3A_237 = arith.constant 0 : i32
      %dma_start3A_238 = arith.constant 0 : i32
      %dma_start3A_239 = tpu.memref_slice %arg12[%dma_start3A_237, %dma_start3A_238] : memref<50016x32xf32, #tpu.memory_space<vmem_shared>> -> memref<50016x32xf32, #tpu.memory_space<vmem_shared>>
      tpu.enqueue_indirect_dma source(%dma_start3A_233 : memref<128x32xf32, #tpu.memory_space<vmem>>) target(%dma_start3A_239 : memref<50016x32xf32, #tpu.memory_space<vmem_shared>>) offsets(%dma_start3A_236 : memref<128xi32, #tpu.memory_space<vmem>>) semaphore(%arg17 : memref<!tpu.dma_semaphore, #tpu.memory_space<semaphore_mem>>) {add = true}
      %dma_start3A_240 = arith.constant 2 : i32
      %dma_start3A_241 = arith.constant 2 : i32
      %dma_start3A_242 = arith.constant 0 : i32
      %dma_start3A_243 = arith.constant 0 : i32
      %dma_start3A_244 = tpu.memref_slice %arg11[%dma_start3A_240, %dma_start3A_242, %dma_start3A_243] : memref<6x128x32xf32, #tpu.memory_space<vmem>> -> memref<1x128x32xf32, #tpu.memory_space<vmem>>
      %dma_start3A_245 = tpu.memref_squeeze %dma_start3A_244 : memref<1x128x32xf32, #tpu.memory_space<vmem>> -> memref<128x32xf32, #tpu.memory_space<vmem>>
      %dma_start3A_246 = arith.constant 0 : i32
      %dma_start3A_247 = tpu.memref_slice %arg8[%dma_start3A_241, %dma_start3A_246] : memref<3x128xi32, #tpu.memory_space<vmem>> -> memref<1x128xi32, #tpu.memory_space<vmem>>
      %dma_start3A_248 = tpu.memref_squeeze %dma_start3A_247 : memref<1x128xi32, #tpu.memory_space<vmem>> -> memref<128xi32, #tpu.memory_space<vmem>>
      %dma_start3A_249 = arith.constant 0 : i32
      %dma_start3A_250 = arith.constant 0 : i32
      %dma_start3A_251 = tpu.memref_slice %arg12[%dma_start3A_249, %dma_start3A_250] : memref<50016x32xf32, #tpu.memory_space<vmem_shared>> -> memref<50016x32xf32, #tpu.memory_space<vmem_shared>>
      tpu.enqueue_indirect_dma source(%dma_start3A_245 : memref<128x32xf32, #tpu.memory_space<vmem>>) target(%dma_start3A_251 : memref<50016x32xf32, #tpu.memory_space<vmem_shared>>) offsets(%dma_start3A_248 : memref<128xi32, #tpu.memory_space<vmem>>) semaphore(%arg17 : memref<!tpu.dma_semaphore, #tpu.memory_space<semaphore_mem>>) {add = true}
      %dma_wait3A_252 = arith.constant 0 : i32
      %dma_wait3A_253 = arith.constant 0 : i32
      %dma_wait3A_254 = arith.constant 0 : i32
      %dma_wait3A_255 = arith.constant 0 : i32
      %dma_wait3A_256 = tpu.memref_slice %arg11[%dma_wait3A_252, %dma_wait3A_254, %dma_wait3A_255] : memref<6x128x32xf32, #tpu.memory_space<vmem>> -> memref<1x128x32xf32, #tpu.memory_space<vmem>>
      %dma_wait3A_257 = tpu.memref_squeeze %dma_wait3A_256 : memref<1x128x32xf32, #tpu.memory_space<vmem>> -> memref<128x32xf32, #tpu.memory_space<vmem>>
      %dma_wait3A_258 = arith.constant 0 : i32
      %dma_wait3A_259 = tpu.memref_slice %arg8[%dma_wait3A_253, %dma_wait3A_258] : memref<3x128xi32, #tpu.memory_space<vmem>> -> memref<1x128xi32, #tpu.memory_space<vmem>>
      %dma_wait3A_260 = tpu.memref_squeeze %dma_wait3A_259 : memref<1x128xi32, #tpu.memory_space<vmem>> -> memref<128xi32, #tpu.memory_space<vmem>>
      %dma_wait3A_261 = arith.constant 0 : i32
      %dma_wait3A_262 = arith.constant 0 : i32
      %dma_wait3A_263 = tpu.memref_slice %arg12[%dma_wait3A_261, %dma_wait3A_262] : memref<50016x32xf32, #tpu.memory_space<vmem_shared>> -> memref<50016x32xf32, #tpu.memory_space<vmem_shared>>
      tpu.wait_indirect_dma semaphore(%arg17 : memref<!tpu.dma_semaphore, #tpu.memory_space<semaphore_mem>>) src(%dma_wait3A_257 : memref<128x32xf32, #tpu.memory_space<vmem>>) dst(%dma_wait3A_263 : memref<50016x32xf32, #tpu.memory_space<vmem_shared>>)
      %dma_wait3A_264 = arith.constant 1 : i32
      %dma_wait3A_265 = arith.constant 1 : i32
      %dma_wait3A_266 = arith.constant 0 : i32
      %dma_wait3A_267 = arith.constant 0 : i32
      %dma_wait3A_268 = tpu.memref_slice %arg11[%dma_wait3A_264, %dma_wait3A_266, %dma_wait3A_267] : memref<6x128x32xf32, #tpu.memory_space<vmem>> -> memref<1x128x32xf32, #tpu.memory_space<vmem>>
      %dma_wait3A_269 = tpu.memref_squeeze %dma_wait3A_268 : memref<1x128x32xf32, #tpu.memory_space<vmem>> -> memref<128x32xf32, #tpu.memory_space<vmem>>
      %dma_wait3A_270 = arith.constant 0 : i32
      %dma_wait3A_271 = tpu.memref_slice %arg8[%dma_wait3A_265, %dma_wait3A_270] : memref<3x128xi32, #tpu.memory_space<vmem>> -> memref<1x128xi32, #tpu.memory_space<vmem>>
      %dma_wait3A_272 = tpu.memref_squeeze %dma_wait3A_271 : memref<1x128xi32, #tpu.memory_space<vmem>> -> memref<128xi32, #tpu.memory_space<vmem>>
      %dma_wait3A_273 = arith.constant 0 : i32
      %dma_wait3A_274 = arith.constant 0 : i32
      %dma_wait3A_275 = tpu.memref_slice %arg12[%dma_wait3A_273, %dma_wait3A_274] : memref<50016x32xf32, #tpu.memory_space<vmem_shared>> -> memref<50016x32xf32, #tpu.memory_space<vmem_shared>>
      tpu.wait_indirect_dma semaphore(%arg17 : memref<!tpu.dma_semaphore, #tpu.memory_space<semaphore_mem>>) src(%dma_wait3A_269 : memref<128x32xf32, #tpu.memory_space<vmem>>) dst(%dma_wait3A_275 : memref<50016x32xf32, #tpu.memory_space<vmem_shared>>)
      %dma_wait3A_276 = arith.constant 2 : i32
      %dma_wait3A_277 = arith.constant 2 : i32
      %dma_wait3A_278 = arith.constant 0 : i32
      %dma_wait3A_279 = arith.constant 0 : i32
      %dma_wait3A_280 = tpu.memref_slice %arg11[%dma_wait3A_276, %dma_wait3A_278, %dma_wait3A_279] : memref<6x128x32xf32, #tpu.memory_space<vmem>> -> memref<1x128x32xf32, #tpu.memory_space<vmem>>
      %dma_wait3A_281 = tpu.memref_squeeze %dma_wait3A_280 : memref<1x128x32xf32, #tpu.memory_space<vmem>> -> memref<128x32xf32, #tpu.memory_space<vmem>>
      %dma_wait3A_282 = arith.constant 0 : i32
      %dma_wait3A_283 = tpu.memref_slice %arg8[%dma_wait3A_277, %dma_wait3A_282] : memref<3x128xi32, #tpu.memory_space<vmem>> -> memref<1x128xi32, #tpu.memory_space<vmem>>
      %dma_wait3A_284 = tpu.memref_squeeze %dma_wait3A_283 : memref<1x128xi32, #tpu.memory_space<vmem>> -> memref<128xi32, #tpu.memory_space<vmem>>
      %dma_wait3A_285 = arith.constant 0 : i32
      %dma_wait3A_286 = arith.constant 0 : i32
      %dma_wait3A_287 = tpu.memref_slice %arg12[%dma_wait3A_285, %dma_wait3A_286] : memref<50016x32xf32, #tpu.memory_space<vmem_shared>> -> memref<50016x32xf32, #tpu.memory_space<vmem_shared>>
      tpu.wait_indirect_dma semaphore(%arg17 : memref<!tpu.dma_semaphore, #tpu.memory_space<semaphore_mem>>) src(%dma_wait3A_281 : memref<128x32xf32, #tpu.memory_space<vmem>>) dst(%dma_wait3A_287 : memref<50016x32xf32, #tpu.memory_space<vmem_shared>>)
      %add3A_288 = arith.constant 2 : i32
      %add3A_289 = arith.addi %mul3A_123, %add3A_288 : i32
      %lt3A = arith.cmpi slt, %add3A_289, %select_n3A_6 : i32
      %convert_element_type3A = arith.extui %lt3A : i1 to i32
      %cond3A = arith.constant 0 : i32
      %cond3A_290 = arith.cmpi ne, %convert_element_type3A, %cond3A : i32
      scf.if %cond3A_290 {
        %add3A_405 = arith.constant 2 : i32
        %add3A_406 = arith.addi %mul3A_123, %add3A_405 : i32
        %mul3A_407 = arith.constant 3 : i32
        %mul3A_408 = arith.muli %add3A_406, %mul3A_407 : i32
        %add3A_409 = arith.addi %select_n3A, %mul3A_408 : i32
        %dma_start3A_410 = arith.constant 0 : i32
        %dma_start3A_411 = tpu.memref_slice %arg2[%arg1, %add3A_409, %dma_start3A_410] : memref<16x396x128xi32, #tpu.memory_space<hbm>> -> memref<1x3x128xi32, #tpu.memory_space<hbm>>
        %dma_start3A_412 = tpu.memref_squeeze %dma_start3A_411 : memref<1x3x128xi32, #tpu.memory_space<hbm>> -> memref<3x128xi32, #tpu.memory_space<hbm>>
        %dma_start3A_413 = arith.constant 0 : i32
        %dma_start3A_414 = tpu.memref_slice %arg2[%arg1, %add3A_409, %dma_start3A_413] : memref<16x396x128xi32, #tpu.memory_space<hbm>> -> memref<1x3x128xi32, #tpu.memory_space<hbm>>
        %dma_start3A_415 = tpu.memref_squeeze %dma_start3A_414 : memref<1x3x128xi32, #tpu.memory_space<hbm>> -> memref<3x128xi32, #tpu.memory_space<hbm>>
        tpu.enqueue_dma source(%dma_start3A_415 : memref<3x128xi32, #tpu.memory_space<hbm>>) target(%arg7 : memref<3x128xi32, #tpu.memory_space<vmem>>) target_semaphore(%arg13 : memref<!tpu.dma_semaphore, #tpu.memory_space<semaphore_mem>>)
        %mul3A_416 = arith.constant 3 : i32
        %mul3A_417 = arith.muli %add3A_406, %mul3A_416 : i32
        %add3A_418 = arith.addi %select_n3A, %mul3A_417 : i32
        %dma_start3A_419 = arith.constant 0 : i32
        %dma_start3A_420 = tpu.memref_slice %arg3[%arg1, %add3A_418, %dma_start3A_419] : memref<16x396x128xi32, #tpu.memory_space<hbm>> -> memref<1x3x128xi32, #tpu.memory_space<hbm>>
        %dma_start3A_421 = tpu.memref_squeeze %dma_start3A_420 : memref<1x3x128xi32, #tpu.memory_space<hbm>> -> memref<3x128xi32, #tpu.memory_space<hbm>>
        %dma_start3A_422 = arith.constant 0 : i32
        %dma_start3A_423 = tpu.memref_slice %arg3[%arg1, %add3A_418, %dma_start3A_422] : memref<16x396x128xi32, #tpu.memory_space<hbm>> -> memref<1x3x128xi32, #tpu.memory_space<hbm>>
        %dma_start3A_424 = tpu.memref_squeeze %dma_start3A_423 : memref<1x3x128xi32, #tpu.memory_space<hbm>> -> memref<3x128xi32, #tpu.memory_space<hbm>>
        tpu.enqueue_dma source(%dma_start3A_424 : memref<3x128xi32, #tpu.memory_space<hbm>>) target(%arg8 : memref<3x128xi32, #tpu.memory_space<vmem>>) target_semaphore(%arg13 : memref<!tpu.dma_semaphore, #tpu.memory_space<semaphore_mem>>)
      } else {
      }
      %dma_wait3A_291 = arith.constant 0 : i32
      %dma_wait3A_292 = arith.constant 3 : i32
      %dma_wait3A_293 = arith.constant 0 : i32
      %dma_wait3A_294 = arith.constant 0 : i32
      %dma_wait3A_295 = tpu.memref_slice %arg11[%dma_wait3A_292, %dma_wait3A_293, %dma_wait3A_294] : memref<6x128x32xf32, #tpu.memory_space<vmem>> -> memref<1x128x32xf32, #tpu.memory_space<vmem>>
      %dma_wait3A_296 = tpu.memref_squeeze %dma_wait3A_295 : memref<1x128x32xf32, #tpu.memory_space<vmem>> -> memref<128x32xf32, #tpu.memory_space<vmem>>
      %dma_wait3A_297 = arith.constant 0 : i32
      %dma_wait3A_298 = tpu.memref_slice %arg9[%dma_wait3A_291, %dma_wait3A_297] : memref<3x128xi32, #tpu.memory_space<vmem>> -> memref<1x128xi32, #tpu.memory_space<vmem>>
      %dma_wait3A_299 = tpu.memref_squeeze %dma_wait3A_298 : memref<1x128xi32, #tpu.memory_space<vmem>> -> memref<128xi32, #tpu.memory_space<vmem>>
      %dma_wait3A_300 = arith.constant 0 : i32
      %dma_wait3A_301 = arith.constant 0 : i32
      %dma_wait3A_302 = tpu.memref_slice %arg4[%dma_wait3A_300, %dma_wait3A_301] : memref<50000x32xf32, #tpu.memory_space<hbm>> -> memref<50000x32xf32, #tpu.memory_space<hbm>>
      tpu.wait_indirect_dma semaphore(%arg16 : memref<!tpu.dma_semaphore, #tpu.memory_space<semaphore_mem>>) src(%dma_wait3A_302 : memref<50000x32xf32, #tpu.memory_space<hbm>>) dst(%dma_wait3A_296 : memref<128x32xf32, #tpu.memory_space<vmem>>)
      %dma_wait3A_303 = arith.constant 1 : i32
      %dma_wait3A_304 = arith.constant 4 : i32
      %dma_wait3A_305 = arith.constant 0 : i32
      %dma_wait3A_306 = arith.constant 0 : i32
      %dma_wait3A_307 = tpu.memref_slice %arg11[%dma_wait3A_304, %dma_wait3A_305, %dma_wait3A_306] : memref<6x128x32xf32, #tpu.memory_space<vmem>> -> memref<1x128x32xf32, #tpu.memory_space<vmem>>
      %dma_wait3A_308 = tpu.memref_squeeze %dma_wait3A_307 : memref<1x128x32xf32, #tpu.memory_space<vmem>> -> memref<128x32xf32, #tpu.memory_space<vmem>>
      %dma_wait3A_309 = arith.constant 0 : i32
      %dma_wait3A_310 = tpu.memref_slice %arg9[%dma_wait3A_303, %dma_wait3A_309] : memref<3x128xi32, #tpu.memory_space<vmem>> -> memref<1x128xi32, #tpu.memory_space<vmem>>
      %dma_wait3A_311 = tpu.memref_squeeze %dma_wait3A_310 : memref<1x128xi32, #tpu.memory_space<vmem>> -> memref<128xi32, #tpu.memory_space<vmem>>
      %dma_wait3A_312 = arith.constant 0 : i32
      %dma_wait3A_313 = arith.constant 0 : i32
      %dma_wait3A_314 = tpu.memref_slice %arg4[%dma_wait3A_312, %dma_wait3A_313] : memref<50000x32xf32, #tpu.memory_space<hbm>> -> memref<50000x32xf32, #tpu.memory_space<hbm>>
      tpu.wait_indirect_dma semaphore(%arg16 : memref<!tpu.dma_semaphore, #tpu.memory_space<semaphore_mem>>) src(%dma_wait3A_314 : memref<50000x32xf32, #tpu.memory_space<hbm>>) dst(%dma_wait3A_308 : memref<128x32xf32, #tpu.memory_space<vmem>>)
      %dma_wait3A_315 = arith.constant 2 : i32
      %dma_wait3A_316 = arith.constant 5 : i32
      %dma_wait3A_317 = arith.constant 0 : i32
      %dma_wait3A_318 = arith.constant 0 : i32
      %dma_wait3A_319 = tpu.memref_slice %arg11[%dma_wait3A_316, %dma_wait3A_317, %dma_wait3A_318] : memref<6x128x32xf32, #tpu.memory_space<vmem>> -> memref<1x128x32xf32, #tpu.memory_space<vmem>>
      %dma_wait3A_320 = tpu.memref_squeeze %dma_wait3A_319 : memref<1x128x32xf32, #tpu.memory_space<vmem>> -> memref<128x32xf32, #tpu.memory_space<vmem>>
      %dma_wait3A_321 = arith.constant 0 : i32
      %dma_wait3A_322 = tpu.memref_slice %arg9[%dma_wait3A_315, %dma_wait3A_321] : memref<3x128xi32, #tpu.memory_space<vmem>> -> memref<1x128xi32, #tpu.memory_space<vmem>>
      %dma_wait3A_323 = tpu.memref_squeeze %dma_wait3A_322 : memref<1x128xi32, #tpu.memory_space<vmem>> -> memref<128xi32, #tpu.memory_space<vmem>>
      %dma_wait3A_324 = arith.constant 0 : i32
      %dma_wait3A_325 = arith.constant 0 : i32
      %dma_wait3A_326 = tpu.memref_slice %arg4[%dma_wait3A_324, %dma_wait3A_325] : memref<50000x32xf32, #tpu.memory_space<hbm>> -> memref<50000x32xf32, #tpu.memory_space<hbm>>
      tpu.wait_indirect_dma semaphore(%arg16 : memref<!tpu.dma_semaphore, #tpu.memory_space<semaphore_mem>>) src(%dma_wait3A_326 : memref<50000x32xf32, #tpu.memory_space<hbm>>) dst(%dma_wait3A_320 : memref<128x32xf32, #tpu.memory_space<vmem>>)
      %dma_start3A_327 = arith.constant 3 : i32
      %dma_start3A_328 = arith.constant 0 : i32
      %dma_start3A_329 = arith.constant 0 : i32
      %dma_start3A_330 = arith.constant 0 : i32
      %dma_start3A_331 = tpu.memref_slice %arg11[%dma_start3A_327, %dma_start3A_329, %dma_start3A_330] : memref<6x128x32xf32, #tpu.memory_space<vmem>> -> memref<1x128x32xf32, #tpu.memory_space<vmem>>
      %dma_start3A_332 = tpu.memref_squeeze %dma_start3A_331 : memref<1x128x32xf32, #tpu.memory_space<vmem>> -> memref<128x32xf32, #tpu.memory_space<vmem>>
      %dma_start3A_333 = arith.constant 0 : i32
      %dma_start3A_334 = tpu.memref_slice %arg10[%dma_start3A_328, %dma_start3A_333] : memref<3x128xi32, #tpu.memory_space<vmem>> -> memref<1x128xi32, #tpu.memory_space<vmem>>
      %dma_start3A_335 = tpu.memref_squeeze %dma_start3A_334 : memref<1x128xi32, #tpu.memory_space<vmem>> -> memref<128xi32, #tpu.memory_space<vmem>>
      %dma_start3A_336 = arith.constant 0 : i32
      %dma_start3A_337 = arith.constant 0 : i32
      %dma_start3A_338 = tpu.memref_slice %arg12[%dma_start3A_336, %dma_start3A_337] : memref<50016x32xf32, #tpu.memory_space<vmem_shared>> -> memref<50016x32xf32, #tpu.memory_space<vmem_shared>>
      tpu.enqueue_indirect_dma source(%dma_start3A_332 : memref<128x32xf32, #tpu.memory_space<vmem>>) target(%dma_start3A_338 : memref<50016x32xf32, #tpu.memory_space<vmem_shared>>) offsets(%dma_start3A_335 : memref<128xi32, #tpu.memory_space<vmem>>) semaphore(%arg18 : memref<!tpu.dma_semaphore, #tpu.memory_space<semaphore_mem>>) {add = true}
      %dma_start3A_339 = arith.constant 4 : i32
      %dma_start3A_340 = arith.constant 1 : i32
      %dma_start3A_341 = arith.constant 0 : i32
      %dma_start3A_342 = arith.constant 0 : i32
      %dma_start3A_343 = tpu.memref_slice %arg11[%dma_start3A_339, %dma_start3A_341, %dma_start3A_342] : memref<6x128x32xf32, #tpu.memory_space<vmem>> -> memref<1x128x32xf32, #tpu.memory_space<vmem>>
      %dma_start3A_344 = tpu.memref_squeeze %dma_start3A_343 : memref<1x128x32xf32, #tpu.memory_space<vmem>> -> memref<128x32xf32, #tpu.memory_space<vmem>>
      %dma_start3A_345 = arith.constant 0 : i32
      %dma_start3A_346 = tpu.memref_slice %arg10[%dma_start3A_340, %dma_start3A_345] : memref<3x128xi32, #tpu.memory_space<vmem>> -> memref<1x128xi32, #tpu.memory_space<vmem>>
      %dma_start3A_347 = tpu.memref_squeeze %dma_start3A_346 : memref<1x128xi32, #tpu.memory_space<vmem>> -> memref<128xi32, #tpu.memory_space<vmem>>
      %dma_start3A_348 = arith.constant 0 : i32
      %dma_start3A_349 = arith.constant 0 : i32
      %dma_start3A_350 = tpu.memref_slice %arg12[%dma_start3A_348, %dma_start3A_349] : memref<50016x32xf32, #tpu.memory_space<vmem_shared>> -> memref<50016x32xf32, #tpu.memory_space<vmem_shared>>
      tpu.enqueue_indirect_dma source(%dma_start3A_344 : memref<128x32xf32, #tpu.memory_space<vmem>>) target(%dma_start3A_350 : memref<50016x32xf32, #tpu.memory_space<vmem_shared>>) offsets(%dma_start3A_347 : memref<128xi32, #tpu.memory_space<vmem>>) semaphore(%arg18 : memref<!tpu.dma_semaphore, #tpu.memory_space<semaphore_mem>>) {add = true}
      %dma_start3A_351 = arith.constant 5 : i32
      %dma_start3A_352 = arith.constant 2 : i32
      %dma_start3A_353 = arith.constant 0 : i32
      %dma_start3A_354 = arith.constant 0 : i32
      %dma_start3A_355 = tpu.memref_slice %arg11[%dma_start3A_351, %dma_start3A_353, %dma_start3A_354] : memref<6x128x32xf32, #tpu.memory_space<vmem>> -> memref<1x128x32xf32, #tpu.memory_space<vmem>>
      %dma_start3A_356 = tpu.memref_squeeze %dma_start3A_355 : memref<1x128x32xf32, #tpu.memory_space<vmem>> -> memref<128x32xf32, #tpu.memory_space<vmem>>
      %dma_start3A_357 = arith.constant 0 : i32
      %dma_start3A_358 = tpu.memref_slice %arg10[%dma_start3A_352, %dma_start3A_357] : memref<3x128xi32, #tpu.memory_space<vmem>> -> memref<1x128xi32, #tpu.memory_space<vmem>>
      %dma_start3A_359 = tpu.memref_squeeze %dma_start3A_358 : memref<1x128xi32, #tpu.memory_space<vmem>> -> memref<128xi32, #tpu.memory_space<vmem>>
      %dma_start3A_360 = arith.constant 0 : i32
      %dma_start3A_361 = arith.constant 0 : i32
      %dma_start3A_362 = tpu.memref_slice %arg12[%dma_start3A_360, %dma_start3A_361] : memref<50016x32xf32, #tpu.memory_space<vmem_shared>> -> memref<50016x32xf32, #tpu.memory_space<vmem_shared>>
      tpu.enqueue_indirect_dma source(%dma_start3A_356 : memref<128x32xf32, #tpu.memory_space<vmem>>) target(%dma_start3A_362 : memref<50016x32xf32, #tpu.memory_space<vmem_shared>>) offsets(%dma_start3A_359 : memref<128xi32, #tpu.memory_space<vmem>>) semaphore(%arg18 : memref<!tpu.dma_semaphore, #tpu.memory_space<semaphore_mem>>) {add = true}
      %dma_wait3A_363 = arith.constant 3 : i32
      %dma_wait3A_364 = arith.constant 0 : i32
      %dma_wait3A_365 = arith.constant 0 : i32
      %dma_wait3A_366 = arith.constant 0 : i32
      %dma_wait3A_367 = tpu.memref_slice %arg11[%dma_wait3A_363, %dma_wait3A_365, %dma_wait3A_366] : memref<6x128x32xf32, #tpu.memory_space<vmem>> -> memref<1x128x32xf32, #tpu.memory_space<vmem>>
      %dma_wait3A_368 = tpu.memref_squeeze %dma_wait3A_367 : memref<1x128x32xf32, #tpu.memory_space<vmem>> -> memref<128x32xf32, #tpu.memory_space<vmem>>
      %dma_wait3A_369 = arith.constant 0 : i32
      %dma_wait3A_370 = tpu.memref_slice %arg10[%dma_wait3A_364, %dma_wait3A_369] : memref<3x128xi32, #tpu.memory_space<vmem>> -> memref<1x128xi32, #tpu.memory_space<vmem>>
      %dma_wait3A_371 = tpu.memref_squeeze %dma_wait3A_370 : memref<1x128xi32, #tpu.memory_space<vmem>> -> memref<128xi32, #tpu.memory_space<vmem>>
      %dma_wait3A_372 = arith.constant 0 : i32
      %dma_wait3A_373 = arith.constant 0 : i32
      %dma_wait3A_374 = tpu.memref_slice %arg12[%dma_wait3A_372, %dma_wait3A_373] : memref<50016x32xf32, #tpu.memory_space<vmem_shared>> -> memref<50016x32xf32, #tpu.memory_space<vmem_shared>>
      tpu.wait_indirect_dma semaphore(%arg18 : memref<!tpu.dma_semaphore, #tpu.memory_space<semaphore_mem>>) src(%dma_wait3A_368 : memref<128x32xf32, #tpu.memory_space<vmem>>) dst(%dma_wait3A_374 : memref<50016x32xf32, #tpu.memory_space<vmem_shared>>)
      %dma_wait3A_375 = arith.constant 4 : i32
      %dma_wait3A_376 = arith.constant 1 : i32
      %dma_wait3A_377 = arith.constant 0 : i32
      %dma_wait3A_378 = arith.constant 0 : i32
      %dma_wait3A_379 = tpu.memref_slice %arg11[%dma_wait3A_375, %dma_wait3A_377, %dma_wait3A_378] : memref<6x128x32xf32, #tpu.memory_space<vmem>> -> memref<1x128x32xf32, #tpu.memory_space<vmem>>
      %dma_wait3A_380 = tpu.memref_squeeze %dma_wait3A_379 : memref<1x128x32xf32, #tpu.memory_space<vmem>> -> memref<128x32xf32, #tpu.memory_space<vmem>>
      %dma_wait3A_381 = arith.constant 0 : i32
      %dma_wait3A_382 = tpu.memref_slice %arg10[%dma_wait3A_376, %dma_wait3A_381] : memref<3x128xi32, #tpu.memory_space<vmem>> -> memref<1x128xi32, #tpu.memory_space<vmem>>
      %dma_wait3A_383 = tpu.memref_squeeze %dma_wait3A_382 : memref<1x128xi32, #tpu.memory_space<vmem>> -> memref<128xi32, #tpu.memory_space<vmem>>
      %dma_wait3A_384 = arith.constant 0 : i32
      %dma_wait3A_385 = arith.constant 0 : i32
      %dma_wait3A_386 = tpu.memref_slice %arg12[%dma_wait3A_384, %dma_wait3A_385] : memref<50016x32xf32, #tpu.memory_space<vmem_shared>> -> memref<50016x32xf32, #tpu.memory_space<vmem_shared>>
      tpu.wait_indirect_dma semaphore(%arg18 : memref<!tpu.dma_semaphore, #tpu.memory_space<semaphore_mem>>) src(%dma_wait3A_380 : memref<128x32xf32, #tpu.memory_space<vmem>>) dst(%dma_wait3A_386 : memref<50016x32xf32, #tpu.memory_space<vmem_shared>>)
      %dma_wait3A_387 = arith.constant 5 : i32
      %dma_wait3A_388 = arith.constant 2 : i32
      %dma_wait3A_389 = arith.constant 0 : i32
      %dma_wait3A_390 = arith.constant 0 : i32
      %dma_wait3A_391 = tpu.memref_slice %arg11[%dma_wait3A_387, %dma_wait3A_389, %dma_wait3A_390] : memref<6x128x32xf32, #tpu.memory_space<vmem>> -> memref<1x128x32xf32, #tpu.memory_space<vmem>>
      %dma_wait3A_392 = tpu.memref_squeeze %dma_wait3A_391 : memref<1x128x32xf32, #tpu.memory_space<vmem>> -> memref<128x32xf32, #tpu.memory_space<vmem>>
      %dma_wait3A_393 = arith.constant 0 : i32
      %dma_wait3A_394 = tpu.memref_slice %arg10[%dma_wait3A_388, %dma_wait3A_393] : memref<3x128xi32, #tpu.memory_space<vmem>> -> memref<1x128xi32, #tpu.memory_space<vmem>>
      %dma_wait3A_395 = tpu.memref_squeeze %dma_wait3A_394 : memref<1x128xi32, #tpu.memory_space<vmem>> -> memref<128xi32, #tpu.memory_space<vmem>>
      %dma_wait3A_396 = arith.constant 0 : i32
      %dma_wait3A_397 = arith.constant 0 : i32
      %dma_wait3A_398 = tpu.memref_slice %arg12[%dma_wait3A_396, %dma_wait3A_397] : memref<50016x32xf32, #tpu.memory_space<vmem_shared>> -> memref<50016x32xf32, #tpu.memory_space<vmem_shared>>
      tpu.wait_indirect_dma semaphore(%arg18 : memref<!tpu.dma_semaphore, #tpu.memory_space<semaphore_mem>>) src(%dma_wait3A_392 : memref<128x32xf32, #tpu.memory_space<vmem>>) dst(%dma_wait3A_398 : memref<50016x32xf32, #tpu.memory_space<vmem_shared>>)
      %add3A_399 = arith.constant 2 : i32
      %add3A_400 = arith.addi %mul3A_123, %add3A_399 : i32
      %lt3A_401 = arith.cmpi slt, %add3A_400, %select_n3A_6 : i32
      %convert_element_type3A_402 = arith.extui %lt3A_401 : i1 to i32
      %cond3A_403 = arith.constant 0 : i32
      %cond3A_404 = arith.cmpi ne, %convert_element_type3A_402, %cond3A_403 : i32
      scf.if %cond3A_404 {
        %add3A_405 = arith.constant 2 : i32
        %add3A_406 = arith.addi %mul3A_123, %add3A_405 : i32
        %mul3A_407 = arith.constant 3 : i32
        %mul3A_408 = arith.muli %add3A_406, %mul3A_407 : i32
        %add3A_409 = arith.addi %select_n3A, %mul3A_408 : i32
        %dma_wait3A_410 = arith.constant 0 : i32
        %dma_wait3A_411 = tpu.memref_slice %arg2[%arg1, %add3A_409, %dma_wait3A_410] : memref<16x396x128xi32, #tpu.memory_space<hbm>> -> memref<1x3x128xi32, #tpu.memory_space<hbm>>
        %dma_wait3A_412 = tpu.memref_squeeze %dma_wait3A_411 : memref<1x3x128xi32, #tpu.memory_space<hbm>> -> memref<3x128xi32, #tpu.memory_space<hbm>>
        %dma_wait3A_413 = arith.constant 0 : i32
        %dma_wait3A_414 = tpu.memref_slice %arg2[%arg1, %add3A_409, %dma_wait3A_413] : memref<16x396x128xi32, #tpu.memory_space<hbm>> -> memref<1x3x128xi32, #tpu.memory_space<hbm>>
        %dma_wait3A_415 = tpu.memref_squeeze %dma_wait3A_414 : memref<1x3x128xi32, #tpu.memory_space<hbm>> -> memref<3x128xi32, #tpu.memory_space<hbm>>
        tpu.wait_dma2 semaphore(%arg13 : memref<!tpu.dma_semaphore, #tpu.memory_space<semaphore_mem>>) src(%dma_wait3A_415 : memref<3x128xi32, #tpu.memory_space<hbm>>) dst(%arg7 : memref<3x128xi32, #tpu.memory_space<vmem>>)
        %mul3A_416 = arith.constant 3 : i32
        %mul3A_417 = arith.muli %add3A_406, %mul3A_416 : i32
        %add3A_418 = arith.addi %select_n3A, %mul3A_417 : i32
        %dma_wait3A_419 = arith.constant 0 : i32
        %dma_wait3A_420 = tpu.memref_slice %arg3[%arg1, %add3A_418, %dma_wait3A_419] : memref<16x396x128xi32, #tpu.memory_space<hbm>> -> memref<1x3x128xi32, #tpu.memory_space<hbm>>
        %dma_wait3A_421 = tpu.memref_squeeze %dma_wait3A_420 : memref<1x3x128xi32, #tpu.memory_space<hbm>> -> memref<3x128xi32, #tpu.memory_space<hbm>>
        %dma_wait3A_422 = arith.constant 0 : i32
        %dma_wait3A_423 = tpu.memref_slice %arg3[%arg1, %add3A_418, %dma_wait3A_422] : memref<16x396x128xi32, #tpu.memory_space<hbm>> -> memref<1x3x128xi32, #tpu.memory_space<hbm>>
        %dma_wait3A_424 = tpu.memref_squeeze %dma_wait3A_423 : memref<1x3x128xi32, #tpu.memory_space<hbm>> -> memref<3x128xi32, #tpu.memory_space<hbm>>
        tpu.wait_dma2 semaphore(%arg13 : memref<!tpu.dma_semaphore, #tpu.memory_space<semaphore_mem>>) src(%dma_wait3A_424 : memref<3x128xi32, #tpu.memory_space<hbm>>) dst(%arg8 : memref<3x128xi32, #tpu.memory_space<vmem>>)
        %dma_start3A_425 = arith.constant 0 : i32
        %dma_start3A_426 = arith.constant 0 : i32
        %dma_start3A_427 = arith.constant 0 : i32
        %dma_start3A_428 = arith.constant 0 : i32
        %dma_start3A_429 = tpu.memref_slice %arg11[%dma_start3A_426, %dma_start3A_427, %dma_start3A_428] : memref<6x128x32xf32, #tpu.memory_space<vmem>> -> memref<1x128x32xf32, #tpu.memory_space<vmem>>
        %dma_start3A_430 = tpu.memref_squeeze %dma_start3A_429 : memref<1x128x32xf32, #tpu.memory_space<vmem>> -> memref<128x32xf32, #tpu.memory_space<vmem>>
        %dma_start3A_431 = arith.constant 0 : i32
        %dma_start3A_432 = tpu.memref_slice %arg7[%dma_start3A_425, %dma_start3A_431] : memref<3x128xi32, #tpu.memory_space<vmem>> -> memref<1x128xi32, #tpu.memory_space<vmem>>
        %dma_start3A_433 = tpu.memref_squeeze %dma_start3A_432 : memref<1x128xi32, #tpu.memory_space<vmem>> -> memref<128xi32, #tpu.memory_space<vmem>>
        %dma_start3A_434 = arith.constant 0 : i32
        %dma_start3A_435 = arith.constant 0 : i32
        %dma_start3A_436 = tpu.memref_slice %arg4[%dma_start3A_434, %dma_start3A_435] : memref<50000x32xf32, #tpu.memory_space<hbm>> -> memref<50000x32xf32, #tpu.memory_space<hbm>>
        tpu.enqueue_indirect_dma source(%dma_start3A_436 : memref<50000x32xf32, #tpu.memory_space<hbm>>) target(%dma_start3A_430 : memref<128x32xf32, #tpu.memory_space<vmem>>) offsets(%dma_start3A_433 : memref<128xi32, #tpu.memory_space<vmem>>) semaphore(%arg15 : memref<!tpu.dma_semaphore, #tpu.memory_space<semaphore_mem>>)
        %dma_start3A_437 = arith.constant 1 : i32
        %dma_start3A_438 = arith.constant 1 : i32
        %dma_start3A_439 = arith.constant 0 : i32
        %dma_start3A_440 = arith.constant 0 : i32
        %dma_start3A_441 = tpu.memref_slice %arg11[%dma_start3A_438, %dma_start3A_439, %dma_start3A_440] : memref<6x128x32xf32, #tpu.memory_space<vmem>> -> memref<1x128x32xf32, #tpu.memory_space<vmem>>
        %dma_start3A_442 = tpu.memref_squeeze %dma_start3A_441 : memref<1x128x32xf32, #tpu.memory_space<vmem>> -> memref<128x32xf32, #tpu.memory_space<vmem>>
        %dma_start3A_443 = arith.constant 0 : i32
        %dma_start3A_444 = tpu.memref_slice %arg7[%dma_start3A_437, %dma_start3A_443] : memref<3x128xi32, #tpu.memory_space<vmem>> -> memref<1x128xi32, #tpu.memory_space<vmem>>
        %dma_start3A_445 = tpu.memref_squeeze %dma_start3A_444 : memref<1x128xi32, #tpu.memory_space<vmem>> -> memref<128xi32, #tpu.memory_space<vmem>>
        %dma_start3A_446 = arith.constant 0 : i32
        %dma_start3A_447 = arith.constant 0 : i32
        %dma_start3A_448 = tpu.memref_slice %arg4[%dma_start3A_446, %dma_start3A_447] : memref<50000x32xf32, #tpu.memory_space<hbm>> -> memref<50000x32xf32, #tpu.memory_space<hbm>>
        tpu.enqueue_indirect_dma source(%dma_start3A_448 : memref<50000x32xf32, #tpu.memory_space<hbm>>) target(%dma_start3A_442 : memref<128x32xf32, #tpu.memory_space<vmem>>) offsets(%dma_start3A_445 : memref<128xi32, #tpu.memory_space<vmem>>) semaphore(%arg15 : memref<!tpu.dma_semaphore, #tpu.memory_space<semaphore_mem>>)
        %dma_start3A_449 = arith.constant 2 : i32
        %dma_start3A_450 = arith.constant 2 : i32
        %dma_start3A_451 = arith.constant 0 : i32
        %dma_start3A_452 = arith.constant 0 : i32
        %dma_start3A_453 = tpu.memref_slice %arg11[%dma_start3A_450, %dma_start3A_451, %dma_start3A_452] : memref<6x128x32xf32, #tpu.memory_space<vmem>> -> memref<1x128x32xf32, #tpu.memory_space<vmem>>
        %dma_start3A_454 = tpu.memref_squeeze %dma_start3A_453 : memref<1x128x32xf32, #tpu.memory_space<vmem>> -> memref<128x32xf32, #tpu.memory_space<vmem>>
        %dma_start3A_455 = arith.constant 0 : i32
        %dma_start3A_456 = tpu.memref_slice %arg7[%dma_start3A_449, %dma_start3A_455] : memref<3x128xi32, #tpu.memory_space<vmem>> -> memref<1x128xi32, #tpu.memory_space<vmem>>
        %dma_start3A_457 = tpu.memref_squeeze %dma_start3A_456 : memref<1x128xi32, #tpu.memory_space<vmem>> -> memref<128xi32, #tpu.memory_space<vmem>>
        %dma_start3A_458 = arith.constant 0 : i32
        %dma_start3A_459 = arith.constant 0 : i32
        %dma_start3A_460 = tpu.memref_slice %arg4[%dma_start3A_458, %dma_start3A_459] : memref<50000x32xf32, #tpu.memory_space<hbm>> -> memref<50000x32xf32, #tpu.memory_space<hbm>>
        tpu.enqueue_indirect_dma source(%dma_start3A_460 : memref<50000x32xf32, #tpu.memory_space<hbm>>) target(%dma_start3A_454 : memref<128x32xf32, #tpu.memory_space<vmem>>) offsets(%dma_start3A_457 : memref<128xi32, #tpu.memory_space<vmem>>) semaphore(%arg15 : memref<!tpu.dma_semaphore, #tpu.memory_space<semaphore_mem>>)
        %add3A_461 = arith.constant 2 : i32
        %add3A_462 = arith.addi %add3A_125, %add3A_461 : i32
        %mul3A_463 = arith.constant 3 : i32
        %mul3A_464 = arith.muli %add3A_462, %mul3A_463 : i32
        %add3A_465 = arith.addi %select_n3A, %mul3A_464 : i32
        %dma_start3A_466 = arith.constant 0 : i32
        %dma_start3A_467 = tpu.memref_slice %arg2[%arg1, %add3A_465, %dma_start3A_466] : memref<16x396x128xi32, #tpu.memory_space<hbm>> -> memref<1x3x128xi32, #tpu.memory_space<hbm>>
        %dma_start3A_468 = tpu.memref_squeeze %dma_start3A_467 : memref<1x3x128xi32, #tpu.memory_space<hbm>> -> memref<3x128xi32, #tpu.memory_space<hbm>>
        %dma_start3A_469 = arith.constant 0 : i32
        %dma_start3A_470 = tpu.memref_slice %arg2[%arg1, %add3A_465, %dma_start3A_469] : memref<16x396x128xi32, #tpu.memory_space<hbm>> -> memref<1x3x128xi32, #tpu.memory_space<hbm>>
        %dma_start3A_471 = tpu.memref_squeeze %dma_start3A_470 : memref<1x3x128xi32, #tpu.memory_space<hbm>> -> memref<3x128xi32, #tpu.memory_space<hbm>>
        tpu.enqueue_dma source(%dma_start3A_471 : memref<3x128xi32, #tpu.memory_space<hbm>>) target(%arg9 : memref<3x128xi32, #tpu.memory_space<vmem>>) target_semaphore(%arg14 : memref<!tpu.dma_semaphore, #tpu.memory_space<semaphore_mem>>)
        %mul3A_472 = arith.constant 3 : i32
        %mul3A_473 = arith.muli %add3A_462, %mul3A_472 : i32
        %add3A_474 = arith.addi %select_n3A, %mul3A_473 : i32
        %dma_start3A_475 = arith.constant 0 : i32
        %dma_start3A_476 = tpu.memref_slice %arg3[%arg1, %add3A_474, %dma_start3A_475] : memref<16x396x128xi32, #tpu.memory_space<hbm>> -> memref<1x3x128xi32, #tpu.memory_space<hbm>>
        %dma_start3A_477 = tpu.memref_squeeze %dma_start3A_476 : memref<1x3x128xi32, #tpu.memory_space<hbm>> -> memref<3x128xi32, #tpu.memory_space<hbm>>
        %dma_start3A_478 = arith.constant 0 : i32
        %dma_start3A_479 = tpu.memref_slice %arg3[%arg1, %add3A_474, %dma_start3A_478] : memref<16x396x128xi32, #tpu.memory_space<hbm>> -> memref<1x3x128xi32, #tpu.memory_space<hbm>>
        %dma_start3A_480 = tpu.memref_squeeze %dma_start3A_479 : memref<1x3x128xi32, #tpu.memory_space<hbm>> -> memref<3x128xi32, #tpu.memory_space<hbm>>
        tpu.enqueue_dma source(%dma_start3A_480 : memref<3x128xi32, #tpu.memory_space<hbm>>) target(%arg10 : memref<3x128xi32, #tpu.memory_space<vmem>>) target_semaphore(%arg14 : memref<!tpu.dma_semaphore, #tpu.memory_space<semaphore_mem>>)
      } else {
      }
    }
    %barrier3A_116 = arith.constant 0 : index
    tpu.barrier barrier_id(%barrier3A_116)
    %mul3A_117 = arith.constant 3126 : i32
    %mul3A_118 = arith.muli %arg1, %mul3A_117 : i32
    %mul3A_119 = arith.constant 3126 : i32
    %mul3A_120 = arith.muli %arg1, %mul3A_119 : i32
    "tpu.region"() ({
      %run_scoped3A = tpu.sem_alloc : memref<!tpu.dma_semaphore, #tpu.memory_space<semaphore_mem>>
      %dma_start3A_121 = arith.constant 0 : i32
      %dma_start3A_122 = tpu.memref_slice %arg6[%arg0, %mul3A_120, %dma_start3A_121] : memref<2x50016x32xf32, #tpu.memory_space<hbm>> -> memref<1x3126x32xf32, #tpu.memory_space<hbm>>
      %dma_start3A_123 = tpu.memref_squeeze %dma_start3A_122 : memref<1x3126x32xf32, #tpu.memory_space<hbm>> -> memref<3126x32xf32, #tpu.memory_space<hbm>>
      %dma_start3A_124 = arith.constant 0 : i32
      %dma_start3A_125 = tpu.memref_slice %arg12[%mul3A_118, %dma_start3A_124] : memref<50016x32xf32, #tpu.memory_space<vmem_shared>> -> memref<3126x32xf32, #tpu.memory_space<vmem_shared>>
      tpu.enqueue_dma source(%dma_start3A_125 : memref<3126x32xf32, #tpu.memory_space<vmem_shared>>) target(%dma_start3A_123 : memref<3126x32xf32, #tpu.memory_space<hbm>>) target_semaphore(%run_scoped3A : memref<!tpu.dma_semaphore, #tpu.memory_space<semaphore_mem>>)
      %dma_wait3A_126 = arith.constant 0 : i32
      %dma_wait3A_127 = tpu.memref_slice %arg6[%arg0, %mul3A_120, %dma_wait3A_126] : memref<2x50016x32xf32, #tpu.memory_space<hbm>> -> memref<1x3126x32xf32, #tpu.memory_space<hbm>>
      %dma_wait3A_128 = tpu.memref_squeeze %dma_wait3A_127 : memref<1x3126x32xf32, #tpu.memory_space<hbm>> -> memref<3126x32xf32, #tpu.memory_space<hbm>>
      %dma_wait3A_129 = arith.constant 0 : i32
      %dma_wait3A_130 = tpu.memref_slice %arg12[%mul3A_118, %dma_wait3A_129] : memref<50016x32xf32, #tpu.memory_space<vmem_shared>> -> memref<3126x32xf32, #tpu.memory_space<vmem_shared>>
      tpu.wait_dma2 semaphore(%run_scoped3A : memref<!tpu.dma_semaphore, #tpu.memory_space<semaphore_mem>>) src(%dma_wait3A_130 : memref<3126x32xf32, #tpu.memory_space<vmem_shared>>) dst(%dma_wait3A_128 : memref<3126x32xf32, #tpu.memory_space<hbm>>)
      tpu.yield
    }) : () -> ()
    return
  }
}

module attributes {stable_mosaic.version = 14 : i64} {
  func.func @body(%arg0: i32, %arg1: memref<2000x310xf32, #tpu.memory_space<vmem>>, %arg2: memref<2000x768xf32, #tpu.memory_space<vmem>>, %arg3: memref<2x2000x16xf32, #tpu.memory_space<vmem>>, %arg4: memref<310x32xf32, #tpu.memory_space<vmem>>, %arg5: memref<1x32xf32, #tpu.memory_space<vmem>>, %arg6: memref<768x32xf32, #tpu.memory_space<vmem>>, %arg7: memref<1x32xf32, #tpu.memory_space<vmem>>, %arg8: memref<32x32xf32, #tpu.memory_space<vmem>>, %arg9: memref<32x32xf32, #tpu.memory_space<vmem>>, %arg10: memref<2000x32xf32, #tpu.memory_space<vmem>>, %arg11: memref<2000x1xf32, #tpu.memory_space<vmem>>) attributes {dimension_semantics = [#tpu.dimension_semantics<arbitrary>], iteration_bounds = array<i64: 25>, scalar_prefetch = 0 : i64, scratch_operands = 0 : i64, tpu.core_type = #tpu.core_type<tc>, window_params = [{transform_indices = @transform_0, window_bounds = array<i64: 2000, 310>}, {transform_indices = @transform_1, window_bounds = array<i64: 2000, 768>}, {transform_indices = @transform_2, window_bounds = array<i64: 2, 2000, 16>}, {pipeline_mode = #tpu.pipeline_mode<synchronous>, transform_indices = @transform_3, window_bounds = array<i64: 310, 32>}, {pipeline_mode = #tpu.pipeline_mode<synchronous>, transform_indices = @transform_4, window_bounds = array<i64: 1, 32>}, {pipeline_mode = #tpu.pipeline_mode<synchronous>, transform_indices = @transform_5, window_bounds = array<i64: 768, 32>}, {pipeline_mode = #tpu.pipeline_mode<synchronous>, transform_indices = @transform_6, window_bounds = array<i64: 1, 32>}, {pipeline_mode = #tpu.pipeline_mode<synchronous>, transform_indices = @transform_7, window_bounds = array<i64: 32, 32>}, {pipeline_mode = #tpu.pipeline_mode<synchronous>, transform_indices = @transform_8, window_bounds = array<i64: 32, 32>}, {transform_indices = @transform_9, window_bounds = array<i64: 2000, 32>}, {transform_indices = @transform_10, window_bounds = array<i64: 2000, 1>}]} {
    %get3A = arith.constant 0 : index
    %get3A_0 = arith.constant 0 : index
    %get3A_1 = arith.constant 0 : index
    %get3A_2 = vector.load %arg3[%get3A, %get3A_0, %get3A_1] : memref<2x2000x16xf32, #tpu.memory_space<vmem>>, vector<1x2000x1xf32>
    %get3A_3 = vector.shape_cast %get3A_2 : vector<1x2000x1xf32> to vector<2000xf32>
    %get3A_4 = arith.constant 1 : index
    %get3A_5 = arith.constant 0 : index
    %get3A_6 = arith.constant 0 : index
    %get3A_7 = vector.load %arg3[%get3A_4, %get3A_5, %get3A_6] : memref<2x2000x16xf32, #tpu.memory_space<vmem>>, vector<1x2000x1xf32>
    %get3A_8 = vector.shape_cast %get3A_7 : vector<1x2000x1xf32> to vector<2000xf32>
    %add3A = arith.addf %get3A_3, %get3A_8 : vector<2000xf32>
    %add3A_9 = arith.constant 1.000000e+00 : f32
    %add3A_10 = vector.broadcast %add3A_9 : f32 to vector<2000xf32>
    %add3A_11 = arith.addf %add3A, %add3A_10 : vector<2000xf32>
    %rsqrt3A = math.rsqrt %add3A_11 : vector<2000xf32>
    %broadcast_in_dim3A = vector.shape_cast %rsqrt3A : vector<2000xf32> to vector<2000x1xf32>
    %get3A_12 = arith.constant 0 : index
    %get3A_13 = arith.constant 0 : index
    %get3A_14 = vector.load %arg1[%get3A_12, %get3A_13] : memref<2000x310xf32, #tpu.memory_space<vmem>>, vector<2000x310xf32>
    %get3A_15 = arith.constant 0 : index
    %get3A_16 = arith.constant 0 : index
    %get3A_17 = vector.load %arg4[%get3A_15, %get3A_16] : memref<310x32xf32, #tpu.memory_space<vmem>>, vector<310x32xf32>
    %dot_general3A = arith.constant dense<0.000000e+00> : vector<2000x32xf32>
    %dot_general3A_18 = tpu.matmul %get3A_14, %get3A_17, %dot_general3A {dimension_numbers = #tpu.dot_dimension_numbers<[1], [0], [0], [1], [0, 0, 1, 1], [], []>, transpose_lhs_hint = false} : vector<2000x310xf32>, vector<310x32xf32>, vector<2000x32xf32> -> vector<2000x32xf32>
    %get3A_19 = arith.constant 0 : index
    %get3A_20 = arith.constant 0 : index
    %get3A_21 = vector.load %arg5[%get3A_19, %get3A_20] : memref<1x32xf32, #tpu.memory_space<vmem>>, vector<1x32xf32>
    %add3A_22 = vector.broadcast %get3A_21 : vector<1x32xf32> to vector<2000x32xf32>
    %add3A_23 = arith.addf %dot_general3A_18, %add3A_22 : vector<2000x32xf32>
    %max3A = arith.constant 0.000000e+00 : f32
    %max3A_24 = vector.broadcast %max3A : f32 to vector<2000x32xf32>
    %max3A_25 = arith.maximumf %add3A_23, %max3A_24 : vector<2000x32xf32>
    %get3A_26 = arith.constant 0 : index
    %get3A_27 = arith.constant 0 : index
    %get3A_28 = vector.load %arg2[%get3A_26, %get3A_27] : memref<2000x768xf32, #tpu.memory_space<vmem>>, vector<2000x768xf32>
    %get3A_29 = arith.constant 0 : index
    %get3A_30 = arith.constant 0 : index
    %get3A_31 = vector.load %arg6[%get3A_29, %get3A_30] : memref<768x32xf32, #tpu.memory_space<vmem>>, vector<768x32xf32>
    %dot_general3A_32 = arith.constant dense<0.000000e+00> : vector<2000x32xf32>
    %dot_general3A_33 = tpu.matmul %get3A_28, %get3A_31, %dot_general3A_32 {dimension_numbers = #tpu.dot_dimension_numbers<[1], [0], [0], [1], [0, 0, 1, 1], [], []>, transpose_lhs_hint = false} : vector<2000x768xf32>, vector<768x32xf32>, vector<2000x32xf32> -> vector<2000x32xf32>
    %get3A_34 = arith.constant 0 : index
    %get3A_35 = arith.constant 0 : index
    %get3A_36 = vector.load %arg7[%get3A_34, %get3A_35] : memref<1x32xf32, #tpu.memory_space<vmem>>, vector<1x32xf32>
    %add3A_37 = vector.broadcast %get3A_36 : vector<1x32xf32> to vector<2000x32xf32>
    %add3A_38 = arith.addf %dot_general3A_33, %add3A_37 : vector<2000x32xf32>
    %max3A_39 = arith.constant 0.000000e+00 : f32
    %max3A_40 = vector.broadcast %max3A_39 : f32 to vector<2000x32xf32>
    %max3A_41 = arith.maximumf %add3A_38, %max3A_40 : vector<2000x32xf32>
    %get3A_42 = arith.constant 0 : index
    %get3A_43 = arith.constant 0 : index
    %get3A_44 = vector.load %arg8[%get3A_42, %get3A_43] : memref<32x32xf32, #tpu.memory_space<vmem>>, vector<32x32xf32>
    %dot_general3A_45 = arith.constant dense<0.000000e+00> : vector<2000x32xf32>
    %dot_general3A_46 = tpu.matmul %max3A_25, %get3A_44, %dot_general3A_45 {dimension_numbers = #tpu.dot_dimension_numbers<[1], [0], [0], [1], [0, 0, 1, 1], [], []>, transpose_lhs_hint = false} : vector<2000x32xf32>, vector<32x32xf32>, vector<2000x32xf32> -> vector<2000x32xf32>
    %get3A_47 = arith.constant 0 : index
    %get3A_48 = arith.constant 0 : index
    %get3A_49 = vector.load %arg9[%get3A_47, %get3A_48] : memref<32x32xf32, #tpu.memory_space<vmem>>, vector<32x32xf32>
    %dot_general3A_50 = arith.constant dense<0.000000e+00> : vector<2000x32xf32>
    %dot_general3A_51 = tpu.matmul %max3A_41, %get3A_49, %dot_general3A_50 {dimension_numbers = #tpu.dot_dimension_numbers<[1], [0], [0], [1], [0, 0, 1, 1], [], []>, transpose_lhs_hint = false} : vector<2000x32xf32>, vector<32x32xf32>, vector<2000x32xf32> -> vector<2000x32xf32>
    %add3A_52 = arith.addf %dot_general3A_46, %dot_general3A_51 : vector<2000x32xf32>
    %mul3A = vector.broadcast %broadcast_in_dim3A : vector<2000x1xf32> to vector<2000x32xf32>
    %mul3A_53 = arith.mulf %add3A_52, %mul3A : vector<2000x32xf32>
    %swap3A = arith.constant 0 : index
    %swap3A_54 = arith.constant 0 : index
    %swap3A_55 = vector.load %arg10[%swap3A, %swap3A_54] : memref<2000x32xf32, #tpu.memory_space<vmem>>, vector<2000x32xf32>
    tpu.vector_store %arg10[%swap3A, %swap3A_54], %mul3A_53 {strides = array<i32>} : memref<2000x32xf32, #tpu.memory_space<vmem>>, vector<2000x32xf32>,
    %swap3A_56 = arith.constant 0 : index
    %swap3A_57 = arith.constant 0 : index
    %swap3A_58 = vector.load %arg11[%swap3A_56, %swap3A_57] : memref<2000x1xf32, #tpu.memory_space<vmem>>, vector<2000x1xf32>
    tpu.vector_store %arg11[%swap3A_56, %swap3A_57], %broadcast_in_dim3A {strides = array<i32>} : memref<2000x1xf32, #tpu.memory_space<vmem>>, vector<2000x1xf32>,
    return
  }
  func.func @transform_0(%arg0: i32) -> (i32, i32) {
    %c0_i32 = arith.constant 0 : i32
    %c0_i32_0 = arith.constant 0 : i32
    return %arg0, %c0_i32 : i32, i32
  }
  func.func @transform_1(%arg0: i32) -> (i32, i32) {
    %c0_i32 = arith.constant 0 : i32
    %c0_i32_0 = arith.constant 0 : i32
    return %arg0, %c0_i32 : i32, i32
  }
  func.func @transform_2(%arg0: i32) -> (i32, i32, i32) {
    %c0_i32 = arith.constant 0 : i32
    %c0_i32_0 = arith.constant 0 : i32
    %c0_i32_1 = arith.constant 0 : i32
    return %c0_i32, %arg0, %c0_i32_0 : i32, i32, i32
  }
  func.func @transform_3(%arg0: i32) -> (i32, i32) {
    %c0_i32 = arith.constant 0 : i32
    %c0_i32_0 = arith.constant 0 : i32
    %c0_i32_1 = arith.constant 0 : i32
    return %c0_i32, %c0_i32_0 : i32, i32
  }
  func.func @transform_4(%arg0: i32) -> (i32, i32) {
    %c0_i32 = arith.constant 0 : i32
    %c0_i32_0 = arith.constant 0 : i32
    %c0_i32_1 = arith.constant 0 : i32
    return %c0_i32, %c0_i32_0 : i32, i32
  }
  func.func @transform_5(%arg0: i32) -> (i32, i32) {
    %c0_i32 = arith.constant 0 : i32
    %c0_i32_0 = arith.constant 0 : i32
    %c0_i32_1 = arith.constant 0 : i32
    return %c0_i32, %c0_i32_0 : i32, i32
  }
  func.func @transform_6(%arg0: i32) -> (i32, i32) {
    %c0_i32 = arith.constant 0 : i32
    %c0_i32_0 = arith.constant 0 : i32
    %c0_i32_1 = arith.constant 0 : i32
    return %c0_i32, %c0_i32_0 : i32, i32
  }
  func.func @transform_7(%arg0: i32) -> (i32, i32) {
    %c0_i32 = arith.constant 0 : i32
    %c0_i32_0 = arith.constant 0 : i32
    %c0_i32_1 = arith.constant 0 : i32
    return %c0_i32, %c0_i32_0 : i32, i32
  }
  func.func @transform_8(%arg0: i32) -> (i32, i32) {
    %c0_i32 = arith.constant 0 : i32
    %c0_i32_0 = arith.constant 0 : i32
    %c0_i32_1 = arith.constant 0 : i32
    return %c0_i32, %c0_i32_0 : i32, i32
  }
  func.func @transform_9(%arg0: i32) -> (i32, i32) {
    %c0_i32 = arith.constant 0 : i32
    %c0_i32_0 = arith.constant 0 : i32
    return %arg0, %c0_i32 : i32, i32
  }
  func.func @transform_10(%arg0: i32) -> (i32, i32) {
    %c0_i32 = arith.constant 0 : i32
    %c0_i32_0 = arith.constant 0 : i32
    return %arg0, %c0_i32 : i32, i32
  }
}

module attributes {stable_mosaic.version = 14 : i64} {
  func.func @body(%arg0: i32, %arg1: memref<2x2000x32xf32, #tpu.memory_space<vmem>>, %arg2: memref<2000x32xf32, #tpu.memory_space<vmem>>, %arg3: memref<2000x1xf32, #tpu.memory_space<vmem>>, %arg4: memref<32x32xf32, #tpu.memory_space<vmem>>, %arg5: memref<1x32xf32, #tpu.memory_space<vmem>>, %arg6: memref<2000x32xf32, #tpu.memory_space<vmem>>) attributes {dimension_semantics = [#tpu.dimension_semantics<arbitrary>], iteration_bounds = array<i64: 25>, scalar_prefetch = 0 : i64, scratch_operands = 0 : i64, tpu.core_type = #tpu.core_type<tc>, window_params = [{transform_indices = @transform_0, window_bounds = array<i64: 2, 2000, 32>}, {transform_indices = @transform_1, window_bounds = array<i64: 2000, 32>}, {transform_indices = @transform_2, window_bounds = array<i64: 2000, 1>}, {pipeline_mode = #tpu.pipeline_mode<synchronous>, transform_indices = @transform_3, window_bounds = array<i64: 32, 32>}, {pipeline_mode = #tpu.pipeline_mode<synchronous>, transform_indices = @transform_4, window_bounds = array<i64: 1, 32>}, {transform_indices = @transform_5, window_bounds = array<i64: 2000, 32>}]} {
    %get3A = arith.constant 0 : index
    %get3A_0 = arith.constant 0 : index
    %get3A_1 = arith.constant 0 : index
    %get3A_2 = vector.load %arg1[%get3A, %get3A_0, %get3A_1] : memref<2x2000x32xf32, #tpu.memory_space<vmem>>, vector<1x2000x32xf32>
    %get3A_3 = vector.shape_cast %get3A_2 : vector<1x2000x32xf32> to vector<2000x32xf32>
    %get3A_4 = arith.constant 1 : index
    %get3A_5 = arith.constant 0 : index
    %get3A_6 = arith.constant 0 : index
    %get3A_7 = vector.load %arg1[%get3A_4, %get3A_5, %get3A_6] : memref<2x2000x32xf32, #tpu.memory_space<vmem>>, vector<1x2000x32xf32>
    %get3A_8 = vector.shape_cast %get3A_7 : vector<1x2000x32xf32> to vector<2000x32xf32>
    %add3A = arith.addf %get3A_3, %get3A_8 : vector<2000x32xf32>
    %get3A_9 = arith.constant 0 : index
    %get3A_10 = arith.constant 0 : index
    %get3A_11 = vector.load %arg2[%get3A_9, %get3A_10] : memref<2000x32xf32, #tpu.memory_space<vmem>>, vector<2000x32xf32>
    %add3A_12 = arith.addf %add3A, %get3A_11 : vector<2000x32xf32>
    %get3A_13 = arith.constant 0 : index
    %get3A_14 = arith.constant 0 : index
    %get3A_15 = vector.load %arg3[%get3A_13, %get3A_14] : memref<2000x1xf32, #tpu.memory_space<vmem>>, vector<2000x1xf32>
    %mul3A = vector.broadcast %get3A_15 : vector<2000x1xf32> to vector<2000x32xf32>
    %mul3A_16 = arith.mulf %add3A_12, %mul3A : vector<2000x32xf32>
    %get3A_17 = arith.constant 0 : index
    %get3A_18 = arith.constant 0 : index
    %get3A_19 = vector.load %arg5[%get3A_17, %get3A_18] : memref<1x32xf32, #tpu.memory_space<vmem>>, vector<1x32xf32>
    %add3A_20 = vector.broadcast %get3A_19 : vector<1x32xf32> to vector<2000x32xf32>
    %add3A_21 = arith.addf %mul3A_16, %add3A_20 : vector<2000x32xf32>
    %max3A = arith.constant 0.000000e+00 : f32
    %max3A_22 = vector.broadcast %max3A : f32 to vector<2000x32xf32>
    %max3A_23 = arith.maximumf %add3A_21, %max3A_22 : vector<2000x32xf32>
    %get3A_24 = arith.constant 0 : index
    %get3A_25 = arith.constant 0 : index
    %get3A_26 = vector.load %arg4[%get3A_24, %get3A_25] : memref<32x32xf32, #tpu.memory_space<vmem>>, vector<32x32xf32>
    %dot_general3A = arith.constant dense<0.000000e+00> : vector<2000x32xf32>
    %dot_general3A_27 = tpu.matmul %max3A_23, %get3A_26, %dot_general3A {dimension_numbers = #tpu.dot_dimension_numbers<[1], [0], [0], [1], [0, 0, 1, 1], [], []>, transpose_lhs_hint = false} : vector<2000x32xf32>, vector<32x32xf32>, vector<2000x32xf32> -> vector<2000x32xf32>
    %get3A_28 = arith.constant 0 : index
    %get3A_29 = arith.constant 0 : index
    %get3A_30 = vector.load %arg3[%get3A_28, %get3A_29] : memref<2000x1xf32, #tpu.memory_space<vmem>>, vector<2000x1xf32>
    %mul3A_31 = vector.broadcast %get3A_30 : vector<2000x1xf32> to vector<2000x32xf32>
    %mul3A_32 = arith.mulf %dot_general3A_27, %mul3A_31 : vector<2000x32xf32>
    %swap3A = arith.constant 0 : index
    %swap3A_33 = arith.constant 0 : index
    %swap3A_34 = vector.load %arg6[%swap3A, %swap3A_33] : memref<2000x32xf32, #tpu.memory_space<vmem>>, vector<2000x32xf32>
    tpu.vector_store %arg6[%swap3A, %swap3A_33], %mul3A_32 {strides = array<i32>} : memref<2000x32xf32, #tpu.memory_space<vmem>>, vector<2000x32xf32>,
    return
  }
  func.func @transform_0(%arg0: i32) -> (i32, i32, i32) {
    %c0_i32 = arith.constant 0 : i32
    %c0_i32_0 = arith.constant 0 : i32
    %c0_i32_1 = arith.constant 0 : i32
    return %c0_i32, %arg0, %c0_i32_0 : i32, i32, i32
  }
  func.func @transform_1(%arg0: i32) -> (i32, i32) {
    %c0_i32 = arith.constant 0 : i32
    %c0_i32_0 = arith.constant 0 : i32
    return %arg0, %c0_i32 : i32, i32
  }
  func.func @transform_2(%arg0: i32) -> (i32, i32) {
    %c0_i32 = arith.constant 0 : i32
    %c0_i32_0 = arith.constant 0 : i32
    return %arg0, %c0_i32 : i32, i32
  }
  func.func @transform_3(%arg0: i32) -> (i32, i32) {
    %c0_i32 = arith.constant 0 : i32
    %c0_i32_0 = arith.constant 0 : i32
    %c0_i32_1 = arith.constant 0 : i32
    return %c0_i32, %c0_i32_0 : i32, i32
  }
  func.func @transform_4(%arg0: i32) -> (i32, i32) {
    %c0_i32 = arith.constant 0 : i32
    %c0_i32_0 = arith.constant 0 : i32
    %c0_i32_1 = arith.constant 0 : i32
    return %c0_i32, %c0_i32_0 : i32, i32
  }
  func.func @transform_5(%arg0: i32) -> (i32, i32) {
    %c0_i32 = arith.constant 0 : i32
    %c0_i32_0 = arith.constant 0 : i32
    return %arg0, %c0_i32 : i32, i32
  }
}

module attributes {stable_mosaic.version = 14 : i64} {
  func.func @body(%arg0: i32, %arg1: memref<2x2000x32xf32, #tpu.memory_space<vmem>>, %arg2: memref<2000x32xf32, #tpu.memory_space<vmem>>, %arg3: memref<2000x1xf32, #tpu.memory_space<vmem>>, %arg4: memref<1x32xf32, #tpu.memory_space<vmem>>, %arg5: memref<2000x1xi32, #tpu.memory_space<vmem>>, %arg6: memref<32x32xf32, #tpu.memory_space<vmem>>, %arg7: memref<1x32xf32, #tpu.memory_space<vmem>>, %arg8: memref<32x4xf32, #tpu.memory_space<vmem>>, %arg9: memref<1x4xf32, #tpu.memory_space<vmem>>, %arg10: memref<8x4xf32, #tpu.memory_space<vmem>>, %arg11: memref<8x32xf32, #tpu.memory_space<vmem>>, %arg12: memref<8x32xf32, #tpu.memory_space<vmem>>) attributes {dimension_semantics = [#tpu.dimension_semantics<arbitrary>], iteration_bounds = array<i64: 25>, scalar_prefetch = 0 : i64, scratch_operands = 2 : i64, tpu.core_type = #tpu.core_type<tc>, window_params = [{transform_indices = @transform_0, window_bounds = array<i64: 2, 2000, 32>}, {transform_indices = @transform_1, window_bounds = array<i64: 2000, 32>}, {transform_indices = @transform_2, window_bounds = array<i64: 2000, 1>}, {pipeline_mode = #tpu.pipeline_mode<synchronous>, transform_indices = @transform_3, window_bounds = array<i64: 1, 32>}, {transform_indices = @transform_4, window_bounds = array<i64: 2000, 1>}, {pipeline_mode = #tpu.pipeline_mode<synchronous>, transform_indices = @transform_5, window_bounds = array<i64: 32, 32>}, {pipeline_mode = #tpu.pipeline_mode<synchronous>, transform_indices = @transform_6, window_bounds = array<i64: 1, 32>}, {pipeline_mode = #tpu.pipeline_mode<synchronous>, transform_indices = @transform_7, window_bounds = array<i64: 32, 4>}, {pipeline_mode = #tpu.pipeline_mode<synchronous>, transform_indices = @transform_8, window_bounds = array<i64: 1, 4>}, {pipeline_mode = #tpu.pipeline_mode<synchronous>, transform_indices = @transform_9, window_bounds = array<i64: 8, 4>}]} {
    %get3A = arith.constant 0 : index
    %get3A_0 = arith.constant 0 : index
    %get3A_1 = arith.constant 0 : index
    %get3A_2 = vector.load %arg1[%get3A, %get3A_0, %get3A_1] : memref<2x2000x32xf32, #tpu.memory_space<vmem>>, vector<1x2000x32xf32>
    %get3A_3 = vector.shape_cast %get3A_2 : vector<1x2000x32xf32> to vector<2000x32xf32>
    %get3A_4 = arith.constant 1 : index
    %get3A_5 = arith.constant 0 : index
    %get3A_6 = arith.constant 0 : index
    %get3A_7 = vector.load %arg1[%get3A_4, %get3A_5, %get3A_6] : memref<2x2000x32xf32, #tpu.memory_space<vmem>>, vector<1x2000x32xf32>
    %get3A_8 = vector.shape_cast %get3A_7 : vector<1x2000x32xf32> to vector<2000x32xf32>
    %add3A = arith.addf %get3A_3, %get3A_8 : vector<2000x32xf32>
    %get3A_9 = arith.constant 0 : index
    %get3A_10 = arith.constant 0 : index
    %get3A_11 = vector.load %arg2[%get3A_9, %get3A_10] : memref<2000x32xf32, #tpu.memory_space<vmem>>, vector<2000x32xf32>
    %add3A_12 = arith.addf %add3A, %get3A_11 : vector<2000x32xf32>
    %get3A_13 = arith.constant 0 : index
    %get3A_14 = arith.constant 0 : index
    %get3A_15 = vector.load %arg3[%get3A_13, %get3A_14] : memref<2000x1xf32, #tpu.memory_space<vmem>>, vector<2000x1xf32>
    %mul3A = vector.broadcast %get3A_15 : vector<2000x1xf32> to vector<2000x32xf32>
    %mul3A_16 = arith.mulf %add3A_12, %mul3A : vector<2000x32xf32>
    %get3A_17 = arith.constant 0 : index
    %get3A_18 = arith.constant 0 : index
    %get3A_19 = vector.load %arg4[%get3A_17, %get3A_18] : memref<1x32xf32, #tpu.memory_space<vmem>>, vector<1x32xf32>
    %add3A_20 = vector.broadcast %get3A_19 : vector<1x32xf32> to vector<2000x32xf32>
    %add3A_21 = arith.addf %mul3A_16, %add3A_20 : vector<2000x32xf32>
    %max3A = arith.constant 0.000000e+00 : f32
    %max3A_22 = vector.broadcast %max3A : f32 to vector<2000x32xf32>
    %max3A_23 = arith.maximumf %add3A_21, %max3A_22 : vector<2000x32xf32>
    %iota3A = tpu.iota {dimensions = array<i32: 1>} : vector<2000x8xi32>
    %get3A_24 = arith.constant 0 : index
    %get3A_25 = arith.constant 0 : index
    %get3A_26 = vector.load %arg5[%get3A_24, %get3A_25] : memref<2000x1xi32, #tpu.memory_space<vmem>>, vector<2000x1xi32>
    %eq3A = vector.broadcast %get3A_26 : vector<2000x1xi32> to vector<2000x8xi32>
    %eq3A_27 = arith.cmpi eq, %eq3A, %iota3A : vector<2000x8xi32>
    %convert_element_type3A = arith.extui %eq3A_27 : vector<2000x8xi1> to vector<2000x8xi32>
    %convert_element_type3A_28 = arith.sitofp %convert_element_type3A : vector<2000x8xi32> to vector<2000x8xf32>
    %dot_general3A = arith.constant dense<0.000000e+00> : vector<8x32xf32>
    %dot_general3A_29 = tpu.matmul %convert_element_type3A_28, %max3A_23, %dot_general3A {dimension_numbers = #tpu.dot_dimension_numbers<[0], [0], [1], [1], [0, 1, 1, 1], [], []>, transpose_lhs_hint = false} : vector<2000x8xf32>, vector<2000x32xf32>, vector<8x32xf32> -> vector<8x32xf32>
    %reduce_sum3A = arith.constant dense<0.000000e+00> : vector<8xf32>
    %reduce_sum3A_30 = vector.multi_reduction <add>, %convert_element_type3A_28, %reduce_sum3A [0] : vector<2000x8xf32> to vector<8xf32>
    %broadcast_in_dim3A = vector.shape_cast %reduce_sum3A_30 : vector<8xf32> to vector<8x1xf32>
    %eq3A_31 = arith.constant 0 : i32
    %eq3A_32 = arith.cmpi eq, %arg0, %eq3A_31 : i32
    %convert_element_type3A_33 = arith.extui %eq3A_32 : i1 to i32
    %cond3A = arith.constant 0 : i32
    %cond3A_34 = arith.cmpi ne, %convert_element_type3A_33, %cond3A : i32
    scf.if %cond3A_34 {
      %broadcast_in_dim3A_55 = arith.constant 0.000000e+00 : f32
      %broadcast_in_dim3A_56 = vector.broadcast %broadcast_in_dim3A_55 : f32 to vector<8x32xf32>
      %swap3A_57 = arith.constant 0 : index
      %swap3A_58 = arith.constant 0 : index
      %swap3A_59 = vector.load %arg11[%swap3A_57, %swap3A_58] : memref<8x32xf32, #tpu.memory_space<vmem>>, vector<8x32xf32>
      tpu.vector_store %arg11[%swap3A_57, %swap3A_58], %broadcast_in_dim3A_56 {strides = array<i32>} : memref<8x32xf32, #tpu.memory_space<vmem>>, vector<8x32xf32>,
      %broadcast_in_dim3A_60 = arith.constant 0.000000e+00 : f32
      %broadcast_in_dim3A_61 = vector.broadcast %broadcast_in_dim3A_60 : f32 to vector<8x32xf32>
      %swap3A_62 = arith.constant 0 : index
      %swap3A_63 = arith.constant 0 : index
      %swap3A_64 = vector.load %arg12[%swap3A_62, %swap3A_63] : memref<8x32xf32, #tpu.memory_space<vmem>>, vector<8x32xf32>
      tpu.vector_store %arg12[%swap3A_62, %swap3A_63], %broadcast_in_dim3A_61 {strides = array<i32>} : memref<8x32xf32, #tpu.memory_space<vmem>>, vector<8x32xf32>,
    } else {
    }
    %get3A_35 = arith.constant 0 : index
    %get3A_36 = arith.constant 0 : index
    %get3A_37 = vector.load %arg11[%get3A_35, %get3A_36] : memref<8x32xf32, #tpu.memory_space<vmem>>, vector<8x32xf32>
    %add3A_38 = arith.addf %get3A_37, %dot_general3A_29 : vector<8x32xf32>
    %swap3A = arith.constant 0 : index
    %swap3A_39 = arith.constant 0 : index
    %swap3A_40 = vector.load %arg11[%swap3A, %swap3A_39] : memref<8x32xf32, #tpu.memory_space<vmem>>, vector<8x32xf32>
    tpu.vector_store %arg11[%swap3A, %swap3A_39], %add3A_38 {strides = array<i32>} : memref<8x32xf32, #tpu.memory_space<vmem>>, vector<8x32xf32>,
    %get3A_41 = arith.constant 0 : index
    %get3A_42 = arith.constant 0 : index
    %get3A_43 = vector.load %arg12[%get3A_41, %get3A_42] : memref<8x32xf32, #tpu.memory_space<vmem>>, vector<8x32xf32>
    %broadcast_in_dim3A_44 = vector.shape_cast %broadcast_in_dim3A : vector<8x1xf32> to vector<8x1xf32>
    %broadcast_in_dim3A_45 = vector.broadcast %broadcast_in_dim3A_44 : vector<8x1xf32> to vector<8x32xf32>
    %add3A_46 = arith.addf %get3A_43, %broadcast_in_dim3A_45 : vector<8x32xf32>
    %swap3A_47 = arith.constant 0 : index
    %swap3A_48 = arith.constant 0 : index
    %swap3A_49 = vector.load %arg12[%swap3A_47, %swap3A_48] : memref<8x32xf32, #tpu.memory_space<vmem>>, vector<8x32xf32>
    tpu.vector_store %arg12[%swap3A_47, %swap3A_48], %add3A_46 {strides = array<i32>} : memref<8x32xf32, #tpu.memory_space<vmem>>, vector<8x32xf32>,
    %eq3A_50 = arith.constant 24 : i32
    %eq3A_51 = arith.cmpi eq, %arg0, %eq3A_50 : i32
    %convert_element_type3A_52 = arith.extui %eq3A_51 : i1 to i32
    %cond3A_53 = arith.constant 0 : i32
    %cond3A_54 = arith.cmpi ne, %convert_element_type3A_52, %cond3A_53 : i32
    scf.if %cond3A_54 {
      %get3A_55 = arith.constant 0 : index
      %get3A_56 = arith.constant 0 : index
      %get3A_57 = vector.load %arg11[%get3A_55, %get3A_56] : memref<8x32xf32, #tpu.memory_space<vmem>>, vector<8x32xf32>
      %get3A_58 = arith.constant 0 : index
      %get3A_59 = arith.constant 0 : index
      %get3A_60 = vector.load %arg12[%get3A_58, %get3A_59] : memref<8x32xf32, #tpu.memory_space<vmem>>, vector<8x32xf32>
      %max3A_61 = arith.constant 1.000000e+00 : f32
      %max3A_62 = vector.broadcast %max3A_61 : f32 to vector<8x32xf32>
      %max3A_63 = arith.maximumf %get3A_60, %max3A_62 : vector<8x32xf32>
      %div3A = arith.divf %get3A_57, %max3A_63 : vector<8x32xf32>
      %get3A_64 = arith.constant 0 : index
      %get3A_65 = arith.constant 0 : index
      %get3A_66 = vector.load %arg6[%get3A_64, %get3A_65] : memref<32x32xf32, #tpu.memory_space<vmem>>, vector<32x32xf32>
      %dot_general3A_67 = arith.constant dense<0.000000e+00> : vector<8x32xf32>
      %dot_general3A_68 = tpu.matmul %div3A, %get3A_66, %dot_general3A_67 {dimension_numbers = #tpu.dot_dimension_numbers<[1], [0], [0], [1], [0, 0, 1, 1], [], []>, transpose_lhs_hint = false} : vector<8x32xf32>, vector<32x32xf32>, vector<8x32xf32> -> vector<8x32xf32>
      %get3A_69 = arith.constant 0 : index
      %get3A_70 = arith.constant 0 : index
      %get3A_71 = vector.load %arg7[%get3A_69, %get3A_70] : memref<1x32xf32, #tpu.memory_space<vmem>>, vector<1x32xf32>
      %add3A_72 = vector.broadcast %get3A_71 : vector<1x32xf32> to vector<8x32xf32>
      %add3A_73 = arith.addf %dot_general3A_68, %add3A_72 : vector<8x32xf32>
      %max3A_74 = arith.constant 0.000000e+00 : f32
      %max3A_75 = vector.broadcast %max3A_74 : f32 to vector<8x32xf32>
      %max3A_76 = arith.maximumf %add3A_73, %max3A_75 : vector<8x32xf32>
      %get3A_77 = arith.constant 0 : index
      %get3A_78 = arith.constant 0 : index
      %get3A_79 = vector.load %arg8[%get3A_77, %get3A_78] : memref<32x4xf32, #tpu.memory_space<vmem>>, vector<32x4xf32>
      %dot_general3A_80 = arith.constant dense<0.000000e+00> : vector<8x4xf32>
      %dot_general3A_81 = tpu.matmul %max3A_76, %get3A_79, %dot_general3A_80 {dimension_numbers = #tpu.dot_dimension_numbers<[1], [0], [0], [1], [0, 0, 1, 1], [], []>, transpose_lhs_hint = false} : vector<8x32xf32>, vector<32x4xf32>, vector<8x4xf32> -> vector<8x4xf32>
      %get3A_82 = arith.constant 0 : index
      %get3A_83 = arith.constant 0 : index
      %get3A_84 = vector.load %arg9[%get3A_82, %get3A_83] : memref<1x4xf32, #tpu.memory_space<vmem>>, vector<1x4xf32>
      %add3A_85 = vector.broadcast %get3A_84 : vector<1x4xf32> to vector<8x4xf32>
      %add3A_86 = arith.addf %dot_general3A_81, %add3A_85 : vector<8x4xf32>
      %reduce_max3A = arith.constant dense<0xFF800000> : vector<8xf32>
      %reduce_max3A_87 = vector.multi_reduction <maximumf>, %add3A_86, %reduce_max3A [1] : vector<8x4xf32> to vector<8xf32>
      %broadcast_in_dim3A_88 = vector.shape_cast %reduce_max3A_87 : vector<8xf32> to vector<8x1xf32>
      %sub3A = vector.broadcast %broadcast_in_dim3A_88 : vector<8x1xf32> to vector<8x4xf32>
      %sub3A_89 = arith.subf %add3A_86, %sub3A : vector<8x4xf32>
      %exp3A = math.exp %sub3A_89 : vector<8x4xf32>
      %reduce_sum3A_90 = arith.constant dense<0.000000e+00> : vector<8xf32>
      %reduce_sum3A_91 = vector.multi_reduction <add>, %exp3A, %reduce_sum3A_90 [1] : vector<8x4xf32> to vector<8xf32>
      %broadcast_in_dim3A_92 = vector.shape_cast %reduce_sum3A_91 : vector<8xf32> to vector<8x1xf32>
      %log3A = math.log %broadcast_in_dim3A_92 : vector<8x1xf32>
      %sub3A_93 = vector.broadcast %log3A : vector<8x1xf32> to vector<8x4xf32>
      %sub3A_94 = arith.subf %sub3A_89, %sub3A_93 : vector<8x4xf32>
      %swap3A_95 = arith.constant 0 : index
      %swap3A_96 = arith.constant 0 : index
      %swap3A_97 = vector.load %arg10[%swap3A_95, %swap3A_96] : memref<8x4xf32, #tpu.memory_space<vmem>>, vector<8x4xf32>
      tpu.vector_store %arg10[%swap3A_95, %swap3A_96], %sub3A_94 {strides = array<i32>} : memref<8x4xf32, #tpu.memory_space<vmem>>, vector<8x4xf32>,
    } else {
    }
    return
  }
  func.func @transform_0(%arg0: i32) -> (i32, i32, i32) {
    %c0_i32 = arith.constant 0 : i32
    %c0_i32_0 = arith.constant 0 : i32
    %c0_i32_1 = arith.constant 0 : i32
    return %c0_i32, %arg0, %c0_i32_0 : i32, i32, i32
  }
  func.func @transform_1(%arg0: i32) -> (i32, i32) {
    %c0_i32 = arith.constant 0 : i32
    %c0_i32_0 = arith.constant 0 : i32
    return %arg0, %c0_i32 : i32, i32
  }
  func.func @transform_2(%arg0: i32) -> (i32, i32) {
    %c0_i32 = arith.constant 0 : i32
    %c0_i32_0 = arith.constant 0 : i32
    return %arg0, %c0_i32 : i32, i32
  }
  func.func @transform_3(%arg0: i32) -> (i32, i32) {
    %c0_i32 = arith.constant 0 : i32
    %c0_i32_0 = arith.constant 0 : i32
    %c0_i32_1 = arith.constant 0 : i32
    return %c0_i32, %c0_i32_0 : i32, i32
  }
  func.func @transform_4(%arg0: i32) -> (i32, i32) {
    %c0_i32 = arith.constant 0 : i32
    %c0_i32_0 = arith.constant 0 : i32
    return %arg0, %c0_i32 : i32, i32
  }
  func.func @transform_5(%arg0: i32) -> (i32, i32) {
    %c0_i32 = arith.constant 0 : i32
    %c0_i32_0 = arith.constant 0 : i32
    %c0_i32_1 = arith.constant 0 : i32
    return %c0_i32, %c0_i32_0 : i32, i32
  }
  func.func @transform_6(%arg0: i32) -> (i32, i32) {
    %c0_i32 = arith.constant 0 : i32
    %c0_i32_0 = arith.constant 0 : i32
    %c0_i32_1 = arith.constant 0 : i32
    return %c0_i32, %c0_i32_0 : i32, i32
  }
  func.func @transform_7(%arg0: i32) -> (i32, i32) {
    %c0_i32 = arith.constant 0 : i32
    %c0_i32_0 = arith.constant 0 : i32
    %c0_i32_1 = arith.constant 0 : i32
    return %c0_i32, %c0_i32_0 : i32, i32
  }
  func.func @transform_8(%arg0: i32) -> (i32, i32) {
    %c0_i32 = arith.constant 0 : i32
    %c0_i32_0 = arith.constant 0 : i32
    %c0_i32_1 = arith.constant 0 : i32
    return %c0_i32, %c0_i32_0 : i32, i32
  }
  func.func @transform_9(%arg0: i32) -> (i32, i32) {
    %c0_i32 = arith.constant 0 : i32
    %c0_i32_0 = arith.constant 0 : i32
    %c0_i32_1 = arith.constant 0 : i32
    return %c0_i32, %c0_i32_0 : i32, i32
  }
}

</mosaic_0001>

<sc_bundles>
// kernel: kernel.11.cloned.1.call-start
scs
__scs_entry_jumppad:
0x0: {  	(pc) =	sbr.rel $0x88, $3  }
0x1: {  	(tag) =	ssettag $0x0;
	lr =	simm.s32 $0x1  }
0x2: {  	[smem:$0x3F91] =	sst lr;
	_ =	strace $0xD0000000  }
0x3: {  	_ = 	snop  }
0x4: {  	_ = 	snop  }
0x5: {  	_ = 	snop  }
0x6: {  	_ = 	snop  }
0x7: {  	_ = 	snop  }
__scs_overlays_trampoline_lowered:
0x8: {  	[smem:$0x3FA0] =	sst s0  }
0x9: {  	[smem:$0x3FA1] =	sst s1  }
0xa: {  	[smem:$0x3FA2] =	sst s2  }
0xb: {  	[smem:$0x3FA3] =	sst s3  }
0xc: {  	[smem:$0x3FA4] =	sst s4  }
0xd: {  	[smem:$0x3FA5] =	sst s5  }
0xe: {  	[smem:$0x3FA6] =	sst s6  }
0xf: {  	[smem:$0x3FA7] =	sst s7  }
0x10: {  	[smem:$0x3FA8] =	sst s8  }
0x11: {  	[smem:$0x3FA9] =	sst s9;
	s0 =	simm.s32 @!p0 $0x0  }
0x12: {  	s1 =	sld [smem:$0x3F8F];
	s0 =	simm.s32 @p0 $0x1  }
0x13: {  	[smem:$0x3FAA] =	sst s0;
	s0 =	simm.s32 @!p1 $0x0  }
0x14: {  	s2 =	sld [smem:$0x3F8E];
	s0 =	simm.s32 @p1 $0x1  }
0x15: {  	[smem:$0x3FAB] =	sst s0;
	s0 =	simm.s32 @!p2 $0x0  }
0x16: {  	s3 =	sld [smem:$0x3FDB];
	s0 =	simm.s32 @p2 $0x1  }
0x17: {  	s4 =	simm.s32 $0x1BF5;
	[smem:$0x3FAD] =	sst s0  }
0x18: {  	s0 =	sld [smem:$0x3F90];
	_ =	swait.ge [sflag:s4], $0x0  }
0x19: {  	s7 =	sld [smem:$0x3F91]  }
0x1a: {  	s8 =	sadd.s32 $0xFFFFE003, lr  }
0x1b: {  	s9 =	sadd.s32 $0xFFFFFEF7, lr;
	s5 =	simm.s32 $0xFFFFFFFF;
	p2 =	slt.u32 s8, $0xFFFFF086  }
0x1c: {  	p1 =	slt.u32 s9, $0xF7A;
	s5 =	simm.s32 @!p2 $0x0  }
0x1d: {  	s5 =	simm.s32 @p1 $0x1;
	p0 =	seq.s32 s7, s2  }
0x1e: {  	s7 =	smul.u32 @!p0 $0xF7A, s2;
	p2 =	seq.s32 @!p0 s5, $0x0  }
0x1f: {  	s9 =	smul.u32 $0xF7A, s1;
	s8 =	simm.s32 @!p0 $0x1BF5;
	p2 =	por !p2, p0  }
0x20: {  	[sflag:s8] =	ssyncset.s32 @!p0 $0xFFFFF086;
	s6 =	sadd.s32 @!p0 s3, s7;
	s7 =	simm.s32 @!p0 $0x108  }
0x21: {  	s3 =	sadd.s32 s3, s9;
	s6 =	sadd.s32 @!p0 $0x88, s6;
	s7 =	simm.s32 @p2 $0x1082  }
0x22: {  	[simem:s7], [sflag:s8] =	dma.local @!p0 [hbm:s6], $0xF7A  }
0x23: {  	s9 =	sor.u32 $0xD0000000, s2;
	s6 =	simm.s32 $0x108;
	_ =	swait.ge @!p0 [sflag:s8], $0x0  }
0x24: {  	s3 =	sadd.s32 $0x88, s3;
	s6 =	simm.s32 @!p1 $0x1082;
	[sflag:s4] =	ssyncset.s32 $0xFFFFF086  }
0x25: {  	[simem:s6], [sflag:s4] =	dma.local [hbm:s3], $0xF7A  }
0x26: {  	[smem:$0x3F91] =	sst s1;
	(tag) =	ssettag s2;
	_ =	strace s9  }
0x27: {  	s1 =	sld [smem:$0x3FA1]  }
0x28: {  	s2 =	sld [smem:$0x3FA2]  }
0x29: {  	s4 =	sld [smem:$0x3FA4]  }
0x2a: {  	p0 =	seq.s32 s5, $0x0;
	s5 =	sld [smem:$0x3FA5]  }
0x2b: {  	s6 =	sld [smem:$0x3FA6]  }
0x2c: {  	s7 =	sld [smem:$0x3FA7]  }
0x2d: {  	s3 =	simm.s32 $0x108;
	s8 =	sld [smem:$0x3FA8]  }
0x2e: {  	s3 =	simm.s32 @!p0 $0x1082;
	s9 =	sld [smem:$0x3FA9]  }
0x2f: {  	lr =	sadd.s32 s0, s3;
	s0 =	sld [smem:$0x3FA0]  }
0x30: {  	s3 =	sld [smem:$0x3FA3]  }
0x31: {  	[smem:$0x3FAC] =	sst s10  }
0x32: {  	s10 =	sld [smem:$0x3FAA];
	_ =	sdelay $0x3  }
0x33: {  	p0 =	seq.s32 s10, $0x1;
	s10 =	sld [smem:$0x3FAC];
	_ =	sdelay $0x3  }
0x34: {  	[smem:$0x3FAC] =	sst s10  }
0x35: {  	s10 =	sld [smem:$0x3FAB];
	_ =	sdelay $0x3  }
0x36: {  	p1 =	seq.s32 s10, $0x1;
	s10 =	sld [smem:$0x3FAC];
	_ =	sdelay $0x3  }
0x37: {  	[smem:$0x3FAC] =	sst s10  }
0x38: {  	s10 =	sld [smem:$0x3FAD]  }
0x39: {  	_ = 	snop;
	(pc) =	sbr.ind lr, $3  }
0x3a: {  	_ = 	snop  }
0x3b: {  	_ = 	snop  }
0x3c: {  	p2 =	seq.s32 s10, $0x1;
	s10 =	sld [smem:$0x3FAC]  }
0x3d: {  	_ =	shalt  }
0x3e: {  	_ =	shalt  }
0x3f: {  	_ =	shalt  }
0x40: {  	_ =	shalt  }
0x41: {  	_ =	shalt  }
0x42: {  	_ =	shalt  }
0x43: {  	_ =	shalt  }
0x44: {  	_ =	shalt  }
0x45: {  	_ =	shalt  }
0x46: {  	_ =	shalt  }
0x47: {  	_ =	shalt  }
0x48: {  	_ =	shalt  }
0x49: {  	_ =	shalt  }
0x4a: {  	_ =	shalt  }
0x4b: {  	_ =	shalt  }
0x4c: {  	_ =	shalt  }
0x4d: {  	_ =	shalt  }
0x4e: {  	_ =	shalt  }
0x4f: {  	_ =	shalt  }
0x50: {  	_ =	shalt  }
0x51: {  	_ =	shalt  }
0x52: {  	_ =	shalt  }
0x53: {  	_ =	shalt  }
0x54: {  	_ =	shalt  }
0x55: {  	_ =	shalt  }
0x56: {  	_ =	shalt  }
0x57: {  	_ =	shalt  }
0x58: {  	_ =	shalt  }
0x59: {  	_ =	shalt  }
0x5a: {  	_ =	shalt  }
0x5b: {  	_ =	shalt  }
0x5c: {  	_ =	shalt  }
0x5d: {  	_ =	shalt  }
0x5e: {  	_ =	shalt  }
0x5f: {  	_ =	shalt  }
0x60: {  	_ =	shalt  }
0x61: {  	_ =	shalt  }
0x62: {  	_ =	shalt  }
0x63: {  	_ =	shalt  }
0x64: {  	_ =	shalt  }
0x65: {  	_ =	shalt  }
0x66: {  	_ =	shalt  }
0x67: {  	_ =	shalt  }
0x68: {  	_ =	shalt  }
0x69: {  	_ =	shalt  }
0x6a: {  	_ =	shalt  }
0x6b: {  	_ =	shalt  }
0x6c: {  	_ =	shalt  }
0x6d: {  	_ =	shalt  }
0x6e: {  	_ =	shalt  }
0x6f: {  	_ =	shalt  }
0x70: {  	_ =	shalt  }
0x71: {  	_ =	shalt  }
0x72: {  	_ =	shalt  }
0x73: {  	_ =	shalt  }
0x74: {  	_ =	shalt  }
0x75: {  	_ =	shalt  }
0x76: {  	_ =	shalt  }
0x77: {  	_ =	shalt  }
0x78: {  	_ =	shalt  }
0x79: {  	_ =	shalt  }
0x7a: {  	_ =	shalt  }
0x7b: {  	_ =	shalt  }
0x7c: {  	_ =	shalt  }
0x7d: {  	_ =	shalt  }
0x7e: {  	_ =	shalt  }
0x7f: {  	_ =	shalt  }
0x80: {  	_ =	shalt  }
0x81: {  	_ =	shalt  }
0x82: {  	_ =	shalt  }
0x83: {  	_ =	shalt  }
0x84: {  	_ =	shalt  }
0x85: {  	_ =	shalt  }
0x86: {  	_ =	shalt  }
0x87: {  	_ =	shalt  }
.Lfunc_end0:
.L_simem_size_0:
called_computation.1_lowered:
.L_overlay_start_0:
0x88: {  	s2 =	sld [smem:$0x3FD9]  }
0x89: {  	s3 =	sld [smem:$0x3FFE];
	_ =	sdelay $0x1  }
0x8a: {  	s1 =	srdreg.scid  }
0x8b: {  	s0 =	sand.u32 $0x1, s1  }
0x8c: {  	s16 =	sshll.u32 s0, $0xA;
	s2 =	sadd.s32 s3, s2  }
0x8d: {  	s2 =	sadd.s32 s2, s16  }
0x8e: {  	[smem:$0x3FB8] =	sst s2  }
0x8f: {  	_ = 	snop  }
0x90: {  	(tm) =	ssettm $0x1  }
0x91: {  	s17 =	sld [smem:$0x3FFB];
	_ =	sdelay $0x3  }
0x92: {  	_ =	strace s17  }
0x93: {  	s2 =	sld [smem:$0x3FFC];
	_ =	sdelay $0x3  }
0x94: {  	_ =	strace s2  }
0x95: {  	s2 =	sld [smem:$0x3FFD];
	_ =	sdelay $0x3  }
0x96: {  	_ =	strace s2  }
0x97: {  	_ =	strace $0x8FFFFFFF  }
0x98: {  	s18 =	sld [smem:$0x3FDB];
	_ =	sdelay $0x1  }
0x99: {  	s19 =	simm.s32 $_scs_section_size  }
0x9a: {  	s4 =	simm.s32 $_size__tile_overlayer_lowered;
	s5 =	simm.s32 $_tile_overlayer_lowered  }
0x9b: {  	s22 =	simm.s32 $0x1BFF;
	s21 =	sshll.u32 s5, $0x1;
	s2 =	sadd.s32 s19, s18  }
0x9c: {  	s6 =	simm.s32 $0x0;
	s20 =	sshll.u32 s4, $0x1;
	s4 =	sadd.s32 s21, s2  }
0x9d: {  	[timem:s6], [sflag:s22] =	dma.local [hbm:s4], s20  }
0x9e: {  	_ =	swait.ge [sflag:s22], s20  }
0x9f: {  	s3 =	ssub.s32 $0x0, s20;
	[sflag:s22] =	ssyncset.done $0x0  }
0xa0: {  	[sflag:s22] =	ssyncadd.s32 s3;
	_ =	sdelay $0x1  }
0xa1: {  	s23 =	simm.s32 $0x1B8B  }
0xa2: {  	_ =	swait.ge [sflag:s23], $0x1  }
0xa3: {  	[sflag:s23] =	ssyncset.done $0x0  }
0xa4: {  	s25 =	simm.s32 $0x1B8E;
	s24 =	sld [smem:$0x3FFE];
	[sflag:s23] =	ssyncadd.s32 $0xFFFFFFFF  }
0xa5: {  	s26 =	simm.s32 $execute0_lowered;
	[smem:$0x3FD2] =	sst s25  }
0xa6: {  	s4 =	sshll.u32 s26, $0x1;
	_ =	strace $0x80000049;
	[dreg:$0x1] =	wrdreg $0xFFFFFFFF  }
0xa7: {  	s28 =	simm.s32 $_size_execute0_lowered;
	s2 =	sadd.s32 s2, s4;
	[dreg:$0x0] =	wrdreg $0x0  }
0xa8: {  	s4 =	sshll.u32 s28, $0x1;
	[dreg:$0x2] =	wrdreg s2  }
0xa9: {  	[dreg:$0x3] =	wrdreg s4  }
0xaa: {  	[dreg:$0x4] =	wrdreg $0xC0  }
0xab: {  	_ =	task [dreg:s6], $0x5FFFF  }
0xac: {  	[dreg:$0x1] =	wrdreg $0xFFFFFFFF  }
0xad: {  	[dreg:$0x0] =	wrdreg $0x60  }
0xae: {  	[dreg:$0x2] =	wrdreg s24  }
0xaf: {  	[dreg:$0x3] =	wrdreg $0x66000  }
0xb0: {  	[dreg:$0x4] =	wrdreg $0x9  }
0xb1: {  	_ =	task.clear_ibuf [dreg:s6], $0x5FFFF;
	_ =	strace $0x90000049  }
0xb2: {  	s29 =	simm.s32 $0x9;
	_ =	strace $0x8000004B  }
0xb3: {  	_ =	swait.ge [sflag:s29], $0x1  }
0xb4: {  	[sflag:s29] =	ssyncadd.s32 $0xFFFFFFFF  }
0xb5: {  	_ =	strace $0x9000004B  }
0xb6: {  	_ =	sfence  }
0xb7: {  	s30 =	sld [smem:$0x0];
	_ =	sdelay $0x2  }
0xb8: {  	s31 =	sshll.u32 s1, $0xD;
	s1 =	sshrl.u32 s1, $0x2  }
0xb9: {  	s3 =	sand.u32 $0x4000, s31;
	s1 =	sadd.s32 s1, s30  }
0xba: {  	s0 =	sor.u32 s3, s0;
	s1 =	sshll.u32 s1, $0x11  }
0xbb: {  	s0 =	sor.u32 s1, s0  }
0xbc: {  	s0 =	sadd.s32 $0x8F2B, s0  }
0xbd: {  	[sflag:s0] =	ssyncadd.remote.s32 $0x1  }
0xbe: {  	_ =	sfence.sel $0xFFFF  }
0xbf: {  	[dreg:$0x0] =	wrdreg $0xFFFFFFFF;
	(pc) =	sbr.abs _section_cstart, $3  }
0xc0: {  	[dreg:$0x1] =	wrdreg $0xFFFFFFFF  }
0xc1: {  	_ =	task.clear_ibuf [dreg:s6], $0x2FFFF;
	_ =	strace $0x9FFFFFFF  }
0xc2: {  	(tm) =	ssettm $0x7FFFFFFF  }
0xc3: {  	_ =	shalt  }
tec
execute0_lowered:
.L_overlay_start_1:
0x0: {  	(tag) =	ssettag $0x1  }
0x1: {  	s0 =	rddreg [dreg:$0x0]  }
0x2: {  	s2 =	rddreg [dreg:$0x1];
	s1 =	srdreg.scid  }
0x3: {  	s11 =	stileid.u32;
	s4 =	simm.s32 $0x0;
	s21 =	simm.s32 $0x380  }
0x4: {  	s22 =	simm.s32 $0x400;
	s23 =	simm.s32 $0x200;
	s24 =	simm.s32 $0x280  }
0x5: {  	s29 =	simm.s32 $0x2600;
	s30 =	simm.s32 $0x300;
	s31 =	simm.s32 $0x480  }
0x6: {  	s28 =	simm.s32 $0x4600;
	s3 =	smul.u32 $0x186C0, s11;
	[smem:$0x7FF] =	sst s4  }
0x7: {  	s1 =	sand.u32 $0x1, s1;
	s4 =	sadd.s32 $0x297800, s0;
	s9 =	sadd.s32 $0x2E1200, s0  }
0x8: {  	s5 =	sadd.s32 $0x2200, s0;
	_ =	strace $0x8000004A;
	[dreg:$0x9] =	wrdreg s9  }
0x9: {  	s10 =	smul.u32 $0xC600, s11;
	s11 =	sshll.u32 s11, $0x6;
	[dreg:$0x3] =	wrdreg s21  }
0xa: {  	s6 =	smul.u32 $0x186C00, s1;
	s8 =	ssub.s32 $0x2, s1;
	[dreg:$0x4] =	wrdreg s22  }
0xb: {  	s26 =	ssub.s32 $0x0, s1;
	p0 =	seq.s32 s1, $0x0;
	[dreg:$0x5] =	wrdreg s23  }
0xc: {  	s15 =	sor.u32 $0x1C07, s11;
	[dreg:$0x6] =	wrdreg s24;
	s22 =	simm.s32 $0x180  }
0xd: {  	s24 =	simm.s32 $0x80;
	s11 =	simm.s32 $0x5;
	s25 =	sshrl.u32 s8, $0x1  }
0xe: {  	s9 =	sand.u32 $0xA500, s26;
	s26 =	simm.s32 $0x580;
	[dreg:$0xa] =	wrdreg s15  }
0xf: {  	s7 =	sadd.s32 s3, s6;
	s6 =	sadd.s32 $0x2B0400, s0;
	s1 =	sadd.s32 s10, s9  }
0x10: {  	s3 =	sadd.s32 s3, s2;
	[dreg:$0x8] =	wrdreg s26;
	s26 =	simm.s32 $0x1600  }
0x11: {  	s10 =	simm.s32 $0x3;
	s7 =	sshrl.u32 s7, $0x3;
	s12 =	sshrl.u32 s1, $0x3  }
0x12: {  	s17 =	sadd.s32 $0x480, s1;
	s1 =	sadd.s32 $0x300, s1;
	s0 =	sadd.s32 s7, s0  }
0x13: {  	s7 =	ssub.s32 s8, s25;
	s13 =	sadd.s32 s4, s12;
	[dreg:$0x14] =	wrdreg s1  }
0x14: {  	s8 =	simm.s32 $0x6E;
	s14 =	sadd.s32 s5, s12;
	[dreg:$0xb] =	wrdreg s13  }
0x15: {  	s9 =	sadd.s32 $0x30, s12;
	s25 =	simm.s32 $0x500;
	[dreg:$0xc] =	wrdreg s14  }
0x16: {  	s19 =	sshrl.u32 s17, $0x3;
	s16 =	sadd.s32 s4, s9;
	[dreg:$0x7] =	wrdreg s25  }
0x17: {  	s1 =	simm.s32 $0x3600;
	s9 =	sadd.s32 s5, s9;
	[dreg:$0xd] =	wrdreg s16  }
0x18: {  	s12 =	simm.s32 $0x4;
	s0 =	sadd.s32 $0x2E4400, s0;
	[dreg:$0xe] =	wrdreg s9  }
0x19: {  	s8 =	simm.s32 @!p0 $0x16;
	s7 =	smax.u32 s7, $0x1;
	[dreg:$0x10] =	wrdreg s0  }
0x1a: {  	s20 =	sadd.s32 s19, s5;
	s25 =	simm.s32 $0x600;
	[dreg:$0x11] =	wrdreg s7  }
0x1b: {  	s13 =	simm.s32 $0x6;
	s18 =	sshrl.u32 s8, $0x1;
	[dreg:$0x12] =	wrdreg s20  }
0x1c: {  	s14 =	simm.s32 $0x0;
	s0 =	sadd.s32 s19, s4;
	[dreg:$0xf] =	wrdreg s18  }
0x1d: {  	s9 =	sshrl.u32 s3, $0x3;
	s16 =	simm.s32 $0x7;
	[dreg:$0x13] =	wrdreg s0  }
0x1e: {  	s7 =	simm.s32 $0x5600;
	s0 =	simm.s32 $0x2;
	[dreg:$0x15] =	wrdreg s9  }
.LBB2_1:
0x1f: {  	s3 =	rddreg [dreg:$0x9]  }
0x20: {  	[spmem:s9], [sflag:s15] =	dma.local [hbm:s3], $0x30D8  }
0x21: {  	_ =	swait.ge [sflag:s16], $0x30D8  }
0x22: {  	[sflag:s16] =	ssyncset.done $0x0  }
0x23: {  	s17 =	rddreg [dreg:$0xb];
	[sflag:s16] =	ssyncadd.s32 $0xFFFFCF28;
	s16 =	simm.s32 $0x0  }
0x24: {  	[tilespmem:s16], [sflag:$0x1] =	stream.linear.gather [hbm4b:s17+s16], $0x180, $0x38;
	[tilespmem:$0x1ECC0] =	vst v63  }
0x25: {  	s19 =	simm.s32 $0x1;
	s18 =	rddreg [dreg:$0xc]  }
0x26: {  	[tilespmem:s22], [sflag:$0x1] =	stream.linear.gather [hbm4b:s18+s16], $0x180, $0x38;
	[tilespmem:$0x1ECC0] =	vst v63  }
0x27: {  	_ =	swait.ge [sflag:s19], $0x180  }
0x28: {  	[sflag:s19] =	ssyncset.done $0x0  }
0x29: {  	[sflag:s19] =	ssyncadd.s32 $0xFFFFFE80  }
0x2a: {  	_ =	swait.ge [sflag:s19], $0x180  }
0x2b: {  	[sflag:s19] =	ssyncset.done $0x0  }
0x2c: {  	[sflag:s19] =	ssyncadd.s32 $0xFFFFFE80  }
0x2d: {  	[bflag:$0x0] =	sbarrier.arrive $0xFFFF  }
0x2e: {  	[tilespmem:s25], [sflag:$0x3] =	stream.indirect.gather [hbm4b:s6+s24], $0x20, s16, s24, $0xb8;
	[tilespmem:$0x1ECC0] =	vst v63  }
0x2f: {  	_ = 	snop  }
0x30: {  	[tilespmem:s26], [sflag:$0x3] =	stream.indirect.gather [hbm4b:s6+s24], $0x20, s24, s24, $0xb8;
	[tilespmem:$0x1ECC0] =	vst v63  }
0x31: {  	s20 =	simm.s32 $0x100  }
0x32: {  	[tilespmem:s29], [sflag:$0x3] =	stream.indirect.gather [hbm4b:s6+s24], $0x20, s20, s24, $0xb8;
	[tilespmem:$0x1ECC0] =	vst v63  }
0x33: {  	s21 =	rddreg [dreg:$0xd]  }
0x34: {  	[tilespmem:s30], [sflag:$0x2] =	stream.linear.gather [hbm4b:s21+s16], $0x180, $0x38;
	[tilespmem:$0x1ECC0] =	vst v63  }
0x35: {  	s23 =	rddreg [dreg:$0xe]  }
0x36: {  	[tilespmem:s31], [sflag:$0x2] =	stream.linear.gather [hbm4b:s23+s16], $0x180, $0x38;
	[tilespmem:$0x1ECC0] =	vst v63  }
0x37: {  	_ =	swait.ge [sflag:s0], $0x180  }
0x38: {  	[sflag:s0] =	ssyncset.done $0x0  }
0x39: {  	[sflag:s0] =	ssyncadd.s32 $0xFFFFFE80  }
0x3a: {  	_ =	swait.ge [sflag:s0], $0x180  }
0x3b: {  	[sflag:s0] =	ssyncset.done $0x0  }
0x3c: {  	[sflag:s0] =	ssyncadd.s32 $0xFFFFFE80  }
0x3d: {  	[tilespmem:s1], [sflag:$0x4] =	stream.indirect.gather [hbm4b:s6+s24], $0x20, s30, s24, $0xb8;
	[tilespmem:$0x1ECC0] =	vst v63  }
0x3e: {  	s15 =	rddreg [dreg:$0x3]  }
0x3f: {  	[tilespmem:s28], [sflag:$0x4] =	stream.indirect.gather [hbm4b:s6+s24], $0x20, s15, s24, $0xb8;
	[tilespmem:$0x1ECC0] =	vst v63  }
0x40: {  	s16 =	rddreg [dreg:$0x4]  }
0x41: {  	[tilespmem:s7], [sflag:$0x4] =	stream.indirect.gather [hbm4b:s6+s24], $0x20, s16, s24, $0xb8;
	[tilespmem:$0x1ECC0] =	vst v63  }
0x42: {  	_ =	swait.ge [sflag:s10], $0x1000  }
0x43: {  	[sflag:s10] =	ssyncset.done $0x0  }
0x44: {  	[sflag:s10] =	ssyncadd.s32 $0xFFFFF000  }
0x45: {  	_ =	swait.ge [sflag:s10], $0x1000  }
0x46: {  	[sflag:s10] =	ssyncset.done $0x0  }
0x47: {  	[sflag:s10] =	ssyncadd.s32 $0xFFFFF000  }
0x48: {  	_ =	swait.ge [sflag:s10], $0x1000  }
0x49: {  	[sflag:s10] =	ssyncset.done $0x0  }
0x4a: {  	[sflag:s10] =	ssyncadd.s32 $0xFFFFF000  }
0x4b: {  	[spmem:s2] =	stream.indirect.scatter.add.f32 [tilespmem:s25], [sflag:$0x5], $0x20, s22, s24, $0xb8;
	[tilespmem:$0x1ECC0] =	vst v63  }
0x4c: {  	s17 =	rddreg [dreg:$0x5]  }
0x4d: {  	[spmem:s2] =	stream.indirect.scatter.add.f32 [tilespmem:s26], [sflag:$0x5], $0x20, s17, s24, $0xb8;
	[tilespmem:$0x1ECC0] =	vst v63  }
0x4e: {  	s18 =	rddreg [dreg:$0x6]  }
0x4f: {  	[spmem:s2] =	stream.indirect.scatter.add.f32 [tilespmem:s29], [sflag:$0x5], $0x20, s18, s24, $0xb8;
	[tilespmem:$0x1ECC0] =	vst v63  }
0x50: {  	_ =	swait.ge [sflag:s11], $0x1000  }
0x51: {  	[sflag:s11] =	ssyncset.done $0x0  }
0x52: {  	[sflag:s11] =	ssyncadd.s32 $0xFFFFF000  }
0x53: {  	_ =	swait.ge [sflag:s11], $0x1000  }
0x54: {  	[sflag:s11] =	ssyncset.done $0x0  }
0x55: {  	[sflag:s11] =	ssyncadd.s32 $0xFFFFF000  }
0x56: {  	_ =	swait.ge [sflag:s11], $0x1000  }
0x57: {  	p0 =	sle.u32 s8, $0x2;
	s16 =	rddreg [dreg:$0x14]  }
0x58: {  	[sflag:s11] =	ssyncset.done $0x0;
	s3 =	sshrl.u32 @!p0 s16, $0x3  }
0x59: {  	s20 =	simm.s32 @!p0 $0x0;
	[sflag:s11] =	ssyncadd.s32 $0xFFFFF000;
	s9 =	sadd.s32 @!p0 s4, s3  }
0x5a: {  	[tilespmem:s20], [sflag:$0x1] =	stream.linear.gather @!p0 [hbm4b:s9+s20], $0x180, $0x38;
	[tilespmem:$0x1ECC0] =	vst v63  }
0x5b: {  	s3 =	sadd.s32 @!p0 s5, s3;
	s9 =	simm.s32 @!p0 $0x180  }
0x5c: {  	[tilespmem:s9], [sflag:$0x1] =	stream.linear.gather @!p0 [hbm4b:s3+s20], $0x180, $0x38;
	[tilespmem:$0x1ECC0] =	vst v63  }
0x5d: {  	_ =	swait.ge [sflag:s12], $0x1000  }
0x5e: {  	[sflag:s12] =	ssyncset.done $0x0  }
0x5f: {  	[sflag:s12] =	ssyncadd.s32 $0xFFFFF000  }
0x60: {  	_ =	swait.ge [sflag:s12], $0x1000  }
0x61: {  	[sflag:s12] =	ssyncset.done $0x0  }
0x62: {  	[sflag:s12] =	ssyncadd.s32 $0xFFFFF000  }
0x63: {  	_ =	swait.ge [sflag:s12], $0x1000  }
0x64: {  	[sflag:s12] =	ssyncset.done $0x0  }
0x65: {  	[sflag:s12] =	ssyncadd.s32 $0xFFFFF000  }
0x66: {  	[spmem:s2] =	stream.indirect.scatter.add.f32 [tilespmem:s1], [sflag:$0x6], $0x20, s31, s24, $0xb8;
	[tilespmem:$0x1ECC0] =	vst v63  }
0x67: {  	s19 =	rddreg [dreg:$0x7]  }
0x68: {  	[spmem:s2] =	stream.indirect.scatter.add.f32 [tilespmem:s28], [sflag:$0x6], $0x20, s19, s24, $0xb8;
	[tilespmem:$0x1ECC0] =	vst v63  }
0x69: {  	s21 =	rddreg [dreg:$0x8]  }
0x6a: {  	[spmem:s2] =	stream.indirect.scatter.add.f32 [tilespmem:s7], [sflag:$0x6], $0x20, s21, s24, $0xb8;
	[tilespmem:$0x1ECC0] =	vst v63  }
0x6b: {  	_ =	swait.ge [sflag:s13], $0x1000  }
0x6c: {  	[sflag:s13] =	ssyncset.done $0x0  }
0x6d: {  	[sflag:s13] =	ssyncadd.s32 $0xFFFFF000  }
0x6e: {  	_ =	swait.ge [sflag:s13], $0x1000  }
0x6f: {  	[sflag:s13] =	ssyncset.done $0x0  }
0x70: {  	[sflag:s13] =	ssyncadd.s32 $0xFFFFF000  }
0x71: {  	_ =	swait.ge [sflag:s13], $0x1000  }
0x72: {  	[sflag:s13] =	ssyncset.done $0x0  }
0x73: {  	s3 =	simm.s32 @!p0 $0x1;
	[sflag:s13] =	ssyncadd.s32 $0xFFFFF000  }
0x74: {  	_ =	swait.ge @!p0 [sflag:s3], $0x180  }
0x75: {  	[sflag:s3] =	ssyncset.done @!p0 $0x0  }
0x76: {  	[sflag:s3] =	ssyncadd.s32 @!p0 $0xFFFFFE80  }
0x77: {  	_ =	swait.ge @!p0 [sflag:s3], $0x180  }
0x78: {  	[sflag:s3] =	ssyncset.done @!p0 $0x0  }
0x79: {  	s9 =	simm.s32 @!p0 $0x600;
	[sflag:s3] =	ssyncadd.s32 @!p0 $0xFFFFFE80;
	s3 =	simm.s32 @!p0 $0x80  }
0x7a: {  	[tilespmem:s9], [sflag:$0x3] =	stream.indirect.gather @!p0 [hbm4b:s6+s3], $0x20, s20, s3, $0xb8;
	[tilespmem:$0x1ECC0] =	vst v63  }
0x7b: {  	s9 =	simm.s32 @!p0 $0x1600  }
0x7c: {  	[tilespmem:s9], [sflag:$0x3] =	stream.indirect.gather @!p0 [hbm4b:s6+s3], $0x20, s3, s3, $0xb8;
	[tilespmem:$0x1ECC0] =	vst v63  }
0x7d: {  	s15 =	simm.s32 @!p0 $0x2600;
	s23 =	rddreg [dreg:$0xf];
	s9 =	simm.s32 @!p0 $0x100  }
0x7e: {  	[tilespmem:s15], [sflag:$0x3] =	stream.indirect.gather @!p0 [hbm4b:s6+s3], $0x20, s9, s3, $0xb8;
	[tilespmem:$0x1ECC0] =	vst v63  }
0x7f: {  	s15 =	sadd.s32 $0xFFFFFFFF, s23  }
0x80: {  	p1 =	sne.s32 s15, $0x0  }
.Ltmp0:
0x81: {  	_ = 	snop;
	(pc) =	sbr.rel @!p1 .LBB2_3-.Ltmp0, $4  }
0x82: {  	s16 =	sadd.s32 $0x300, s16;
	s19 =	rddreg [dreg:$0x12]  }
0x83: {  	s17 =	rddreg [dreg:$0x13];
	s18 =	sadd.s32 $0x60, s19;
	s3 =	simm.s32 @!p0 $0x300  }
0x84: {  	[tilespmem:s3], [sflag:$0x2] =	stream.linear.gather @!p0 [hbm4b:s17+s20], $0x180, $0x38;
	[tilespmem:$0x1ECC0] =	vst v63  }
0x85: {  	s9 =	simm.s32 $0x4;
	s3 =	simm.s32 @!p0 $0x480;
	s17 =	sadd.s32 $0x60, s17  }
.LBB2_2:
0x86: {  	[tilespmem:s3], [sflag:$0x2] =	stream.linear.gather @!p0 [hbm4b:s19+s20], $0x180, $0x38;
	[tilespmem:$0x1ECC0] =	vst v63  }
0x87: {  	_ =	swait.ge [sflag:s0], $0x180  }
0x88: {  	[sflag:s0] =	ssyncset.done $0x0  }
0x89: {  	[sflag:s0] =	ssyncadd.s32 $0xFFFFFE80  }
0x8a: {  	_ =	swait.ge [sflag:s0], $0x180  }
0x8b: {  	[sflag:s0] =	ssyncset.done $0x0  }
0x8c: {  	[sflag:s0] =	ssyncadd.s32 $0xFFFFFE80  }
0x8d: {  	[tilespmem:s1], [sflag:$0x4] =	stream.indirect.gather [hbm4b:s6+s24], $0x20, s30, s24, $0xb8;
	[tilespmem:$0x1ECC0] =	vst v63  }
0x8e: {  	s21 =	rddreg [dreg:$0x3]  }
0x8f: {  	[tilespmem:s28], [sflag:$0x4] =	stream.indirect.gather [hbm4b:s6+s24], $0x20, s21, s24, $0xb8;
	[tilespmem:$0x1ECC0] =	vst v63  }
0x90: {  	s23 =	rddreg [dreg:$0x4]  }
0x91: {  	[tilespmem:s7], [sflag:$0x4] =	stream.indirect.gather [hbm4b:s6+s24], $0x20, s23, s24, $0xb8;
	[tilespmem:$0x1ECC0] =	vst v63  }
0x92: {  	_ =	swait.ge [sflag:s10], $0x1000  }
0x93: {  	[sflag:s10] =	ssyncset.done $0x0  }
0x94: {  	[sflag:s10] =	ssyncadd.s32 $0xFFFFF000  }
0x95: {  	_ =	swait.ge [sflag:s10], $0x1000  }
0x96: {  	[sflag:s10] =	ssyncset.done $0x0  }
0x97: {  	[sflag:s10] =	ssyncadd.s32 $0xFFFFF000  }
0x98: {  	_ =	swait.ge [sflag:s10], $0x1000  }
0x99: {  	[sflag:s10] =	ssyncset.done $0x0  }
0x9a: {  	[sflag:s10] =	ssyncadd.s32 $0xFFFFF000  }
0x9b: {  	[spmem:s2] =	stream.indirect.scatter.add.f32 [tilespmem:s25], [sflag:$0x5], $0x20, s22, s24, $0xb8;
	[tilespmem:$0x1ECC0] =	vst v63  }
0x9c: {  	s21 =	rddreg [dreg:$0x5]  }
0x9d: {  	[spmem:s2] =	stream.indirect.scatter.add.f32 [tilespmem:s26], [sflag:$0x5], $0x20, s21, s24, $0xb8;
	[tilespmem:$0x1ECC0] =	vst v63  }
0x9e: {  	s23 =	rddreg [dreg:$0x6]  }
0x9f: {  	[spmem:s2] =	stream.indirect.scatter.add.f32 [tilespmem:s29], [sflag:$0x5], $0x20, s23, s24, $0xb8;
	[tilespmem:$0x1ECC0] =	vst v63  }
0xa0: {  	_ =	swait.ge [sflag:s11], $0x1000  }
0xa1: {  	[sflag:s11] =	ssyncset.done $0x0  }
0xa2: {  	[sflag:s11] =	ssyncadd.s32 $0xFFFFF000  }
0xa3: {  	_ =	swait.ge [sflag:s11], $0x1000  }
0xa4: {  	[sflag:s11] =	ssyncset.done $0x0  }
0xa5: {  	[sflag:s11] =	ssyncadd.s32 $0xFFFFF000  }
0xa6: {  	p0 =	sge.u32 s9, s8;
	_ =	swait.ge [sflag:s11], $0x1000  }
0xa7: {  	s3 =	sshrl.u32 @!p0 s16, $0x3;
	[sflag:s11] =	ssyncset.done $0x0  }
0xa8: {  	s20 =	simm.s32 @!p0 $0x0;
	s21 =	sadd.s32 @!p0 s4, s3;
	[sflag:s11] =	ssyncadd.s32 $0xFFFFF000  }
0xa9: {  	[tilespmem:s20], [sflag:$0x1] =	stream.linear.gather @!p0 [hbm4b:s21+s20], $0x180, $0x38;
	[tilespmem:$0x1ECC0] =	vst v63  }
0xaa: {  	s3 =	sadd.s32 @!p0 s5, s3;
	s21 =	simm.s32 @!p0 $0x180  }
0xab: {  	[tilespmem:s21], [sflag:$0x1] =	stream.linear.gather @!p0 [hbm4b:s3+s20], $0x180, $0x38;
	[tilespmem:$0x1ECC0] =	vst v63  }
0xac: {  	_ =	swait.ge [sflag:s12], $0x1000  }
0xad: {  	[sflag:s12] =	ssyncset.done $0x0  }
0xae: {  	[sflag:s12] =	ssyncadd.s32 $0xFFFFF000  }
0xaf: {  	_ =	swait.ge [sflag:s12], $0x1000  }
0xb0: {  	[sflag:s12] =	ssyncset.done $0x0  }
0xb1: {  	[sflag:s12] =	ssyncadd.s32 $0xFFFFF000  }
0xb2: {  	_ =	swait.ge [sflag:s12], $0x1000  }
0xb3: {  	[sflag:s12] =	ssyncset.done $0x0  }
0xb4: {  	[sflag:s12] =	ssyncadd.s32 $0xFFFFF000  }
0xb5: {  	[spmem:s2] =	stream.indirect.scatter.add.f32 [tilespmem:s1], [sflag:$0x6], $0x20, s31, s24, $0xb8;
	[tilespmem:$0x1ECC0] =	vst v63  }
0xb6: {  	s21 =	rddreg [dreg:$0x7]  }
0xb7: {  	[spmem:s2] =	stream.indirect.scatter.add.f32 [tilespmem:s28], [sflag:$0x6], $0x20, s21, s24, $0xb8;
	[tilespmem:$0x1ECC0] =	vst v63  }
0xb8: {  	s23 =	rddreg [dreg:$0x8]  }
0xb9: {  	[spmem:s2] =	stream.indirect.scatter.add.f32 [tilespmem:s7], [sflag:$0x6], $0x20, s23, s24, $0xb8;
	[tilespmem:$0x1ECC0] =	vst v63  }
0xba: {  	_ =	swait.ge [sflag:s13], $0x1000  }
0xbb: {  	[sflag:s13] =	ssyncset.done $0x0  }
0xbc: {  	[sflag:s13] =	ssyncadd.s32 $0xFFFFF000  }
0xbd: {  	_ =	swait.ge [sflag:s13], $0x1000  }
0xbe: {  	[sflag:s13] =	ssyncset.done $0x0  }
0xbf: {  	[sflag:s13] =	ssyncadd.s32 $0xFFFFF000  }
0xc0: {  	_ =	swait.ge [sflag:s13], $0x1000  }
0xc1: {  	[sflag:s13] =	ssyncset.done $0x0  }
0xc2: {  	s3 =	simm.s32 @!p0 $0x1;
	[sflag:s13] =	ssyncadd.s32 $0xFFFFF000  }
0xc3: {  	_ =	swait.ge @!p0 [sflag:s3], $0x180  }
0xc4: {  	[sflag:s3] =	ssyncset.done @!p0 $0x0  }
0xc5: {  	[sflag:s3] =	ssyncadd.s32 @!p0 $0xFFFFFE80  }
0xc6: {  	_ =	swait.ge @!p0 [sflag:s3], $0x180  }
0xc7: {  	s15 =	sadd.s32 $0xFFFFFFFF, s15;
	[sflag:s3] =	ssyncset.done @!p0 $0x0  }
0xc8: {  	s21 =	simm.s32 @!p0 $0x600;
	[sflag:s3] =	ssyncadd.s32 @!p0 $0xFFFFFE80;
	s3 =	simm.s32 @!p0 $0x80  }
0xc9: {  	[tilespmem:s21], [sflag:$0x3] =	stream.indirect.gather @!p0 [hbm4b:s6+s3], $0x20, s20, s3, $0xb8;
	[tilespmem:$0x1ECC0] =	vst v63  }
0xca: {  	s19 =	smov.u32 s18;
	p1 =	sne.s32 s15, $0x0;
	s21 =	simm.s32 @!p0 $0x1600  }
0xcb: {  	[tilespmem:s21], [sflag:$0x3] =	stream.indirect.gather @!p0 [hbm4b:s6+s3], $0x20, s3, s3, $0xb8;
	[tilespmem:$0x1ECC0] =	vst v63  }
.Ltmp1:
0xcc: {  	s23 =	simm.s32 @!p0 $0x2600;
	s21 =	simm.s32 @!p0 $0x100;
	(pc) =	sbr.rel @p1 .LBB2_2-.Ltmp1, $4  }
0xcd: {  	[tilespmem:s23], [sflag:$0x3] =	stream.indirect.gather @!p0 [hbm4b:s6+s3], $0x20, s21, s3, $0xb8;
	[tilespmem:$0x1ECC0] =	vst v63  }
0xce: {  	s9 =	sadd.s32 $0x2, s9;
	s18 =	sadd.s32 $0x60, s18;
	s3 =	simm.s32 @!p0 $0x300  }
0xcf: {  	[tilespmem:s3], [sflag:$0x2] =	stream.linear.gather @!p0 [hbm4b:s17+s20], $0x180, $0x38;
	[tilespmem:$0x1ECC0] =	vst v63  }
0xd0: {  	s16 =	sadd.s32 $0x300, s16;
	s3 =	simm.s32 @!p0 $0x480;
	s17 =	sadd.s32 $0x60, s17  }
.LBB2_3:
0xd1: {  	[tilespmem:s3], [sflag:$0x2] =	stream.linear.gather @!p0 [hbm4b:s19+s20], $0x180, $0x38;
	[tilespmem:$0x1ECC0] =	vst v63  }
0xd2: {  	[bflag:$0x0] =	sbarrier.arrive $0xFFFF  }
0xd3: {  	s15 =	rddreg [dreg:$0xa]  }
0xd4: {  	s21 =	rddreg [dreg:$0x10]  }
0xd5: {  	s16 =	simm.s32 $0x7;
	s9 =	rddreg [dreg:$0x15]  }
0xd6: {  	[hbm:s21], [sflag:s15] =	dma.local [spmem:s9], $0x30D8  }
0xd7: {  	_ =	swait.ge [sflag:s16], $0x30D8  }
0xd8: {  	s14 =	sadd.s32 $0x1, s14;
	s23 =	rddreg [dreg:$0x11]  }
0xd9: {  	p0 =	sne.s32 s14, s23  }
.Ltmp2:
0xda: {  	_ = 	snop;
	(pc) =	sbr.rel @p0 .LBB2_1-.Ltmp2, $3  }
0xdb: {  	_ =	sdelay $0x1  }
0xdc: {  	[sflag:s16] =	ssyncset.done $0x0  }
0xdd: {  	[sflag:s16] =	ssyncadd.s32 $0xFFFFCF28  }
0xde: {  	_ =	sfence.sel $0x180000  }
0xdf: {  	[bflag:$0x0] =	sbarrier.arrive $0xFFFF  }
0xe0: {  	_ =	strace $0x9000004A  }
0xe1: {  	s0 =	stileid.u32;
	[bflag:$0x2] =	sbarrier.arrive $0xFFFF  }
0xe2: {  	p0 =	sne.s32 s0, $0x0;
	s0 =	rddreg [dreg:$0x2]  }
0xe3: {  	s0 =	sadd.s32 @!p0 $0x100000, s0  }
0xe4: {  	[sflag:s0] =	ssyncadd.tile.s32 @!p0 $0x1;
	_ =	shalt  }
.Lfunc_end2:
_tile_overlayer_lowered:
.L_overlay_start_2:
0xe5: {  	(tag) =	ssettag $0x2  }
0xe6: {  	s0 =	rddreg [dreg:$0x0];
	s2 =	stileid.u32  }
0xe7: {  	s1 =	rddreg [dreg:$0x1];
	p0 =	sne.s32 s2, $0x0  }
0xe8: {  	s3 =	rddreg [dreg:$0x2];
	[bflag:$0x3] =	sbarrier.arrive $0xFFFF;
	s2 =	simm.s32 @!p0 $0x1C07  }
0xe9: {  	[timem:s3], [sflag:s2] =	dma.local @!p0 [hbm:s0], s1  }
0xea: {  	s0 =	simm.s32 @!p0 $0x7  }
0xeb: {  	_ =	swait.ge @!p0 [sflag:s0], s1  }
0xec: {  	s1 =	ssub.s32 @!p0 $0x0, s1;
	[sflag:s0] =	ssyncset.done @!p0 $0x0  }
0xed: {  	[sflag:s0] =	ssyncadd.s32 @!p0 s1  }
0xee: {  	[bflag:$0x3] =	sbarrier.arrive $0xFFFF  }
0xef: {  	_ =	shalt  }

// kernel: kernel.14.cloned.1.call-start
scs
__scs_entry_jumppad:
0x0: {  	(pc) =	sbr.rel $0x88, $3  }
0x1: {  	(tag) =	ssettag $0x0;
	lr =	simm.s32 $0x1  }
0x2: {  	[smem:$0x3F91] =	sst lr;
	_ =	strace $0xD0000000  }
0x3: {  	_ = 	snop  }
0x4: {  	_ = 	snop  }
0x5: {  	_ = 	snop  }
0x6: {  	_ = 	snop  }
0x7: {  	_ = 	snop  }
__scs_overlays_trampoline_lowered:
0x8: {  	[smem:$0x3FA0] =	sst s0  }
0x9: {  	[smem:$0x3FA1] =	sst s1  }
0xa: {  	[smem:$0x3FA2] =	sst s2  }
0xb: {  	[smem:$0x3FA3] =	sst s3  }
0xc: {  	[smem:$0x3FA4] =	sst s4  }
0xd: {  	[smem:$0x3FA5] =	sst s5  }
0xe: {  	[smem:$0x3FA6] =	sst s6  }
0xf: {  	[smem:$0x3FA7] =	sst s7  }
0x10: {  	[smem:$0x3FA8] =	sst s8  }
0x11: {  	[smem:$0x3FA9] =	sst s9;
	s0 =	simm.s32 @!p0 $0x0  }
0x12: {  	s1 =	sld [smem:$0x3F8F];
	s0 =	simm.s32 @p0 $0x1  }
0x13: {  	[smem:$0x3FAA] =	sst s0;
	s0 =	simm.s32 @!p1 $0x0  }
0x14: {  	s2 =	sld [smem:$0x3F8E];
	s0 =	simm.s32 @p1 $0x1  }
0x15: {  	[smem:$0x3FAB] =	sst s0;
	s0 =	simm.s32 @!p2 $0x0  }
0x16: {  	s3 =	sld [smem:$0x3FDB];
	s0 =	simm.s32 @p2 $0x1  }
0x17: {  	s4 =	simm.s32 $0x1BF5;
	[smem:$0x3FAD] =	sst s0  }
0x18: {  	s0 =	sld [smem:$0x3F90];
	_ =	swait.ge [sflag:s4], $0x0  }
0x19: {  	s7 =	sld [smem:$0x3F91]  }
0x1a: {  	s8 =	sadd.s32 $0xFFFFE003, lr  }
0x1b: {  	s9 =	sadd.s32 $0xFFFFFEF7, lr;
	s5 =	simm.s32 $0xFFFFFFFF;
	p2 =	slt.u32 s8, $0xFFFFF086  }
0x1c: {  	p1 =	slt.u32 s9, $0xF7A;
	s5 =	simm.s32 @!p2 $0x0  }
0x1d: {  	s5 =	simm.s32 @p1 $0x1;
	p0 =	seq.s32 s7, s2  }
0x1e: {  	s7 =	smul.u32 @!p0 $0xF7A, s2;
	p2 =	seq.s32 @!p0 s5, $0x0  }
0x1f: {  	s9 =	smul.u32 $0xF7A, s1;
	s8 =	simm.s32 @!p0 $0x1BF5;
	p2 =	por !p2, p0  }
0x20: {  	[sflag:s8] =	ssyncset.s32 @!p0 $0xFFFFF086;
	s6 =	sadd.s32 @!p0 s3, s7;
	s7 =	simm.s32 @!p0 $0x108  }
0x21: {  	s3 =	sadd.s32 s3, s9;
	s6 =	sadd.s32 @!p0 $0x88, s6;
	s7 =	simm.s32 @p2 $0x1082  }
0x22: {  	[simem:s7], [sflag:s8] =	dma.local @!p0 [hbm:s6], $0xF7A  }
0x23: {  	s9 =	sor.u32 $0xD0000000, s2;
	s6 =	simm.s32 $0x108;
	_ =	swait.ge @!p0 [sflag:s8], $0x0  }
0x24: {  	s3 =	sadd.s32 $0x88, s3;
	s6 =	simm.s32 @!p1 $0x1082;
	[sflag:s4] =	ssyncset.s32 $0xFFFFF086  }
0x25: {  	[simem:s6], [sflag:s4] =	dma.local [hbm:s3], $0xF7A  }
0x26: {  	[smem:$0x3F91] =	sst s1;
	(tag) =	ssettag s2;
	_ =	strace s9  }
0x27: {  	s1 =	sld [smem:$0x3FA1]  }
0x28: {  	s2 =	sld [smem:$0x3FA2]  }
0x29: {  	s4 =	sld [smem:$0x3FA4]  }
0x2a: {  	p0 =	seq.s32 s5, $0x0;
	s5 =	sld [smem:$0x3FA5]  }
0x2b: {  	s6 =	sld [smem:$0x3FA6]  }
0x2c: {  	s7 =	sld [smem:$0x3FA7]  }
0x2d: {  	s3 =	simm.s32 $0x108;
	s8 =	sld [smem:$0x3FA8]  }
0x2e: {  	s3 =	simm.s32 @!p0 $0x1082;
	s9 =	sld [smem:$0x3FA9]  }
0x2f: {  	lr =	sadd.s32 s0, s3;
	s0 =	sld [smem:$0x3FA0]  }
0x30: {  	s3 =	sld [smem:$0x3FA3]  }
0x31: {  	[smem:$0x3FAC] =	sst s10  }
0x32: {  	s10 =	sld [smem:$0x3FAA];
	_ =	sdelay $0x3  }
0x33: {  	p0 =	seq.s32 s10, $0x1;
	s10 =	sld [smem:$0x3FAC];
	_ =	sdelay $0x3  }
0x34: {  	[smem:$0x3FAC] =	sst s10  }
0x35: {  	s10 =	sld [smem:$0x3FAB];
	_ =	sdelay $0x3  }
0x36: {  	p1 =	seq.s32 s10, $0x1;
	s10 =	sld [smem:$0x3FAC];
	_ =	sdelay $0x3  }
0x37: {  	[smem:$0x3FAC] =	sst s10  }
0x38: {  	s10 =	sld [smem:$0x3FAD]  }
0x39: {  	_ = 	snop;
	(pc) =	sbr.ind lr, $3  }
0x3a: {  	_ = 	snop  }
0x3b: {  	_ = 	snop  }
0x3c: {  	p2 =	seq.s32 s10, $0x1;
	s10 =	sld [smem:$0x3FAC]  }
0x3d: {  	_ =	shalt  }
0x3e: {  	_ =	shalt  }
0x3f: {  	_ =	shalt  }
0x40: {  	_ =	shalt  }
0x41: {  	_ =	shalt  }
0x42: {  	_ =	shalt  }
0x43: {  	_ =	shalt  }
0x44: {  	_ =	shalt  }
0x45: {  	_ =	shalt  }
0x46: {  	_ =	shalt  }
0x47: {  	_ =	shalt  }
0x48: {  	_ =	shalt  }
0x49: {  	_ =	shalt  }
0x4a: {  	_ =	shalt  }
0x4b: {  	_ =	shalt  }
0x4c: {  	_ =	shalt  }
0x4d: {  	_ =	shalt  }
0x4e: {  	_ =	shalt  }
0x4f: {  	_ =	shalt  }
0x50: {  	_ =	shalt  }
0x51: {  	_ =	shalt  }
0x52: {  	_ =	shalt  }
0x53: {  	_ =	shalt  }
0x54: {  	_ =	shalt  }
0x55: {  	_ =	shalt  }
0x56: {  	_ =	shalt  }
0x57: {  	_ =	shalt  }
0x58: {  	_ =	shalt  }
0x59: {  	_ =	shalt  }
0x5a: {  	_ =	shalt  }
0x5b: {  	_ =	shalt  }
0x5c: {  	_ =	shalt  }
0x5d: {  	_ =	shalt  }
0x5e: {  	_ =	shalt  }
0x5f: {  	_ =	shalt  }
0x60: {  	_ =	shalt  }
0x61: {  	_ =	shalt  }
0x62: {  	_ =	shalt  }
0x63: {  	_ =	shalt  }
0x64: {  	_ =	shalt  }
0x65: {  	_ =	shalt  }
0x66: {  	_ =	shalt  }
0x67: {  	_ =	shalt  }
0x68: {  	_ =	shalt  }
0x69: {  	_ =	shalt  }
0x6a: {  	_ =	shalt  }
0x6b: {  	_ =	shalt  }
0x6c: {  	_ =	shalt  }
0x6d: {  	_ =	shalt  }
0x6e: {  	_ =	shalt  }
0x6f: {  	_ =	shalt  }
0x70: {  	_ =	shalt  }
0x71: {  	_ =	shalt  }
0x72: {  	_ =	shalt  }
0x73: {  	_ =	shalt  }
0x74: {  	_ =	shalt  }
0x75: {  	_ =	shalt  }
0x76: {  	_ =	shalt  }
0x77: {  	_ =	shalt  }
0x78: {  	_ =	shalt  }
0x79: {  	_ =	shalt  }
0x7a: {  	_ =	shalt  }
0x7b: {  	_ =	shalt  }
0x7c: {  	_ =	shalt  }
0x7d: {  	_ =	shalt  }
0x7e: {  	_ =	shalt  }
0x7f: {  	_ =	shalt  }
0x80: {  	_ =	shalt  }
0x81: {  	_ =	shalt  }
0x82: {  	_ =	shalt  }
0x83: {  	_ =	shalt  }
0x84: {  	_ =	shalt  }
0x85: {  	_ =	shalt  }
0x86: {  	_ =	shalt  }
0x87: {  	_ =	shalt  }
.Lfunc_end0:
.L_simem_size_0:
called_computation.2_lowered:
.L_overlay_start_0:
0x88: {  	s2 =	sld [smem:$0x3FD9]  }
0x89: {  	s3 =	sld [smem:$0x3FFE];
	_ =	sdelay $0x1  }
0x8a: {  	s1 =	srdreg.scid  }
0x8b: {  	s0 =	sand.u32 $0x1, s1  }
0x8c: {  	s16 =	sshll.u32 s0, $0xA;
	s2 =	sadd.s32 s3, s2  }
0x8d: {  	s2 =	sadd.s32 s2, s16  }
0x8e: {  	[smem:$0x3FB8] =	sst s2  }
0x8f: {  	_ = 	snop  }
0x90: {  	(tm) =	ssettm $0x1  }
0x91: {  	s17 =	sld [smem:$0x3FFB];
	_ =	sdelay $0x3  }
0x92: {  	_ =	strace s17  }
0x93: {  	s2 =	sld [smem:$0x3FFC];
	_ =	sdelay $0x3  }
0x94: {  	_ =	strace s2  }
0x95: {  	s2 =	sld [smem:$0x3FFD];
	_ =	sdelay $0x3  }
0x96: {  	_ =	strace s2  }
0x97: {  	_ =	strace $0x8FFFFFFF  }
0x98: {  	s18 =	sld [smem:$0x3FDB];
	_ =	sdelay $0x1  }
0x99: {  	s19 =	simm.s32 $_scs_section_size  }
0x9a: {  	s4 =	simm.s32 $_size__tile_overlayer_lowered;
	s5 =	simm.s32 $_tile_overlayer_lowered  }
0x9b: {  	s22 =	simm.s32 $0x1BFF;
	s21 =	sshll.u32 s5, $0x1;
	s2 =	sadd.s32 s19, s18  }
0x9c: {  	s6 =	simm.s32 $0x0;
	s20 =	sshll.u32 s4, $0x1;
	s4 =	sadd.s32 s21, s2  }
0x9d: {  	[timem:s6], [sflag:s22] =	dma.local [hbm:s4], s20  }
0x9e: {  	_ =	swait.ge [sflag:s22], s20  }
0x9f: {  	s3 =	ssub.s32 $0x0, s20;
	[sflag:s22] =	ssyncset.done $0x0  }
0xa0: {  	[sflag:s22] =	ssyncadd.s32 s3;
	_ =	sdelay $0x1  }
0xa1: {  	s23 =	simm.s32 $0x1B8B  }
0xa2: {  	_ =	swait.ge [sflag:s23], $0x1  }
0xa3: {  	[sflag:s23] =	ssyncset.done $0x0  }
0xa4: {  	s25 =	simm.s32 $0x1B8E;
	s24 =	sld [smem:$0x3FFE];
	[sflag:s23] =	ssyncadd.s32 $0xFFFFFFFF  }
0xa5: {  	s26 =	simm.s32 $execute0_lowered;
	[smem:$0x3FD2] =	sst s25  }
0xa6: {  	s4 =	sshll.u32 s26, $0x1;
	_ =	strace $0x8000004C;
	[dreg:$0x1] =	wrdreg $0xFFFFFFFF  }
0xa7: {  	s28 =	simm.s32 $_size_execute0_lowered;
	s2 =	sadd.s32 s2, s4;
	[dreg:$0x0] =	wrdreg $0x0  }
0xa8: {  	s4 =	sshll.u32 s28, $0x1;
	[dreg:$0x2] =	wrdreg s2  }
0xa9: {  	[dreg:$0x3] =	wrdreg s4  }
0xaa: {  	[dreg:$0x4] =	wrdreg $0xC0  }
0xab: {  	_ =	task [dreg:s6], $0x5FFFF  }
0xac: {  	[dreg:$0x1] =	wrdreg $0xFFFFFFFF  }
0xad: {  	[dreg:$0x0] =	wrdreg $0x60  }
0xae: {  	[dreg:$0x2] =	wrdreg s24  }
0xaf: {  	[dreg:$0x3] =	wrdreg $0x66000  }
0xb0: {  	[dreg:$0x4] =	wrdreg $0x9  }
0xb1: {  	_ =	task.clear_ibuf [dreg:s6], $0x5FFFF;
	_ =	strace $0x9000004C  }
0xb2: {  	s29 =	simm.s32 $0x9;
	_ =	strace $0x8000004E  }
0xb3: {  	_ =	swait.ge [sflag:s29], $0x1  }
0xb4: {  	[sflag:s29] =	ssyncadd.s32 $0xFFFFFFFF  }
0xb5: {  	_ =	strace $0x9000004E  }
0xb6: {  	_ =	sfence  }
0xb7: {  	s30 =	sld [smem:$0x0];
	_ =	sdelay $0x2  }
0xb8: {  	s31 =	sshll.u32 s1, $0xD;
	s1 =	sshrl.u32 s1, $0x2  }
0xb9: {  	s3 =	sand.u32 $0x4000, s31;
	s1 =	sadd.s32 s1, s30  }
0xba: {  	s0 =	sor.u32 s3, s0;
	s1 =	sshll.u32 s1, $0x11  }
0xbb: {  	s0 =	sor.u32 s1, s0  }
0xbc: {  	s0 =	sadd.s32 $0x8F2B, s0  }
0xbd: {  	[sflag:s0] =	ssyncadd.remote.s32 $0x1  }
0xbe: {  	_ =	sfence.sel $0xFFFF  }
0xbf: {  	[dreg:$0x0] =	wrdreg $0xFFFFFFFF;
	(pc) =	sbr.abs _section_cstart, $3  }
0xc0: {  	[dreg:$0x1] =	wrdreg $0xFFFFFFFF  }
0xc1: {  	_ =	task.clear_ibuf [dreg:s6], $0x2FFFF;
	_ =	strace $0x9FFFFFFF  }
0xc2: {  	(tm) =	ssettm $0x7FFFFFFF  }
0xc3: {  	_ =	shalt  }
tec
execute0_lowered:
.L_overlay_start_1:
0x0: {  	(tag) =	ssettag $0x1  }
0x1: {  	s0 =	rddreg [dreg:$0x0]  }
0x2: {  	s2 =	rddreg [dreg:$0x1];
	s1 =	srdreg.scid  }
0x3: {  	s11 =	stileid.u32;
	s4 =	simm.s32 $0x0;
	s21 =	simm.s32 $0x380  }
0x4: {  	s22 =	simm.s32 $0x400;
	s23 =	simm.s32 $0x200;
	s24 =	simm.s32 $0x280  }
0x5: {  	s29 =	simm.s32 $0x2600;
	s30 =	simm.s32 $0x300;
	s31 =	simm.s32 $0x480  }
0x6: {  	s28 =	simm.s32 $0x4600;
	s3 =	smul.u32 $0x186C0, s11;
	[smem:$0x7FF] =	sst s4  }
0x7: {  	s1 =	sand.u32 $0x1, s1;
	s4 =	sadd.s32 $0x297800, s0;
	s9 =	sadd.s32 $0x2E1200, s0  }
0x8: {  	s5 =	sadd.s32 $0x2200, s0;
	_ =	strace $0x8000004D;
	[dreg:$0x9] =	wrdreg s9  }
0x9: {  	s10 =	smul.u32 $0xC600, s11;
	s11 =	sshll.u32 s11, $0x6;
	[dreg:$0x3] =	wrdreg s21  }
0xa: {  	s6 =	smul.u32 $0x186C00, s1;
	s8 =	ssub.s32 $0x2, s1;
	[dreg:$0x4] =	wrdreg s22  }
0xb: {  	s26 =	ssub.s32 $0x0, s1;
	p0 =	seq.s32 s1, $0x0;
	[dreg:$0x5] =	wrdreg s23  }
0xc: {  	s15 =	sor.u32 $0x1C07, s11;
	[dreg:$0x6] =	wrdreg s24;
	s22 =	simm.s32 $0x180  }
0xd: {  	s24 =	simm.s32 $0x80;
	s11 =	simm.s32 $0x5;
	s25 =	sshrl.u32 s8, $0x1  }
0xe: {  	s9 =	sand.u32 $0xA500, s26;
	s26 =	simm.s32 $0x580;
	[dreg:$0xa] =	wrdreg s15  }
0xf: {  	s7 =	sadd.s32 s3, s6;
	s6 =	sadd.s32 $0x2B0400, s0;
	s1 =	sadd.s32 s10, s9  }
0x10: {  	s3 =	sadd.s32 s3, s2;
	[dreg:$0x8] =	wrdreg s26;
	s26 =	simm.s32 $0x1600  }
0x11: {  	s10 =	simm.s32 $0x3;
	s7 =	sshrl.u32 s7, $0x3;
	s12 =	sshrl.u32 s1, $0x3  }
0x12: {  	s17 =	sadd.s32 $0x480, s1;
	s1 =	sadd.s32 $0x300, s1;
	s0 =	sadd.s32 s7, s0  }
0x13: {  	s7 =	ssub.s32 s8, s25;
	s13 =	sadd.s32 s4, s12;
	[dreg:$0x14] =	wrdreg s1  }
0x14: {  	s8 =	simm.s32 $0x6E;
	s14 =	sadd.s32 s5, s12;
	[dreg:$0xb] =	wrdreg s13  }
0x15: {  	s9 =	sadd.s32 $0x30, s12;
	s25 =	simm.s32 $0x500;
	[dreg:$0xc] =	wrdreg s14  }
0x16: {  	s19 =	sshrl.u32 s17, $0x3;
	s16 =	sadd.s32 s4, s9;
	[dreg:$0x7] =	wrdreg s25  }
0x17: {  	s1 =	simm.s32 $0x3600;
	s9 =	sadd.s32 s5, s9;
	[dreg:$0xd] =	wrdreg s16  }
0x18: {  	s12 =	simm.s32 $0x4;
	s0 =	sadd.s32 $0x1AE00, s0;
	[dreg:$0xe] =	wrdreg s9  }
0x19: {  	s8 =	simm.s32 @!p0 $0x16;
	s7 =	smax.u32 s7, $0x1;
	[dreg:$0x10] =	wrdreg s0  }
0x1a: {  	s20 =	sadd.s32 s19, s5;
	s25 =	simm.s32 $0x600;
	[dreg:$0x11] =	wrdreg s7  }
0x1b: {  	s13 =	simm.s32 $0x6;
	s18 =	sshrl.u32 s8, $0x1;
	[dreg:$0x12] =	wrdreg s20  }
0x1c: {  	s14 =	simm.s32 $0x0;
	s0 =	sadd.s32 s19, s4;
	[dreg:$0xf] =	wrdreg s18  }
0x1d: {  	s9 =	sshrl.u32 s3, $0x3;
	s16 =	simm.s32 $0x7;
	[dreg:$0x13] =	wrdreg s0  }
0x1e: {  	s7 =	simm.s32 $0x5600;
	s0 =	simm.s32 $0x2;
	[dreg:$0x15] =	wrdreg s9  }
.LBB2_1:
0x1f: {  	s3 =	rddreg [dreg:$0x9]  }
0x20: {  	[spmem:s9], [sflag:s15] =	dma.local [hbm:s3], $0x30D8  }
0x21: {  	_ =	swait.ge [sflag:s16], $0x30D8  }
0x22: {  	[sflag:s16] =	ssyncset.done $0x0  }
0x23: {  	s17 =	rddreg [dreg:$0xb];
	[sflag:s16] =	ssyncadd.s32 $0xFFFFCF28;
	s16 =	simm.s32 $0x0  }
0x24: {  	[tilespmem:s16], [sflag:$0x1] =	stream.linear.gather [hbm4b:s17+s16], $0x180, $0x38;
	[tilespmem:$0x1ECC0] =	vst v63  }
0x25: {  	s19 =	simm.s32 $0x1;
	s18 =	rddreg [dreg:$0xc]  }
0x26: {  	[tilespmem:s22], [sflag:$0x1] =	stream.linear.gather [hbm4b:s18+s16], $0x180, $0x38;
	[tilespmem:$0x1ECC0] =	vst v63  }
0x27: {  	_ =	swait.ge [sflag:s19], $0x180  }
0x28: {  	[sflag:s19] =	ssyncset.done $0x0  }
0x29: {  	[sflag:s19] =	ssyncadd.s32 $0xFFFFFE80  }
0x2a: {  	_ =	swait.ge [sflag:s19], $0x180  }
0x2b: {  	[sflag:s19] =	ssyncset.done $0x0  }
0x2c: {  	[sflag:s19] =	ssyncadd.s32 $0xFFFFFE80  }
0x2d: {  	[bflag:$0x0] =	sbarrier.arrive $0xFFFF  }
0x2e: {  	[tilespmem:s25], [sflag:$0x3] =	stream.indirect.gather [hbm4b:s6+s24], $0x20, s16, s24, $0xb8;
	[tilespmem:$0x1ECC0] =	vst v63  }
0x2f: {  	_ = 	snop  }
0x30: {  	[tilespmem:s26], [sflag:$0x3] =	stream.indirect.gather [hbm4b:s6+s24], $0x20, s24, s24, $0xb8;
	[tilespmem:$0x1ECC0] =	vst v63  }
0x31: {  	s20 =	simm.s32 $0x100  }
0x32: {  	[tilespmem:s29], [sflag:$0x3] =	stream.indirect.gather [hbm4b:s6+s24], $0x20, s20, s24, $0xb8;
	[tilespmem:$0x1ECC0] =	vst v63  }
0x33: {  	s21 =	rddreg [dreg:$0xd]  }
0x34: {  	[tilespmem:s30], [sflag:$0x2] =	stream.linear.gather [hbm4b:s21+s16], $0x180, $0x38;
	[tilespmem:$0x1ECC0] =	vst v63  }
0x35: {  	s23 =	rddreg [dreg:$0xe]  }
0x36: {  	[tilespmem:s31], [sflag:$0x2] =	stream.linear.gather [hbm4b:s23+s16], $0x180, $0x38;
	[tilespmem:$0x1ECC0] =	vst v63  }
0x37: {  	_ =	swait.ge [sflag:s0], $0x180  }
0x38: {  	[sflag:s0] =	ssyncset.done $0x0  }
0x39: {  	[sflag:s0] =	ssyncadd.s32 $0xFFFFFE80  }
0x3a: {  	_ =	swait.ge [sflag:s0], $0x180  }
0x3b: {  	[sflag:s0] =	ssyncset.done $0x0  }
0x3c: {  	[sflag:s0] =	ssyncadd.s32 $0xFFFFFE80  }
0x3d: {  	[tilespmem:s1], [sflag:$0x4] =	stream.indirect.gather [hbm4b:s6+s24], $0x20, s30, s24, $0xb8;
	[tilespmem:$0x1ECC0] =	vst v63  }
0x3e: {  	s15 =	rddreg [dreg:$0x3]  }
0x3f: {  	[tilespmem:s28], [sflag:$0x4] =	stream.indirect.gather [hbm4b:s6+s24], $0x20, s15, s24, $0xb8;
	[tilespmem:$0x1ECC0] =	vst v63  }
0x40: {  	s16 =	rddreg [dreg:$0x4]  }
0x41: {  	[tilespmem:s7], [sflag:$0x4] =	stream.indirect.gather [hbm4b:s6+s24], $0x20, s16, s24, $0xb8;
	[tilespmem:$0x1ECC0] =	vst v63  }
0x42: {  	_ =	swait.ge [sflag:s10], $0x1000  }
0x43: {  	[sflag:s10] =	ssyncset.done $0x0  }
0x44: {  	[sflag:s10] =	ssyncadd.s32 $0xFFFFF000  }
0x45: {  	_ =	swait.ge [sflag:s10], $0x1000  }
0x46: {  	[sflag:s10] =	ssyncset.done $0x0  }
0x47: {  	[sflag:s10] =	ssyncadd.s32 $0xFFFFF000  }
0x48: {  	_ =	swait.ge [sflag:s10], $0x1000  }
0x49: {  	[sflag:s10] =	ssyncset.done $0x0  }
0x4a: {  	[sflag:s10] =	ssyncadd.s32 $0xFFFFF000  }
0x4b: {  	[spmem:s2] =	stream.indirect.scatter.add.f32 [tilespmem:s25], [sflag:$0x5], $0x20, s22, s24, $0xb8;
	[tilespmem:$0x1ECC0] =	vst v63  }
0x4c: {  	s17 =	rddreg [dreg:$0x5]  }
0x4d: {  	[spmem:s2] =	stream.indirect.scatter.add.f32 [tilespmem:s26], [sflag:$0x5], $0x20, s17, s24, $0xb8;
	[tilespmem:$0x1ECC0] =	vst v63  }
0x4e: {  	s18 =	rddreg [dreg:$0x6]  }
0x4f: {  	[spmem:s2] =	stream.indirect.scatter.add.f32 [tilespmem:s29], [sflag:$0x5], $0x20, s18, s24, $0xb8;
	[tilespmem:$0x1ECC0] =	vst v63  }
0x50: {  	_ =	swait.ge [sflag:s11], $0x1000  }
0x51: {  	[sflag:s11] =	ssyncset.done $0x0  }
0x52: {  	[sflag:s11] =	ssyncadd.s32 $0xFFFFF000  }
0x53: {  	_ =	swait.ge [sflag:s11], $0x1000  }
0x54: {  	[sflag:s11] =	ssyncset.done $0x0  }
0x55: {  	[sflag:s11] =	ssyncadd.s32 $0xFFFFF000  }
0x56: {  	_ =	swait.ge [sflag:s11], $0x1000  }
0x57: {  	p0 =	sle.u32 s8, $0x2;
	s16 =	rddreg [dreg:$0x14]  }
0x58: {  	[sflag:s11] =	ssyncset.done $0x0;
	s3 =	sshrl.u32 @!p0 s16, $0x3  }
0x59: {  	s20 =	simm.s32 @!p0 $0x0;
	[sflag:s11] =	ssyncadd.s32 $0xFFFFF000;
	s9 =	sadd.s32 @!p0 s4, s3  }
0x5a: {  	[tilespmem:s20], [sflag:$0x1] =	stream.linear.gather @!p0 [hbm4b:s9+s20], $0x180, $0x38;
	[tilespmem:$0x1ECC0] =	vst v63  }
0x5b: {  	s3 =	sadd.s32 @!p0 s5, s3;
	s9 =	simm.s32 @!p0 $0x180  }
0x5c: {  	[tilespmem:s9], [sflag:$0x1] =	stream.linear.gather @!p0 [hbm4b:s3+s20], $0x180, $0x38;
	[tilespmem:$0x1ECC0] =	vst v63  }
0x5d: {  	_ =	swait.ge [sflag:s12], $0x1000  }
0x5e: {  	[sflag:s12] =	ssyncset.done $0x0  }
0x5f: {  	[sflag:s12] =	ssyncadd.s32 $0xFFFFF000  }
0x60: {  	_ =	swait.ge [sflag:s12], $0x1000  }
0x61: {  	[sflag:s12] =	ssyncset.done $0x0  }
0x62: {  	[sflag:s12] =	ssyncadd.s32 $0xFFFFF000  }
0x63: {  	_ =	swait.ge [sflag:s12], $0x1000  }
0x64: {  	[sflag:s12] =	ssyncset.done $0x0  }
0x65: {  	[sflag:s12] =	ssyncadd.s32 $0xFFFFF000  }
0x66: {  	[spmem:s2] =	stream.indirect.scatter.add.f32 [tilespmem:s1], [sflag:$0x6], $0x20, s31, s24, $0xb8;
	[tilespmem:$0x1ECC0] =	vst v63  }
0x67: {  	s19 =	rddreg [dreg:$0x7]  }
0x68: {  	[spmem:s2] =	stream.indirect.scatter.add.f32 [tilespmem:s28], [sflag:$0x6], $0x20, s19, s24, $0xb8;
	[tilespmem:$0x1ECC0] =	vst v63  }
0x69: {  	s21 =	rddreg [dreg:$0x8]  }
0x6a: {  	[spmem:s2] =	stream.indirect.scatter.add.f32 [tilespmem:s7], [sflag:$0x6], $0x20, s21, s24, $0xb8;
	[tilespmem:$0x1ECC0] =	vst v63  }
0x6b: {  	_ =	swait.ge [sflag:s13], $0x1000  }
0x6c: {  	[sflag:s13] =	ssyncset.done $0x0  }
0x6d: {  	[sflag:s13] =	ssyncadd.s32 $0xFFFFF000  }
0x6e: {  	_ =	swait.ge [sflag:s13], $0x1000  }
0x6f: {  	[sflag:s13] =	ssyncset.done $0x0  }
0x70: {  	[sflag:s13] =	ssyncadd.s32 $0xFFFFF000  }
0x71: {  	_ =	swait.ge [sflag:s13], $0x1000  }
0x72: {  	[sflag:s13] =	ssyncset.done $0x0  }
0x73: {  	s3 =	simm.s32 @!p0 $0x1;
	[sflag:s13] =	ssyncadd.s32 $0xFFFFF000  }
0x74: {  	_ =	swait.ge @!p0 [sflag:s3], $0x180  }
0x75: {  	[sflag:s3] =	ssyncset.done @!p0 $0x0  }
0x76: {  	[sflag:s3] =	ssyncadd.s32 @!p0 $0xFFFFFE80  }
0x77: {  	_ =	swait.ge @!p0 [sflag:s3], $0x180  }
0x78: {  	[sflag:s3] =	ssyncset.done @!p0 $0x0  }
0x79: {  	s9 =	simm.s32 @!p0 $0x600;
	[sflag:s3] =	ssyncadd.s32 @!p0 $0xFFFFFE80;
	s3 =	simm.s32 @!p0 $0x80  }
0x7a: {  	[tilespmem:s9], [sflag:$0x3] =	stream.indirect.gather @!p0 [hbm4b:s6+s3], $0x20, s20, s3, $0xb8;
	[tilespmem:$0x1ECC0] =	vst v63  }
0x7b: {  	s9 =	simm.s32 @!p0 $0x1600  }
0x7c: {  	[tilespmem:s9], [sflag:$0x3] =	stream.indirect.gather @!p0 [hbm4b:s6+s3], $0x20, s3, s3, $0xb8;
	[tilespmem:$0x1ECC0] =	vst v63  }
0x7d: {  	s15 =	simm.s32 @!p0 $0x2600;
	s23 =	rddreg [dreg:$0xf];
	s9 =	simm.s32 @!p0 $0x100  }
0x7e: {  	[tilespmem:s15], [sflag:$0x3] =	stream.indirect.gather @!p0 [hbm4b:s6+s3], $0x20, s9, s3, $0xb8;
	[tilespmem:$0x1ECC0] =	vst v63  }
0x7f: {  	s15 =	sadd.s32 $0xFFFFFFFF, s23  }
0x80: {  	p1 =	sne.s32 s15, $0x0  }
.Ltmp0:
0x81: {  	_ = 	snop;
	(pc) =	sbr.rel @!p1 .LBB2_3-.Ltmp0, $4  }
0x82: {  	s16 =	sadd.s32 $0x300, s16;
	s19 =	rddreg [dreg:$0x12]  }
0x83: {  	s17 =	rddreg [dreg:$0x13];
	s18 =	sadd.s32 $0x60, s19;
	s3 =	simm.s32 @!p0 $0x300  }
0x84: {  	[tilespmem:s3], [sflag:$0x2] =	stream.linear.gather @!p0 [hbm4b:s17+s20], $0x180, $0x38;
	[tilespmem:$0x1ECC0] =	vst v63  }
0x85: {  	s9 =	simm.s32 $0x4;
	s3 =	simm.s32 @!p0 $0x480;
	s17 =	sadd.s32 $0x60, s17  }
.LBB2_2:
0x86: {  	[tilespmem:s3], [sflag:$0x2] =	stream.linear.gather @!p0 [hbm4b:s19+s20], $0x180, $0x38;
	[tilespmem:$0x1ECC0] =	vst v63  }
0x87: {  	_ =	swait.ge [sflag:s0], $0x180  }
0x88: {  	[sflag:s0] =	ssyncset.done $0x0  }
0x89: {  	[sflag:s0] =	ssyncadd.s32 $0xFFFFFE80  }
0x8a: {  	_ =	swait.ge [sflag:s0], $0x180  }
0x8b: {  	[sflag:s0] =	ssyncset.done $0x0  }
0x8c: {  	[sflag:s0] =	ssyncadd.s32 $0xFFFFFE80  }
0x8d: {  	[tilespmem:s1], [sflag:$0x4] =	stream.indirect.gather [hbm4b:s6+s24], $0x20, s30, s24, $0xb8;
	[tilespmem:$0x1ECC0] =	vst v63  }
0x8e: {  	s21 =	rddreg [dreg:$0x3]  }
0x8f: {  	[tilespmem:s28], [sflag:$0x4] =	stream.indirect.gather [hbm4b:s6+s24], $0x20, s21, s24, $0xb8;
	[tilespmem:$0x1ECC0] =	vst v63  }
0x90: {  	s23 =	rddreg [dreg:$0x4]  }
0x91: {  	[tilespmem:s7], [sflag:$0x4] =	stream.indirect.gather [hbm4b:s6+s24], $0x20, s23, s24, $0xb8;
	[tilespmem:$0x1ECC0] =	vst v63  }
0x92: {  	_ =	swait.ge [sflag:s10], $0x1000  }
0x93: {  	[sflag:s10] =	ssyncset.done $0x0  }
0x94: {  	[sflag:s10] =	ssyncadd.s32 $0xFFFFF000  }
0x95: {  	_ =	swait.ge [sflag:s10], $0x1000  }
0x96: {  	[sflag:s10] =	ssyncset.done $0x0  }
0x97: {  	[sflag:s10] =	ssyncadd.s32 $0xFFFFF000  }
0x98: {  	_ =	swait.ge [sflag:s10], $0x1000  }
0x99: {  	[sflag:s10] =	ssyncset.done $0x0  }
0x9a: {  	[sflag:s10] =	ssyncadd.s32 $0xFFFFF000  }
0x9b: {  	[spmem:s2] =	stream.indirect.scatter.add.f32 [tilespmem:s25], [sflag:$0x5], $0x20, s22, s24, $0xb8;
	[tilespmem:$0x1ECC0] =	vst v63  }
0x9c: {  	s21 =	rddreg [dreg:$0x5]  }
0x9d: {  	[spmem:s2] =	stream.indirect.scatter.add.f32 [tilespmem:s26], [sflag:$0x5], $0x20, s21, s24, $0xb8;
	[tilespmem:$0x1ECC0] =	vst v63  }
0x9e: {  	s23 =	rddreg [dreg:$0x6]  }
0x9f: {  	[spmem:s2] =	stream.indirect.scatter.add.f32 [tilespmem:s29], [sflag:$0x5], $0x20, s23, s24, $0xb8;
	[tilespmem:$0x1ECC0] =	vst v63  }
0xa0: {  	_ =	swait.ge [sflag:s11], $0x1000  }
0xa1: {  	[sflag:s11] =	ssyncset.done $0x0  }
0xa2: {  	[sflag:s11] =	ssyncadd.s32 $0xFFFFF000  }
0xa3: {  	_ =	swait.ge [sflag:s11], $0x1000  }
0xa4: {  	[sflag:s11] =	ssyncset.done $0x0  }
0xa5: {  	[sflag:s11] =	ssyncadd.s32 $0xFFFFF000  }
0xa6: {  	p0 =	sge.u32 s9, s8;
	_ =	swait.ge [sflag:s11], $0x1000  }
0xa7: {  	s3 =	sshrl.u32 @!p0 s16, $0x3;
	[sflag:s11] =	ssyncset.done $0x0  }
0xa8: {  	s20 =	simm.s32 @!p0 $0x0;
	s21 =	sadd.s32 @!p0 s4, s3;
	[sflag:s11] =	ssyncadd.s32 $0xFFFFF000  }
0xa9: {  	[tilespmem:s20], [sflag:$0x1] =	stream.linear.gather @!p0 [hbm4b:s21+s20], $0x180, $0x38;
	[tilespmem:$0x1ECC0] =	vst v63  }
0xaa: {  	s3 =	sadd.s32 @!p0 s5, s3;
	s21 =	simm.s32 @!p0 $0x180  }
0xab: {  	[tilespmem:s21], [sflag:$0x1] =	stream.linear.gather @!p0 [hbm4b:s3+s20], $0x180, $0x38;
	[tilespmem:$0x1ECC0] =	vst v63  }
0xac: {  	_ =	swait.ge [sflag:s12], $0x1000  }
0xad: {  	[sflag:s12] =	ssyncset.done $0x0  }
0xae: {  	[sflag:s12] =	ssyncadd.s32 $0xFFFFF000  }
0xaf: {  	_ =	swait.ge [sflag:s12], $0x1000  }
0xb0: {  	[sflag:s12] =	ssyncset.done $0x0  }
0xb1: {  	[sflag:s12] =	ssyncadd.s32 $0xFFFFF000  }
0xb2: {  	_ =	swait.ge [sflag:s12], $0x1000  }
0xb3: {  	[sflag:s12] =	ssyncset.done $0x0  }
0xb4: {  	[sflag:s12] =	ssyncadd.s32 $0xFFFFF000  }
0xb5: {  	[spmem:s2] =	stream.indirect.scatter.add.f32 [tilespmem:s1], [sflag:$0x6], $0x20, s31, s24, $0xb8;
	[tilespmem:$0x1ECC0] =	vst v63  }
0xb6: {  	s21 =	rddreg [dreg:$0x7]  }
0xb7: {  	[spmem:s2] =	stream.indirect.scatter.add.f32 [tilespmem:s28], [sflag:$0x6], $0x20, s21, s24, $0xb8;
	[tilespmem:$0x1ECC0] =	vst v63  }
0xb8: {  	s23 =	rddreg [dreg:$0x8]  }
0xb9: {  	[spmem:s2] =	stream.indirect.scatter.add.f32 [tilespmem:s7], [sflag:$0x6], $0x20, s23, s24, $0xb8;
	[tilespmem:$0x1ECC0] =	vst v63  }
0xba: {  	_ =	swait.ge [sflag:s13], $0x1000  }
0xbb: {  	[sflag:s13] =	ssyncset.done $0x0  }
0xbc: {  	[sflag:s13] =	ssyncadd.s32 $0xFFFFF000  }
0xbd: {  	_ =	swait.ge [sflag:s13], $0x1000  }
0xbe: {  	[sflag:s13] =	ssyncset.done $0x0  }
0xbf: {  	[sflag:s13] =	ssyncadd.s32 $0xFFFFF000  }
0xc0: {  	_ =	swait.ge [sflag:s13], $0x1000  }
0xc1: {  	[sflag:s13] =	ssyncset.done $0x0  }
0xc2: {  	s3 =	simm.s32 @!p0 $0x1;
	[sflag:s13] =	ssyncadd.s32 $0xFFFFF000  }
0xc3: {  	_ =	swait.ge @!p0 [sflag:s3], $0x180  }
0xc4: {  	[sflag:s3] =	ssyncset.done @!p0 $0x0  }
0xc5: {  	[sflag:s3] =	ssyncadd.s32 @!p0 $0xFFFFFE80  }
0xc6: {  	_ =	swait.ge @!p0 [sflag:s3], $0x180  }
0xc7: {  	s15 =	sadd.s32 $0xFFFFFFFF, s15;
	[sflag:s3] =	ssyncset.done @!p0 $0x0  }
0xc8: {  	s21 =	simm.s32 @!p0 $0x600;
	[sflag:s3] =	ssyncadd.s32 @!p0 $0xFFFFFE80;
	s3 =	simm.s32 @!p0 $0x80  }
0xc9: {  	[tilespmem:s21], [sflag:$0x3] =	stream.indirect.gather @!p0 [hbm4b:s6+s3], $0x20, s20, s3, $0xb8;
	[tilespmem:$0x1ECC0] =	vst v63  }
0xca: {  	s19 =	smov.u32 s18;
	p1 =	sne.s32 s15, $0x0;
	s21 =	simm.s32 @!p0 $0x1600  }
0xcb: {  	[tilespmem:s21], [sflag:$0x3] =	stream.indirect.gather @!p0 [hbm4b:s6+s3], $0x20, s3, s3, $0xb8;
	[tilespmem:$0x1ECC0] =	vst v63  }
.Ltmp1:
0xcc: {  	s23 =	simm.s32 @!p0 $0x2600;
	s21 =	simm.s32 @!p0 $0x100;
	(pc) =	sbr.rel @p1 .LBB2_2-.Ltmp1, $4  }
0xcd: {  	[tilespmem:s23], [sflag:$0x3] =	stream.indirect.gather @!p0 [hbm4b:s6+s3], $0x20, s21, s3, $0xb8;
	[tilespmem:$0x1ECC0] =	vst v63  }
0xce: {  	s9 =	sadd.s32 $0x2, s9;
	s18 =	sadd.s32 $0x60, s18;
	s3 =	simm.s32 @!p0 $0x300  }
0xcf: {  	[tilespmem:s3], [sflag:$0x2] =	stream.linear.gather @!p0 [hbm4b:s17+s20], $0x180, $0x38;
	[tilespmem:$0x1ECC0] =	vst v63  }
0xd0: {  	s16 =	sadd.s32 $0x300, s16;
	s3 =	simm.s32 @!p0 $0x480;
	s17 =	sadd.s32 $0x60, s17  }
.LBB2_3:
0xd1: {  	[tilespmem:s3], [sflag:$0x2] =	stream.linear.gather @!p0 [hbm4b:s19+s20], $0x180, $0x38;
	[tilespmem:$0x1ECC0] =	vst v63  }
0xd2: {  	[bflag:$0x0] =	sbarrier.arrive $0xFFFF  }
0xd3: {  	s15 =	rddreg [dreg:$0xa]  }
0xd4: {  	s21 =	rddreg [dreg:$0x10]  }
0xd5: {  	s16 =	simm.s32 $0x7;
	s9 =	rddreg [dreg:$0x15]  }
0xd6: {  	[hbm:s21], [sflag:s15] =	dma.local [spmem:s9], $0x30D8  }
0xd7: {  	_ =	swait.ge [sflag:s16], $0x30D8  }
0xd8: {  	s14 =	sadd.s32 $0x1, s14;
	s23 =	rddreg [dreg:$0x11]  }
0xd9: {  	p0 =	sne.s32 s14, s23  }
.Ltmp2:
0xda: {  	_ = 	snop;
	(pc) =	sbr.rel @p0 .LBB2_1-.Ltmp2, $3  }
0xdb: {  	_ =	sdelay $0x1  }
0xdc: {  	[sflag:s16] =	ssyncset.done $0x0  }
0xdd: {  	[sflag:s16] =	ssyncadd.s32 $0xFFFFCF28  }
0xde: {  	_ =	sfence.sel $0x180000  }
0xdf: {  	[bflag:$0x0] =	sbarrier.arrive $0xFFFF  }
0xe0: {  	_ =	strace $0x9000004D  }
0xe1: {  	s0 =	stileid.u32;
	[bflag:$0x2] =	sbarrier.arrive $0xFFFF  }
0xe2: {  	p0 =	sne.s32 s0, $0x0;
	s0 =	rddreg [dreg:$0x2]  }
0xe3: {  	s0 =	sadd.s32 @!p0 $0x100000, s0  }
0xe4: {  	[sflag:s0] =	ssyncadd.tile.s32 @!p0 $0x1;
	_ =	shalt  }
.Lfunc_end2:
_tile_overlayer_lowered:
.L_overlay_start_2:
0xe5: {  	(tag) =	ssettag $0x2  }
0xe6: {  	s0 =	rddreg [dreg:$0x0];
	s2 =	stileid.u32  }
0xe7: {  	s1 =	rddreg [dreg:$0x1];
	p0 =	sne.s32 s2, $0x0  }
0xe8: {  	s3 =	rddreg [dreg:$0x2];
	[bflag:$0x3] =	sbarrier.arrive $0xFFFF;
	s2 =	simm.s32 @!p0 $0x1C07  }
0xe9: {  	[timem:s3], [sflag:s2] =	dma.local @!p0 [hbm:s0], s1  }
0xea: {  	s0 =	simm.s32 @!p0 $0x7  }
0xeb: {  	_ =	swait.ge @!p0 [sflag:s0], s1  }
0xec: {  	s1 =	ssub.s32 @!p0 $0x0, s1;
	[sflag:s0] =	ssyncset.done @!p0 $0x0  }
0xed: {  	[sflag:s0] =	ssyncadd.s32 @!p0 s1  }
0xee: {  	[bflag:$0x3] =	sbarrier.arrive $0xFFFF  }
0xef: {  	_ =	shalt  }

// kernel: kernel.8.cloned.1.call-start
scs
__scs_entry_jumppad:
0x0: {  	(pc) =	sbr.rel $0x88, $3  }
0x1: {  	(tag) =	ssettag $0x0;
	lr =	simm.s32 $0x1  }
0x2: {  	[smem:$0x3F91] =	sst lr;
	_ =	strace $0xD0000000  }
0x3: {  	_ = 	snop  }
0x4: {  	_ = 	snop  }
0x5: {  	_ = 	snop  }
0x6: {  	_ = 	snop  }
0x7: {  	_ = 	snop  }
__scs_overlays_trampoline_lowered:
0x8: {  	[smem:$0x3FA0] =	sst s0  }
0x9: {  	[smem:$0x3FA1] =	sst s1  }
0xa: {  	[smem:$0x3FA2] =	sst s2  }
0xb: {  	[smem:$0x3FA3] =	sst s3  }
0xc: {  	[smem:$0x3FA4] =	sst s4  }
0xd: {  	[smem:$0x3FA5] =	sst s5  }
0xe: {  	[smem:$0x3FA6] =	sst s6  }
0xf: {  	[smem:$0x3FA7] =	sst s7  }
0x10: {  	[smem:$0x3FA8] =	sst s8  }
0x11: {  	[smem:$0x3FA9] =	sst s9;
	s0 =	simm.s32 @!p0 $0x0  }
0x12: {  	s1 =	sld [smem:$0x3F8F];
	s0 =	simm.s32 @p0 $0x1  }
0x13: {  	[smem:$0x3FAA] =	sst s0;
	s0 =	simm.s32 @!p1 $0x0  }
0x14: {  	s2 =	sld [smem:$0x3F8E];
	s0 =	simm.s32 @p1 $0x1  }
0x15: {  	[smem:$0x3FAB] =	sst s0;
	s0 =	simm.s32 @!p2 $0x0  }
0x16: {  	s3 =	sld [smem:$0x3FDB];
	s0 =	simm.s32 @p2 $0x1  }
0x17: {  	s4 =	simm.s32 $0x1BF5;
	[smem:$0x3FAD] =	sst s0  }
0x18: {  	s0 =	sld [smem:$0x3F90];
	_ =	swait.ge [sflag:s4], $0x0  }
0x19: {  	s7 =	sld [smem:$0x3F91]  }
0x1a: {  	s8 =	sadd.s32 $0xFFFFE003, lr  }
0x1b: {  	s9 =	sadd.s32 $0xFFFFFEF7, lr;
	s5 =	simm.s32 $0xFFFFFFFF;
	p2 =	slt.u32 s8, $0xFFFFF086  }
0x1c: {  	p1 =	slt.u32 s9, $0xF7A;
	s5 =	simm.s32 @!p2 $0x0  }
0x1d: {  	s5 =	simm.s32 @p1 $0x1;
	p0 =	seq.s32 s7, s2  }
0x1e: {  	s7 =	smul.u32 @!p0 $0xF7A, s2;
	p2 =	seq.s32 @!p0 s5, $0x0  }
0x1f: {  	s9 =	smul.u32 $0xF7A, s1;
	s8 =	simm.s32 @!p0 $0x1BF5;
	p2 =	por !p2, p0  }
0x20: {  	[sflag:s8] =	ssyncset.s32 @!p0 $0xFFFFF086;
	s6 =	sadd.s32 @!p0 s3, s7;
	s7 =	simm.s32 @!p0 $0x108  }
0x21: {  	s3 =	sadd.s32 s3, s9;
	s6 =	sadd.s32 @!p0 $0x88, s6;
	s7 =	simm.s32 @p2 $0x1082  }
0x22: {  	[simem:s7], [sflag:s8] =	dma.local @!p0 [hbm:s6], $0xF7A  }
0x23: {  	s9 =	sor.u32 $0xD0000000, s2;
	s6 =	simm.s32 $0x108;
	_ =	swait.ge @!p0 [sflag:s8], $0x0  }
0x24: {  	s3 =	sadd.s32 $0x88, s3;
	s6 =	simm.s32 @!p1 $0x1082;
	[sflag:s4] =	ssyncset.s32 $0xFFFFF086  }
0x25: {  	[simem:s6], [sflag:s4] =	dma.local [hbm:s3], $0xF7A  }
0x26: {  	[smem:$0x3F91] =	sst s1;
	(tag) =	ssettag s2;
	_ =	strace s9  }
0x27: {  	s1 =	sld [smem:$0x3FA1]  }
0x28: {  	s2 =	sld [smem:$0x3FA2]  }
0x29: {  	s4 =	sld [smem:$0x3FA4]  }
0x2a: {  	p0 =	seq.s32 s5, $0x0;
	s5 =	sld [smem:$0x3FA5]  }
0x2b: {  	s6 =	sld [smem:$0x3FA6]  }
0x2c: {  	s7 =	sld [smem:$0x3FA7]  }
0x2d: {  	s3 =	simm.s32 $0x108;
	s8 =	sld [smem:$0x3FA8]  }
0x2e: {  	s3 =	simm.s32 @!p0 $0x1082;
	s9 =	sld [smem:$0x3FA9]  }
0x2f: {  	lr =	sadd.s32 s0, s3;
	s0 =	sld [smem:$0x3FA0]  }
0x30: {  	s3 =	sld [smem:$0x3FA3]  }
0x31: {  	[smem:$0x3FAC] =	sst s10  }
0x32: {  	s10 =	sld [smem:$0x3FAA];
	_ =	sdelay $0x3  }
0x33: {  	p0 =	seq.s32 s10, $0x1;
	s10 =	sld [smem:$0x3FAC];
	_ =	sdelay $0x3  }
0x34: {  	[smem:$0x3FAC] =	sst s10  }
0x35: {  	s10 =	sld [smem:$0x3FAB];
	_ =	sdelay $0x3  }
0x36: {  	p1 =	seq.s32 s10, $0x1;
	s10 =	sld [smem:$0x3FAC];
	_ =	sdelay $0x3  }
0x37: {  	[smem:$0x3FAC] =	sst s10  }
0x38: {  	s10 =	sld [smem:$0x3FAD]  }
0x39: {  	_ = 	snop;
	(pc) =	sbr.ind lr, $3  }
0x3a: {  	_ = 	snop  }
0x3b: {  	_ = 	snop  }
0x3c: {  	p2 =	seq.s32 s10, $0x1;
	s10 =	sld [smem:$0x3FAC]  }
0x3d: {  	_ =	shalt  }
0x3e: {  	_ =	shalt  }
0x3f: {  	_ =	shalt  }
0x40: {  	_ =	shalt  }
0x41: {  	_ =	shalt  }
0x42: {  	_ =	shalt  }
0x43: {  	_ =	shalt  }
0x44: {  	_ =	shalt  }
0x45: {  	_ =	shalt  }
0x46: {  	_ =	shalt  }
0x47: {  	_ =	shalt  }
0x48: {  	_ =	shalt  }
0x49: {  	_ =	shalt  }
0x4a: {  	_ =	shalt  }
0x4b: {  	_ =	shalt  }
0x4c: {  	_ =	shalt  }
0x4d: {  	_ =	shalt  }
0x4e: {  	_ =	shalt  }
0x4f: {  	_ =	shalt  }
0x50: {  	_ =	shalt  }
0x51: {  	_ =	shalt  }
0x52: {  	_ =	shalt  }
0x53: {  	_ =	shalt  }
0x54: {  	_ =	shalt  }
0x55: {  	_ =	shalt  }
0x56: {  	_ =	shalt  }
0x57: {  	_ =	shalt  }
0x58: {  	_ =	shalt  }
0x59: {  	_ =	shalt  }
0x5a: {  	_ =	shalt  }
0x5b: {  	_ =	shalt  }
0x5c: {  	_ =	shalt  }
0x5d: {  	_ =	shalt  }
0x5e: {  	_ =	shalt  }
0x5f: {  	_ =	shalt  }
0x60: {  	_ =	shalt  }
0x61: {  	_ =	shalt  }
0x62: {  	_ =	shalt  }
0x63: {  	_ =	shalt  }
0x64: {  	_ =	shalt  }
0x65: {  	_ =	shalt  }
0x66: {  	_ =	shalt  }
0x67: {  	_ =	shalt  }
0x68: {  	_ =	shalt  }
0x69: {  	_ =	shalt  }
0x6a: {  	_ =	shalt  }
0x6b: {  	_ =	shalt  }
0x6c: {  	_ =	shalt  }
0x6d: {  	_ =	shalt  }
0x6e: {  	_ =	shalt  }
0x6f: {  	_ =	shalt  }
0x70: {  	_ =	shalt  }
0x71: {  	_ =	shalt  }
0x72: {  	_ =	shalt  }
0x73: {  	_ =	shalt  }
0x74: {  	_ =	shalt  }
0x75: {  	_ =	shalt  }
0x76: {  	_ =	shalt  }
0x77: {  	_ =	shalt  }
0x78: {  	_ =	shalt  }
0x79: {  	_ =	shalt  }
0x7a: {  	_ =	shalt  }
0x7b: {  	_ =	shalt  }
0x7c: {  	_ =	shalt  }
0x7d: {  	_ =	shalt  }
0x7e: {  	_ =	shalt  }
0x7f: {  	_ =	shalt  }
0x80: {  	_ =	shalt  }
0x81: {  	_ =	shalt  }
0x82: {  	_ =	shalt  }
0x83: {  	_ =	shalt  }
0x84: {  	_ =	shalt  }
0x85: {  	_ =	shalt  }
0x86: {  	_ =	shalt  }
0x87: {  	_ =	shalt  }
.Lfunc_end0:
.L_simem_size_0:
called_computation_lowered:
.L_overlay_start_0:
0x88: {  	s2 =	sld [smem:$0x3FD9]  }
0x89: {  	s3 =	sld [smem:$0x3FFE];
	_ =	sdelay $0x1  }
0x8a: {  	s1 =	srdreg.scid  }
0x8b: {  	s0 =	sand.u32 $0x1, s1  }
0x8c: {  	s16 =	sshll.u32 s0, $0xA;
	s2 =	sadd.s32 s3, s2  }
0x8d: {  	s2 =	sadd.s32 s2, s16  }
0x8e: {  	[smem:$0x3FB8] =	sst s2  }
0x8f: {  	_ = 	snop  }
0x90: {  	(tm) =	ssettm $0x1  }
0x91: {  	s17 =	sld [smem:$0x3FFB];
	_ =	sdelay $0x3  }
0x92: {  	_ =	strace s17  }
0x93: {  	s2 =	sld [smem:$0x3FFC];
	_ =	sdelay $0x3  }
0x94: {  	_ =	strace s2  }
0x95: {  	s2 =	sld [smem:$0x3FFD];
	_ =	sdelay $0x3  }
0x96: {  	_ =	strace s2  }
0x97: {  	_ =	strace $0x8FFFFFFF  }
0x98: {  	s18 =	sld [smem:$0x3FDB];
	_ =	sdelay $0x1  }
0x99: {  	s19 =	simm.s32 $_scs_section_size  }
0x9a: {  	s4 =	simm.s32 $_size__tile_overlayer_lowered;
	s5 =	simm.s32 $_tile_overlayer_lowered  }
0x9b: {  	s22 =	simm.s32 $0x1BFF;
	s21 =	sshll.u32 s5, $0x1;
	s2 =	sadd.s32 s19, s18  }
0x9c: {  	s6 =	simm.s32 $0x0;
	s20 =	sshll.u32 s4, $0x1;
	s4 =	sadd.s32 s21, s2  }
0x9d: {  	[timem:s6], [sflag:s22] =	dma.local [hbm:s4], s20  }
0x9e: {  	_ =	swait.ge [sflag:s22], s20  }
0x9f: {  	s3 =	ssub.s32 $0x0, s20;
	[sflag:s22] =	ssyncset.done $0x0  }
0xa0: {  	[sflag:s22] =	ssyncadd.s32 s3;
	_ =	sdelay $0x1  }
0xa1: {  	s23 =	simm.s32 $0x1B8B  }
0xa2: {  	_ =	swait.ge [sflag:s23], $0x1  }
0xa3: {  	[sflag:s23] =	ssyncset.done $0x0  }
0xa4: {  	s25 =	simm.s32 $0x1B8E;
	s24 =	sld [smem:$0x3FFE];
	[sflag:s23] =	ssyncadd.s32 $0xFFFFFFFF  }
0xa5: {  	s26 =	simm.s32 $execute0_lowered;
	[smem:$0x3FD2] =	sst s25  }
0xa6: {  	s4 =	sshll.u32 s26, $0x1;
	_ =	strace $0x80000046;
	[dreg:$0x1] =	wrdreg $0xFFFFFFFF  }
0xa7: {  	s28 =	simm.s32 $_size_execute0_lowered;
	s2 =	sadd.s32 s2, s4;
	[dreg:$0x0] =	wrdreg $0x0  }
0xa8: {  	s4 =	sshll.u32 s28, $0x1;
	[dreg:$0x2] =	wrdreg s2  }
0xa9: {  	[dreg:$0x3] =	wrdreg s4  }
0xaa: {  	[dreg:$0x4] =	wrdreg $0xC0  }
0xab: {  	_ =	task [dreg:s6], $0x5FFFF  }
0xac: {  	[dreg:$0x1] =	wrdreg $0xFFFFFFFF  }
0xad: {  	[dreg:$0x0] =	wrdreg $0x60  }
0xae: {  	[dreg:$0x2] =	wrdreg s24  }
0xaf: {  	[dreg:$0x3] =	wrdreg $0xCE000  }
0xb0: {  	[dreg:$0x4] =	wrdreg $0x9  }
0xb1: {  	_ =	task.clear_ibuf [dreg:s6], $0x5FFFF;
	_ =	strace $0x90000046  }
0xb2: {  	s29 =	simm.s32 $0x9;
	_ =	strace $0x80000048  }
0xb3: {  	_ =	swait.ge [sflag:s29], $0x1  }
0xb4: {  	[sflag:s29] =	ssyncadd.s32 $0xFFFFFFFF  }
0xb5: {  	_ =	strace $0x90000048  }
0xb6: {  	_ =	sfence  }
0xb7: {  	s30 =	sld [smem:$0x0];
	_ =	sdelay $0x2  }
0xb8: {  	s31 =	sshll.u32 s1, $0xD;
	s1 =	sshrl.u32 s1, $0x2  }
0xb9: {  	s3 =	sand.u32 $0x4000, s31;
	s1 =	sadd.s32 s1, s30  }
0xba: {  	s0 =	sor.u32 s3, s0;
	s1 =	sshll.u32 s1, $0x11  }
0xbb: {  	s0 =	sor.u32 s1, s0  }
0xbc: {  	s0 =	sadd.s32 $0x8F2B, s0  }
0xbd: {  	[sflag:s0] =	ssyncadd.remote.s32 $0x1  }
0xbe: {  	_ =	sfence.sel $0xFFFF  }
0xbf: {  	[dreg:$0x0] =	wrdreg $0xFFFFFFFF;
	(pc) =	sbr.abs _section_cstart, $3  }
0xc0: {  	[dreg:$0x1] =	wrdreg $0xFFFFFFFF  }
0xc1: {  	_ =	task.clear_ibuf [dreg:s6], $0x2FFFF;
	_ =	strace $0x9FFFFFFF  }
0xc2: {  	(tm) =	ssettm $0x7FFFFFFF  }
0xc3: {  	_ =	shalt  }
tec
execute0_lowered:
.L_overlay_start_1:
0x0: {  	(tag) =	ssettag $0x1  }
0x1: {  	s6 =	rddreg [dreg:$0x0];
	s0 =	stileid.u32  }
0x2: {  	s1 =	srdreg.scid;
	s2 =	rddreg [dreg:$0x1];
	s3 =	simm.s32 $0x0  }
0x3: {  	s15 =	simm.s32 $0x80;
	s16 =	simm.s32 $0x1;
	s17 =	simm.s32 $0x0  }
0x4: {  	s4 =	smul.u32 $0x18C0, s0;
	s7 =	sand.u32 $0x1, s1;
	s1 =	rddreg [dreg:$0x2]  }
0x5: {  	s9 =	smul.u32 $0xC360, s0;
	[smem:$0x7FF] =	sst s3;
	s31 =	sshll.u32 s0, $0x6  }
0x6: {  	s5 =	smul.u32 $0xC3600, s7;
	_ =	strace $0x80000047;
	s11 =	ssub.s32 $0x0, s7  }
0x7: {  	s12 =	ssub.s32 $0x2, s7;
	p0 =	seq.s32 s7, $0x0;
	s8 =	sadd.s32 s4, s6  }
0x8: {  	s4 =	sadd.s32 $0x1AE00, s6;
	s13 =	sshrl.u32 s12, $0x1;
	s7 =	sand.u32 $0xA500, s11  }
0x9: {  	s14 =	sadd.s32 s9, s2;
	s11 =	simm.s32 $0x2;
	s10 =	sadd.s32 s9, s5  }
0xa: {  	s5 =	sadd.s32 $0x1C800, s6;
	s12 =	ssub.s32 s12, s13;
	s10 =	sshrl.u32 s10, $0x3  }
0xb: {  	s8 =	sadd.s32 $0x2200, s8;
	s10 =	sadd.s32 s10, s6;
	s6 =	simm.s32 $0x29400  }
0xc: {  	s13 =	sor.u32 $0x1C02, s31;
	s14 =	sshrl.u32 s14, $0x3;
	s6 =	simm.s32 @!p0 $0x8400  }
0xd: {  	s9 =	sadd.s32 $0x1CA00, s10;
	s10 =	smax.u32 s12, $0x1;
	s12 =	simm.s32 $0xC600  }
.LBB2_1:
0xe: {  	[tilespmem:s3], [sflag:$0x2] =	stream.linear.gather [hbm4b:s8+s3], $0xC600, $0x38;
	[tilespmem:$0x19160] =	vst v63  }
0xf: {  	_ =	swait.ge [sflag:s11], $0xC600  }
0x10: {  	[sflag:s11] =	ssyncset.done $0x0  }
0x11: {  	[sflag:s11] =	ssyncadd.s32 $0xFFFF3A00  }
0x12: {  	[tilespmem:s12], [sflag:$0x2] =	stream.linear.gather [hbm4b:s5+s3], $0x800, $0x38;
	[tilespmem:$0x19160] =	vst v63  }
0x13: {  	_ =	swait.ge [sflag:s11], $0x800  }
0x14: {  	[sflag:s11] =	ssyncset.done $0x0  }
0x15: {  	p1 =	sne.s32 s6, $0xC00;
	[sflag:s11] =	ssyncadd.s32 $0xFFFFF800  }
0x16: {  	[spmem:s14], [sflag:s13] =	dma.local [hbm:s4], $0x186C  }
.Ltmp0:
0x17: {  	_ =	swait.ge [sflag:s11], $0x186C;
	(pc) =	sbr.rel @!p1 .LBB2_4-.Ltmp0, $4  }
0x18: {  	[sflag:s11] =	ssyncset.done $0x0  }
0x19: {  	[sflag:s11] =	ssyncadd.s32 $0xFFFFE794  }
0x1a: {  	[bflag:$0x0] =	sbarrier.arrive $0xFFFF  }
0x1b: {  	s19 =	simm.s32 $0x0;
	p0 =	por $0x0, $0x0  }
0x1c: {  	s18 =	sadd.s32 $0x0, s7  }
0x1d: {  	[spmem:s2] =	stream.indirect.scatter.add.f32 [tilespmem:s12], [sflag:$0x1], $0x10, s18, s15, $0xb8;
	[tilespmem:$0x19160] =	vst v63  }
0x1e: {  	s19 =	sadd.s32 $0x80, s18  }
0x1f: {  	[spmem:s2] =	stream.indirect.scatter.add.f32 [tilespmem:s12], [sflag:$0x1], $0x10, s19, s15, $0xb8;
	[tilespmem:$0x19160] =	vst v63  }
0x20: {  	s29 =	sadd.s32 $0x100, s18  }
0x21: {  	[spmem:s2] =	stream.indirect.scatter.add.f32 [tilespmem:s12], [sflag:$0x1], $0x10, s29, s15, $0xb8;
	[tilespmem:$0x19160] =	vst v63  }
0x22: {  	s30 =	sadd.s32 $0x180, s18  }
0x23: {  	[spmem:s2] =	stream.indirect.scatter.add.f32 [tilespmem:s12], [sflag:$0x1], $0x10, s30, s15, $0xb8;
	[tilespmem:$0x19160] =	vst v63  }
0x24: {  	s31 =	sadd.s32 $0x200, s18  }
0x25: {  	[spmem:s2] =	stream.indirect.scatter.add.f32 [tilespmem:s12], [sflag:$0x1], $0x10, s31, s15, $0xb8;
	[tilespmem:$0x19160] =	vst v63  }
0x26: {  	s18 =	sadd.s32 $0x280, s18  }
0x27: {  	[spmem:s2] =	stream.indirect.scatter.add.f32 [tilespmem:s12], [sflag:$0x1], $0x10, s18, s15, $0xb8;
	[tilespmem:$0x19160] =	vst v63  }
0x28: {  	_ =	swait.ge [sflag:s16], $0x800  }
0x29: {  	[sflag:s16] =	ssyncset.done $0x0  }
0x2a: {  	[sflag:s16] =	ssyncadd.s32 $0xFFFFF800  }
0x2b: {  	_ =	swait.ge [sflag:s16], $0x800  }
0x2c: {  	[sflag:s16] =	ssyncset.done $0x0  }
0x2d: {  	[sflag:s16] =	ssyncadd.s32 $0xFFFFF800  }
0x2e: {  	_ =	swait.ge [sflag:s16], $0x800  }
0x2f: {  	[sflag:s16] =	ssyncset.done $0x0  }
0x30: {  	[sflag:s16] =	ssyncadd.s32 $0xFFFFF800  }
0x31: {  	_ =	swait.ge [sflag:s16], $0x800  }
0x32: {  	[sflag:s16] =	ssyncset.done $0x0  }
0x33: {  	p1 =	sne.s32 s6, $0x1800;
	[sflag:s16] =	ssyncadd.s32 $0xFFFFF800  }
.Ltmp1:
0x34: {  	_ =	swait.ge [sflag:s16], $0x800;
	(pc) =	sbr.rel @!p1 .LBB2_4-.Ltmp1, $4  }
0x35: {  	[sflag:s16] =	ssyncset.done $0x0  }
0x36: {  	[sflag:s16] =	ssyncadd.s32 $0xFFFFF800  }
0x37: {  	p0 =	por $0x1, $0x1;
	_ =	swait.ge [sflag:s16], $0x800  }
0x38: {  	s19 =	simm.s32 $0x300;
	s18 =	simm.s32 $0x1800;
	[sflag:s16] =	ssyncset.done $0x0  }
.LBB2_3:
0x39: {  	s19 =	sadd.s32 s19, s7  }
0x3a: {  	[sflag:s16] =	ssyncadd.s32 $0xFFFFF800;
	s20 =	smov.u32 s18;
	s18 =	sadd.s32 $0xC00, s18  }
0x3b: {  	[spmem:s2] =	stream.indirect.scatter.add.f32 [tilespmem:s12], [sflag:$0x1], $0x10, s19, s15, $0xb8;
	[tilespmem:$0x19160] =	vst v63  }
0x3c: {  	p1 =	sne.s32 s6, s18;
	s21 =	sadd.s32 $0x80, s19  }
0x3d: {  	[spmem:s2] =	stream.indirect.scatter.add.f32 [tilespmem:s12], [sflag:$0x1], $0x10, s21, s15, $0xb8;
	[tilespmem:$0x19160] =	vst v63  }
0x3e: {  	s21 =	sadd.s32 $0x100, s19  }
0x3f: {  	[spmem:s2] =	stream.indirect.scatter.add.f32 [tilespmem:s12], [sflag:$0x1], $0x10, s21, s15, $0xb8;
	[tilespmem:$0x19160] =	vst v63  }
0x40: {  	s21 =	sadd.s32 $0x180, s19  }
0x41: {  	[spmem:s2] =	stream.indirect.scatter.add.f32 [tilespmem:s12], [sflag:$0x1], $0x10, s21, s15, $0xb8;
	[tilespmem:$0x19160] =	vst v63  }
0x42: {  	s21 =	sadd.s32 $0x200, s19  }
0x43: {  	[spmem:s2] =	stream.indirect.scatter.add.f32 [tilespmem:s12], [sflag:$0x1], $0x10, s21, s15, $0xb8;
	[tilespmem:$0x19160] =	vst v63  }
0x44: {  	s19 =	sadd.s32 $0x280, s19  }
0x45: {  	[spmem:s2] =	stream.indirect.scatter.add.f32 [tilespmem:s12], [sflag:$0x1], $0x10, s19, s15, $0xb8;
	[tilespmem:$0x19160] =	vst v63  }
0x46: {  	_ =	swait.ge [sflag:s16], $0x800  }
0x47: {  	[sflag:s16] =	ssyncset.done $0x0  }
0x48: {  	[sflag:s16] =	ssyncadd.s32 $0xFFFFF800  }
0x49: {  	_ =	swait.ge [sflag:s16], $0x800  }
0x4a: {  	[sflag:s16] =	ssyncset.done $0x0  }
0x4b: {  	[sflag:s16] =	ssyncadd.s32 $0xFFFFF800  }
0x4c: {  	_ =	swait.ge [sflag:s16], $0x800  }
0x4d: {  	[sflag:s16] =	ssyncset.done $0x0  }
0x4e: {  	[sflag:s16] =	ssyncadd.s32 $0xFFFFF800  }
0x4f: {  	_ =	swait.ge [sflag:s16], $0x800  }
0x50: {  	[sflag:s16] =	ssyncset.done $0x0  }
0x51: {  	[sflag:s16] =	ssyncadd.s32 $0xFFFFF800  }
.Ltmp2:
0x52: {  	_ =	swait.ge [sflag:s16], $0x800;
	(pc) =	sbr.rel @p1 .LBB2_3-.Ltmp2, $4  }
0x53: {  	[sflag:s16] =	ssyncset.done $0x0  }
0x54: {  	[sflag:s16] =	ssyncadd.s32 $0xFFFFF800  }
0x55: {  	_ =	swait.ge [sflag:s16], $0x800  }
0x56: {  	s19 =	sshra.s32 s20, $0x2;
	[sflag:s16] =	ssyncset.done $0x0  }
.LBB2_4:
0x57: {  	s18 =	sadd.s32 s19, s7;
	[sflag:s16] =	ssyncadd.s32 @p0 $0xFFFFF800  }
0x58: {  	[spmem:s2] =	stream.indirect.scatter.add.f32 [tilespmem:s12], [sflag:$0x1], $0x10, s18, s15, $0xb8;
	[tilespmem:$0x19160] =	vst v63  }
0x59: {  	s19 =	sadd.s32 $0x80, s18  }
0x5a: {  	[spmem:s2] =	stream.indirect.scatter.add.f32 [tilespmem:s12], [sflag:$0x1], $0x10, s19, s15, $0xb8;
	[tilespmem:$0x19160] =	vst v63  }
0x5b: {  	s29 =	sadd.s32 $0x100, s18  }
0x5c: {  	[spmem:s2] =	stream.indirect.scatter.add.f32 [tilespmem:s12], [sflag:$0x1], $0x10, s29, s15, $0xb8;
	[tilespmem:$0x19160] =	vst v63  }
0x5d: {  	s30 =	sadd.s32 $0x180, s18  }
0x5e: {  	[spmem:s2] =	stream.indirect.scatter.add.f32 [tilespmem:s12], [sflag:$0x1], $0x10, s30, s15, $0xb8;
	[tilespmem:$0x19160] =	vst v63  }
0x5f: {  	s31 =	sadd.s32 $0x200, s18  }
0x60: {  	[spmem:s2] =	stream.indirect.scatter.add.f32 [tilespmem:s12], [sflag:$0x1], $0x10, s31, s15, $0xb8;
	[tilespmem:$0x19160] =	vst v63  }
0x61: {  	s18 =	sadd.s32 $0x280, s18  }
0x62: {  	[spmem:s2] =	stream.indirect.scatter.add.f32 [tilespmem:s12], [sflag:$0x1], $0x10, s18, s15, $0xb8;
	[tilespmem:$0x19160] =	vst v63  }
0x63: {  	_ =	swait.ge [sflag:s16], $0x800  }
0x64: {  	[sflag:s16] =	ssyncset.done $0x0  }
0x65: {  	[sflag:s16] =	ssyncadd.s32 $0xFFFFF800  }
0x66: {  	_ =	swait.ge [sflag:s16], $0x800  }
0x67: {  	[sflag:s16] =	ssyncset.done $0x0  }
0x68: {  	[sflag:s16] =	ssyncadd.s32 $0xFFFFF800  }
0x69: {  	_ =	swait.ge [sflag:s16], $0x800  }
0x6a: {  	[sflag:s16] =	ssyncset.done $0x0  }
0x6b: {  	[sflag:s16] =	ssyncadd.s32 $0xFFFFF800  }
0x6c: {  	_ =	swait.ge [sflag:s16], $0x800  }
0x6d: {  	[sflag:s16] =	ssyncset.done $0x0  }
0x6e: {  	[sflag:s16] =	ssyncadd.s32 $0xFFFFF800  }
0x6f: {  	_ =	swait.ge [sflag:s16], $0x800  }
0x70: {  	[sflag:s16] =	ssyncset.done $0x0  }
0x71: {  	[sflag:s16] =	ssyncadd.s32 $0xFFFFF800  }
0x72: {  	_ =	swait.ge [sflag:s16], $0x800  }
0x73: {  	s17 =	sadd.s32 $0x1, s17;
	[sflag:s16] =	ssyncset.done $0x0  }
0x74: {  	p0 =	sne.s32 s17, s10;
	[sflag:s16] =	ssyncadd.s32 $0xFFFFF800  }
.Ltmp3:
0x75: {  	[bflag:$0x0] =	sbarrier.arrive $0xFFFF;
	(pc) =	sbr.rel @p0 .LBB2_1-.Ltmp3, $4  }
0x76: {  	[hbm:s9], [sflag:s13] =	dma.local [spmem:s14], $0x186C  }
0x77: {  	_ =	swait.ge [sflag:s11], $0x186C  }
0x78: {  	[sflag:s11] =	ssyncset.done $0x0  }
0x79: {  	[sflag:s11] =	ssyncadd.s32 $0xFFFFE794  }
0x7a: {  	_ =	sfence.sel $0x180000  }
0x7b: {  	[bflag:$0x0] =	sbarrier.arrive $0xFFFF  }
0x7c: {  	p0 =	sne.s32 s0, $0x0;
	_ =	strace $0x90000047  }
0x7d: {  	s0 =	sadd.s32 @!p0 $0x100000, s1;
	[bflag:$0x2] =	sbarrier.arrive $0xFFFF  }
0x7e: {  	[sflag:s0] =	ssyncadd.tile.s32 @!p0 $0x1;
	_ =	shalt  }
.Lfunc_end2:
_tile_overlayer_lowered:
.L_overlay_start_2:
0x7f: {  	(tag) =	ssettag $0x2  }
0x80: {  	s0 =	rddreg [dreg:$0x0];
	s2 =	stileid.u32  }
0x81: {  	s1 =	rddreg [dreg:$0x1];
	p0 =	sne.s32 s2, $0x0  }
0x82: {  	s3 =	rddreg [dreg:$0x2];
	[bflag:$0x3] =	sbarrier.arrive $0xFFFF;
	s2 =	simm.s32 @!p0 $0x1C02  }
0x83: {  	[timem:s3], [sflag:s2] =	dma.local @!p0 [hbm:s0], s1  }
0x84: {  	s0 =	simm.s32 @!p0 $0x2  }
0x85: {  	_ =	swait.ge @!p0 [sflag:s0], s1  }
0x86: {  	s1 =	ssub.s32 @!p0 $0x0, s1;
	[sflag:s0] =	ssyncset.done @!p0 $0x0  }
0x87: {  	[sflag:s0] =	ssyncadd.s32 @!p0 s1  }
0x88: {  	[bflag:$0x3] =	sbarrier.arrive $0xFFFF  }
0x89: {  	_ =	shalt  }

</sc_bundles>
